<compile_context>
chip_gen: v7x
topology: tpu7x:2x2x1
jax: 0.10.2.dev20260603
libtpu: 0.0.44.dev20260713+nightly
codegen_flags: <defaults>
</compile_context>

<pallas_src>
import functools

import jax
import jax.numpy as jnp
from jax import lax
from jax.experimental import pallas as pl
from jax.experimental.pallas import tpu as pltpu
from jax.experimental.pallas import tpu_sc as plsc

N = 10000
E = 320000
H = 256
OUT = 1
BE = 2560

NS = 16
NFT = 10
RPT = N // NFT
BN = 2000

KS = 80
SCH = (E // NS) // KS

_sc_mesh = plsc.VectorSubcoreMesh(core_axis_name="c", subcore_axis_name="s")



def _edge_mm0_kernel(ea_ref, wm_ref, we_ref, bm_ref, be_ref, em_ref, ee_ref):
    ea = ea_ref[...]
    em_ref[...] = jnp.dot(ea, wm_ref[...],
                          preferred_element_type=jnp.float32) + bm_ref[...]
    ee_ref[...] = jnp.dot(ea, we_ref[...],
                          preferred_element_type=jnp.float32) + be_ref[...]


def _edge_mm0(ea, wcm, wce, bcm, bce):
    de = ea.shape[1]
    return pl.pallas_call(
        _edge_mm0_kernel,
        grid=(E // BE,),
        in_specs=[
            pl.BlockSpec((BE, de), lambda i: (i, 0)),
            pl.BlockSpec((de, H), lambda i: (0, 0)),
            pl.BlockSpec((de, H), lambda i: (0, 0)),
            pl.BlockSpec((1, H), lambda i: (0, 0)),
            pl.BlockSpec((1, H), lambda i: (0, 0)),
        ],
        out_specs=[
            pl.BlockSpec((BE, H), lambda i: (i, 0)),
            pl.BlockSpec((BE, H), lambda i: (i, 0)),
        ],
        out_shape=[
            jax.ShapeDtypeStruct((E, H), jnp.float32),
            jax.ShapeDtypeStruct((E, H), jnp.float32),
        ],
    )(ea, wcm, wce, bcm, bce)


def _edge_mm_kernel(ee_ref, ga_ref, gb_ref, be_ref, wm_ref, we_ref,
                    em_ref, eeo_ref):
    e = jax.nn.relu(
        ee_ref[...]
        + jnp.concatenate([ga_ref[...], gb_ref[...]], axis=1)
        + be_ref[...])
    em_ref[...] = jnp.dot(e, wm_ref[...], preferred_element_type=jnp.float32)
    if eeo_ref is not None:
        eeo_ref[...] = jnp.dot(e, we_ref[...],
                               preferred_element_type=jnp.float32)


def _edge_mm(ee_prev, g_flat, b_e, w_msg, w_ee, want_ee):
    nblk = E // BE
    out_specs = [pl.BlockSpec((BE, H), lambda i: (i, 0))]
    out_shape = [jax.ShapeDtypeStruct((E, H), jnp.float32)]
    in_specs = [
        pl.BlockSpec((BE, H), lambda i: (i, 0)),
        pl.BlockSpec((BE, 128), lambda i: (i, 0)),
        pl.BlockSpec((BE, 128), lambda i: (i + nblk, 0)),
        pl.BlockSpec((1, H), lambda i: (0, 0)),
        pl.BlockSpec((H, H), lambda i: (0, 0)),
    ]
    args = [ee_prev, g_flat, g_flat, b_e, w_msg]
    if want_ee:
        out_specs.append(pl.BlockSpec((BE, H), lambda i: (i, 0)))
        out_shape.append(jax.ShapeDtypeStruct((E, H), jnp.float32))
        in_specs.append(pl.BlockSpec((H, H), lambda i: (0, 0)))
        args.append(w_ee)
        body = _edge_mm_kernel
    else:
        def body(ee_ref, ga_ref, gb_ref, be_ref, wm_ref, em_ref):
            _edge_mm_kernel(ee_ref, ga_ref, gb_ref, be_ref, wm_ref, None,
                            em_ref, None)
    res = pl.pallas_call(
        body,
        grid=(nblk,),
        in_specs=in_specs,
        out_specs=out_specs,
        out_shape=out_shape,
    )(*args)
    return res if want_ee else (res[0], None)



def _prep_kernel(x_ref, wn_ref, bn_ref, wm_ref, h_ref, hm_ref):
    h = jnp.dot(x_ref[...], wn_ref[...],
                preferred_element_type=jnp.float32) + bn_ref[...]
    h_ref[...] = h
    hm_ref[...] = jnp.dot(h, wm_ref[...], preferred_element_type=jnp.float32)


def _prep(x, w_ne, b_ne, w_msg):
    df = x.shape[1]
    return pl.pallas_call(
        _prep_kernel,
        grid=(N // BN,),
        in_specs=[
            pl.BlockSpec((BN, df), lambda i: (i, 0)),
            pl.BlockSpec((df, H), lambda i: (0, 0)),
            pl.BlockSpec((1, H), lambda i: (0, 0)),
            pl.BlockSpec((H, H), lambda i: (0, 0)),
        ],
        out_specs=[
            pl.BlockSpec((BN, H), lambda i: (i, 0)),
            pl.BlockSpec((BN, H), lambda i: (i, 0)),
        ],
        out_shape=[
            jax.ShapeDtypeStruct((N, H), jnp.float32),
            jax.ShapeDtypeStruct((N, H), jnp.float32),
        ],
    )(x, w_ne, b_ne, w_msg)


def _node_mid_kernel(h_ref, aga_ref, agb_ref, ws_ref, bh_ref, wm_ref,
                     wes_ref, wed_ref, hn_ref, hm_ref, hs_ref, hd_ref):
    hn = jax.nn.relu(
        jnp.dot(h_ref[...], ws_ref[...], preferred_element_type=jnp.float32)
        + jnp.concatenate([aga_ref[...], agb_ref[...]], axis=1)
        + bh_ref[...])
    hn_ref[...] = hn
    if hm_ref is not None:
        hm_ref[...] = jnp.dot(hn, wm_ref[...],
                              preferred_element_type=jnp.float32)
    hs_ref[...] = jnp.dot(hn, wes_ref[...], preferred_element_type=jnp.float32)
    hd_ref[...] = jnp.dot(hn, wed_ref[...], preferred_element_type=jnp.float32)


def _node_mid(h, agg_flat, w_self, b_h, w_msg_next, we_s, we_d):
    nblk = N // BN
    return pl.pallas_call(
        _node_mid_kernel,
        grid=(nblk,),
        in_specs=[
            pl.BlockSpec((BN, H), lambda i: (i, 0)),
            pl.BlockSpec((BN, 128), lambda i: (i, 0)),
            pl.BlockSpec((BN, 128), lambda i: (i + nblk, 0)),
            pl.BlockSpec((H, H), lambda i: (0, 0)),
            pl.BlockSpec((1, H), lambda i: (0, 0)),
            pl.BlockSpec((H, H), lambda i: (0, 0)),
            pl.BlockSpec((H, H), lambda i: (0, 0)),
            pl.BlockSpec((H, H), lambda i: (0, 0)),
        ],
        out_specs=[pl.BlockSpec((BN, H), lambda i: (i, 0))] * 4,
        out_shape=[jax.ShapeDtypeStruct((N, H), jnp.float32)] * 4,
    )(h, agg_flat, agg_flat, w_self, b_h, w_msg_next, we_s, we_d)


def _node_last_kernel(h_ref, aga_ref, agb_ref, ws_ref, bh_ref, wp_ref,
                      o_ref):
    hn = jax.nn.relu(
        jnp.dot(h_ref[...], ws_ref[...], preferred_element_type=jnp.float32)
        + jnp.concatenate([aga_ref[...], agb_ref[...]], axis=1)
        + bh_ref[...])
    o_ref[...] = jnp.dot(hn, wp_ref[...], preferred_element_type=jnp.float32)


def _node_last(h, agg_flat, w_self, b_h, w_pred_pad):
    nblk = N // BN
    return pl.pallas_call(
        _node_last_kernel,
        grid=(nblk,),
        in_specs=[
            pl.BlockSpec((BN, H), lambda i: (i, 0)),
            pl.BlockSpec((BN, 128), lambda i: (i, 0)),
            pl.BlockSpec((BN, 128), lambda i: (i + nblk, 0)),
            pl.BlockSpec((H, H), lambda i: (0, 0)),
            pl.BlockSpec((1, H), lambda i: (0, 0)),
            pl.BlockSpec((H, 128), lambda i: (0, 0)),
        ],
        out_specs=[pl.BlockSpec((BN, 128), lambda i: (i, 0))],
        out_shape=[jax.ShapeDtypeStruct((N, 128), jnp.float32)],
    )(h, agg_flat, agg_flat, w_self, b_h, w_pred_pad)[0]



def _off(v, m):
    return pl.multiple_of(v, m)


@functools.partial(
    pl.kernel,
    out_type=jax.ShapeDtypeStruct((2 * N, 128), jnp.float32),
    mesh=_sc_mesh,
    scratch_types=[
        pltpu.VMEM((KS,), jnp.int32),
        pltpu.VMEM((KS,), jnp.int32),
        pltpu.VMEM((KS,), jnp.int32),
        pltpu.VMEM((KS,), jnp.int32),
        pltpu.VMEM((KS, 128), jnp.float32),
        pltpu.VMEM((KS, 128), jnp.float32),
        pltpu.VMEM((KS, 128), jnp.float32),
        pltpu.VMEM((KS, 128), jnp.float32),
        pltpu.VMEM_SHARED((N, 128), jnp.float32),
    ] + [pltpu.SemaphoreType.DMA] * 8,
)
def _sc_scatter(hm_hbm, em_hbm, src2_hbm, dst_hbm, z_hbm, out_hbm,
                si0, si1, di0, di1, ga0, ga1, em0, em1, acc,
                ssi0, ssi1, sdi0, sdi1, sg0, sg1, se0, se1):
    c = lax.axis_index("c")
    s = lax.axis_index("s")

    @pl.when(s < NFT)
    def _():
        pltpu.sync_copy(z_hbm, acc.at[pl.ds(s * RPT, RPT)])

    tbase = (c * NS + s) * SCH
    dbase = s * SCH

    def sioff(j):
        return _off(jnp.minimum(tbase + j, tbase + SCH - 1) * KS, 8)

    def dioff(j):
        return _off(jnp.minimum(dbase + j, dbase + SCH - 1) * KS, 8)

    def si_start(j, si, sem):
        pltpu.async_copy(src2_hbm.at[pl.ds(sioff(j), KS)], si, sem)

    def si_wait(j, si, sem):
        pltpu.make_async_copy(src2_hbm.at[pl.ds(sioff(j), KS)], si, sem).wait()

    def di_start(j, di, sem):
        pltpu.async_copy(dst_hbm.at[pl.ds(dioff(j), KS)], di, sem)

    def di_wait(j, di, sem):
        pltpu.make_async_copy(dst_hbm.at[pl.ds(dioff(j), KS)], di, sem).wait()

    def g_start(j, si, ga, em, sg, se):
        pltpu.async_copy(hm_hbm.at[si], ga, sg)
        pltpu.async_copy(
            em_hbm.at[pl.ds(dioff(j), KS), pl.ds(_off(c * 128, 128), 128)],
            em, se)

    def g_wait(j, si, ga, em, sg, se):
        pltpu.make_async_copy(hm_hbm.at[si], ga, sg).wait()
        pltpu.make_async_copy(
            em_hbm.at[pl.ds(dioff(j), KS), pl.ds(_off(c * 128, 128), 128)],
            em, se).wait()

    si_start(0, si0, ssi0)
    si_start(1, si1, ssi1)
    di_start(0, di0, sdi0)
    di_start(1, di1, sdi1)
    si_wait(0, si0, ssi0)
    g_start(0, si0, ga0, em0, sg0, se0)
    si_wait(1, si1, ssi1)
    g_start(1, si1, ga1, em1, sg1, se1)
    plsc.subcore_barrier()

    def chunk(j, si, di, ga, em, ssi, sdi, sg, se, jn):
        g_wait(j, si, ga, em, sg, se)
        si_start(jn, si, ssi)
        di_wait(j, di, sdi)
        pltpu.sync_copy(ga, acc.at[di], add=True)
        pltpu.sync_copy(em, acc.at[di], add=True)
        di_start(jn, di, sdi)
        si_wait(jn, si, ssi)
        g_start(jn, si, ga, em, sg, se)

    @pl.loop(0, SCH, step=2)
    def _(j):
        chunk(j, si0, di0, ga0, em0, ssi0, sdi0, sg0, se0, j + 2)
        chunk(j + 1, si1, di1, ga1, em1, ssi1, sdi1, sg1, se1, j + 3)

    g_wait(SCH, si0, ga0, em0, sg0, se0)
    g_wait(SCH + 1, si1, ga1, em1, sg1, se1)
    di_wait(SCH, di0, sdi0)
    di_wait(SCH + 1, di1, sdi1)

    plsc.subcore_barrier()

    @pl.when(s < NFT)
    def _():
        pltpu.sync_copy(acc.at[pl.ds(s * RPT, RPT)],
                        out_hbm.at[pl.ds(c * N + s * RPT, RPT)])



@functools.partial(
    pl.kernel,
    out_type=jax.ShapeDtypeStruct((2 * E, 128), jnp.float32),
    mesh=_sc_mesh,
    scratch_types=[
        pltpu.VMEM((KS,), jnp.int32),
        pltpu.VMEM((KS,), jnp.int32),
        pltpu.VMEM((KS,), jnp.int32),
        pltpu.VMEM((KS,), jnp.int32),
        pltpu.VMEM((KS,), jnp.int32),
        pltpu.VMEM((KS,), jnp.int32),
        pltpu.VMEM((KS, 128), jnp.float32),
        pltpu.VMEM((KS, 128), jnp.float32),
        pltpu.VMEM((KS, 128), jnp.float32),
        pltpu.VMEM((KS, 128), jnp.float32),
        pltpu.VMEM_SHARED((2 * NS * KS, 128), jnp.float32),
    ] + [pltpu.SemaphoreType.DMA] * 10,
)
def _sc_gather(hs_hbm, hd_hbm, src2_hbm, dst2_hbm, ident_hbm, out_hbm,
               si0, si1, di0, di1, id0, id1, a0, a1, b0, b1, spm,
               ssi0, ssi1, sdi0, sdi1, sa0, sa1, sb0, sb1, sf0, sf1):
    c = lax.axis_index("c")
    s = lax.axis_index("s")
    tbase = (c * NS + s) * SCH
    pltpu.sync_copy(ident_hbm.at[pl.ds(_off(s * 2 * KS, 8), KS)], id0)
    pltpu.sync_copy(ident_hbm.at[pl.ds(_off(s * 2 * KS + KS, 8), KS)], id1)

    def ioff(j):
        return _off(jnp.minimum(tbase + j, tbase + SCH - 1) * KS, 8)

    def i_start(j, si, di, ssi, sdi):
        pltpu.async_copy(src2_hbm.at[pl.ds(ioff(j), KS)], si, ssi)
        pltpu.async_copy(dst2_hbm.at[pl.ds(ioff(j), KS)], di, sdi)

    def i_wait(j, si, di, ssi, sdi):
        pltpu.make_async_copy(src2_hbm.at[pl.ds(ioff(j), KS)], si, ssi).wait()
        pltpu.make_async_copy(dst2_hbm.at[pl.ds(ioff(j), KS)], di, sdi).wait()

    def g_start(si, di, a, b, sa, sb):
        pltpu.async_copy(hs_hbm.at[si], a, sa)
        pltpu.async_copy(hd_hbm.at[di], b, sb)

    def g_wait(si, di, a, b, sa, sb):
        pltpu.make_async_copy(hs_hbm.at[si], a, sa).wait()
        pltpu.make_async_copy(hd_hbm.at[di], b, sb).wait()

    def slot(p):
        return spm.at[pl.ds(_off((s * 2 + p) * KS, 8), KS)]

    def f_start(p, j, sf):
        pltpu.async_copy(slot(p), out_hbm.at[pl.ds(ioff(j), KS)], sf)

    def f_wait(p, j, sf):
        pltpu.make_async_copy(
            slot(p), out_hbm.at[pl.ds(ioff(j), KS)], sf).wait()

    def process(p, j, a, b, idp, sf):
        pltpu.sync_copy(a, slot(p))
        pltpu.sync_copy(b, spm.at[idp], add=True)
        f_start(p, j, sf)

    def chunk(p, j, si, di, idp, a, b, ssi, sdi, sa, sb, sf, wait_f):
        g_wait(si, di, a, b, sa, sb)
        i_start(j + 2, si, di, ssi, sdi)
        if wait_f:
            f_wait(p, j, sf)
        process(p, j, a, b, idp, sf)
        i_wait(j + 2, si, di, ssi, sdi)
        g_start(si, di, a, b, sa, sb)

    i_start(0, si0, di0, ssi0, sdi0)
    i_start(1, si1, di1, ssi1, sdi1)
    i_wait(0, si0, di0, ssi0, sdi0)
    g_start(si0, di0, a0, b0, sa0, sb0)
    i_wait(1, si1, di1, ssi1, sdi1)
    g_start(si1, di1, a1, b1, sa1, sb1)

    chunk(0, 0, si0, di0, id0, a0, b0, ssi0, sdi0, sa0, sb0, sf0, False)
    chunk(1, 1, si1, di1, id1, a1, b1, ssi1, sdi1, sa1, sb1, sf1, False)

    @pl.loop(2, SCH, step=2)
    def _(j):
        chunk(0, j, si0, di0, id0, a0, b0, ssi0, sdi0, sa0, sb0, sf0, True)
        chunk(1, j + 1, si1, di1, id1, a1, b1, ssi1, sdi1, sa1, sb1, sf1, True)

    g_wait(si0, di0, a0, b0, sa0, sb0)
    g_wait(si1, di1, a1, b1, sa1, sb1)
    f_wait(0, SCH - 2, sf0)
    f_wait(1, SCH - 1, sf1)



def _split_cols(t):
    return jnp.concatenate([t[:, :128], t[:, 128:]], axis=0)


def kernel(x, edge_index, edge_attr, params):
    src = edge_index[0]
    dst = edge_index[1]
    src2 = jnp.concatenate([src, src + N])
    dst2 = jnp.concatenate([dst, dst + N])
    zrows = jnp.zeros((RPT, 128), jnp.float32)
    ident = jnp.arange(2 * NS * KS, dtype=jnp.int32)
    p0, p1, p2 = params['layers']
    we_s0, we_d0, we_e0 = jnp.split(p0['W_e'], 3, axis=0)
    we_s1, we_d1, we_e1 = jnp.split(p1['W_e'], 3, axis=0)
    wcm = params['W_ee'] @ p0['W_msg']
    wce = params['W_ee'] @ we_e0
    bcm = (params['b_ee'] @ p0['W_msg']).reshape(1, H)
    bce = (params['b_ee'] @ we_e0).reshape(1, H)
    w_pred_pad = jnp.pad(params['W_pred'], ((0, 0), (0, 128 - OUT)))

    h0, hm0 = _prep(x, params['W_ne'], params['b_ne'].reshape(1, H),
                    p0['W_msg'])
    em0, ee0 = _edge_mm0(edge_attr, wcm, wce, bcm, bce)
    agg0 = _sc_scatter(_split_cols(hm0), em0, src2, dst, zrows)
    h1, hm1, hs0, hd0 = _node_mid(h0, agg0, p0['W_self'],
                                  p0['b_h'].reshape(1, H),
                                  p1['W_msg'], we_s0, we_d0)
    g0 = _sc_gather(_split_cols(hs0), _split_cols(hd0), src2, dst2, ident)
    em1, ee1 = _edge_mm(ee0, g0, p0['b_e'].reshape(1, H),
                        p1['W_msg'], we_e1, want_ee=True)
    agg1 = _sc_scatter(_split_cols(hm1), em1, src2, dst, zrows)
    h2, hm2, hs1, hd1 = _node_mid(h1, agg1, p1['W_self'],
                                  p1['b_h'].reshape(1, H),
                                  p2['W_msg'], we_s1, we_d1)
    g1 = _sc_gather(_split_cols(hs1), _split_cols(hd1), src2, dst2, ident)
    em2, _ = _edge_mm(ee1, g1, p1['b_e'].reshape(1, H),
                      p2['W_msg'], None, want_ee=False)
    agg2 = _sc_scatter(_split_cols(hm2), em2, src2, dst, zrows)
    out = _node_last(h2, agg2, p2['W_self'], p2['b_h'].reshape(1, H),
                     w_pred_pad)
    return out[:, :OUT] + params['b_pred']

# --- scband reference (transcript-rebuilt; emitter-appended) ---
"""Pipeline reference for scband-net-4664334483858 (READ-ONLY COPY).

The authoritative reference and input builder live on the scoring server;
editing this copy changes nothing except your own understanding.
"""

import jax, jax.numpy as jnp
import numpy as np

N = 10000
E = 320000
DF = 128
DE = 16
H = 256
L = 3
OUT = 1


def _init(key, shape, fan_in):
    return jax.random.normal(key, shape, dtype=jnp.float32) * (1.0 / np.sqrt(fan_in))


def setup_inputs(seed: int = 0) -> dict:
    key = jax.random.key(seed)
    ks = jax.random.split(key, 8 + 6 * L)
    x = jax.random.normal(ks[0], (N, DF), dtype=jnp.float32)
    edge_index = jax.random.randint(ks[1], (2, E), 0, N, dtype=jnp.int32)
    edge_attr = jax.random.normal(ks[2], (E, DE), dtype=jnp.float32)
    params = {
        'W_ne': _init(ks[3], (DF, H), DF),
        'b_ne': jnp.zeros((H,), dtype=jnp.float32),
        'W_ee': _init(ks[4], (DE, H), DE),
        'b_ee': jnp.zeros((H,), dtype=jnp.float32),
        'W_pred': _init(ks[5], (H, OUT), H),
        'b_pred': jnp.zeros((OUT,), dtype=jnp.float32),
        'layers': [],
    }
    for l in range(L):
        base = 6 + 6 * l
        params['layers'].append({
            'W_msg': _init(ks[base], (H, H), H),
            'W_self': _init(ks[base + 1], (H, H), H),
            'b_h': jnp.zeros((H,), dtype=jnp.float32),
            'W_e': _init(ks[base + 2], (3 * H, H), 3 * H),
            'b_e': jnp.zeros((H,), dtype=jnp.float32),
        })
    return {'x': x, 'edge_index': edge_index, 'edge_attr': edge_attr, 'params': params}


def _forward(x, edge_attr, edge_index, params):
    src = edge_index[0]
    dst = edge_index[1]
    # embeddings[0](x), embeddings[-1](edge_attr)
    h = x @ params['W_ne'] + params['b_ne']
    e = edge_attr @ params['W_ee'] + params['b_ee']
    # alternating node_emb / edge_emb message-passing layers
    for l in range(L):
        p = params['layers'][l]
        # node update: gather source node states, mix with edge state, scatter-add to dst
        m = (jnp.take(h, src, axis=0) + e) @ p['W_msg']
        agg = jax.ops.segment_sum(m, dst, num_segments=N)
        h = jax.nn.relu(h @ p['W_self'] + agg + p['b_h'])
        # edge update: concat endpoint states with edge state
        e = jax.nn.relu(
            jnp.concatenate([jnp.take(h, src, axis=0), jnp.take(h, dst, axis=0), e], axis=-1)
            @ p['W_e'] + p['b_e'])
    # pred head
    return h @ params['W_pred'] + params['b_pred']


def reference(x, edge_index, edge_attr, params):
    return _forward(x, edge_attr, edge_index, params)

if __name__ == "__main__":
    import jax
    _d = setup_inputs()
    print(jax.jit(kernel)(*tuple(_d.values())))

</pallas_src>

<mosaic_0001>
#map = affine_map<(d0, d1) -> (0, 0)>
#map1 = affine_map<(d0, d1) -> (0)>
module attributes {stable_mosaic.version = 14 : i64} {
  func.func @_sc_scatter(%arg0: i32, %arg1: i32, %arg2: memref<20000x128xf32, #tpu.memory_space<hbm>>, %arg3: memref<320000x256xf32, #tpu.memory_space<hbm>>, %arg4: memref<640000xi32, #tpu.memory_space<hbm>>, %arg5: memref<320000xi32, #tpu.memory_space<hbm>>, %arg6: memref<1000x128xf32, #tpu.memory_space<hbm>>, %arg7: memref<20000x128xf32, #tpu.memory_space<hbm>>, %arg8: memref<80xi32, #tpu.memory_space<vmem>>, %arg9: memref<80xi32, #tpu.memory_space<vmem>>, %arg10: memref<80xi32, #tpu.memory_space<vmem>>, %arg11: memref<80xi32, #tpu.memory_space<vmem>>, %arg12: memref<80x128xf32, #tpu.memory_space<vmem>>, %arg13: memref<80x128xf32, #tpu.memory_space<vmem>>, %arg14: memref<80x128xf32, #tpu.memory_space<vmem>>, %arg15: memref<80x128xf32, #tpu.memory_space<vmem>>, %arg16: memref<10000x128xf32, #tpu.memory_space<vmem_shared>>, %arg17: memref<!tpu.dma_semaphore, #tpu.memory_space<semaphore_mem>>, %arg18: memref<!tpu.dma_semaphore, #tpu.memory_space<semaphore_mem>>, %arg19: memref<!tpu.dma_semaphore, #tpu.memory_space<semaphore_mem>>, %arg20: memref<!tpu.dma_semaphore, #tpu.memory_space<semaphore_mem>>, %arg21: memref<!tpu.dma_semaphore, #tpu.memory_space<semaphore_mem>>, %arg22: memref<!tpu.dma_semaphore, #tpu.memory_space<semaphore_mem>>, %arg23: memref<!tpu.dma_semaphore, #tpu.memory_space<semaphore_mem>>, %arg24: memref<!tpu.dma_semaphore, #tpu.memory_space<semaphore_mem>>) attributes {dimension_semantics = [#tpu.dimension_semantics<core_parallel>, #tpu.dimension_semantics<subcore_parallel>], iteration_bounds = array<i64: 2, 16>, scalar_prefetch = 0 : i64, scratch_operands = 17 : i64, tpu.core_type = #tpu.core_type<sc_vector_subcore>, window_params = [{transform_indices = #map}, {transform_indices = #map}, {transform_indices = #map1}, {transform_indices = #map1}, {transform_indices = #map}, {transform_indices = #map}]} {
    %lt3A = arith.constant 10 : i32
    %lt3A_0 = arith.cmpi slt, %arg1, %lt3A : i32
    %convert_element_type3A = arith.extui %lt3A_0 : i1 to i32
    %cond3A = arith.constant 0 : i32
    %cond3A_1 = arith.cmpi ne, %convert_element_type3A, %cond3A : i32
    scf.if %cond3A_1 {
      %mul3A_180 = arith.constant 1000 : i32
      %mul3A_181 = arith.muli %arg1, %mul3A_180 : i32
      "tpu.region"() ({
        %run_scoped3A = tpu.sem_alloc : memref<!tpu.dma_semaphore, #tpu.memory_space<semaphore_mem>>
        %dma_start3A_182 = arith.constant 0 : i32
        %dma_start3A_183 = tpu.memref_slice %arg16[%mul3A_181, %dma_start3A_182] : memref<10000x128xf32, #tpu.memory_space<vmem_shared>> -> memref<1000x128xf32, #tpu.memory_space<vmem_shared>>
        tpu.enqueue_dma source(%arg6 : memref<1000x128xf32, #tpu.memory_space<hbm>>) target(%dma_start3A_183 : memref<1000x128xf32, #tpu.memory_space<vmem_shared>>) target_semaphore(%run_scoped3A : memref<!tpu.dma_semaphore, #tpu.memory_space<semaphore_mem>>)
        %dma_wait3A_184 = arith.constant 0 : i32
        %dma_wait3A_185 = tpu.memref_slice %arg16[%mul3A_181, %dma_wait3A_184] : memref<10000x128xf32, #tpu.memory_space<vmem_shared>> -> memref<1000x128xf32, #tpu.memory_space<vmem_shared>>
        tpu.wait_dma2 semaphore(%run_scoped3A : memref<!tpu.dma_semaphore, #tpu.memory_space<semaphore_mem>>) src(%arg6 : memref<1000x128xf32, #tpu.memory_space<hbm>>) dst(%dma_wait3A_185 : memref<1000x128xf32, #tpu.memory_space<vmem_shared>>)
        tpu.yield
      }) : () -> ()
    } else {
    }
    %mul3A = arith.constant 16 : i32
    %mul3A_2 = arith.muli %arg0, %mul3A : i32
    %add3A = arith.addi %mul3A_2, %arg1 : i32
    %mul3A_3 = arith.constant 250 : i32
    %mul3A_4 = arith.muli %add3A, %mul3A_3 : i32
    %mul3A_5 = arith.constant 250 : i32
    %mul3A_6 = arith.muli %arg1, %mul3A_5 : i32
    %add3A_7 = arith.constant 0 : i32
    %add3A_8 = arith.addi %mul3A_4, %add3A_7 : i32
    %add3A_9 = arith.constant 250 : i32
    %add3A_10 = arith.addi %mul3A_4, %add3A_9 : i32
    %sub3A = arith.constant 1 : i32
    %sub3A_11 = arith.subi %add3A_10, %sub3A : i32
    %min3A = arith.minsi %add3A_8, %sub3A_11 : i32
    %mul3A_12 = arith.constant 80 : i32
    %mul3A_13 = arith.muli %min3A, %mul3A_12 : i32
    %multiple_of3A = tpu.assume_multiple %mul3A_13, 8 : i32
    %dma_start3A = tpu.memref_slice %arg4[%multiple_of3A] : memref<640000xi32, #tpu.memory_space<hbm>> -> memref<80xi32, #tpu.memory_space<hbm>>
    %dma_start3A_14 = tpu.memref_slice %arg4[%multiple_of3A] : memref<640000xi32, #tpu.memory_space<hbm>> -> memref<80xi32, #tpu.memory_space<hbm>>
    tpu.enqueue_dma source(%dma_start3A_14 : memref<80xi32, #tpu.memory_space<hbm>>) target(%arg8 : memref<80xi32, #tpu.memory_space<vmem>>) target_semaphore(%arg17 : memref<!tpu.dma_semaphore, #tpu.memory_space<semaphore_mem>>)
    %add3A_15 = arith.constant 1 : i32
    %add3A_16 = arith.addi %mul3A_4, %add3A_15 : i32
    %add3A_17 = arith.constant 250 : i32
    %add3A_18 = arith.addi %mul3A_4, %add3A_17 : i32
    %sub3A_19 = arith.constant 1 : i32
    %sub3A_20 = arith.subi %add3A_18, %sub3A_19 : i32
    %min3A_21 = arith.minsi %add3A_16, %sub3A_20 : i32
    %mul3A_22 = arith.constant 80 : i32
    %mul3A_23 = arith.muli %min3A_21, %mul3A_22 : i32
    %multiple_of3A_24 = tpu.assume_multiple %mul3A_23, 8 : i32
    %dma_start3A_25 = tpu.memref_slice %arg4[%multiple_of3A_24] : memref<640000xi32, #tpu.memory_space<hbm>> -> memref<80xi32, #tpu.memory_space<hbm>>
    %dma_start3A_26 = tpu.memref_slice %arg4[%multiple_of3A_24] : memref<640000xi32, #tpu.memory_space<hbm>> -> memref<80xi32, #tpu.memory_space<hbm>>
    tpu.enqueue_dma source(%dma_start3A_26 : memref<80xi32, #tpu.memory_space<hbm>>) target(%arg9 : memref<80xi32, #tpu.memory_space<vmem>>) target_semaphore(%arg18 : memref<!tpu.dma_semaphore, #tpu.memory_space<semaphore_mem>>)
    %add3A_27 = arith.constant 0 : i32
    %add3A_28 = arith.addi %mul3A_6, %add3A_27 : i32
    %add3A_29 = arith.constant 250 : i32
    %add3A_30 = arith.addi %mul3A_6, %add3A_29 : i32
    %sub3A_31 = arith.constant 1 : i32
    %sub3A_32 = arith.subi %add3A_30, %sub3A_31 : i32
    %min3A_33 = arith.minsi %add3A_28, %sub3A_32 : i32
    %mul3A_34 = arith.constant 80 : i32
    %mul3A_35 = arith.muli %min3A_33, %mul3A_34 : i32
    %multiple_of3A_36 = tpu.assume_multiple %mul3A_35, 8 : i32
    %dma_start3A_37 = tpu.memref_slice %arg5[%multiple_of3A_36] : memref<320000xi32, #tpu.memory_space<hbm>> -> memref<80xi32, #tpu.memory_space<hbm>>
    %dma_start3A_38 = tpu.memref_slice %arg5[%multiple_of3A_36] : memref<320000xi32, #tpu.memory_space<hbm>> -> memref<80xi32, #tpu.memory_space<hbm>>
    tpu.enqueue_dma source(%dma_start3A_38 : memref<80xi32, #tpu.memory_space<hbm>>) target(%arg10 : memref<80xi32, #tpu.memory_space<vmem>>) target_semaphore(%arg19 : memref<!tpu.dma_semaphore, #tpu.memory_space<semaphore_mem>>)
    %add3A_39 = arith.constant 1 : i32
    %add3A_40 = arith.addi %mul3A_6, %add3A_39 : i32
    %add3A_41 = arith.constant 250 : i32
    %add3A_42 = arith.addi %mul3A_6, %add3A_41 : i32
    %sub3A_43 = arith.constant 1 : i32
    %sub3A_44 = arith.subi %add3A_42, %sub3A_43 : i32
    %min3A_45 = arith.minsi %add3A_40, %sub3A_44 : i32
    %mul3A_46 = arith.constant 80 : i32
    %mul3A_47 = arith.muli %min3A_45, %mul3A_46 : i32
    %multiple_of3A_48 = tpu.assume_multiple %mul3A_47, 8 : i32
    %dma_start3A_49 = tpu.memref_slice %arg5[%multiple_of3A_48] : memref<320000xi32, #tpu.memory_space<hbm>> -> memref<80xi32, #tpu.memory_space<hbm>>
    %dma_start3A_50 = tpu.memref_slice %arg5[%multiple_of3A_48] : memref<320000xi32, #tpu.memory_space<hbm>> -> memref<80xi32, #tpu.memory_space<hbm>>
    tpu.enqueue_dma source(%dma_start3A_50 : memref<80xi32, #tpu.memory_space<hbm>>) target(%arg11 : memref<80xi32, #tpu.memory_space<vmem>>) target_semaphore(%arg20 : memref<!tpu.dma_semaphore, #tpu.memory_space<semaphore_mem>>)
    %add3A_51 = arith.constant 0 : i32
    %add3A_52 = arith.addi %mul3A_4, %add3A_51 : i32
    %add3A_53 = arith.constant 250 : i32
    %add3A_54 = arith.addi %mul3A_4, %add3A_53 : i32
    %sub3A_55 = arith.constant 1 : i32
    %sub3A_56 = arith.subi %add3A_54, %sub3A_55 : i32
    %min3A_57 = arith.minsi %add3A_52, %sub3A_56 : i32
    %mul3A_58 = arith.constant 80 : i32
    %mul3A_59 = arith.muli %min3A_57, %mul3A_58 : i32
    %multiple_of3A_60 = tpu.assume_multiple %mul3A_59, 8 : i32
    %dma_wait3A = tpu.memref_slice %arg4[%multiple_of3A_60] : memref<640000xi32, #tpu.memory_space<hbm>> -> memref<80xi32, #tpu.memory_space<hbm>>
    %dma_wait3A_61 = tpu.memref_slice %arg4[%multiple_of3A_60] : memref<640000xi32, #tpu.memory_space<hbm>> -> memref<80xi32, #tpu.memory_space<hbm>>
    tpu.wait_dma2 semaphore(%arg17 : memref<!tpu.dma_semaphore, #tpu.memory_space<semaphore_mem>>) src(%dma_wait3A_61 : memref<80xi32, #tpu.memory_space<hbm>>) dst(%arg8 : memref<80xi32, #tpu.memory_space<vmem>>)
    %dma_start3A_62 = arith.constant 0 : i32
    %dma_start3A_63 = arith.constant 0 : i32
    %dma_start3A_64 = tpu.memref_slice %arg2[%dma_start3A_62, %dma_start3A_63] : memref<20000x128xf32, #tpu.memory_space<hbm>> -> memref<20000x128xf32, #tpu.memory_space<hbm>>
    tpu.enqueue_indirect_dma source(%dma_start3A_64 : memref<20000x128xf32, #tpu.memory_space<hbm>>) target(%arg12 : memref<80x128xf32, #tpu.memory_space<vmem>>) offsets(%arg8 : memref<80xi32, #tpu.memory_space<vmem>>) semaphore(%arg21 : memref<!tpu.dma_semaphore, #tpu.memory_space<semaphore_mem>>)
    %add3A_65 = arith.constant 0 : i32
    %add3A_66 = arith.addi %mul3A_6, %add3A_65 : i32
    %add3A_67 = arith.constant 250 : i32
    %add3A_68 = arith.addi %mul3A_6, %add3A_67 : i32
    %sub3A_69 = arith.constant 1 : i32
    %sub3A_70 = arith.subi %add3A_68, %sub3A_69 : i32
    %min3A_71 = arith.minsi %add3A_66, %sub3A_70 : i32
    %mul3A_72 = arith.constant 80 : i32
    %mul3A_73 = arith.muli %min3A_71, %mul3A_72 : i32
    %multiple_of3A_74 = tpu.assume_multiple %mul3A_73, 8 : i32
    %mul3A_75 = arith.constant 128 : i32
    %mul3A_76 = arith.muli %arg0, %mul3A_75 : i32
    %multiple_of3A_77 = tpu.assume_multiple %mul3A_76, 128 : i32
    %dma_start3A_78 = tpu.memref_slice %arg3[%multiple_of3A_74, %multiple_of3A_77] : memref<320000x256xf32, #tpu.memory_space<hbm>> -> memref<80x128xf32, #tpu.memory_space<hbm>>
    %dma_start3A_79 = tpu.memref_slice %arg3[%multiple_of3A_74, %multiple_of3A_77] : memref<320000x256xf32, #tpu.memory_space<hbm>> -> memref<80x128xf32, #tpu.memory_space<hbm>>
    tpu.enqueue_dma source(%dma_start3A_79 : memref<80x128xf32, #tpu.memory_space<hbm>>) target(%arg14 : memref<80x128xf32, #tpu.memory_space<vmem>>) target_semaphore(%arg23 : memref<!tpu.dma_semaphore, #tpu.memory_space<semaphore_mem>>)
    %add3A_80 = arith.constant 1 : i32
    %add3A_81 = arith.addi %mul3A_4, %add3A_80 : i32
    %add3A_82 = arith.constant 250 : i32
    %add3A_83 = arith.addi %mul3A_4, %add3A_82 : i32
    %sub3A_84 = arith.constant 1 : i32
    %sub3A_85 = arith.subi %add3A_83, %sub3A_84 : i32
    %min3A_86 = arith.minsi %add3A_81, %sub3A_85 : i32
    %mul3A_87 = arith.constant 80 : i32
    %mul3A_88 = arith.muli %min3A_86, %mul3A_87 : i32
    %multiple_of3A_89 = tpu.assume_multiple %mul3A_88, 8 : i32
    %dma_wait3A_90 = tpu.memref_slice %arg4[%multiple_of3A_89] : memref<640000xi32, #tpu.memory_space<hbm>> -> memref<80xi32, #tpu.memory_space<hbm>>
    %dma_wait3A_91 = tpu.memref_slice %arg4[%multiple_of3A_89] : memref<640000xi32, #tpu.memory_space<hbm>> -> memref<80xi32, #tpu.memory_space<hbm>>
    tpu.wait_dma2 semaphore(%arg18 : memref<!tpu.dma_semaphore, #tpu.memory_space<semaphore_mem>>) src(%dma_wait3A_91 : memref<80xi32, #tpu.memory_space<hbm>>) dst(%arg9 : memref<80xi32, #tpu.memory_space<vmem>>)
    %dma_start3A_92 = arith.constant 0 : i32
    %dma_start3A_93 = arith.constant 0 : i32
    %dma_start3A_94 = tpu.memref_slice %arg2[%dma_start3A_92, %dma_start3A_93] : memref<20000x128xf32, #tpu.memory_space<hbm>> -> memref<20000x128xf32, #tpu.memory_space<hbm>>
    tpu.enqueue_indirect_dma source(%dma_start3A_94 : memref<20000x128xf32, #tpu.memory_space<hbm>>) target(%arg13 : memref<80x128xf32, #tpu.memory_space<vmem>>) offsets(%arg9 : memref<80xi32, #tpu.memory_space<vmem>>) semaphore(%arg22 : memref<!tpu.dma_semaphore, #tpu.memory_space<semaphore_mem>>)
    %add3A_95 = arith.constant 1 : i32
    %add3A_96 = arith.addi %mul3A_6, %add3A_95 : i32
    %add3A_97 = arith.constant 250 : i32
    %add3A_98 = arith.addi %mul3A_6, %add3A_97 : i32
    %sub3A_99 = arith.constant 1 : i32
    %sub3A_100 = arith.subi %add3A_98, %sub3A_99 : i32
    %min3A_101 = arith.minsi %add3A_96, %sub3A_100 : i32
    %mul3A_102 = arith.constant 80 : i32
    %mul3A_103 = arith.muli %min3A_101, %mul3A_102 : i32
    %multiple_of3A_104 = tpu.assume_multiple %mul3A_103, 8 : i32
    %mul3A_105 = arith.constant 128 : i32
    %mul3A_106 = arith.muli %arg0, %mul3A_105 : i32
    %multiple_of3A_107 = tpu.assume_multiple %mul3A_106, 128 : i32
    %dma_start3A_108 = tpu.memref_slice %arg3[%multiple_of3A_104, %multiple_of3A_107] : memref<320000x256xf32, #tpu.memory_space<hbm>> -> memref<80x128xf32, #tpu.memory_space<hbm>>
    %dma_start3A_109 = tpu.memref_slice %arg3[%multiple_of3A_104, %multiple_of3A_107] : memref<320000x256xf32, #tpu.memory_space<hbm>> -> memref<80x128xf32, #tpu.memory_space<hbm>>
    tpu.enqueue_dma source(%dma_start3A_109 : memref<80x128xf32, #tpu.memory_space<hbm>>) target(%arg15 : memref<80x128xf32, #tpu.memory_space<vmem>>) target_semaphore(%arg24 : memref<!tpu.dma_semaphore, #tpu.memory_space<semaphore_mem>>)
    %barrier3A = arith.constant 0 : index
    tpu.barrier barrier_id(%barrier3A)
    %scan3A = arith.constant 0 : i32
    %scan3A_110 = arith.constant 125 : i32
    %scan3A_111 = arith.addi %scan3A, %scan3A_110 : i32
    %scan3A_112 = arith.constant 1 : i32
    scf.for %scan3A_180 = %scan3A to %scan3A_111 step %scan3A_112  : i32 {
      %mul3A_181 = arith.constant 2 : i32
      %mul3A_182 = arith.muli %scan3A_180, %mul3A_181 : i32
      %add3A_183 = arith.constant 0 : i32
      %add3A_184 = arith.addi %add3A_183, %mul3A_182 : i32
      %add3A_185 = arith.constant 2 : i32
      %add3A_186 = arith.addi %add3A_184, %add3A_185 : i32
      %dma_wait3A_187 = arith.constant 0 : i32
      %dma_wait3A_188 = arith.constant 0 : i32
      %dma_wait3A_189 = tpu.memref_slice %arg2[%dma_wait3A_187, %dma_wait3A_188] : memref<20000x128xf32, #tpu.memory_space<hbm>> -> memref<20000x128xf32, #tpu.memory_space<hbm>>
      tpu.wait_indirect_dma semaphore(%arg21 : memref<!tpu.dma_semaphore, #tpu.memory_space<semaphore_mem>>) src(%dma_wait3A_189 : memref<20000x128xf32, #tpu.memory_space<hbm>>) dst(%arg12 : memref<80x128xf32, #tpu.memory_space<vmem>>)
      %add3A_190 = arith.addi %mul3A_6, %add3A_184 : i32
      %add3A_191 = arith.constant 250 : i32
      %add3A_192 = arith.addi %mul3A_6, %add3A_191 : i32
      %sub3A_193 = arith.constant 1 : i32
      %sub3A_194 = arith.subi %add3A_192, %sub3A_193 : i32
      %min3A_195 = arith.minsi %add3A_190, %sub3A_194 : i32
      %mul3A_196 = arith.constant 80 : i32
      %mul3A_197 = arith.muli %min3A_195, %mul3A_196 : i32
      %multiple_of3A_198 = tpu.assume_multiple %mul3A_197, 8 : i32
      %mul3A_199 = arith.constant 128 : i32
      %mul3A_200 = arith.muli %arg0, %mul3A_199 : i32
      %multiple_of3A_201 = tpu.assume_multiple %mul3A_200, 128 : i32
      %dma_wait3A_202 = tpu.memref_slice %arg3[%multiple_of3A_198, %multiple_of3A_201] : memref<320000x256xf32, #tpu.memory_space<hbm>> -> memref<80x128xf32, #tpu.memory_space<hbm>>
      %dma_wait3A_203 = tpu.memref_slice %arg3[%multiple_of3A_198, %multiple_of3A_201] : memref<320000x256xf32, #tpu.memory_space<hbm>> -> memref<80x128xf32, #tpu.memory_space<hbm>>
      tpu.wait_dma2 semaphore(%arg23 : memref<!tpu.dma_semaphore, #tpu.memory_space<semaphore_mem>>) src(%dma_wait3A_203 : memref<80x128xf32, #tpu.memory_space<hbm>>) dst(%arg14 : memref<80x128xf32, #tpu.memory_space<vmem>>)
      %add3A_204 = arith.addi %mul3A_4, %add3A_186 : i32
      %add3A_205 = arith.constant 250 : i32
      %add3A_206 = arith.addi %mul3A_4, %add3A_205 : i32
      %sub3A_207 = arith.constant 1 : i32
      %sub3A_208 = arith.subi %add3A_206, %sub3A_207 : i32
      %min3A_209 = arith.minsi %add3A_204, %sub3A_208 : i32
      %mul3A_210 = arith.constant 80 : i32
      %mul3A_211 = arith.muli %min3A_209, %mul3A_210 : i32
      %multiple_of3A_212 = tpu.assume_multiple %mul3A_211, 8 : i32
      %dma_start3A_213 = tpu.memref_slice %arg4[%multiple_of3A_212] : memref<640000xi32, #tpu.memory_space<hbm>> -> memref<80xi32, #tpu.memory_space<hbm>>
      %dma_start3A_214 = tpu.memref_slice %arg4[%multiple_of3A_212] : memref<640000xi32, #tpu.memory_space<hbm>> -> memref<80xi32, #tpu.memory_space<hbm>>
      tpu.enqueue_dma source(%dma_start3A_214 : memref<80xi32, #tpu.memory_space<hbm>>) target(%arg8 : memref<80xi32, #tpu.memory_space<vmem>>) target_semaphore(%arg17 : memref<!tpu.dma_semaphore, #tpu.memory_space<semaphore_mem>>)
      %add3A_215 = arith.addi %mul3A_6, %add3A_184 : i32
      %add3A_216 = arith.constant 250 : i32
      %add3A_217 = arith.addi %mul3A_6, %add3A_216 : i32
      %sub3A_218 = arith.constant 1 : i32
      %sub3A_219 = arith.subi %add3A_217, %sub3A_218 : i32
      %min3A_220 = arith.minsi %add3A_215, %sub3A_219 : i32
      %mul3A_221 = arith.constant 80 : i32
      %mul3A_222 = arith.muli %min3A_220, %mul3A_221 : i32
      %multiple_of3A_223 = tpu.assume_multiple %mul3A_222, 8 : i32
      %dma_wait3A_224 = tpu.memref_slice %arg5[%multiple_of3A_223] : memref<320000xi32, #tpu.memory_space<hbm>> -> memref<80xi32, #tpu.memory_space<hbm>>
      %dma_wait3A_225 = tpu.memref_slice %arg5[%multiple_of3A_223] : memref<320000xi32, #tpu.memory_space<hbm>> -> memref<80xi32, #tpu.memory_space<hbm>>
      tpu.wait_dma2 semaphore(%arg19 : memref<!tpu.dma_semaphore, #tpu.memory_space<semaphore_mem>>) src(%dma_wait3A_225 : memref<80xi32, #tpu.memory_space<hbm>>) dst(%arg10 : memref<80xi32, #tpu.memory_space<vmem>>)
      "tpu.region"() ({
        %run_scoped3A = tpu.sem_alloc : memref<!tpu.dma_semaphore, #tpu.memory_space<semaphore_mem>>
        %dma_start3A_347 = arith.constant 0 : i32
        %dma_start3A_348 = arith.constant 0 : i32
        %dma_start3A_349 = tpu.memref_slice %arg16[%dma_start3A_347, %dma_start3A_348] : memref<10000x128xf32, #tpu.memory_space<vmem_shared>> -> memref<10000x128xf32, #tpu.memory_space<vmem_shared>>
        tpu.enqueue_indirect_dma source(%arg12 : memref<80x128xf32, #tpu.memory_space<vmem>>) target(%dma_start3A_349 : memref<10000x128xf32, #tpu.memory_space<vmem_shared>>) offsets(%arg10 : memref<80xi32, #tpu.memory_space<vmem>>) semaphore(%run_scoped3A : memref<!tpu.dma_semaphore, #tpu.memory_space<semaphore_mem>>) {add = true}
        %dma_wait3A_350 = arith.constant 0 : i32
        %dma_wait3A_351 = arith.constant 0 : i32
        %dma_wait3A_352 = tpu.memref_slice %arg16[%dma_wait3A_350, %dma_wait3A_351] : memref<10000x128xf32, #tpu.memory_space<vmem_shared>> -> memref<10000x128xf32, #tpu.memory_space<vmem_shared>>
        tpu.wait_indirect_dma semaphore(%run_scoped3A : memref<!tpu.dma_semaphore, #tpu.memory_space<semaphore_mem>>) src(%arg12 : memref<80x128xf32, #tpu.memory_space<vmem>>) dst(%dma_wait3A_352 : memref<10000x128xf32, #tpu.memory_space<vmem_shared>>)
        tpu.yield
      }) : () -> ()
      "tpu.region"() ({
        %run_scoped3A = tpu.sem_alloc : memref<!tpu.dma_semaphore, #tpu.memory_space<semaphore_mem>>
        %dma_start3A_347 = arith.constant 0 : i32
        %dma_start3A_348 = arith.constant 0 : i32
        %dma_start3A_349 = tpu.memref_slice %arg16[%dma_start3A_347, %dma_start3A_348] : memref<10000x128xf32, #tpu.memory_space<vmem_shared>> -> memref<10000x128xf32, #tpu.memory_space<vmem_shared>>
        tpu.enqueue_indirect_dma source(%arg14 : memref<80x128xf32, #tpu.memory_space<vmem>>) target(%dma_start3A_349 : memref<10000x128xf32, #tpu.memory_space<vmem_shared>>) offsets(%arg10 : memref<80xi32, #tpu.memory_space<vmem>>) semaphore(%run_scoped3A : memref<!tpu.dma_semaphore, #tpu.memory_space<semaphore_mem>>) {add = true}
        %dma_wait3A_350 = arith.constant 0 : i32
        %dma_wait3A_351 = arith.constant 0 : i32
        %dma_wait3A_352 = tpu.memref_slice %arg16[%dma_wait3A_350, %dma_wait3A_351] : memref<10000x128xf32, #tpu.memory_space<vmem_shared>> -> memref<10000x128xf32, #tpu.memory_space<vmem_shared>>
        tpu.wait_indirect_dma semaphore(%run_scoped3A : memref<!tpu.dma_semaphore, #tpu.memory_space<semaphore_mem>>) src(%arg14 : memref<80x128xf32, #tpu.memory_space<vmem>>) dst(%dma_wait3A_352 : memref<10000x128xf32, #tpu.memory_space<vmem_shared>>)
        tpu.yield
      }) : () -> ()
      %add3A_226 = arith.addi %mul3A_6, %add3A_186 : i32
      %add3A_227 = arith.constant 250 : i32
      %add3A_228 = arith.addi %mul3A_6, %add3A_227 : i32
      %sub3A_229 = arith.constant 1 : i32
      %sub3A_230 = arith.subi %add3A_228, %sub3A_229 : i32
      %min3A_231 = arith.minsi %add3A_226, %sub3A_230 : i32
      %mul3A_232 = arith.constant 80 : i32
      %mul3A_233 = arith.muli %min3A_231, %mul3A_232 : i32
      %multiple_of3A_234 = tpu.assume_multiple %mul3A_233, 8 : i32
      %dma_start3A_235 = tpu.memref_slice %arg5[%multiple_of3A_234] : memref<320000xi32, #tpu.memory_space<hbm>> -> memref<80xi32, #tpu.memory_space<hbm>>
      %dma_start3A_236 = tpu.memref_slice %arg5[%multiple_of3A_234] : memref<320000xi32, #tpu.memory_space<hbm>> -> memref<80xi32, #tpu.memory_space<hbm>>
      tpu.enqueue_dma source(%dma_start3A_236 : memref<80xi32, #tpu.memory_space<hbm>>) target(%arg10 : memref<80xi32, #tpu.memory_space<vmem>>) target_semaphore(%arg19 : memref<!tpu.dma_semaphore, #tpu.memory_space<semaphore_mem>>)
      %add3A_237 = arith.addi %mul3A_4, %add3A_186 : i32
      %add3A_238 = arith.constant 250 : i32
      %add3A_239 = arith.addi %mul3A_4, %add3A_238 : i32
      %sub3A_240 = arith.constant 1 : i32
      %sub3A_241 = arith.subi %add3A_239, %sub3A_240 : i32
      %min3A_242 = arith.minsi %add3A_237, %sub3A_241 : i32
      %mul3A_243 = arith.constant 80 : i32
      %mul3A_244 = arith.muli %min3A_242, %mul3A_243 : i32
      %multiple_of3A_245 = tpu.assume_multiple %mul3A_244, 8 : i32
      %dma_wait3A_246 = tpu.memref_slice %arg4[%multiple_of3A_245] : memref<640000xi32, #tpu.memory_space<hbm>> -> memref<80xi32, #tpu.memory_space<hbm>>
      %dma_wait3A_247 = tpu.memref_slice %arg4[%multiple_of3A_245] : memref<640000xi32, #tpu.memory_space<hbm>> -> memref<80xi32, #tpu.memory_space<hbm>>
      tpu.wait_dma2 semaphore(%arg17 : memref<!tpu.dma_semaphore, #tpu.memory_space<semaphore_mem>>) src(%dma_wait3A_247 : memref<80xi32, #tpu.memory_space<hbm>>) dst(%arg8 : memref<80xi32, #tpu.memory_space<vmem>>)
      %dma_start3A_248 = arith.constant 0 : i32
      %dma_start3A_249 = arith.constant 0 : i32
      %dma_start3A_250 = tpu.memref_slice %arg2[%dma_start3A_248, %dma_start3A_249] : memref<20000x128xf32, #tpu.memory_space<hbm>> -> memref<20000x128xf32, #tpu.memory_space<hbm>>
      tpu.enqueue_indirect_dma source(%dma_start3A_250 : memref<20000x128xf32, #tpu.memory_space<hbm>>) target(%arg12 : memref<80x128xf32, #tpu.memory_space<vmem>>) offsets(%arg8 : memref<80xi32, #tpu.memory_space<vmem>>) semaphore(%arg21 : memref<!tpu.dma_semaphore, #tpu.memory_space<semaphore_mem>>)
      %add3A_251 = arith.addi %mul3A_6, %add3A_186 : i32
      %add3A_252 = arith.constant 250 : i32
      %add3A_253 = arith.addi %mul3A_6, %add3A_252 : i32
      %sub3A_254 = arith.constant 1 : i32
      %sub3A_255 = arith.subi %add3A_253, %sub3A_254 : i32
      %min3A_256 = arith.minsi %add3A_251, %sub3A_255 : i32
      %mul3A_257 = arith.constant 80 : i32
      %mul3A_258 = arith.muli %min3A_256, %mul3A_257 : i32
      %multiple_of3A_259 = tpu.assume_multiple %mul3A_258, 8 : i32
      %mul3A_260 = arith.constant 128 : i32
      %mul3A_261 = arith.muli %arg0, %mul3A_260 : i32
      %multiple_of3A_262 = tpu.assume_multiple %mul3A_261, 128 : i32
      %dma_start3A_263 = tpu.memref_slice %arg3[%multiple_of3A_259, %multiple_of3A_262] : memref<320000x256xf32, #tpu.memory_space<hbm>> -> memref<80x128xf32, #tpu.memory_space<hbm>>
      %dma_start3A_264 = tpu.memref_slice %arg3[%multiple_of3A_259, %multiple_of3A_262] : memref<320000x256xf32, #tpu.memory_space<hbm>> -> memref<80x128xf32, #tpu.memory_space<hbm>>
      tpu.enqueue_dma source(%dma_start3A_264 : memref<80x128xf32, #tpu.memory_space<hbm>>) target(%arg14 : memref<80x128xf32, #tpu.memory_space<vmem>>) target_semaphore(%arg23 : memref<!tpu.dma_semaphore, #tpu.memory_space<semaphore_mem>>)
      %add3A_265 = arith.constant 1 : i32
      %add3A_266 = arith.addi %add3A_184, %add3A_265 : i32
      %add3A_267 = arith.constant 3 : i32
      %add3A_268 = arith.addi %add3A_184, %add3A_267 : i32
      %dma_wait3A_269 = arith.constant 0 : i32
      %dma_wait3A_270 = arith.constant 0 : i32
      %dma_wait3A_271 = tpu.memref_slice %arg2[%dma_wait3A_269, %dma_wait3A_270] : memref<20000x128xf32, #tpu.memory_space<hbm>> -> memref<20000x128xf32, #tpu.memory_space<hbm>>
      tpu.wait_indirect_dma semaphore(%arg22 : memref<!tpu.dma_semaphore, #tpu.memory_space<semaphore_mem>>) src(%dma_wait3A_271 : memref<20000x128xf32, #tpu.memory_space<hbm>>) dst(%arg13 : memref<80x128xf32, #tpu.memory_space<vmem>>)
      %add3A_272 = arith.addi %mul3A_6, %add3A_266 : i32
      %add3A_273 = arith.constant 250 : i32
      %add3A_274 = arith.addi %mul3A_6, %add3A_273 : i32
      %sub3A_275 = arith.constant 1 : i32
      %sub3A_276 = arith.subi %add3A_274, %sub3A_275 : i32
      %min3A_277 = arith.minsi %add3A_272, %sub3A_276 : i32
      %mul3A_278 = arith.constant 80 : i32
      %mul3A_279 = arith.muli %min3A_277, %mul3A_278 : i32
      %multiple_of3A_280 = tpu.assume_multiple %mul3A_279, 8 : i32
      %mul3A_281 = arith.constant 128 : i32
      %mul3A_282 = arith.muli %arg0, %mul3A_281 : i32
      %multiple_of3A_283 = tpu.assume_multiple %mul3A_282, 128 : i32
      %dma_wait3A_284 = tpu.memref_slice %arg3[%multiple_of3A_280, %multiple_of3A_283] : memref<320000x256xf32, #tpu.memory_space<hbm>> -> memref<80x128xf32, #tpu.memory_space<hbm>>
      %dma_wait3A_285 = tpu.memref_slice %arg3[%multiple_of3A_280, %multiple_of3A_283] : memref<320000x256xf32, #tpu.memory_space<hbm>> -> memref<80x128xf32, #tpu.memory_space<hbm>>
      tpu.wait_dma2 semaphore(%arg24 : memref<!tpu.dma_semaphore, #tpu.memory_space<semaphore_mem>>) src(%dma_wait3A_285 : memref<80x128xf32, #tpu.memory_space<hbm>>) dst(%arg15 : memref<80x128xf32, #tpu.memory_space<vmem>>)
      %add3A_286 = arith.addi %mul3A_4, %add3A_268 : i32
      %add3A_287 = arith.constant 250 : i32
      %add3A_288 = arith.addi %mul3A_4, %add3A_287 : i32
      %sub3A_289 = arith.constant 1 : i32
      %sub3A_290 = arith.subi %add3A_288, %sub3A_289 : i32
      %min3A_291 = arith.minsi %add3A_286, %sub3A_290 : i32
      %mul3A_292 = arith.constant 80 : i32
      %mul3A_293 = arith.muli %min3A_291, %mul3A_292 : i32
      %multiple_of3A_294 = tpu.assume_multiple %mul3A_293, 8 : i32
      %dma_start3A_295 = tpu.memref_slice %arg4[%multiple_of3A_294] : memref<640000xi32, #tpu.memory_space<hbm>> -> memref<80xi32, #tpu.memory_space<hbm>>
      %dma_start3A_296 = tpu.memref_slice %arg4[%multiple_of3A_294] : memref<640000xi32, #tpu.memory_space<hbm>> -> memref<80xi32, #tpu.memory_space<hbm>>
      tpu.enqueue_dma source(%dma_start3A_296 : memref<80xi32, #tpu.memory_space<hbm>>) target(%arg9 : memref<80xi32, #tpu.memory_space<vmem>>) target_semaphore(%arg18 : memref<!tpu.dma_semaphore, #tpu.memory_space<semaphore_mem>>)
      %add3A_297 = arith.addi %mul3A_6, %add3A_266 : i32
      %add3A_298 = arith.constant 250 : i32
      %add3A_299 = arith.addi %mul3A_6, %add3A_298 : i32
      %sub3A_300 = arith.constant 1 : i32
      %sub3A_301 = arith.subi %add3A_299, %sub3A_300 : i32
      %min3A_302 = arith.minsi %add3A_297, %sub3A_301 : i32
      %mul3A_303 = arith.constant 80 : i32
      %mul3A_304 = arith.muli %min3A_302, %mul3A_303 : i32
      %multiple_of3A_305 = tpu.assume_multiple %mul3A_304, 8 : i32
      %dma_wait3A_306 = tpu.memref_slice %arg5[%multiple_of3A_305] : memref<320000xi32, #tpu.memory_space<hbm>> -> memref<80xi32, #tpu.memory_space<hbm>>
      %dma_wait3A_307 = tpu.memref_slice %arg5[%multiple_of3A_305] : memref<320000xi32, #tpu.memory_space<hbm>> -> memref<80xi32, #tpu.memory_space<hbm>>
      tpu.wait_dma2 semaphore(%arg20 : memref<!tpu.dma_semaphore, #tpu.memory_space<semaphore_mem>>) src(%dma_wait3A_307 : memref<80xi32, #tpu.memory_space<hbm>>) dst(%arg11 : memref<80xi32, #tpu.memory_space<vmem>>)
      "tpu.region"() ({
        %run_scoped3A = tpu.sem_alloc : memref<!tpu.dma_semaphore, #tpu.memory_space<semaphore_mem>>
        %dma_start3A_347 = arith.constant 0 : i32
        %dma_start3A_348 = arith.constant 0 : i32
        %dma_start3A_349 = tpu.memref_slice %arg16[%dma_start3A_347, %dma_start3A_348] : memref<10000x128xf32, #tpu.memory_space<vmem_shared>> -> memref<10000x128xf32, #tpu.memory_space<vmem_shared>>
        tpu.enqueue_indirect_dma source(%arg13 : memref<80x128xf32, #tpu.memory_space<vmem>>) target(%dma_start3A_349 : memref<10000x128xf32, #tpu.memory_space<vmem_shared>>) offsets(%arg11 : memref<80xi32, #tpu.memory_space<vmem>>) semaphore(%run_scoped3A : memref<!tpu.dma_semaphore, #tpu.memory_space<semaphore_mem>>) {add = true}
        %dma_wait3A_350 = arith.constant 0 : i32
        %dma_wait3A_351 = arith.constant 0 : i32
        %dma_wait3A_352 = tpu.memref_slice %arg16[%dma_wait3A_350, %dma_wait3A_351] : memref<10000x128xf32, #tpu.memory_space<vmem_shared>> -> memref<10000x128xf32, #tpu.memory_space<vmem_shared>>
        tpu.wait_indirect_dma semaphore(%run_scoped3A : memref<!tpu.dma_semaphore, #tpu.memory_space<semaphore_mem>>) src(%arg13 : memref<80x128xf32, #tpu.memory_space<vmem>>) dst(%dma_wait3A_352 : memref<10000x128xf32, #tpu.memory_space<vmem_shared>>)
        tpu.yield
      }) : () -> ()
      "tpu.region"() ({
        %run_scoped3A = tpu.sem_alloc : memref<!tpu.dma_semaphore, #tpu.memory_space<semaphore_mem>>
        %dma_start3A_347 = arith.constant 0 : i32
        %dma_start3A_348 = arith.constant 0 : i32
        %dma_start3A_349 = tpu.memref_slice %arg16[%dma_start3A_347, %dma_start3A_348] : memref<10000x128xf32, #tpu.memory_space<vmem_shared>> -> memref<10000x128xf32, #tpu.memory_space<vmem_shared>>
        tpu.enqueue_indirect_dma source(%arg15 : memref<80x128xf32, #tpu.memory_space<vmem>>) target(%dma_start3A_349 : memref<10000x128xf32, #tpu.memory_space<vmem_shared>>) offsets(%arg11 : memref<80xi32, #tpu.memory_space<vmem>>) semaphore(%run_scoped3A : memref<!tpu.dma_semaphore, #tpu.memory_space<semaphore_mem>>) {add = true}
        %dma_wait3A_350 = arith.constant 0 : i32
        %dma_wait3A_351 = arith.constant 0 : i32
        %dma_wait3A_352 = tpu.memref_slice %arg16[%dma_wait3A_350, %dma_wait3A_351] : memref<10000x128xf32, #tpu.memory_space<vmem_shared>> -> memref<10000x128xf32, #tpu.memory_space<vmem_shared>>
        tpu.wait_indirect_dma semaphore(%run_scoped3A : memref<!tpu.dma_semaphore, #tpu.memory_space<semaphore_mem>>) src(%arg15 : memref<80x128xf32, #tpu.memory_space<vmem>>) dst(%dma_wait3A_352 : memref<10000x128xf32, #tpu.memory_space<vmem_shared>>)
        tpu.yield
      }) : () -> ()
      %add3A_308 = arith.addi %mul3A_6, %add3A_268 : i32
      %add3A_309 = arith.constant 250 : i32
      %add3A_310 = arith.addi %mul3A_6, %add3A_309 : i32
      %sub3A_311 = arith.constant 1 : i32
      %sub3A_312 = arith.subi %add3A_310, %sub3A_311 : i32
      %min3A_313 = arith.minsi %add3A_308, %sub3A_312 : i32
      %mul3A_314 = arith.constant 80 : i32
      %mul3A_315 = arith.muli %min3A_313, %mul3A_314 : i32
      %multiple_of3A_316 = tpu.assume_multiple %mul3A_315, 8 : i32
      %dma_start3A_317 = tpu.memref_slice %arg5[%multiple_of3A_316] : memref<320000xi32, #tpu.memory_space<hbm>> -> memref<80xi32, #tpu.memory_space<hbm>>
      %dma_start3A_318 = tpu.memref_slice %arg5[%multiple_of3A_316] : memref<320000xi32, #tpu.memory_space<hbm>> -> memref<80xi32, #tpu.memory_space<hbm>>
      tpu.enqueue_dma source(%dma_start3A_318 : memref<80xi32, #tpu.memory_space<hbm>>) target(%arg11 : memref<80xi32, #tpu.memory_space<vmem>>) target_semaphore(%arg20 : memref<!tpu.dma_semaphore, #tpu.memory_space<semaphore_mem>>)
      %add3A_319 = arith.addi %mul3A_4, %add3A_268 : i32
      %add3A_320 = arith.constant 250 : i32
      %add3A_321 = arith.addi %mul3A_4, %add3A_320 : i32
      %sub3A_322 = arith.constant 1 : i32
      %sub3A_323 = arith.subi %add3A_321, %sub3A_322 : i32
      %min3A_324 = arith.minsi %add3A_319, %sub3A_323 : i32
      %mul3A_325 = arith.constant 80 : i32
      %mul3A_326 = arith.muli %min3A_324, %mul3A_325 : i32
      %multiple_of3A_327 = tpu.assume_multiple %mul3A_326, 8 : i32
      %dma_wait3A_328 = tpu.memref_slice %arg4[%multiple_of3A_327] : memref<640000xi32, #tpu.memory_space<hbm>> -> memref<80xi32, #tpu.memory_space<hbm>>
      %dma_wait3A_329 = tpu.memref_slice %arg4[%multiple_of3A_327] : memref<640000xi32, #tpu.memory_space<hbm>> -> memref<80xi32, #tpu.memory_space<hbm>>
      tpu.wait_dma2 semaphore(%arg18 : memref<!tpu.dma_semaphore, #tpu.memory_space<semaphore_mem>>) src(%dma_wait3A_329 : memref<80xi32, #tpu.memory_space<hbm>>) dst(%arg9 : memref<80xi32, #tpu.memory_space<vmem>>)
      %dma_start3A_330 = arith.constant 0 : i32
      %dma_start3A_331 = arith.constant 0 : i32
      %dma_start3A_332 = tpu.memref_slice %arg2[%dma_start3A_330, %dma_start3A_331] : memref<20000x128xf32, #tpu.memory_space<hbm>> -> memref<20000x128xf32, #tpu.memory_space<hbm>>
      tpu.enqueue_indirect_dma source(%dma_start3A_332 : memref<20000x128xf32, #tpu.memory_space<hbm>>) target(%arg13 : memref<80x128xf32, #tpu.memory_space<vmem>>) offsets(%arg9 : memref<80xi32, #tpu.memory_space<vmem>>) semaphore(%arg22 : memref<!tpu.dma_semaphore, #tpu.memory_space<semaphore_mem>>)
      %add3A_333 = arith.addi %mul3A_6, %add3A_268 : i32
      %add3A_334 = arith.constant 250 : i32
      %add3A_335 = arith.addi %mul3A_6, %add3A_334 : i32
      %sub3A_336 = arith.constant 1 : i32
      %sub3A_337 = arith.subi %add3A_335, %sub3A_336 : i32
      %min3A_338 = arith.minsi %add3A_333, %sub3A_337 : i32
      %mul3A_339 = arith.constant 80 : i32
      %mul3A_340 = arith.muli %min3A_338, %mul3A_339 : i32
      %multiple_of3A_341 = tpu.assume_multiple %mul3A_340, 8 : i32
      %mul3A_342 = arith.constant 128 : i32
      %mul3A_343 = arith.muli %arg0, %mul3A_342 : i32
      %multiple_of3A_344 = tpu.assume_multiple %mul3A_343, 128 : i32
      %dma_start3A_345 = tpu.memref_slice %arg3[%multiple_of3A_341, %multiple_of3A_344] : memref<320000x256xf32, #tpu.memory_space<hbm>> -> memref<80x128xf32, #tpu.memory_space<hbm>>
      %dma_start3A_346 = tpu.memref_slice %arg3[%multiple_of3A_341, %multiple_of3A_344] : memref<320000x256xf32, #tpu.memory_space<hbm>> -> memref<80x128xf32, #tpu.memory_space<hbm>>
      tpu.enqueue_dma source(%dma_start3A_346 : memref<80x128xf32, #tpu.memory_space<hbm>>) target(%arg15 : memref<80x128xf32, #tpu.memory_space<vmem>>) target_semaphore(%arg24 : memref<!tpu.dma_semaphore, #tpu.memory_space<semaphore_mem>>)
    }
    %scan3A_113 = arith.constant 125 : i32
    %dma_wait3A_114 = arith.constant 0 : i32
    %dma_wait3A_115 = arith.constant 0 : i32
    %dma_wait3A_116 = tpu.memref_slice %arg2[%dma_wait3A_114, %dma_wait3A_115] : memref<20000x128xf32, #tpu.memory_space<hbm>> -> memref<20000x128xf32, #tpu.memory_space<hbm>>
    tpu.wait_indirect_dma semaphore(%arg21 : memref<!tpu.dma_semaphore, #tpu.memory_space<semaphore_mem>>) src(%dma_wait3A_116 : memref<20000x128xf32, #tpu.memory_space<hbm>>) dst(%arg12 : memref<80x128xf32, #tpu.memory_space<vmem>>)
    %add3A_117 = arith.constant 250 : i32
    %add3A_118 = arith.addi %mul3A_6, %add3A_117 : i32
    %add3A_119 = arith.constant 250 : i32
    %add3A_120 = arith.addi %mul3A_6, %add3A_119 : i32
    %sub3A_121 = arith.constant 1 : i32
    %sub3A_122 = arith.subi %add3A_120, %sub3A_121 : i32
    %min3A_123 = arith.minsi %add3A_118, %sub3A_122 : i32
    %mul3A_124 = arith.constant 80 : i32
    %mul3A_125 = arith.muli %min3A_123, %mul3A_124 : i32
    %multiple_of3A_126 = tpu.assume_multiple %mul3A_125, 8 : i32
    %mul3A_127 = arith.constant 128 : i32
    %mul3A_128 = arith.muli %arg0, %mul3A_127 : i32
    %multiple_of3A_129 = tpu.assume_multiple %mul3A_128, 128 : i32
    %dma_wait3A_130 = tpu.memref_slice %arg3[%multiple_of3A_126, %multiple_of3A_129] : memref<320000x256xf32, #tpu.memory_space<hbm>> -> memref<80x128xf32, #tpu.memory_space<hbm>>
    %dma_wait3A_131 = tpu.memref_slice %arg3[%multiple_of3A_126, %multiple_of3A_129] : memref<320000x256xf32, #tpu.memory_space<hbm>> -> memref<80x128xf32, #tpu.memory_space<hbm>>
    tpu.wait_dma2 semaphore(%arg23 : memref<!tpu.dma_semaphore, #tpu.memory_space<semaphore_mem>>) src(%dma_wait3A_131 : memref<80x128xf32, #tpu.memory_space<hbm>>) dst(%arg14 : memref<80x128xf32, #tpu.memory_space<vmem>>)
    %dma_wait3A_132 = arith.constant 0 : i32
    %dma_wait3A_133 = arith.constant 0 : i32
    %dma_wait3A_134 = tpu.memref_slice %arg2[%dma_wait3A_132, %dma_wait3A_133] : memref<20000x128xf32, #tpu.memory_space<hbm>> -> memref<20000x128xf32, #tpu.memory_space<hbm>>
    tpu.wait_indirect_dma semaphore(%arg22 : memref<!tpu.dma_semaphore, #tpu.memory_space<semaphore_mem>>) src(%dma_wait3A_134 : memref<20000x128xf32, #tpu.memory_space<hbm>>) dst(%arg13 : memref<80x128xf32, #tpu.memory_space<vmem>>)
    %add3A_135 = arith.constant 251 : i32
    %add3A_136 = arith.addi %mul3A_6, %add3A_135 : i32
    %add3A_137 = arith.constant 250 : i32
    %add3A_138 = arith.addi %mul3A_6, %add3A_137 : i32
    %sub3A_139 = arith.constant 1 : i32
    %sub3A_140 = arith.subi %add3A_138, %sub3A_139 : i32
    %min3A_141 = arith.minsi %add3A_136, %sub3A_140 : i32
    %mul3A_142 = arith.constant 80 : i32
    %mul3A_143 = arith.muli %min3A_141, %mul3A_142 : i32
    %multiple_of3A_144 = tpu.assume_multiple %mul3A_143, 8 : i32
    %mul3A_145 = arith.constant 128 : i32
    %mul3A_146 = arith.muli %arg0, %mul3A_145 : i32
    %multiple_of3A_147 = tpu.assume_multiple %mul3A_146, 128 : i32
    %dma_wait3A_148 = tpu.memref_slice %arg3[%multiple_of3A_144, %multiple_of3A_147] : memref<320000x256xf32, #tpu.memory_space<hbm>> -> memref<80x128xf32, #tpu.memory_space<hbm>>
    %dma_wait3A_149 = tpu.memref_slice %arg3[%multiple_of3A_144, %multiple_of3A_147] : memref<320000x256xf32, #tpu.memory_space<hbm>> -> memref<80x128xf32, #tpu.memory_space<hbm>>
    tpu.wait_dma2 semaphore(%arg24 : memref<!tpu.dma_semaphore, #tpu.memory_space<semaphore_mem>>) src(%dma_wait3A_149 : memref<80x128xf32, #tpu.memory_space<hbm>>) dst(%arg15 : memref<80x128xf32, #tpu.memory_space<vmem>>)
    %add3A_150 = arith.constant 250 : i32
    %add3A_151 = arith.addi %mul3A_6, %add3A_150 : i32
    %add3A_152 = arith.constant 250 : i32
    %add3A_153 = arith.addi %mul3A_6, %add3A_152 : i32
    %sub3A_154 = arith.constant 1 : i32
    %sub3A_155 = arith.subi %add3A_153, %sub3A_154 : i32
    %min3A_156 = arith.minsi %add3A_151, %sub3A_155 : i32
    %mul3A_157 = arith.constant 80 : i32
    %mul3A_158 = arith.muli %min3A_156, %mul3A_157 : i32
    %multiple_of3A_159 = tpu.assume_multiple %mul3A_158, 8 : i32
    %dma_wait3A_160 = tpu.memref_slice %arg5[%multiple_of3A_159] : memref<320000xi32, #tpu.memory_space<hbm>> -> memref<80xi32, #tpu.memory_space<hbm>>
    %dma_wait3A_161 = tpu.memref_slice %arg5[%multiple_of3A_159] : memref<320000xi32, #tpu.memory_space<hbm>> -> memref<80xi32, #tpu.memory_space<hbm>>
    tpu.wait_dma2 semaphore(%arg19 : memref<!tpu.dma_semaphore, #tpu.memory_space<semaphore_mem>>) src(%dma_wait3A_161 : memref<80xi32, #tpu.memory_space<hbm>>) dst(%arg10 : memref<80xi32, #tpu.memory_space<vmem>>)
    %add3A_162 = arith.constant 251 : i32
    %add3A_163 = arith.addi %mul3A_6, %add3A_162 : i32
    %add3A_164 = arith.constant 250 : i32
    %add3A_165 = arith.addi %mul3A_6, %add3A_164 : i32
    %sub3A_166 = arith.constant 1 : i32
    %sub3A_167 = arith.subi %add3A_165, %sub3A_166 : i32
    %min3A_168 = arith.minsi %add3A_163, %sub3A_167 : i32
    %mul3A_169 = arith.constant 80 : i32
    %mul3A_170 = arith.muli %min3A_168, %mul3A_169 : i32
    %multiple_of3A_171 = tpu.assume_multiple %mul3A_170, 8 : i32
    %dma_wait3A_172 = tpu.memref_slice %arg5[%multiple_of3A_171] : memref<320000xi32, #tpu.memory_space<hbm>> -> memref<80xi32, #tpu.memory_space<hbm>>
    %dma_wait3A_173 = tpu.memref_slice %arg5[%multiple_of3A_171] : memref<320000xi32, #tpu.memory_space<hbm>> -> memref<80xi32, #tpu.memory_space<hbm>>
    tpu.wait_dma2 semaphore(%arg20 : memref<!tpu.dma_semaphore, #tpu.memory_space<semaphore_mem>>) src(%dma_wait3A_173 : memref<80xi32, #tpu.memory_space<hbm>>) dst(%arg11 : memref<80xi32, #tpu.memory_space<vmem>>)
    %barrier3A_174 = arith.constant 0 : index
    tpu.barrier barrier_id(%barrier3A_174)
    %lt3A_175 = arith.constant 10 : i32
    %lt3A_176 = arith.cmpi slt, %arg1, %lt3A_175 : i32
    %convert_element_type3A_177 = arith.extui %lt3A_176 : i1 to i32
    %cond3A_178 = arith.constant 0 : i32
    %cond3A_179 = arith.cmpi ne, %convert_element_type3A_177, %cond3A_178 : i32
    scf.if %cond3A_179 {
      %mul3A_180 = arith.constant 1000 : i32
      %mul3A_181 = arith.muli %arg1, %mul3A_180 : i32
      %mul3A_182 = arith.constant 10000 : i32
      %mul3A_183 = arith.muli %arg0, %mul3A_182 : i32
      %mul3A_184 = arith.constant 1000 : i32
      %mul3A_185 = arith.muli %arg1, %mul3A_184 : i32
      %add3A_186 = arith.addi %mul3A_183, %mul3A_185 : i32
      "tpu.region"() ({
        %run_scoped3A = tpu.sem_alloc : memref<!tpu.dma_semaphore, #tpu.memory_space<semaphore_mem>>
        %dma_start3A_187 = arith.constant 0 : i32
        %dma_start3A_188 = tpu.memref_slice %arg7[%add3A_186, %dma_start3A_187] : memref<20000x128xf32, #tpu.memory_space<hbm>> -> memref<1000x128xf32, #tpu.memory_space<hbm>>
        %dma_start3A_189 = arith.constant 0 : i32
        %dma_start3A_190 = tpu.memref_slice %arg16[%mul3A_181, %dma_start3A_189] : memref<10000x128xf32, #tpu.memory_space<vmem_shared>> -> memref<1000x128xf32, #tpu.memory_space<vmem_shared>>
        tpu.enqueue_dma source(%dma_start3A_190 : memref<1000x128xf32, #tpu.memory_space<vmem_shared>>) target(%dma_start3A_188 : memref<1000x128xf32, #tpu.memory_space<hbm>>) target_semaphore(%run_scoped3A : memref<!tpu.dma_semaphore, #tpu.memory_space<semaphore_mem>>)
        %dma_wait3A_191 = arith.constant 0 : i32
        %dma_wait3A_192 = tpu.memref_slice %arg7[%add3A_186, %dma_wait3A_191] : memref<20000x128xf32, #tpu.memory_space<hbm>> -> memref<1000x128xf32, #tpu.memory_space<hbm>>
        %dma_wait3A_193 = arith.constant 0 : i32
        %dma_wait3A_194 = tpu.memref_slice %arg16[%mul3A_181, %dma_wait3A_193] : memref<10000x128xf32, #tpu.memory_space<vmem_shared>> -> memref<1000x128xf32, #tpu.memory_space<vmem_shared>>
        tpu.wait_dma2 semaphore(%run_scoped3A : memref<!tpu.dma_semaphore, #tpu.memory_space<semaphore_mem>>) src(%dma_wait3A_194 : memref<1000x128xf32, #tpu.memory_space<vmem_shared>>) dst(%dma_wait3A_192 : memref<1000x128xf32, #tpu.memory_space<hbm>>)
        tpu.yield
      }) : () -> ()
    } else {
    }
    return
  }
}

#map = affine_map<(d0, d1) -> (0, 0)>
#map1 = affine_map<(d0, d1) -> (0)>
module attributes {stable_mosaic.version = 14 : i64} {
  func.func @_sc_scatter(%arg0: i32, %arg1: i32, %arg2: memref<20000x128xf32, #tpu.memory_space<hbm>>, %arg3: memref<320000x256xf32, #tpu.memory_space<hbm>>, %arg4: memref<640000xi32, #tpu.memory_space<hbm>>, %arg5: memref<320000xi32, #tpu.memory_space<hbm>>, %arg6: memref<1000x128xf32, #tpu.memory_space<hbm>>, %arg7: memref<20000x128xf32, #tpu.memory_space<hbm>>, %arg8: memref<80xi32, #tpu.memory_space<vmem>>, %arg9: memref<80xi32, #tpu.memory_space<vmem>>, %arg10: memref<80xi32, #tpu.memory_space<vmem>>, %arg11: memref<80xi32, #tpu.memory_space<vmem>>, %arg12: memref<80x128xf32, #tpu.memory_space<vmem>>, %arg13: memref<80x128xf32, #tpu.memory_space<vmem>>, %arg14: memref<80x128xf32, #tpu.memory_space<vmem>>, %arg15: memref<80x128xf32, #tpu.memory_space<vmem>>, %arg16: memref<10000x128xf32, #tpu.memory_space<vmem_shared>>, %arg17: memref<!tpu.dma_semaphore, #tpu.memory_space<semaphore_mem>>, %arg18: memref<!tpu.dma_semaphore, #tpu.memory_space<semaphore_mem>>, %arg19: memref<!tpu.dma_semaphore, #tpu.memory_space<semaphore_mem>>, %arg20: memref<!tpu.dma_semaphore, #tpu.memory_space<semaphore_mem>>, %arg21: memref<!tpu.dma_semaphore, #tpu.memory_space<semaphore_mem>>, %arg22: memref<!tpu.dma_semaphore, #tpu.memory_space<semaphore_mem>>, %arg23: memref<!tpu.dma_semaphore, #tpu.memory_space<semaphore_mem>>, %arg24: memref<!tpu.dma_semaphore, #tpu.memory_space<semaphore_mem>>) attributes {dimension_semantics = [#tpu.dimension_semantics<core_parallel>, #tpu.dimension_semantics<subcore_parallel>], iteration_bounds = array<i64: 2, 16>, scalar_prefetch = 0 : i64, scratch_operands = 17 : i64, tpu.core_type = #tpu.core_type<sc_vector_subcore>, window_params = [{transform_indices = #map}, {transform_indices = #map}, {transform_indices = #map1}, {transform_indices = #map1}, {transform_indices = #map}, {transform_indices = #map}]} {
    %lt3A = arith.constant 10 : i32
    %lt3A_0 = arith.cmpi slt, %arg1, %lt3A : i32
    %convert_element_type3A = arith.extui %lt3A_0 : i1 to i32
    %cond3A = arith.constant 0 : i32
    %cond3A_1 = arith.cmpi ne, %convert_element_type3A, %cond3A : i32
    scf.if %cond3A_1 {
      %mul3A_180 = arith.constant 1000 : i32
      %mul3A_181 = arith.muli %arg1, %mul3A_180 : i32
      "tpu.region"() ({
        %run_scoped3A = tpu.sem_alloc : memref<!tpu.dma_semaphore, #tpu.memory_space<semaphore_mem>>
        %dma_start3A_182 = arith.constant 0 : i32
        %dma_start3A_183 = tpu.memref_slice %arg16[%mul3A_181, %dma_start3A_182] : memref<10000x128xf32, #tpu.memory_space<vmem_shared>> -> memref<1000x128xf32, #tpu.memory_space<vmem_shared>>
        tpu.enqueue_dma source(%arg6 : memref<1000x128xf32, #tpu.memory_space<hbm>>) target(%dma_start3A_183 : memref<1000x128xf32, #tpu.memory_space<vmem_shared>>) target_semaphore(%run_scoped3A : memref<!tpu.dma_semaphore, #tpu.memory_space<semaphore_mem>>)
        %dma_wait3A_184 = arith.constant 0 : i32
        %dma_wait3A_185 = tpu.memref_slice %arg16[%mul3A_181, %dma_wait3A_184] : memref<10000x128xf32, #tpu.memory_space<vmem_shared>> -> memref<1000x128xf32, #tpu.memory_space<vmem_shared>>
        tpu.wait_dma2 semaphore(%run_scoped3A : memref<!tpu.dma_semaphore, #tpu.memory_space<semaphore_mem>>) src(%arg6 : memref<1000x128xf32, #tpu.memory_space<hbm>>) dst(%dma_wait3A_185 : memref<1000x128xf32, #tpu.memory_space<vmem_shared>>)
        tpu.yield
      }) : () -> ()
    } else {
    }
    %mul3A = arith.constant 16 : i32
    %mul3A_2 = arith.muli %arg0, %mul3A : i32
    %add3A = arith.addi %mul3A_2, %arg1 : i32
    %mul3A_3 = arith.constant 250 : i32
    %mul3A_4 = arith.muli %add3A, %mul3A_3 : i32
    %mul3A_5 = arith.constant 250 : i32
    %mul3A_6 = arith.muli %arg1, %mul3A_5 : i32
    %add3A_7 = arith.constant 0 : i32
    %add3A_8 = arith.addi %mul3A_4, %add3A_7 : i32
    %add3A_9 = arith.constant 250 : i32
    %add3A_10 = arith.addi %mul3A_4, %add3A_9 : i32
    %sub3A = arith.constant 1 : i32
    %sub3A_11 = arith.subi %add3A_10, %sub3A : i32
    %min3A = arith.minsi %add3A_8, %sub3A_11 : i32
    %mul3A_12 = arith.constant 80 : i32
    %mul3A_13 = arith.muli %min3A, %mul3A_12 : i32
    %multiple_of3A = tpu.assume_multiple %mul3A_13, 8 : i32
    %dma_start3A = tpu.memref_slice %arg4[%multiple_of3A] : memref<640000xi32, #tpu.memory_space<hbm>> -> memref<80xi32, #tpu.memory_space<hbm>>
    %dma_start3A_14 = tpu.memref_slice %arg4[%multiple_of3A] : memref<640000xi32, #tpu.memory_space<hbm>> -> memref<80xi32, #tpu.memory_space<hbm>>
    tpu.enqueue_dma source(%dma_start3A_14 : memref<80xi32, #tpu.memory_space<hbm>>) target(%arg8 : memref<80xi32, #tpu.memory_space<vmem>>) target_semaphore(%arg17 : memref<!tpu.dma_semaphore, #tpu.memory_space<semaphore_mem>>)
    %add3A_15 = arith.constant 1 : i32
    %add3A_16 = arith.addi %mul3A_4, %add3A_15 : i32
    %add3A_17 = arith.constant 250 : i32
    %add3A_18 = arith.addi %mul3A_4, %add3A_17 : i32
    %sub3A_19 = arith.constant 1 : i32
    %sub3A_20 = arith.subi %add3A_18, %sub3A_19 : i32
    %min3A_21 = arith.minsi %add3A_16, %sub3A_20 : i32
    %mul3A_22 = arith.constant 80 : i32
    %mul3A_23 = arith.muli %min3A_21, %mul3A_22 : i32
    %multiple_of3A_24 = tpu.assume_multiple %mul3A_23, 8 : i32
    %dma_start3A_25 = tpu.memref_slice %arg4[%multiple_of3A_24] : memref<640000xi32, #tpu.memory_space<hbm>> -> memref<80xi32, #tpu.memory_space<hbm>>
    %dma_start3A_26 = tpu.memref_slice %arg4[%multiple_of3A_24] : memref<640000xi32, #tpu.memory_space<hbm>> -> memref<80xi32, #tpu.memory_space<hbm>>
    tpu.enqueue_dma source(%dma_start3A_26 : memref<80xi32, #tpu.memory_space<hbm>>) target(%arg9 : memref<80xi32, #tpu.memory_space<vmem>>) target_semaphore(%arg18 : memref<!tpu.dma_semaphore, #tpu.memory_space<semaphore_mem>>)
    %add3A_27 = arith.constant 0 : i32
    %add3A_28 = arith.addi %mul3A_6, %add3A_27 : i32
    %add3A_29 = arith.constant 250 : i32
    %add3A_30 = arith.addi %mul3A_6, %add3A_29 : i32
    %sub3A_31 = arith.constant 1 : i32
    %sub3A_32 = arith.subi %add3A_30, %sub3A_31 : i32
    %min3A_33 = arith.minsi %add3A_28, %sub3A_32 : i32
    %mul3A_34 = arith.constant 80 : i32
    %mul3A_35 = arith.muli %min3A_33, %mul3A_34 : i32
    %multiple_of3A_36 = tpu.assume_multiple %mul3A_35, 8 : i32
    %dma_start3A_37 = tpu.memref_slice %arg5[%multiple_of3A_36] : memref<320000xi32, #tpu.memory_space<hbm>> -> memref<80xi32, #tpu.memory_space<hbm>>
    %dma_start3A_38 = tpu.memref_slice %arg5[%multiple_of3A_36] : memref<320000xi32, #tpu.memory_space<hbm>> -> memref<80xi32, #tpu.memory_space<hbm>>
    tpu.enqueue_dma source(%dma_start3A_38 : memref<80xi32, #tpu.memory_space<hbm>>) target(%arg10 : memref<80xi32, #tpu.memory_space<vmem>>) target_semaphore(%arg19 : memref<!tpu.dma_semaphore, #tpu.memory_space<semaphore_mem>>)
    %add3A_39 = arith.constant 1 : i32
    %add3A_40 = arith.addi %mul3A_6, %add3A_39 : i32
    %add3A_41 = arith.constant 250 : i32
    %add3A_42 = arith.addi %mul3A_6, %add3A_41 : i32
    %sub3A_43 = arith.constant 1 : i32
    %sub3A_44 = arith.subi %add3A_42, %sub3A_43 : i32
    %min3A_45 = arith.minsi %add3A_40, %sub3A_44 : i32
    %mul3A_46 = arith.constant 80 : i32
    %mul3A_47 = arith.muli %min3A_45, %mul3A_46 : i32
    %multiple_of3A_48 = tpu.assume_multiple %mul3A_47, 8 : i32
    %dma_start3A_49 = tpu.memref_slice %arg5[%multiple_of3A_48] : memref<320000xi32, #tpu.memory_space<hbm>> -> memref<80xi32, #tpu.memory_space<hbm>>
    %dma_start3A_50 = tpu.memref_slice %arg5[%multiple_of3A_48] : memref<320000xi32, #tpu.memory_space<hbm>> -> memref<80xi32, #tpu.memory_space<hbm>>
    tpu.enqueue_dma source(%dma_start3A_50 : memref<80xi32, #tpu.memory_space<hbm>>) target(%arg11 : memref<80xi32, #tpu.memory_space<vmem>>) target_semaphore(%arg20 : memref<!tpu.dma_semaphore, #tpu.memory_space<semaphore_mem>>)
    %add3A_51 = arith.constant 0 : i32
    %add3A_52 = arith.addi %mul3A_4, %add3A_51 : i32
    %add3A_53 = arith.constant 250 : i32
    %add3A_54 = arith.addi %mul3A_4, %add3A_53 : i32
    %sub3A_55 = arith.constant 1 : i32
    %sub3A_56 = arith.subi %add3A_54, %sub3A_55 : i32
    %min3A_57 = arith.minsi %add3A_52, %sub3A_56 : i32
    %mul3A_58 = arith.constant 80 : i32
    %mul3A_59 = arith.muli %min3A_57, %mul3A_58 : i32
    %multiple_of3A_60 = tpu.assume_multiple %mul3A_59, 8 : i32
    %dma_wait3A = tpu.memref_slice %arg4[%multiple_of3A_60] : memref<640000xi32, #tpu.memory_space<hbm>> -> memref<80xi32, #tpu.memory_space<hbm>>
    %dma_wait3A_61 = tpu.memref_slice %arg4[%multiple_of3A_60] : memref<640000xi32, #tpu.memory_space<hbm>> -> memref<80xi32, #tpu.memory_space<hbm>>
    tpu.wait_dma2 semaphore(%arg17 : memref<!tpu.dma_semaphore, #tpu.memory_space<semaphore_mem>>) src(%dma_wait3A_61 : memref<80xi32, #tpu.memory_space<hbm>>) dst(%arg8 : memref<80xi32, #tpu.memory_space<vmem>>)
    %dma_start3A_62 = arith.constant 0 : i32
    %dma_start3A_63 = arith.constant 0 : i32
    %dma_start3A_64 = tpu.memref_slice %arg2[%dma_start3A_62, %dma_start3A_63] : memref<20000x128xf32, #tpu.memory_space<hbm>> -> memref<20000x128xf32, #tpu.memory_space<hbm>>
    tpu.enqueue_indirect_dma source(%dma_start3A_64 : memref<20000x128xf32, #tpu.memory_space<hbm>>) target(%arg12 : memref<80x128xf32, #tpu.memory_space<vmem>>) offsets(%arg8 : memref<80xi32, #tpu.memory_space<vmem>>) semaphore(%arg21 : memref<!tpu.dma_semaphore, #tpu.memory_space<semaphore_mem>>)
    %add3A_65 = arith.constant 0 : i32
    %add3A_66 = arith.addi %mul3A_6, %add3A_65 : i32
    %add3A_67 = arith.constant 250 : i32
    %add3A_68 = arith.addi %mul3A_6, %add3A_67 : i32
    %sub3A_69 = arith.constant 1 : i32
    %sub3A_70 = arith.subi %add3A_68, %sub3A_69 : i32
    %min3A_71 = arith.minsi %add3A_66, %sub3A_70 : i32
    %mul3A_72 = arith.constant 80 : i32
    %mul3A_73 = arith.muli %min3A_71, %mul3A_72 : i32
    %multiple_of3A_74 = tpu.assume_multiple %mul3A_73, 8 : i32
    %mul3A_75 = arith.constant 128 : i32
    %mul3A_76 = arith.muli %arg0, %mul3A_75 : i32
    %multiple_of3A_77 = tpu.assume_multiple %mul3A_76, 128 : i32
    %dma_start3A_78 = tpu.memref_slice %arg3[%multiple_of3A_74, %multiple_of3A_77] : memref<320000x256xf32, #tpu.memory_space<hbm>> -> memref<80x128xf32, #tpu.memory_space<hbm>>
    %dma_start3A_79 = tpu.memref_slice %arg3[%multiple_of3A_74, %multiple_of3A_77] : memref<320000x256xf32, #tpu.memory_space<hbm>> -> memref<80x128xf32, #tpu.memory_space<hbm>>
    tpu.enqueue_dma source(%dma_start3A_79 : memref<80x128xf32, #tpu.memory_space<hbm>>) target(%arg14 : memref<80x128xf32, #tpu.memory_space<vmem>>) target_semaphore(%arg23 : memref<!tpu.dma_semaphore, #tpu.memory_space<semaphore_mem>>)
    %add3A_80 = arith.constant 1 : i32
    %add3A_81 = arith.addi %mul3A_4, %add3A_80 : i32
    %add3A_82 = arith.constant 250 : i32
    %add3A_83 = arith.addi %mul3A_4, %add3A_82 : i32
    %sub3A_84 = arith.constant 1 : i32
    %sub3A_85 = arith.subi %add3A_83, %sub3A_84 : i32
    %min3A_86 = arith.minsi %add3A_81, %sub3A_85 : i32
    %mul3A_87 = arith.constant 80 : i32
    %mul3A_88 = arith.muli %min3A_86, %mul3A_87 : i32
    %multiple_of3A_89 = tpu.assume_multiple %mul3A_88, 8 : i32
    %dma_wait3A_90 = tpu.memref_slice %arg4[%multiple_of3A_89] : memref<640000xi32, #tpu.memory_space<hbm>> -> memref<80xi32, #tpu.memory_space<hbm>>
    %dma_wait3A_91 = tpu.memref_slice %arg4[%multiple_of3A_89] : memref<640000xi32, #tpu.memory_space<hbm>> -> memref<80xi32, #tpu.memory_space<hbm>>
    tpu.wait_dma2 semaphore(%arg18 : memref<!tpu.dma_semaphore, #tpu.memory_space<semaphore_mem>>) src(%dma_wait3A_91 : memref<80xi32, #tpu.memory_space<hbm>>) dst(%arg9 : memref<80xi32, #tpu.memory_space<vmem>>)
    %dma_start3A_92 = arith.constant 0 : i32
    %dma_start3A_93 = arith.constant 0 : i32
    %dma_start3A_94 = tpu.memref_slice %arg2[%dma_start3A_92, %dma_start3A_93] : memref<20000x128xf32, #tpu.memory_space<hbm>> -> memref<20000x128xf32, #tpu.memory_space<hbm>>
    tpu.enqueue_indirect_dma source(%dma_start3A_94 : memref<20000x128xf32, #tpu.memory_space<hbm>>) target(%arg13 : memref<80x128xf32, #tpu.memory_space<vmem>>) offsets(%arg9 : memref<80xi32, #tpu.memory_space<vmem>>) semaphore(%arg22 : memref<!tpu.dma_semaphore, #tpu.memory_space<semaphore_mem>>)
    %add3A_95 = arith.constant 1 : i32
    %add3A_96 = arith.addi %mul3A_6, %add3A_95 : i32
    %add3A_97 = arith.constant 250 : i32
    %add3A_98 = arith.addi %mul3A_6, %add3A_97 : i32
    %sub3A_99 = arith.constant 1 : i32
    %sub3A_100 = arith.subi %add3A_98, %sub3A_99 : i32
    %min3A_101 = arith.minsi %add3A_96, %sub3A_100 : i32
    %mul3A_102 = arith.constant 80 : i32
    %mul3A_103 = arith.muli %min3A_101, %mul3A_102 : i32
    %multiple_of3A_104 = tpu.assume_multiple %mul3A_103, 8 : i32
    %mul3A_105 = arith.constant 128 : i32
    %mul3A_106 = arith.muli %arg0, %mul3A_105 : i32
    %multiple_of3A_107 = tpu.assume_multiple %mul3A_106, 128 : i32
    %dma_start3A_108 = tpu.memref_slice %arg3[%multiple_of3A_104, %multiple_of3A_107] : memref<320000x256xf32, #tpu.memory_space<hbm>> -> memref<80x128xf32, #tpu.memory_space<hbm>>
    %dma_start3A_109 = tpu.memref_slice %arg3[%multiple_of3A_104, %multiple_of3A_107] : memref<320000x256xf32, #tpu.memory_space<hbm>> -> memref<80x128xf32, #tpu.memory_space<hbm>>
    tpu.enqueue_dma source(%dma_start3A_109 : memref<80x128xf32, #tpu.memory_space<hbm>>) target(%arg15 : memref<80x128xf32, #tpu.memory_space<vmem>>) target_semaphore(%arg24 : memref<!tpu.dma_semaphore, #tpu.memory_space<semaphore_mem>>)
    %barrier3A = arith.constant 0 : index
    tpu.barrier barrier_id(%barrier3A)
    %scan3A = arith.constant 0 : i32
    %scan3A_110 = arith.constant 125 : i32
    %scan3A_111 = arith.addi %scan3A, %scan3A_110 : i32
    %scan3A_112 = arith.constant 1 : i32
    scf.for %scan3A_180 = %scan3A to %scan3A_111 step %scan3A_112  : i32 {
      %mul3A_181 = arith.constant 2 : i32
      %mul3A_182 = arith.muli %scan3A_180, %mul3A_181 : i32
      %add3A_183 = arith.constant 0 : i32
      %add3A_184 = arith.addi %add3A_183, %mul3A_182 : i32
      %add3A_185 = arith.constant 2 : i32
      %add3A_186 = arith.addi %add3A_184, %add3A_185 : i32
      %dma_wait3A_187 = arith.constant 0 : i32
      %dma_wait3A_188 = arith.constant 0 : i32
      %dma_wait3A_189 = tpu.memref_slice %arg2[%dma_wait3A_187, %dma_wait3A_188] : memref<20000x128xf32, #tpu.memory_space<hbm>> -> memref<20000x128xf32, #tpu.memory_space<hbm>>
      tpu.wait_indirect_dma semaphore(%arg21 : memref<!tpu.dma_semaphore, #tpu.memory_space<semaphore_mem>>) src(%dma_wait3A_189 : memref<20000x128xf32, #tpu.memory_space<hbm>>) dst(%arg12 : memref<80x128xf32, #tpu.memory_space<vmem>>)
      %add3A_190 = arith.addi %mul3A_6, %add3A_184 : i32
      %add3A_191 = arith.constant 250 : i32
      %add3A_192 = arith.addi %mul3A_6, %add3A_191 : i32
      %sub3A_193 = arith.constant 1 : i32
      %sub3A_194 = arith.subi %add3A_192, %sub3A_193 : i32
      %min3A_195 = arith.minsi %add3A_190, %sub3A_194 : i32
      %mul3A_196 = arith.constant 80 : i32
      %mul3A_197 = arith.muli %min3A_195, %mul3A_196 : i32
      %multiple_of3A_198 = tpu.assume_multiple %mul3A_197, 8 : i32
      %mul3A_199 = arith.constant 128 : i32
      %mul3A_200 = arith.muli %arg0, %mul3A_199 : i32
      %multiple_of3A_201 = tpu.assume_multiple %mul3A_200, 128 : i32
      %dma_wait3A_202 = tpu.memref_slice %arg3[%multiple_of3A_198, %multiple_of3A_201] : memref<320000x256xf32, #tpu.memory_space<hbm>> -> memref<80x128xf32, #tpu.memory_space<hbm>>
      %dma_wait3A_203 = tpu.memref_slice %arg3[%multiple_of3A_198, %multiple_of3A_201] : memref<320000x256xf32, #tpu.memory_space<hbm>> -> memref<80x128xf32, #tpu.memory_space<hbm>>
      tpu.wait_dma2 semaphore(%arg23 : memref<!tpu.dma_semaphore, #tpu.memory_space<semaphore_mem>>) src(%dma_wait3A_203 : memref<80x128xf32, #tpu.memory_space<hbm>>) dst(%arg14 : memref<80x128xf32, #tpu.memory_space<vmem>>)
      %add3A_204 = arith.addi %mul3A_4, %add3A_186 : i32
      %add3A_205 = arith.constant 250 : i32
      %add3A_206 = arith.addi %mul3A_4, %add3A_205 : i32
      %sub3A_207 = arith.constant 1 : i32
      %sub3A_208 = arith.subi %add3A_206, %sub3A_207 : i32
      %min3A_209 = arith.minsi %add3A_204, %sub3A_208 : i32
      %mul3A_210 = arith.constant 80 : i32
      %mul3A_211 = arith.muli %min3A_209, %mul3A_210 : i32
      %multiple_of3A_212 = tpu.assume_multiple %mul3A_211, 8 : i32
      %dma_start3A_213 = tpu.memref_slice %arg4[%multiple_of3A_212] : memref<640000xi32, #tpu.memory_space<hbm>> -> memref<80xi32, #tpu.memory_space<hbm>>
      %dma_start3A_214 = tpu.memref_slice %arg4[%multiple_of3A_212] : memref<640000xi32, #tpu.memory_space<hbm>> -> memref<80xi32, #tpu.memory_space<hbm>>
      tpu.enqueue_dma source(%dma_start3A_214 : memref<80xi32, #tpu.memory_space<hbm>>) target(%arg8 : memref<80xi32, #tpu.memory_space<vmem>>) target_semaphore(%arg17 : memref<!tpu.dma_semaphore, #tpu.memory_space<semaphore_mem>>)
      %add3A_215 = arith.addi %mul3A_6, %add3A_184 : i32
      %add3A_216 = arith.constant 250 : i32
      %add3A_217 = arith.addi %mul3A_6, %add3A_216 : i32
      %sub3A_218 = arith.constant 1 : i32
      %sub3A_219 = arith.subi %add3A_217, %sub3A_218 : i32
      %min3A_220 = arith.minsi %add3A_215, %sub3A_219 : i32
      %mul3A_221 = arith.constant 80 : i32
      %mul3A_222 = arith.muli %min3A_220, %mul3A_221 : i32
      %multiple_of3A_223 = tpu.assume_multiple %mul3A_222, 8 : i32
      %dma_wait3A_224 = tpu.memref_slice %arg5[%multiple_of3A_223] : memref<320000xi32, #tpu.memory_space<hbm>> -> memref<80xi32, #tpu.memory_space<hbm>>
      %dma_wait3A_225 = tpu.memref_slice %arg5[%multiple_of3A_223] : memref<320000xi32, #tpu.memory_space<hbm>> -> memref<80xi32, #tpu.memory_space<hbm>>
      tpu.wait_dma2 semaphore(%arg19 : memref<!tpu.dma_semaphore, #tpu.memory_space<semaphore_mem>>) src(%dma_wait3A_225 : memref<80xi32, #tpu.memory_space<hbm>>) dst(%arg10 : memref<80xi32, #tpu.memory_space<vmem>>)
      "tpu.region"() ({
        %run_scoped3A = tpu.sem_alloc : memref<!tpu.dma_semaphore, #tpu.memory_space<semaphore_mem>>
        %dma_start3A_347 = arith.constant 0 : i32
        %dma_start3A_348 = arith.constant 0 : i32
        %dma_start3A_349 = tpu.memref_slice %arg16[%dma_start3A_347, %dma_start3A_348] : memref<10000x128xf32, #tpu.memory_space<vmem_shared>> -> memref<10000x128xf32, #tpu.memory_space<vmem_shared>>
        tpu.enqueue_indirect_dma source(%arg12 : memref<80x128xf32, #tpu.memory_space<vmem>>) target(%dma_start3A_349 : memref<10000x128xf32, #tpu.memory_space<vmem_shared>>) offsets(%arg10 : memref<80xi32, #tpu.memory_space<vmem>>) semaphore(%run_scoped3A : memref<!tpu.dma_semaphore, #tpu.memory_space<semaphore_mem>>) {add = true}
        %dma_wait3A_350 = arith.constant 0 : i32
        %dma_wait3A_351 = arith.constant 0 : i32
        %dma_wait3A_352 = tpu.memref_slice %arg16[%dma_wait3A_350, %dma_wait3A_351] : memref<10000x128xf32, #tpu.memory_space<vmem_shared>> -> memref<10000x128xf32, #tpu.memory_space<vmem_shared>>
        tpu.wait_indirect_dma semaphore(%run_scoped3A : memref<!tpu.dma_semaphore, #tpu.memory_space<semaphore_mem>>) src(%arg12 : memref<80x128xf32, #tpu.memory_space<vmem>>) dst(%dma_wait3A_352 : memref<10000x128xf32, #tpu.memory_space<vmem_shared>>)
        tpu.yield
      }) : () -> ()
      "tpu.region"() ({
        %run_scoped3A = tpu.sem_alloc : memref<!tpu.dma_semaphore, #tpu.memory_space<semaphore_mem>>
        %dma_start3A_347 = arith.constant 0 : i32
        %dma_start3A_348 = arith.constant 0 : i32
        %dma_start3A_349 = tpu.memref_slice %arg16[%dma_start3A_347, %dma_start3A_348] : memref<10000x128xf32, #tpu.memory_space<vmem_shared>> -> memref<10000x128xf32, #tpu.memory_space<vmem_shared>>
        tpu.enqueue_indirect_dma source(%arg14 : memref<80x128xf32, #tpu.memory_space<vmem>>) target(%dma_start3A_349 : memref<10000x128xf32, #tpu.memory_space<vmem_shared>>) offsets(%arg10 : memref<80xi32, #tpu.memory_space<vmem>>) semaphore(%run_scoped3A : memref<!tpu.dma_semaphore, #tpu.memory_space<semaphore_mem>>) {add = true}
        %dma_wait3A_350 = arith.constant 0 : i32
        %dma_wait3A_351 = arith.constant 0 : i32
        %dma_wait3A_352 = tpu.memref_slice %arg16[%dma_wait3A_350, %dma_wait3A_351] : memref<10000x128xf32, #tpu.memory_space<vmem_shared>> -> memref<10000x128xf32, #tpu.memory_space<vmem_shared>>
        tpu.wait_indirect_dma semaphore(%run_scoped3A : memref<!tpu.dma_semaphore, #tpu.memory_space<semaphore_mem>>) src(%arg14 : memref<80x128xf32, #tpu.memory_space<vmem>>) dst(%dma_wait3A_352 : memref<10000x128xf32, #tpu.memory_space<vmem_shared>>)
        tpu.yield
      }) : () -> ()
      %add3A_226 = arith.addi %mul3A_6, %add3A_186 : i32
      %add3A_227 = arith.constant 250 : i32
      %add3A_228 = arith.addi %mul3A_6, %add3A_227 : i32
      %sub3A_229 = arith.constant 1 : i32
      %sub3A_230 = arith.subi %add3A_228, %sub3A_229 : i32
      %min3A_231 = arith.minsi %add3A_226, %sub3A_230 : i32
      %mul3A_232 = arith.constant 80 : i32
      %mul3A_233 = arith.muli %min3A_231, %mul3A_232 : i32
      %multiple_of3A_234 = tpu.assume_multiple %mul3A_233, 8 : i32
      %dma_start3A_235 = tpu.memref_slice %arg5[%multiple_of3A_234] : memref<320000xi32, #tpu.memory_space<hbm>> -> memref<80xi32, #tpu.memory_space<hbm>>
      %dma_start3A_236 = tpu.memref_slice %arg5[%multiple_of3A_234] : memref<320000xi32, #tpu.memory_space<hbm>> -> memref<80xi32, #tpu.memory_space<hbm>>
      tpu.enqueue_dma source(%dma_start3A_236 : memref<80xi32, #tpu.memory_space<hbm>>) target(%arg10 : memref<80xi32, #tpu.memory_space<vmem>>) target_semaphore(%arg19 : memref<!tpu.dma_semaphore, #tpu.memory_space<semaphore_mem>>)
      %add3A_237 = arith.addi %mul3A_4, %add3A_186 : i32
      %add3A_238 = arith.constant 250 : i32
      %add3A_239 = arith.addi %mul3A_4, %add3A_238 : i32
      %sub3A_240 = arith.constant 1 : i32
      %sub3A_241 = arith.subi %add3A_239, %sub3A_240 : i32
      %min3A_242 = arith.minsi %add3A_237, %sub3A_241 : i32
      %mul3A_243 = arith.constant 80 : i32
      %mul3A_244 = arith.muli %min3A_242, %mul3A_243 : i32
      %multiple_of3A_245 = tpu.assume_multiple %mul3A_244, 8 : i32
      %dma_wait3A_246 = tpu.memref_slice %arg4[%multiple_of3A_245] : memref<640000xi32, #tpu.memory_space<hbm>> -> memref<80xi32, #tpu.memory_space<hbm>>
      %dma_wait3A_247 = tpu.memref_slice %arg4[%multiple_of3A_245] : memref<640000xi32, #tpu.memory_space<hbm>> -> memref<80xi32, #tpu.memory_space<hbm>>
      tpu.wait_dma2 semaphore(%arg17 : memref<!tpu.dma_semaphore, #tpu.memory_space<semaphore_mem>>) src(%dma_wait3A_247 : memref<80xi32, #tpu.memory_space<hbm>>) dst(%arg8 : memref<80xi32, #tpu.memory_space<vmem>>)
      %dma_start3A_248 = arith.constant 0 : i32
      %dma_start3A_249 = arith.constant 0 : i32
      %dma_start3A_250 = tpu.memref_slice %arg2[%dma_start3A_248, %dma_start3A_249] : memref<20000x128xf32, #tpu.memory_space<hbm>> -> memref<20000x128xf32, #tpu.memory_space<hbm>>
      tpu.enqueue_indirect_dma source(%dma_start3A_250 : memref<20000x128xf32, #tpu.memory_space<hbm>>) target(%arg12 : memref<80x128xf32, #tpu.memory_space<vmem>>) offsets(%arg8 : memref<80xi32, #tpu.memory_space<vmem>>) semaphore(%arg21 : memref<!tpu.dma_semaphore, #tpu.memory_space<semaphore_mem>>)
      %add3A_251 = arith.addi %mul3A_6, %add3A_186 : i32
      %add3A_252 = arith.constant 250 : i32
      %add3A_253 = arith.addi %mul3A_6, %add3A_252 : i32
      %sub3A_254 = arith.constant 1 : i32
      %sub3A_255 = arith.subi %add3A_253, %sub3A_254 : i32
      %min3A_256 = arith.minsi %add3A_251, %sub3A_255 : i32
      %mul3A_257 = arith.constant 80 : i32
      %mul3A_258 = arith.muli %min3A_256, %mul3A_257 : i32
      %multiple_of3A_259 = tpu.assume_multiple %mul3A_258, 8 : i32
      %mul3A_260 = arith.constant 128 : i32
      %mul3A_261 = arith.muli %arg0, %mul3A_260 : i32
      %multiple_of3A_262 = tpu.assume_multiple %mul3A_261, 128 : i32
      %dma_start3A_263 = tpu.memref_slice %arg3[%multiple_of3A_259, %multiple_of3A_262] : memref<320000x256xf32, #tpu.memory_space<hbm>> -> memref<80x128xf32, #tpu.memory_space<hbm>>
      %dma_start3A_264 = tpu.memref_slice %arg3[%multiple_of3A_259, %multiple_of3A_262] : memref<320000x256xf32, #tpu.memory_space<hbm>> -> memref<80x128xf32, #tpu.memory_space<hbm>>
      tpu.enqueue_dma source(%dma_start3A_264 : memref<80x128xf32, #tpu.memory_space<hbm>>) target(%arg14 : memref<80x128xf32, #tpu.memory_space<vmem>>) target_semaphore(%arg23 : memref<!tpu.dma_semaphore, #tpu.memory_space<semaphore_mem>>)
      %add3A_265 = arith.constant 1 : i32
      %add3A_266 = arith.addi %add3A_184, %add3A_265 : i32
      %add3A_267 = arith.constant 3 : i32
      %add3A_268 = arith.addi %add3A_184, %add3A_267 : i32
      %dma_wait3A_269 = arith.constant 0 : i32
      %dma_wait3A_270 = arith.constant 0 : i32
      %dma_wait3A_271 = tpu.memref_slice %arg2[%dma_wait3A_269, %dma_wait3A_270] : memref<20000x128xf32, #tpu.memory_space<hbm>> -> memref<20000x128xf32, #tpu.memory_space<hbm>>
      tpu.wait_indirect_dma semaphore(%arg22 : memref<!tpu.dma_semaphore, #tpu.memory_space<semaphore_mem>>) src(%dma_wait3A_271 : memref<20000x128xf32, #tpu.memory_space<hbm>>) dst(%arg13 : memref<80x128xf32, #tpu.memory_space<vmem>>)
      %add3A_272 = arith.addi %mul3A_6, %add3A_266 : i32
      %add3A_273 = arith.constant 250 : i32
      %add3A_274 = arith.addi %mul3A_6, %add3A_273 : i32
      %sub3A_275 = arith.constant 1 : i32
      %sub3A_276 = arith.subi %add3A_274, %sub3A_275 : i32
      %min3A_277 = arith.minsi %add3A_272, %sub3A_276 : i32
      %mul3A_278 = arith.constant 80 : i32
      %mul3A_279 = arith.muli %min3A_277, %mul3A_278 : i32
      %multiple_of3A_280 = tpu.assume_multiple %mul3A_279, 8 : i32
      %mul3A_281 = arith.constant 128 : i32
      %mul3A_282 = arith.muli %arg0, %mul3A_281 : i32
      %multiple_of3A_283 = tpu.assume_multiple %mul3A_282, 128 : i32
      %dma_wait3A_284 = tpu.memref_slice %arg3[%multiple_of3A_280, %multiple_of3A_283] : memref<320000x256xf32, #tpu.memory_space<hbm>> -> memref<80x128xf32, #tpu.memory_space<hbm>>
      %dma_wait3A_285 = tpu.memref_slice %arg3[%multiple_of3A_280, %multiple_of3A_283] : memref<320000x256xf32, #tpu.memory_space<hbm>> -> memref<80x128xf32, #tpu.memory_space<hbm>>
      tpu.wait_dma2 semaphore(%arg24 : memref<!tpu.dma_semaphore, #tpu.memory_space<semaphore_mem>>) src(%dma_wait3A_285 : memref<80x128xf32, #tpu.memory_space<hbm>>) dst(%arg15 : memref<80x128xf32, #tpu.memory_space<vmem>>)
      %add3A_286 = arith.addi %mul3A_4, %add3A_268 : i32
      %add3A_287 = arith.constant 250 : i32
      %add3A_288 = arith.addi %mul3A_4, %add3A_287 : i32
      %sub3A_289 = arith.constant 1 : i32
      %sub3A_290 = arith.subi %add3A_288, %sub3A_289 : i32
      %min3A_291 = arith.minsi %add3A_286, %sub3A_290 : i32
      %mul3A_292 = arith.constant 80 : i32
      %mul3A_293 = arith.muli %min3A_291, %mul3A_292 : i32
      %multiple_of3A_294 = tpu.assume_multiple %mul3A_293, 8 : i32
      %dma_start3A_295 = tpu.memref_slice %arg4[%multiple_of3A_294] : memref<640000xi32, #tpu.memory_space<hbm>> -> memref<80xi32, #tpu.memory_space<hbm>>
      %dma_start3A_296 = tpu.memref_slice %arg4[%multiple_of3A_294] : memref<640000xi32, #tpu.memory_space<hbm>> -> memref<80xi32, #tpu.memory_space<hbm>>
      tpu.enqueue_dma source(%dma_start3A_296 : memref<80xi32, #tpu.memory_space<hbm>>) target(%arg9 : memref<80xi32, #tpu.memory_space<vmem>>) target_semaphore(%arg18 : memref<!tpu.dma_semaphore, #tpu.memory_space<semaphore_mem>>)
      %add3A_297 = arith.addi %mul3A_6, %add3A_266 : i32
      %add3A_298 = arith.constant 250 : i32
      %add3A_299 = arith.addi %mul3A_6, %add3A_298 : i32
      %sub3A_300 = arith.constant 1 : i32
      %sub3A_301 = arith.subi %add3A_299, %sub3A_300 : i32
      %min3A_302 = arith.minsi %add3A_297, %sub3A_301 : i32
      %mul3A_303 = arith.constant 80 : i32
      %mul3A_304 = arith.muli %min3A_302, %mul3A_303 : i32
      %multiple_of3A_305 = tpu.assume_multiple %mul3A_304, 8 : i32
      %dma_wait3A_306 = tpu.memref_slice %arg5[%multiple_of3A_305] : memref<320000xi32, #tpu.memory_space<hbm>> -> memref<80xi32, #tpu.memory_space<hbm>>
      %dma_wait3A_307 = tpu.memref_slice %arg5[%multiple_of3A_305] : memref<320000xi32, #tpu.memory_space<hbm>> -> memref<80xi32, #tpu.memory_space<hbm>>
      tpu.wait_dma2 semaphore(%arg20 : memref<!tpu.dma_semaphore, #tpu.memory_space<semaphore_mem>>) src(%dma_wait3A_307 : memref<80xi32, #tpu.memory_space<hbm>>) dst(%arg11 : memref<80xi32, #tpu.memory_space<vmem>>)
      "tpu.region"() ({
        %run_scoped3A = tpu.sem_alloc : memref<!tpu.dma_semaphore, #tpu.memory_space<semaphore_mem>>
        %dma_start3A_347 = arith.constant 0 : i32
        %dma_start3A_348 = arith.constant 0 : i32
        %dma_start3A_349 = tpu.memref_slice %arg16[%dma_start3A_347, %dma_start3A_348] : memref<10000x128xf32, #tpu.memory_space<vmem_shared>> -> memref<10000x128xf32, #tpu.memory_space<vmem_shared>>
        tpu.enqueue_indirect_dma source(%arg13 : memref<80x128xf32, #tpu.memory_space<vmem>>) target(%dma_start3A_349 : memref<10000x128xf32, #tpu.memory_space<vmem_shared>>) offsets(%arg11 : memref<80xi32, #tpu.memory_space<vmem>>) semaphore(%run_scoped3A : memref<!tpu.dma_semaphore, #tpu.memory_space<semaphore_mem>>) {add = true}
        %dma_wait3A_350 = arith.constant 0 : i32
        %dma_wait3A_351 = arith.constant 0 : i32
        %dma_wait3A_352 = tpu.memref_slice %arg16[%dma_wait3A_350, %dma_wait3A_351] : memref<10000x128xf32, #tpu.memory_space<vmem_shared>> -> memref<10000x128xf32, #tpu.memory_space<vmem_shared>>
        tpu.wait_indirect_dma semaphore(%run_scoped3A : memref<!tpu.dma_semaphore, #tpu.memory_space<semaphore_mem>>) src(%arg13 : memref<80x128xf32, #tpu.memory_space<vmem>>) dst(%dma_wait3A_352 : memref<10000x128xf32, #tpu.memory_space<vmem_shared>>)
        tpu.yield
      }) : () -> ()
      "tpu.region"() ({
        %run_scoped3A = tpu.sem_alloc : memref<!tpu.dma_semaphore, #tpu.memory_space<semaphore_mem>>
        %dma_start3A_347 = arith.constant 0 : i32
        %dma_start3A_348 = arith.constant 0 : i32
        %dma_start3A_349 = tpu.memref_slice %arg16[%dma_start3A_347, %dma_start3A_348] : memref<10000x128xf32, #tpu.memory_space<vmem_shared>> -> memref<10000x128xf32, #tpu.memory_space<vmem_shared>>
        tpu.enqueue_indirect_dma source(%arg15 : memref<80x128xf32, #tpu.memory_space<vmem>>) target(%dma_start3A_349 : memref<10000x128xf32, #tpu.memory_space<vmem_shared>>) offsets(%arg11 : memref<80xi32, #tpu.memory_space<vmem>>) semaphore(%run_scoped3A : memref<!tpu.dma_semaphore, #tpu.memory_space<semaphore_mem>>) {add = true}
        %dma_wait3A_350 = arith.constant 0 : i32
        %dma_wait3A_351 = arith.constant 0 : i32
        %dma_wait3A_352 = tpu.memref_slice %arg16[%dma_wait3A_350, %dma_wait3A_351] : memref<10000x128xf32, #tpu.memory_space<vmem_shared>> -> memref<10000x128xf32, #tpu.memory_space<vmem_shared>>
        tpu.wait_indirect_dma semaphore(%run_scoped3A : memref<!tpu.dma_semaphore, #tpu.memory_space<semaphore_mem>>) src(%arg15 : memref<80x128xf32, #tpu.memory_space<vmem>>) dst(%dma_wait3A_352 : memref<10000x128xf32, #tpu.memory_space<vmem_shared>>)
        tpu.yield
      }) : () -> ()
      %add3A_308 = arith.addi %mul3A_6, %add3A_268 : i32
      %add3A_309 = arith.constant 250 : i32
      %add3A_310 = arith.addi %mul3A_6, %add3A_309 : i32
      %sub3A_311 = arith.constant 1 : i32
      %sub3A_312 = arith.subi %add3A_310, %sub3A_311 : i32
      %min3A_313 = arith.minsi %add3A_308, %sub3A_312 : i32
      %mul3A_314 = arith.constant 80 : i32
      %mul3A_315 = arith.muli %min3A_313, %mul3A_314 : i32
      %multiple_of3A_316 = tpu.assume_multiple %mul3A_315, 8 : i32
      %dma_start3A_317 = tpu.memref_slice %arg5[%multiple_of3A_316] : memref<320000xi32, #tpu.memory_space<hbm>> -> memref<80xi32, #tpu.memory_space<hbm>>
      %dma_start3A_318 = tpu.memref_slice %arg5[%multiple_of3A_316] : memref<320000xi32, #tpu.memory_space<hbm>> -> memref<80xi32, #tpu.memory_space<hbm>>
      tpu.enqueue_dma source(%dma_start3A_318 : memref<80xi32, #tpu.memory_space<hbm>>) target(%arg11 : memref<80xi32, #tpu.memory_space<vmem>>) target_semaphore(%arg20 : memref<!tpu.dma_semaphore, #tpu.memory_space<semaphore_mem>>)
      %add3A_319 = arith.addi %mul3A_4, %add3A_268 : i32
      %add3A_320 = arith.constant 250 : i32
      %add3A_321 = arith.addi %mul3A_4, %add3A_320 : i32
      %sub3A_322 = arith.constant 1 : i32
      %sub3A_323 = arith.subi %add3A_321, %sub3A_322 : i32
      %min3A_324 = arith.minsi %add3A_319, %sub3A_323 : i32
      %mul3A_325 = arith.constant 80 : i32
      %mul3A_326 = arith.muli %min3A_324, %mul3A_325 : i32
      %multiple_of3A_327 = tpu.assume_multiple %mul3A_326, 8 : i32
      %dma_wait3A_328 = tpu.memref_slice %arg4[%multiple_of3A_327] : memref<640000xi32, #tpu.memory_space<hbm>> -> memref<80xi32, #tpu.memory_space<hbm>>
      %dma_wait3A_329 = tpu.memref_slice %arg4[%multiple_of3A_327] : memref<640000xi32, #tpu.memory_space<hbm>> -> memref<80xi32, #tpu.memory_space<hbm>>
      tpu.wait_dma2 semaphore(%arg18 : memref<!tpu.dma_semaphore, #tpu.memory_space<semaphore_mem>>) src(%dma_wait3A_329 : memref<80xi32, #tpu.memory_space<hbm>>) dst(%arg9 : memref<80xi32, #tpu.memory_space<vmem>>)
      %dma_start3A_330 = arith.constant 0 : i32
      %dma_start3A_331 = arith.constant 0 : i32
      %dma_start3A_332 = tpu.memref_slice %arg2[%dma_start3A_330, %dma_start3A_331] : memref<20000x128xf32, #tpu.memory_space<hbm>> -> memref<20000x128xf32, #tpu.memory_space<hbm>>
      tpu.enqueue_indirect_dma source(%dma_start3A_332 : memref<20000x128xf32, #tpu.memory_space<hbm>>) target(%arg13 : memref<80x128xf32, #tpu.memory_space<vmem>>) offsets(%arg9 : memref<80xi32, #tpu.memory_space<vmem>>) semaphore(%arg22 : memref<!tpu.dma_semaphore, #tpu.memory_space<semaphore_mem>>)
      %add3A_333 = arith.addi %mul3A_6, %add3A_268 : i32
      %add3A_334 = arith.constant 250 : i32
      %add3A_335 = arith.addi %mul3A_6, %add3A_334 : i32
      %sub3A_336 = arith.constant 1 : i32
      %sub3A_337 = arith.subi %add3A_335, %sub3A_336 : i32
      %min3A_338 = arith.minsi %add3A_333, %sub3A_337 : i32
      %mul3A_339 = arith.constant 80 : i32
      %mul3A_340 = arith.muli %min3A_338, %mul3A_339 : i32
      %multiple_of3A_341 = tpu.assume_multiple %mul3A_340, 8 : i32
      %mul3A_342 = arith.constant 128 : i32
      %mul3A_343 = arith.muli %arg0, %mul3A_342 : i32
      %multiple_of3A_344 = tpu.assume_multiple %mul3A_343, 128 : i32
      %dma_start3A_345 = tpu.memref_slice %arg3[%multiple_of3A_341, %multiple_of3A_344] : memref<320000x256xf32, #tpu.memory_space<hbm>> -> memref<80x128xf32, #tpu.memory_space<hbm>>
      %dma_start3A_346 = tpu.memref_slice %arg3[%multiple_of3A_341, %multiple_of3A_344] : memref<320000x256xf32, #tpu.memory_space<hbm>> -> memref<80x128xf32, #tpu.memory_space<hbm>>
      tpu.enqueue_dma source(%dma_start3A_346 : memref<80x128xf32, #tpu.memory_space<hbm>>) target(%arg15 : memref<80x128xf32, #tpu.memory_space<vmem>>) target_semaphore(%arg24 : memref<!tpu.dma_semaphore, #tpu.memory_space<semaphore_mem>>)
    }
    %scan3A_113 = arith.constant 125 : i32
    %dma_wait3A_114 = arith.constant 0 : i32
    %dma_wait3A_115 = arith.constant 0 : i32
    %dma_wait3A_116 = tpu.memref_slice %arg2[%dma_wait3A_114, %dma_wait3A_115] : memref<20000x128xf32, #tpu.memory_space<hbm>> -> memref<20000x128xf32, #tpu.memory_space<hbm>>
    tpu.wait_indirect_dma semaphore(%arg21 : memref<!tpu.dma_semaphore, #tpu.memory_space<semaphore_mem>>) src(%dma_wait3A_116 : memref<20000x128xf32, #tpu.memory_space<hbm>>) dst(%arg12 : memref<80x128xf32, #tpu.memory_space<vmem>>)
    %add3A_117 = arith.constant 250 : i32
    %add3A_118 = arith.addi %mul3A_6, %add3A_117 : i32
    %add3A_119 = arith.constant 250 : i32
    %add3A_120 = arith.addi %mul3A_6, %add3A_119 : i32
    %sub3A_121 = arith.constant 1 : i32
    %sub3A_122 = arith.subi %add3A_120, %sub3A_121 : i32
    %min3A_123 = arith.minsi %add3A_118, %sub3A_122 : i32
    %mul3A_124 = arith.constant 80 : i32
    %mul3A_125 = arith.muli %min3A_123, %mul3A_124 : i32
    %multiple_of3A_126 = tpu.assume_multiple %mul3A_125, 8 : i32
    %mul3A_127 = arith.constant 128 : i32
    %mul3A_128 = arith.muli %arg0, %mul3A_127 : i32
    %multiple_of3A_129 = tpu.assume_multiple %mul3A_128, 128 : i32
    %dma_wait3A_130 = tpu.memref_slice %arg3[%multiple_of3A_126, %multiple_of3A_129] : memref<320000x256xf32, #tpu.memory_space<hbm>> -> memref<80x128xf32, #tpu.memory_space<hbm>>
    %dma_wait3A_131 = tpu.memref_slice %arg3[%multiple_of3A_126, %multiple_of3A_129] : memref<320000x256xf32, #tpu.memory_space<hbm>> -> memref<80x128xf32, #tpu.memory_space<hbm>>
    tpu.wait_dma2 semaphore(%arg23 : memref<!tpu.dma_semaphore, #tpu.memory_space<semaphore_mem>>) src(%dma_wait3A_131 : memref<80x128xf32, #tpu.memory_space<hbm>>) dst(%arg14 : memref<80x128xf32, #tpu.memory_space<vmem>>)
    %dma_wait3A_132 = arith.constant 0 : i32
    %dma_wait3A_133 = arith.constant 0 : i32
    %dma_wait3A_134 = tpu.memref_slice %arg2[%dma_wait3A_132, %dma_wait3A_133] : memref<20000x128xf32, #tpu.memory_space<hbm>> -> memref<20000x128xf32, #tpu.memory_space<hbm>>
    tpu.wait_indirect_dma semaphore(%arg22 : memref<!tpu.dma_semaphore, #tpu.memory_space<semaphore_mem>>) src(%dma_wait3A_134 : memref<20000x128xf32, #tpu.memory_space<hbm>>) dst(%arg13 : memref<80x128xf32, #tpu.memory_space<vmem>>)
    %add3A_135 = arith.constant 251 : i32
    %add3A_136 = arith.addi %mul3A_6, %add3A_135 : i32
    %add3A_137 = arith.constant 250 : i32
    %add3A_138 = arith.addi %mul3A_6, %add3A_137 : i32
    %sub3A_139 = arith.constant 1 : i32
    %sub3A_140 = arith.subi %add3A_138, %sub3A_139 : i32
    %min3A_141 = arith.minsi %add3A_136, %sub3A_140 : i32
    %mul3A_142 = arith.constant 80 : i32
    %mul3A_143 = arith.muli %min3A_141, %mul3A_142 : i32
    %multiple_of3A_144 = tpu.assume_multiple %mul3A_143, 8 : i32
    %mul3A_145 = arith.constant 128 : i32
    %mul3A_146 = arith.muli %arg0, %mul3A_145 : i32
    %multiple_of3A_147 = tpu.assume_multiple %mul3A_146, 128 : i32
    %dma_wait3A_148 = tpu.memref_slice %arg3[%multiple_of3A_144, %multiple_of3A_147] : memref<320000x256xf32, #tpu.memory_space<hbm>> -> memref<80x128xf32, #tpu.memory_space<hbm>>
    %dma_wait3A_149 = tpu.memref_slice %arg3[%multiple_of3A_144, %multiple_of3A_147] : memref<320000x256xf32, #tpu.memory_space<hbm>> -> memref<80x128xf32, #tpu.memory_space<hbm>>
    tpu.wait_dma2 semaphore(%arg24 : memref<!tpu.dma_semaphore, #tpu.memory_space<semaphore_mem>>) src(%dma_wait3A_149 : memref<80x128xf32, #tpu.memory_space<hbm>>) dst(%arg15 : memref<80x128xf32, #tpu.memory_space<vmem>>)
    %add3A_150 = arith.constant 250 : i32
    %add3A_151 = arith.addi %mul3A_6, %add3A_150 : i32
    %add3A_152 = arith.constant 250 : i32
    %add3A_153 = arith.addi %mul3A_6, %add3A_152 : i32
    %sub3A_154 = arith.constant 1 : i32
    %sub3A_155 = arith.subi %add3A_153, %sub3A_154 : i32
    %min3A_156 = arith.minsi %add3A_151, %sub3A_155 : i32
    %mul3A_157 = arith.constant 80 : i32
    %mul3A_158 = arith.muli %min3A_156, %mul3A_157 : i32
    %multiple_of3A_159 = tpu.assume_multiple %mul3A_158, 8 : i32
    %dma_wait3A_160 = tpu.memref_slice %arg5[%multiple_of3A_159] : memref<320000xi32, #tpu.memory_space<hbm>> -> memref<80xi32, #tpu.memory_space<hbm>>
    %dma_wait3A_161 = tpu.memref_slice %arg5[%multiple_of3A_159] : memref<320000xi32, #tpu.memory_space<hbm>> -> memref<80xi32, #tpu.memory_space<hbm>>
    tpu.wait_dma2 semaphore(%arg19 : memref<!tpu.dma_semaphore, #tpu.memory_space<semaphore_mem>>) src(%dma_wait3A_161 : memref<80xi32, #tpu.memory_space<hbm>>) dst(%arg10 : memref<80xi32, #tpu.memory_space<vmem>>)
    %add3A_162 = arith.constant 251 : i32
    %add3A_163 = arith.addi %mul3A_6, %add3A_162 : i32
    %add3A_164 = arith.constant 250 : i32
    %add3A_165 = arith.addi %mul3A_6, %add3A_164 : i32
    %sub3A_166 = arith.constant 1 : i32
    %sub3A_167 = arith.subi %add3A_165, %sub3A_166 : i32
    %min3A_168 = arith.minsi %add3A_163, %sub3A_167 : i32
    %mul3A_169 = arith.constant 80 : i32
    %mul3A_170 = arith.muli %min3A_168, %mul3A_169 : i32
    %multiple_of3A_171 = tpu.assume_multiple %mul3A_170, 8 : i32
    %dma_wait3A_172 = tpu.memref_slice %arg5[%multiple_of3A_171] : memref<320000xi32, #tpu.memory_space<hbm>> -> memref<80xi32, #tpu.memory_space<hbm>>
    %dma_wait3A_173 = tpu.memref_slice %arg5[%multiple_of3A_171] : memref<320000xi32, #tpu.memory_space<hbm>> -> memref<80xi32, #tpu.memory_space<hbm>>
    tpu.wait_dma2 semaphore(%arg20 : memref<!tpu.dma_semaphore, #tpu.memory_space<semaphore_mem>>) src(%dma_wait3A_173 : memref<80xi32, #tpu.memory_space<hbm>>) dst(%arg11 : memref<80xi32, #tpu.memory_space<vmem>>)
    %barrier3A_174 = arith.constant 0 : index
    tpu.barrier barrier_id(%barrier3A_174)
    %lt3A_175 = arith.constant 10 : i32
    %lt3A_176 = arith.cmpi slt, %arg1, %lt3A_175 : i32
    %convert_element_type3A_177 = arith.extui %lt3A_176 : i1 to i32
    %cond3A_178 = arith.constant 0 : i32
    %cond3A_179 = arith.cmpi ne, %convert_element_type3A_177, %cond3A_178 : i32
    scf.if %cond3A_179 {
      %mul3A_180 = arith.constant 1000 : i32
      %mul3A_181 = arith.muli %arg1, %mul3A_180 : i32
      %mul3A_182 = arith.constant 10000 : i32
      %mul3A_183 = arith.muli %arg0, %mul3A_182 : i32
      %mul3A_184 = arith.constant 1000 : i32
      %mul3A_185 = arith.muli %arg1, %mul3A_184 : i32
      %add3A_186 = arith.addi %mul3A_183, %mul3A_185 : i32
      "tpu.region"() ({
        %run_scoped3A = tpu.sem_alloc : memref<!tpu.dma_semaphore, #tpu.memory_space<semaphore_mem>>
        %dma_start3A_187 = arith.constant 0 : i32
        %dma_start3A_188 = tpu.memref_slice %arg7[%add3A_186, %dma_start3A_187] : memref<20000x128xf32, #tpu.memory_space<hbm>> -> memref<1000x128xf32, #tpu.memory_space<hbm>>
        %dma_start3A_189 = arith.constant 0 : i32
        %dma_start3A_190 = tpu.memref_slice %arg16[%mul3A_181, %dma_start3A_189] : memref<10000x128xf32, #tpu.memory_space<vmem_shared>> -> memref<1000x128xf32, #tpu.memory_space<vmem_shared>>
        tpu.enqueue_dma source(%dma_start3A_190 : memref<1000x128xf32, #tpu.memory_space<vmem_shared>>) target(%dma_start3A_188 : memref<1000x128xf32, #tpu.memory_space<hbm>>) target_semaphore(%run_scoped3A : memref<!tpu.dma_semaphore, #tpu.memory_space<semaphore_mem>>)
        %dma_wait3A_191 = arith.constant 0 : i32
        %dma_wait3A_192 = tpu.memref_slice %arg7[%add3A_186, %dma_wait3A_191] : memref<20000x128xf32, #tpu.memory_space<hbm>> -> memref<1000x128xf32, #tpu.memory_space<hbm>>
        %dma_wait3A_193 = arith.constant 0 : i32
        %dma_wait3A_194 = tpu.memref_slice %arg16[%mul3A_181, %dma_wait3A_193] : memref<10000x128xf32, #tpu.memory_space<vmem_shared>> -> memref<1000x128xf32, #tpu.memory_space<vmem_shared>>
        tpu.wait_dma2 semaphore(%run_scoped3A : memref<!tpu.dma_semaphore, #tpu.memory_space<semaphore_mem>>) src(%dma_wait3A_194 : memref<1000x128xf32, #tpu.memory_space<vmem_shared>>) dst(%dma_wait3A_192 : memref<1000x128xf32, #tpu.memory_space<hbm>>)
        tpu.yield
      }) : () -> ()
    } else {
    }
    return
  }
}

#map = affine_map<(d0, d1) -> (0, 0)>
#map1 = affine_map<(d0, d1) -> (0)>
module attributes {stable_mosaic.version = 14 : i64} {
  func.func @_sc_gather(%arg0: i32, %arg1: i32, %arg2: memref<20000x128xf32, #tpu.memory_space<hbm>>, %arg3: memref<20000x128xf32, #tpu.memory_space<hbm>>, %arg4: memref<640000xi32, #tpu.memory_space<hbm>>, %arg5: memref<640000xi32, #tpu.memory_space<hbm>>, %arg6: memref<2560xi32, #tpu.memory_space<hbm>>, %arg7: memref<640000x128xf32, #tpu.memory_space<hbm>>, %arg8: memref<80xi32, #tpu.memory_space<vmem>>, %arg9: memref<80xi32, #tpu.memory_space<vmem>>, %arg10: memref<80xi32, #tpu.memory_space<vmem>>, %arg11: memref<80xi32, #tpu.memory_space<vmem>>, %arg12: memref<80xi32, #tpu.memory_space<vmem>>, %arg13: memref<80xi32, #tpu.memory_space<vmem>>, %arg14: memref<80x128xf32, #tpu.memory_space<vmem>>, %arg15: memref<80x128xf32, #tpu.memory_space<vmem>>, %arg16: memref<80x128xf32, #tpu.memory_space<vmem>>, %arg17: memref<80x128xf32, #tpu.memory_space<vmem>>, %arg18: memref<2560x128xf32, #tpu.memory_space<vmem_shared>>, %arg19: memref<!tpu.dma_semaphore, #tpu.memory_space<semaphore_mem>>, %arg20: memref<!tpu.dma_semaphore, #tpu.memory_space<semaphore_mem>>, %arg21: memref<!tpu.dma_semaphore, #tpu.memory_space<semaphore_mem>>, %arg22: memref<!tpu.dma_semaphore, #tpu.memory_space<semaphore_mem>>, %arg23: memref<!tpu.dma_semaphore, #tpu.memory_space<semaphore_mem>>, %arg24: memref<!tpu.dma_semaphore, #tpu.memory_space<semaphore_mem>>, %arg25: memref<!tpu.dma_semaphore, #tpu.memory_space<semaphore_mem>>, %arg26: memref<!tpu.dma_semaphore, #tpu.memory_space<semaphore_mem>>, %arg27: memref<!tpu.dma_semaphore, #tpu.memory_space<semaphore_mem>>, %arg28: memref<!tpu.dma_semaphore, #tpu.memory_space<semaphore_mem>>) attributes {dimension_semantics = [#tpu.dimension_semantics<core_parallel>, #tpu.dimension_semantics<subcore_parallel>], iteration_bounds = array<i64: 2, 16>, scalar_prefetch = 0 : i64, scratch_operands = 21 : i64, tpu.core_type = #tpu.core_type<sc_vector_subcore>, window_params = [{transform_indices = #map}, {transform_indices = #map}, {transform_indices = #map1}, {transform_indices = #map1}, {transform_indices = #map1}, {transform_indices = #map}]} {
    %mul3A = arith.constant 16 : i32
    %mul3A_0 = arith.muli %arg0, %mul3A : i32
    %add3A = arith.addi %mul3A_0, %arg1 : i32
    %mul3A_1 = arith.constant 250 : i32
    %mul3A_2 = arith.muli %add3A, %mul3A_1 : i32
    %mul3A_3 = arith.constant 2 : i32
    %mul3A_4 = arith.muli %arg1, %mul3A_3 : i32
    %mul3A_5 = arith.constant 80 : i32
    %mul3A_6 = arith.muli %mul3A_4, %mul3A_5 : i32
    %multiple_of3A = tpu.assume_multiple %mul3A_6, 8 : i32
    "tpu.region"() ({
      %run_scoped3A = tpu.sem_alloc : memref<!tpu.dma_semaphore, #tpu.memory_space<semaphore_mem>>
      %dma_start3A_352 = tpu.memref_slice %arg6[%multiple_of3A] : memref<2560xi32, #tpu.memory_space<hbm>> -> memref<80xi32, #tpu.memory_space<hbm>>
      %dma_start3A_353 = tpu.memref_slice %arg6[%multiple_of3A] : memref<2560xi32, #tpu.memory_space<hbm>> -> memref<80xi32, #tpu.memory_space<hbm>>
      tpu.enqueue_dma source(%dma_start3A_353 : memref<80xi32, #tpu.memory_space<hbm>>) target(%arg12 : memref<80xi32, #tpu.memory_space<vmem>>) target_semaphore(%run_scoped3A : memref<!tpu.dma_semaphore, #tpu.memory_space<semaphore_mem>>)
      %dma_wait3A_354 = tpu.memref_slice %arg6[%multiple_of3A] : memref<2560xi32, #tpu.memory_space<hbm>> -> memref<80xi32, #tpu.memory_space<hbm>>
      %dma_wait3A_355 = tpu.memref_slice %arg6[%multiple_of3A] : memref<2560xi32, #tpu.memory_space<hbm>> -> memref<80xi32, #tpu.memory_space<hbm>>
      tpu.wait_dma2 semaphore(%run_scoped3A : memref<!tpu.dma_semaphore, #tpu.memory_space<semaphore_mem>>) src(%dma_wait3A_355 : memref<80xi32, #tpu.memory_space<hbm>>) dst(%arg12 : memref<80xi32, #tpu.memory_space<vmem>>)
      tpu.yield
    }) : () -> ()
    %mul3A_7 = arith.constant 2 : i32
    %mul3A_8 = arith.muli %arg1, %mul3A_7 : i32
    %mul3A_9 = arith.constant 80 : i32
    %mul3A_10 = arith.muli %mul3A_8, %mul3A_9 : i32
    %add3A_11 = arith.constant 80 : i32
    %add3A_12 = arith.addi %mul3A_10, %add3A_11 : i32
    %multiple_of3A_13 = tpu.assume_multiple %add3A_12, 8 : i32
    "tpu.region"() ({
      %run_scoped3A = tpu.sem_alloc : memref<!tpu.dma_semaphore, #tpu.memory_space<semaphore_mem>>
      %dma_start3A_352 = tpu.memref_slice %arg6[%multiple_of3A_13] : memref<2560xi32, #tpu.memory_space<hbm>> -> memref<80xi32, #tpu.memory_space<hbm>>
      %dma_start3A_353 = tpu.memref_slice %arg6[%multiple_of3A_13] : memref<2560xi32, #tpu.memory_space<hbm>> -> memref<80xi32, #tpu.memory_space<hbm>>
      tpu.enqueue_dma source(%dma_start3A_353 : memref<80xi32, #tpu.memory_space<hbm>>) target(%arg13 : memref<80xi32, #tpu.memory_space<vmem>>) target_semaphore(%run_scoped3A : memref<!tpu.dma_semaphore, #tpu.memory_space<semaphore_mem>>)
      %dma_wait3A_354 = tpu.memref_slice %arg6[%multiple_of3A_13] : memref<2560xi32, #tpu.memory_space<hbm>> -> memref<80xi32, #tpu.memory_space<hbm>>
      %dma_wait3A_355 = tpu.memref_slice %arg6[%multiple_of3A_13] : memref<2560xi32, #tpu.memory_space<hbm>> -> memref<80xi32, #tpu.memory_space<hbm>>
      tpu.wait_dma2 semaphore(%run_scoped3A : memref<!tpu.dma_semaphore, #tpu.memory_space<semaphore_mem>>) src(%dma_wait3A_355 : memref<80xi32, #tpu.memory_space<hbm>>) dst(%arg13 : memref<80xi32, #tpu.memory_space<vmem>>)
      tpu.yield
    }) : () -> ()
    %add3A_14 = arith.constant 0 : i32
    %add3A_15 = arith.addi %mul3A_2, %add3A_14 : i32
    %add3A_16 = arith.constant 250 : i32
    %add3A_17 = arith.addi %mul3A_2, %add3A_16 : i32
    %sub3A = arith.constant 1 : i32
    %sub3A_18 = arith.subi %add3A_17, %sub3A : i32
    %min3A = arith.minsi %add3A_15, %sub3A_18 : i32
    %mul3A_19 = arith.constant 80 : i32
    %mul3A_20 = arith.muli %min3A, %mul3A_19 : i32
    %multiple_of3A_21 = tpu.assume_multiple %mul3A_20, 8 : i32
    %dma_start3A = tpu.memref_slice %arg4[%multiple_of3A_21] : memref<640000xi32, #tpu.memory_space<hbm>> -> memref<80xi32, #tpu.memory_space<hbm>>
    %dma_start3A_22 = tpu.memref_slice %arg4[%multiple_of3A_21] : memref<640000xi32, #tpu.memory_space<hbm>> -> memref<80xi32, #tpu.memory_space<hbm>>
    tpu.enqueue_dma source(%dma_start3A_22 : memref<80xi32, #tpu.memory_space<hbm>>) target(%arg8 : memref<80xi32, #tpu.memory_space<vmem>>) target_semaphore(%arg19 : memref<!tpu.dma_semaphore, #tpu.memory_space<semaphore_mem>>)
    %add3A_23 = arith.constant 0 : i32
    %add3A_24 = arith.addi %mul3A_2, %add3A_23 : i32
    %add3A_25 = arith.constant 250 : i32
    %add3A_26 = arith.addi %mul3A_2, %add3A_25 : i32
    %sub3A_27 = arith.constant 1 : i32
    %sub3A_28 = arith.subi %add3A_26, %sub3A_27 : i32
    %min3A_29 = arith.minsi %add3A_24, %sub3A_28 : i32
    %mul3A_30 = arith.constant 80 : i32
    %mul3A_31 = arith.muli %min3A_29, %mul3A_30 : i32
    %multiple_of3A_32 = tpu.assume_multiple %mul3A_31, 8 : i32
    %dma_start3A_33 = tpu.memref_slice %arg5[%multiple_of3A_32] : memref<640000xi32, #tpu.memory_space<hbm>> -> memref<80xi32, #tpu.memory_space<hbm>>
    %dma_start3A_34 = tpu.memref_slice %arg5[%multiple_of3A_32] : memref<640000xi32, #tpu.memory_space<hbm>> -> memref<80xi32, #tpu.memory_space<hbm>>
    tpu.enqueue_dma source(%dma_start3A_34 : memref<80xi32, #tpu.memory_space<hbm>>) target(%arg10 : memref<80xi32, #tpu.memory_space<vmem>>) target_semaphore(%arg21 : memref<!tpu.dma_semaphore, #tpu.memory_space<semaphore_mem>>)
    %add3A_35 = arith.constant 1 : i32
    %add3A_36 = arith.addi %mul3A_2, %add3A_35 : i32
    %add3A_37 = arith.constant 250 : i32
    %add3A_38 = arith.addi %mul3A_2, %add3A_37 : i32
    %sub3A_39 = arith.constant 1 : i32
    %sub3A_40 = arith.subi %add3A_38, %sub3A_39 : i32
    %min3A_41 = arith.minsi %add3A_36, %sub3A_40 : i32
    %mul3A_42 = arith.constant 80 : i32
    %mul3A_43 = arith.muli %min3A_41, %mul3A_42 : i32
    %multiple_of3A_44 = tpu.assume_multiple %mul3A_43, 8 : i32
    %dma_start3A_45 = tpu.memref_slice %arg4[%multiple_of3A_44] : memref<640000xi32, #tpu.memory_space<hbm>> -> memref<80xi32, #tpu.memory_space<hbm>>
    %dma_start3A_46 = tpu.memref_slice %arg4[%multiple_of3A_44] : memref<640000xi32, #tpu.memory_space<hbm>> -> memref<80xi32, #tpu.memory_space<hbm>>
    tpu.enqueue_dma source(%dma_start3A_46 : memref<80xi32, #tpu.memory_space<hbm>>) target(%arg9 : memref<80xi32, #tpu.memory_space<vmem>>) target_semaphore(%arg20 : memref<!tpu.dma_semaphore, #tpu.memory_space<semaphore_mem>>)
    %add3A_47 = arith.constant 1 : i32
    %add3A_48 = arith.addi %mul3A_2, %add3A_47 : i32
    %add3A_49 = arith.constant 250 : i32
    %add3A_50 = arith.addi %mul3A_2, %add3A_49 : i32
    %sub3A_51 = arith.constant 1 : i32
    %sub3A_52 = arith.subi %add3A_50, %sub3A_51 : i32
    %min3A_53 = arith.minsi %add3A_48, %sub3A_52 : i32
    %mul3A_54 = arith.constant 80 : i32
    %mul3A_55 = arith.muli %min3A_53, %mul3A_54 : i32
    %multiple_of3A_56 = tpu.assume_multiple %mul3A_55, 8 : i32
    %dma_start3A_57 = tpu.memref_slice %arg5[%multiple_of3A_56] : memref<640000xi32, #tpu.memory_space<hbm>> -> memref<80xi32, #tpu.memory_space<hbm>>
    %dma_start3A_58 = tpu.memref_slice %arg5[%multiple_of3A_56] : memref<640000xi32, #tpu.memory_space<hbm>> -> memref<80xi32, #tpu.memory_space<hbm>>
    tpu.enqueue_dma source(%dma_start3A_58 : memref<80xi32, #tpu.memory_space<hbm>>) target(%arg11 : memref<80xi32, #tpu.memory_space<vmem>>) target_semaphore(%arg22 : memref<!tpu.dma_semaphore, #tpu.memory_space<semaphore_mem>>)
    %add3A_59 = arith.constant 0 : i32
    %add3A_60 = arith.addi %mul3A_2, %add3A_59 : i32
    %add3A_61 = arith.constant 250 : i32
    %add3A_62 = arith.addi %mul3A_2, %add3A_61 : i32
    %sub3A_63 = arith.constant 1 : i32
    %sub3A_64 = arith.subi %add3A_62, %sub3A_63 : i32
    %min3A_65 = arith.minsi %add3A_60, %sub3A_64 : i32
    %mul3A_66 = arith.constant 80 : i32
    %mul3A_67 = arith.muli %min3A_65, %mul3A_66 : i32
    %multiple_of3A_68 = tpu.assume_multiple %mul3A_67, 8 : i32
    %dma_wait3A = tpu.memref_slice %arg4[%multiple_of3A_68] : memref<640000xi32, #tpu.memory_space<hbm>> -> memref<80xi32, #tpu.memory_space<hbm>>
    %dma_wait3A_69 = tpu.memref_slice %arg4[%multiple_of3A_68] : memref<640000xi32, #tpu.memory_space<hbm>> -> memref<80xi32, #tpu.memory_space<hbm>>
    tpu.wait_dma2 semaphore(%arg19 : memref<!tpu.dma_semaphore, #tpu.memory_space<semaphore_mem>>) src(%dma_wait3A_69 : memref<80xi32, #tpu.memory_space<hbm>>) dst(%arg8 : memref<80xi32, #tpu.memory_space<vmem>>)
    %add3A_70 = arith.constant 0 : i32
    %add3A_71 = arith.addi %mul3A_2, %add3A_70 : i32
    %add3A_72 = arith.constant 250 : i32
    %add3A_73 = arith.addi %mul3A_2, %add3A_72 : i32
    %sub3A_74 = arith.constant 1 : i32
    %sub3A_75 = arith.subi %add3A_73, %sub3A_74 : i32
    %min3A_76 = arith.minsi %add3A_71, %sub3A_75 : i32
    %mul3A_77 = arith.constant 80 : i32
    %mul3A_78 = arith.muli %min3A_76, %mul3A_77 : i32
    %multiple_of3A_79 = tpu.assume_multiple %mul3A_78, 8 : i32
    %dma_wait3A_80 = tpu.memref_slice %arg5[%multiple_of3A_79] : memref<640000xi32, #tpu.memory_space<hbm>> -> memref<80xi32, #tpu.memory_space<hbm>>
    %dma_wait3A_81 = tpu.memref_slice %arg5[%multiple_of3A_79] : memref<640000xi32, #tpu.memory_space<hbm>> -> memref<80xi32, #tpu.memory_space<hbm>>
    tpu.wait_dma2 semaphore(%arg21 : memref<!tpu.dma_semaphore, #tpu.memory_space<semaphore_mem>>) src(%dma_wait3A_81 : memref<80xi32, #tpu.memory_space<hbm>>) dst(%arg10 : memref<80xi32, #tpu.memory_space<vmem>>)
    %dma_start3A_82 = arith.constant 0 : i32
    %dma_start3A_83 = arith.constant 0 : i32
    %dma_start3A_84 = tpu.memref_slice %arg2[%dma_start3A_82, %dma_start3A_83] : memref<20000x128xf32, #tpu.memory_space<hbm>> -> memref<20000x128xf32, #tpu.memory_space<hbm>>
    tpu.enqueue_indirect_dma source(%dma_start3A_84 : memref<20000x128xf32, #tpu.memory_space<hbm>>) target(%arg14 : memref<80x128xf32, #tpu.memory_space<vmem>>) offsets(%arg8 : memref<80xi32, #tpu.memory_space<vmem>>) semaphore(%arg23 : memref<!tpu.dma_semaphore, #tpu.memory_space<semaphore_mem>>)
    %dma_start3A_85 = arith.constant 0 : i32
    %dma_start3A_86 = arith.constant 0 : i32
    %dma_start3A_87 = tpu.memref_slice %arg3[%dma_start3A_85, %dma_start3A_86] : memref<20000x128xf32, #tpu.memory_space<hbm>> -> memref<20000x128xf32, #tpu.memory_space<hbm>>
    tpu.enqueue_indirect_dma source(%dma_start3A_87 : memref<20000x128xf32, #tpu.memory_space<hbm>>) target(%arg16 : memref<80x128xf32, #tpu.memory_space<vmem>>) offsets(%arg10 : memref<80xi32, #tpu.memory_space<vmem>>) semaphore(%arg25 : memref<!tpu.dma_semaphore, #tpu.memory_space<semaphore_mem>>)
    %add3A_88 = arith.constant 1 : i32
    %add3A_89 = arith.addi %mul3A_2, %add3A_88 : i32
    %add3A_90 = arith.constant 250 : i32
    %add3A_91 = arith.addi %mul3A_2, %add3A_90 : i32
    %sub3A_92 = arith.constant 1 : i32
    %sub3A_93 = arith.subi %add3A_91, %sub3A_92 : i32
    %min3A_94 = arith.minsi %add3A_89, %sub3A_93 : i32
    %mul3A_95 = arith.constant 80 : i32
    %mul3A_96 = arith.muli %min3A_94, %mul3A_95 : i32
    %multiple_of3A_97 = tpu.assume_multiple %mul3A_96, 8 : i32
    %dma_wait3A_98 = tpu.memref_slice %arg4[%multiple_of3A_97] : memref<640000xi32, #tpu.memory_space<hbm>> -> memref<80xi32, #tpu.memory_space<hbm>>
    %dma_wait3A_99 = tpu.memref_slice %arg4[%multiple_of3A_97] : memref<640000xi32, #tpu.memory_space<hbm>> -> memref<80xi32, #tpu.memory_space<hbm>>
    tpu.wait_dma2 semaphore(%arg20 : memref<!tpu.dma_semaphore, #tpu.memory_space<semaphore_mem>>) src(%dma_wait3A_99 : memref<80xi32, #tpu.memory_space<hbm>>) dst(%arg9 : memref<80xi32, #tpu.memory_space<vmem>>)
    %add3A_100 = arith.constant 1 : i32
    %add3A_101 = arith.addi %mul3A_2, %add3A_100 : i32
    %add3A_102 = arith.constant 250 : i32
    %add3A_103 = arith.addi %mul3A_2, %add3A_102 : i32
    %sub3A_104 = arith.constant 1 : i32
    %sub3A_105 = arith.subi %add3A_103, %sub3A_104 : i32
    %min3A_106 = arith.minsi %add3A_101, %sub3A_105 : i32
    %mul3A_107 = arith.constant 80 : i32
    %mul3A_108 = arith.muli %min3A_106, %mul3A_107 : i32
    %multiple_of3A_109 = tpu.assume_multiple %mul3A_108, 8 : i32
    %dma_wait3A_110 = tpu.memref_slice %arg5[%multiple_of3A_109] : memref<640000xi32, #tpu.memory_space<hbm>> -> memref<80xi32, #tpu.memory_space<hbm>>
    %dma_wait3A_111 = tpu.memref_slice %arg5[%multiple_of3A_109] : memref<640000xi32, #tpu.memory_space<hbm>> -> memref<80xi32, #tpu.memory_space<hbm>>
    tpu.wait_dma2 semaphore(%arg22 : memref<!tpu.dma_semaphore, #tpu.memory_space<semaphore_mem>>) src(%dma_wait3A_111 : memref<80xi32, #tpu.memory_space<hbm>>) dst(%arg11 : memref<80xi32, #tpu.memory_space<vmem>>)
    %dma_start3A_112 = arith.constant 0 : i32
    %dma_start3A_113 = arith.constant 0 : i32
    %dma_start3A_114 = tpu.memref_slice %arg2[%dma_start3A_112, %dma_start3A_113] : memref<20000x128xf32, #tpu.memory_space<hbm>> -> memref<20000x128xf32, #tpu.memory_space<hbm>>
    tpu.enqueue_indirect_dma source(%dma_start3A_114 : memref<20000x128xf32, #tpu.memory_space<hbm>>) target(%arg15 : memref<80x128xf32, #tpu.memory_space<vmem>>) offsets(%arg9 : memref<80xi32, #tpu.memory_space<vmem>>) semaphore(%arg24 : memref<!tpu.dma_semaphore, #tpu.memory_space<semaphore_mem>>)
    %dma_start3A_115 = arith.constant 0 : i32
    %dma_start3A_116 = arith.constant 0 : i32
    %dma_start3A_117 = tpu.memref_slice %arg3[%dma_start3A_115, %dma_start3A_116] : memref<20000x128xf32, #tpu.memory_space<hbm>> -> memref<20000x128xf32, #tpu.memory_space<hbm>>
    tpu.enqueue_indirect_dma source(%dma_start3A_117 : memref<20000x128xf32, #tpu.memory_space<hbm>>) target(%arg17 : memref<80x128xf32, #tpu.memory_space<vmem>>) offsets(%arg11 : memref<80xi32, #tpu.memory_space<vmem>>) semaphore(%arg26 : memref<!tpu.dma_semaphore, #tpu.memory_space<semaphore_mem>>)
    %dma_wait3A_118 = arith.constant 0 : i32
    %dma_wait3A_119 = arith.constant 0 : i32
    %dma_wait3A_120 = tpu.memref_slice %arg2[%dma_wait3A_118, %dma_wait3A_119] : memref<20000x128xf32, #tpu.memory_space<hbm>> -> memref<20000x128xf32, #tpu.memory_space<hbm>>
    tpu.wait_indirect_dma semaphore(%arg23 : memref<!tpu.dma_semaphore, #tpu.memory_space<semaphore_mem>>) src(%dma_wait3A_120 : memref<20000x128xf32, #tpu.memory_space<hbm>>) dst(%arg14 : memref<80x128xf32, #tpu.memory_space<vmem>>)
    %dma_wait3A_121 = arith.constant 0 : i32
    %dma_wait3A_122 = arith.constant 0 : i32
    %dma_wait3A_123 = tpu.memref_slice %arg3[%dma_wait3A_121, %dma_wait3A_122] : memref<20000x128xf32, #tpu.memory_space<hbm>> -> memref<20000x128xf32, #tpu.memory_space<hbm>>
    tpu.wait_indirect_dma semaphore(%arg25 : memref<!tpu.dma_semaphore, #tpu.memory_space<semaphore_mem>>) src(%dma_wait3A_123 : memref<20000x128xf32, #tpu.memory_space<hbm>>) dst(%arg16 : memref<80x128xf32, #tpu.memory_space<vmem>>)
    %add3A_124 = arith.constant 2 : i32
    %add3A_125 = arith.addi %mul3A_2, %add3A_124 : i32
    %add3A_126 = arith.constant 250 : i32
    %add3A_127 = arith.addi %mul3A_2, %add3A_126 : i32
    %sub3A_128 = arith.constant 1 : i32
    %sub3A_129 = arith.subi %add3A_127, %sub3A_128 : i32
    %min3A_130 = arith.minsi %add3A_125, %sub3A_129 : i32
    %mul3A_131 = arith.constant 80 : i32
    %mul3A_132 = arith.muli %min3A_130, %mul3A_131 : i32
    %multiple_of3A_133 = tpu.assume_multiple %mul3A_132, 8 : i32
    %dma_start3A_134 = tpu.memref_slice %arg4[%multiple_of3A_133] : memref<640000xi32, #tpu.memory_space<hbm>> -> memref<80xi32, #tpu.memory_space<hbm>>
    %dma_start3A_135 = tpu.memref_slice %arg4[%multiple_of3A_133] : memref<640000xi32, #tpu.memory_space<hbm>> -> memref<80xi32, #tpu.memory_space<hbm>>
    tpu.enqueue_dma source(%dma_start3A_135 : memref<80xi32, #tpu.memory_space<hbm>>) target(%arg8 : memref<80xi32, #tpu.memory_space<vmem>>) target_semaphore(%arg19 : memref<!tpu.dma_semaphore, #tpu.memory_space<semaphore_mem>>)
    %add3A_136 = arith.constant 2 : i32
    %add3A_137 = arith.addi %mul3A_2, %add3A_136 : i32
    %add3A_138 = arith.constant 250 : i32
    %add3A_139 = arith.addi %mul3A_2, %add3A_138 : i32
    %sub3A_140 = arith.constant 1 : i32
    %sub3A_141 = arith.subi %add3A_139, %sub3A_140 : i32
    %min3A_142 = arith.minsi %add3A_137, %sub3A_141 : i32
    %mul3A_143 = arith.constant 80 : i32
    %mul3A_144 = arith.muli %min3A_142, %mul3A_143 : i32
    %multiple_of3A_145 = tpu.assume_multiple %mul3A_144, 8 : i32
    %dma_start3A_146 = tpu.memref_slice %arg5[%multiple_of3A_145] : memref<640000xi32, #tpu.memory_space<hbm>> -> memref<80xi32, #tpu.memory_space<hbm>>
    %dma_start3A_147 = tpu.memref_slice %arg5[%multiple_of3A_145] : memref<640000xi32, #tpu.memory_space<hbm>> -> memref<80xi32, #tpu.memory_space<hbm>>
    tpu.enqueue_dma source(%dma_start3A_147 : memref<80xi32, #tpu.memory_space<hbm>>) target(%arg10 : memref<80xi32, #tpu.memory_space<vmem>>) target_semaphore(%arg21 : memref<!tpu.dma_semaphore, #tpu.memory_space<semaphore_mem>>)
    %mul3A_148 = arith.constant 2 : i32
    %mul3A_149 = arith.muli %arg1, %mul3A_148 : i32
    %add3A_150 = arith.constant 0 : i32
    %add3A_151 = arith.addi %mul3A_149, %add3A_150 : i32
    %mul3A_152 = arith.constant 80 : i32
    %mul3A_153 = arith.muli %add3A_151, %mul3A_152 : i32
    %multiple_of3A_154 = tpu.assume_multiple %mul3A_153, 8 : i32
    "tpu.region"() ({
      %run_scoped3A = tpu.sem_alloc : memref<!tpu.dma_semaphore, #tpu.memory_space<semaphore_mem>>
      %dma_start3A_352 = arith.constant 0 : i32
      %dma_start3A_353 = tpu.memref_slice %arg18[%multiple_of3A_154, %dma_start3A_352] : memref<2560x128xf32, #tpu.memory_space<vmem_shared>> -> memref<80x128xf32, #tpu.memory_space<vmem_shared>>
      %dma_start3A_354 = arith.constant 0 : i32
      %dma_start3A_355 = tpu.memref_slice %arg18[%multiple_of3A_154, %dma_start3A_354] : memref<2560x128xf32, #tpu.memory_space<vmem_shared>> -> memref<80x128xf32, #tpu.memory_space<vmem_shared>>
      tpu.enqueue_dma source(%arg14 : memref<80x128xf32, #tpu.memory_space<vmem>>) target(%dma_start3A_355 : memref<80x128xf32, #tpu.memory_space<vmem_shared>>) target_semaphore(%run_scoped3A : memref<!tpu.dma_semaphore, #tpu.memory_space<semaphore_mem>>)
      %dma_wait3A_356 = arith.constant 0 : i32
      %dma_wait3A_357 = tpu.memref_slice %arg18[%multiple_of3A_154, %dma_wait3A_356] : memref<2560x128xf32, #tpu.memory_space<vmem_shared>> -> memref<80x128xf32, #tpu.memory_space<vmem_shared>>
      %dma_wait3A_358 = arith.constant 0 : i32
      %dma_wait3A_359 = tpu.memref_slice %arg18[%multiple_of3A_154, %dma_wait3A_358] : memref<2560x128xf32, #tpu.memory_space<vmem_shared>> -> memref<80x128xf32, #tpu.memory_space<vmem_shared>>
      tpu.wait_dma2 semaphore(%run_scoped3A : memref<!tpu.dma_semaphore, #tpu.memory_space<semaphore_mem>>) src(%arg14 : memref<80x128xf32, #tpu.memory_space<vmem>>) dst(%dma_wait3A_359 : memref<80x128xf32, #tpu.memory_space<vmem_shared>>)
      tpu.yield
    }) : () -> ()
    "tpu.region"() ({
      %run_scoped3A = tpu.sem_alloc : memref<!tpu.dma_semaphore, #tpu.memory_space<semaphore_mem>>
      %dma_start3A_352 = arith.constant 0 : i32
      %dma_start3A_353 = arith.constant 0 : i32
      %dma_start3A_354 = tpu.memref_slice %arg18[%dma_start3A_352, %dma_start3A_353] : memref<2560x128xf32, #tpu.memory_space<vmem_shared>> -> memref<2560x128xf32, #tpu.memory_space<vmem_shared>>
      tpu.enqueue_indirect_dma source(%arg16 : memref<80x128xf32, #tpu.memory_space<vmem>>) target(%dma_start3A_354 : memref<2560x128xf32, #tpu.memory_space<vmem_shared>>) offsets(%arg12 : memref<80xi32, #tpu.memory_space<vmem>>) semaphore(%run_scoped3A : memref<!tpu.dma_semaphore, #tpu.memory_space<semaphore_mem>>) {add = true}
      %dma_wait3A_355 = arith.constant 0 : i32
      %dma_wait3A_356 = arith.constant 0 : i32
      %dma_wait3A_357 = tpu.memref_slice %arg18[%dma_wait3A_355, %dma_wait3A_356] : memref<2560x128xf32, #tpu.memory_space<vmem_shared>> -> memref<2560x128xf32, #tpu.memory_space<vmem_shared>>
      tpu.wait_indirect_dma semaphore(%run_scoped3A : memref<!tpu.dma_semaphore, #tpu.memory_space<semaphore_mem>>) src(%arg16 : memref<80x128xf32, #tpu.memory_space<vmem>>) dst(%dma_wait3A_357 : memref<2560x128xf32, #tpu.memory_space<vmem_shared>>)
      tpu.yield
    }) : () -> ()
    %mul3A_155 = arith.constant 2 : i32
    %mul3A_156 = arith.muli %arg1, %mul3A_155 : i32
    %add3A_157 = arith.constant 0 : i32
    %add3A_158 = arith.addi %mul3A_156, %add3A_157 : i32
    %mul3A_159 = arith.constant 80 : i32
    %mul3A_160 = arith.muli %add3A_158, %mul3A_159 : i32
    %multiple_of3A_161 = tpu.assume_multiple %mul3A_160, 8 : i32
    %add3A_162 = arith.constant 0 : i32
    %add3A_163 = arith.addi %mul3A_2, %add3A_162 : i32
    %add3A_164 = arith.constant 250 : i32
    %add3A_165 = arith.addi %mul3A_2, %add3A_164 : i32
    %sub3A_166 = arith.constant 1 : i32
    %sub3A_167 = arith.subi %add3A_165, %sub3A_166 : i32
    %min3A_168 = arith.minsi %add3A_163, %sub3A_167 : i32
    %mul3A_169 = arith.constant 80 : i32
    %mul3A_170 = arith.muli %min3A_168, %mul3A_169 : i32
    %multiple_of3A_171 = tpu.assume_multiple %mul3A_170, 8 : i32
    %dma_start3A_172 = arith.constant 0 : i32
    %dma_start3A_173 = tpu.memref_slice %arg7[%multiple_of3A_171, %dma_start3A_172] : memref<640000x128xf32, #tpu.memory_space<hbm>> -> memref<80x128xf32, #tpu.memory_space<hbm>>
    %dma_start3A_174 = arith.constant 0 : i32
    %dma_start3A_175 = tpu.memref_slice %arg18[%multiple_of3A_161, %dma_start3A_174] : memref<2560x128xf32, #tpu.memory_space<vmem_shared>> -> memref<80x128xf32, #tpu.memory_space<vmem_shared>>
    tpu.enqueue_dma source(%dma_start3A_175 : memref<80x128xf32, #tpu.memory_space<vmem_shared>>) target(%dma_start3A_173 : memref<80x128xf32, #tpu.memory_space<hbm>>) target_semaphore(%arg27 : memref<!tpu.dma_semaphore, #tpu.memory_space<semaphore_mem>>)
    %add3A_176 = arith.constant 2 : i32
    %add3A_177 = arith.addi %mul3A_2, %add3A_176 : i32
    %add3A_178 = arith.constant 250 : i32
    %add3A_179 = arith.addi %mul3A_2, %add3A_178 : i32
    %sub3A_180 = arith.constant 1 : i32
    %sub3A_181 = arith.subi %add3A_179, %sub3A_180 : i32
    %min3A_182 = arith.minsi %add3A_177, %sub3A_181 : i32
    %mul3A_183 = arith.constant 80 : i32
    %mul3A_184 = arith.muli %min3A_182, %mul3A_183 : i32
    %multiple_of3A_185 = tpu.assume_multiple %mul3A_184, 8 : i32
    %dma_wait3A_186 = tpu.memref_slice %arg4[%multiple_of3A_185] : memref<640000xi32, #tpu.memory_space<hbm>> -> memref<80xi32, #tpu.memory_space<hbm>>
    %dma_wait3A_187 = tpu.memref_slice %arg4[%multiple_of3A_185] : memref<640000xi32, #tpu.memory_space<hbm>> -> memref<80xi32, #tpu.memory_space<hbm>>
    tpu.wait_dma2 semaphore(%arg19 : memref<!tpu.dma_semaphore, #tpu.memory_space<semaphore_mem>>) src(%dma_wait3A_187 : memref<80xi32, #tpu.memory_space<hbm>>) dst(%arg8 : memref<80xi32, #tpu.memory_space<vmem>>)
    %add3A_188 = arith.constant 2 : i32
    %add3A_189 = arith.addi %mul3A_2, %add3A_188 : i32
    %add3A_190 = arith.constant 250 : i32
    %add3A_191 = arith.addi %mul3A_2, %add3A_190 : i32
    %sub3A_192 = arith.constant 1 : i32
    %sub3A_193 = arith.subi %add3A_191, %sub3A_192 : i32
    %min3A_194 = arith.minsi %add3A_189, %sub3A_193 : i32
    %mul3A_195 = arith.constant 80 : i32
    %mul3A_196 = arith.muli %min3A_194, %mul3A_195 : i32
    %multiple_of3A_197 = tpu.assume_multiple %mul3A_196, 8 : i32
    %dma_wait3A_198 = tpu.memref_slice %arg5[%multiple_of3A_197] : memref<640000xi32, #tpu.memory_space<hbm>> -> memref<80xi32, #tpu.memory_space<hbm>>
    %dma_wait3A_199 = tpu.memref_slice %arg5[%multiple_of3A_197] : memref<640000xi32, #tpu.memory_space<hbm>> -> memref<80xi32, #tpu.memory_space<hbm>>
    tpu.wait_dma2 semaphore(%arg21 : memref<!tpu.dma_semaphore, #tpu.memory_space<semaphore_mem>>) src(%dma_wait3A_199 : memref<80xi32, #tpu.memory_space<hbm>>) dst(%arg10 : memref<80xi32, #tpu.memory_space<vmem>>)
    %dma_start3A_200 = arith.constant 0 : i32
    %dma_start3A_201 = arith.constant 0 : i32
    %dma_start3A_202 = tpu.memref_slice %arg2[%dma_start3A_200, %dma_start3A_201] : memref<20000x128xf32, #tpu.memory_space<hbm>> -> memref<20000x128xf32, #tpu.memory_space<hbm>>
    tpu.enqueue_indirect_dma source(%dma_start3A_202 : memref<20000x128xf32, #tpu.memory_space<hbm>>) target(%arg14 : memref<80x128xf32, #tpu.memory_space<vmem>>) offsets(%arg8 : memref<80xi32, #tpu.memory_space<vmem>>) semaphore(%arg23 : memref<!tpu.dma_semaphore, #tpu.memory_space<semaphore_mem>>)
    %dma_start3A_203 = arith.constant 0 : i32
    %dma_start3A_204 = arith.constant 0 : i32
    %dma_start3A_205 = tpu.memref_slice %arg3[%dma_start3A_203, %dma_start3A_204] : memref<20000x128xf32, #tpu.memory_space<hbm>> -> memref<20000x128xf32, #tpu.memory_space<hbm>>
    tpu.enqueue_indirect_dma source(%dma_start3A_205 : memref<20000x128xf32, #tpu.memory_space<hbm>>) target(%arg16 : memref<80x128xf32, #tpu.memory_space<vmem>>) offsets(%arg10 : memref<80xi32, #tpu.memory_space<vmem>>) semaphore(%arg25 : memref<!tpu.dma_semaphore, #tpu.memory_space<semaphore_mem>>)
    %dma_wait3A_206 = arith.constant 0 : i32
    %dma_wait3A_207 = arith.constant 0 : i32
    %dma_wait3A_208 = tpu.memref_slice %arg2[%dma_wait3A_206, %dma_wait3A_207] : memref<20000x128xf32, #tpu.memory_space<hbm>> -> memref<20000x128xf32, #tpu.memory_space<hbm>>
    tpu.wait_indirect_dma semaphore(%arg24 : memref<!tpu.dma_semaphore, #tpu.memory_space<semaphore_mem>>) src(%dma_wait3A_208 : memref<20000x128xf32, #tpu.memory_space<hbm>>) dst(%arg15 : memref<80x128xf32, #tpu.memory_space<vmem>>)
    %dma_wait3A_209 = arith.constant 0 : i32
    %dma_wait3A_210 = arith.constant 0 : i32
    %dma_wait3A_211 = tpu.memref_slice %arg3[%dma_wait3A_209, %dma_wait3A_210] : memref<20000x128xf32, #tpu.memory_space<hbm>> -> memref<20000x128xf32, #tpu.memory_space<hbm>>
    tpu.wait_indirect_dma semaphore(%arg26 : memref<!tpu.dma_semaphore, #tpu.memory_space<semaphore_mem>>) src(%dma_wait3A_211 : memref<20000x128xf32, #tpu.memory_space<hbm>>) dst(%arg17 : memref<80x128xf32, #tpu.memory_space<vmem>>)
    %add3A_212 = arith.constant 3 : i32
    %add3A_213 = arith.addi %mul3A_2, %add3A_212 : i32
    %add3A_214 = arith.constant 250 : i32
    %add3A_215 = arith.addi %mul3A_2, %add3A_214 : i32
    %sub3A_216 = arith.constant 1 : i32
    %sub3A_217 = arith.subi %add3A_215, %sub3A_216 : i32
    %min3A_218 = arith.minsi %add3A_213, %sub3A_217 : i32
    %mul3A_219 = arith.constant 80 : i32
    %mul3A_220 = arith.muli %min3A_218, %mul3A_219 : i32
    %multiple_of3A_221 = tpu.assume_multiple %mul3A_220, 8 : i32
    %dma_start3A_222 = tpu.memref_slice %arg4[%multiple_of3A_221] : memref<640000xi32, #tpu.memory_space<hbm>> -> memref<80xi32, #tpu.memory_space<hbm>>
    %dma_start3A_223 = tpu.memref_slice %arg4[%multiple_of3A_221] : memref<640000xi32, #tpu.memory_space<hbm>> -> memref<80xi32, #tpu.memory_space<hbm>>
    tpu.enqueue_dma source(%dma_start3A_223 : memref<80xi32, #tpu.memory_space<hbm>>) target(%arg9 : memref<80xi32, #tpu.memory_space<vmem>>) target_semaphore(%arg20 : memref<!tpu.dma_semaphore, #tpu.memory_space<semaphore_mem>>)
    %add3A_224 = arith.constant 3 : i32
    %add3A_225 = arith.addi %mul3A_2, %add3A_224 : i32
    %add3A_226 = arith.constant 250 : i32
    %add3A_227 = arith.addi %mul3A_2, %add3A_226 : i32
    %sub3A_228 = arith.constant 1 : i32
    %sub3A_229 = arith.subi %add3A_227, %sub3A_228 : i32
    %min3A_230 = arith.minsi %add3A_225, %sub3A_229 : i32
    %mul3A_231 = arith.constant 80 : i32
    %mul3A_232 = arith.muli %min3A_230, %mul3A_231 : i32
    %multiple_of3A_233 = tpu.assume_multiple %mul3A_232, 8 : i32
    %dma_start3A_234 = tpu.memref_slice %arg5[%multiple_of3A_233] : memref<640000xi32, #tpu.memory_space<hbm>> -> memref<80xi32, #tpu.memory_space<hbm>>
    %dma_start3A_235 = tpu.memref_slice %arg5[%multiple_of3A_233] : memref<640000xi32, #tpu.memory_space<hbm>> -> memref<80xi32, #tpu.memory_space<hbm>>
    tpu.enqueue_dma source(%dma_start3A_235 : memref<80xi32, #tpu.memory_space<hbm>>) target(%arg11 : memref<80xi32, #tpu.memory_space<vmem>>) target_semaphore(%arg22 : memref<!tpu.dma_semaphore, #tpu.memory_space<semaphore_mem>>)
    %mul3A_236 = arith.constant 2 : i32
    %mul3A_237 = arith.muli %arg1, %mul3A_236 : i32
    %add3A_238 = arith.constant 1 : i32
    %add3A_239 = arith.addi %mul3A_237, %add3A_238 : i32
    %mul3A_240 = arith.constant 80 : i32
    %mul3A_241 = arith.muli %add3A_239, %mul3A_240 : i32
    %multiple_of3A_242 = tpu.assume_multiple %mul3A_241, 8 : i32
    "tpu.region"() ({
      %run_scoped3A = tpu.sem_alloc : memref<!tpu.dma_semaphore, #tpu.memory_space<semaphore_mem>>
      %dma_start3A_352 = arith.constant 0 : i32
      %dma_start3A_353 = tpu.memref_slice %arg18[%multiple_of3A_242, %dma_start3A_352] : memref<2560x128xf32, #tpu.memory_space<vmem_shared>> -> memref<80x128xf32, #tpu.memory_space<vmem_shared>>
      %dma_start3A_354 = arith.constant 0 : i32
      %dma_start3A_355 = tpu.memref_slice %arg18[%multiple_of3A_242, %dma_start3A_354] : memref<2560x128xf32, #tpu.memory_space<vmem_shared>> -> memref<80x128xf32, #tpu.memory_space<vmem_shared>>
      tpu.enqueue_dma source(%arg15 : memref<80x128xf32, #tpu.memory_space<vmem>>) target(%dma_start3A_355 : memref<80x128xf32, #tpu.memory_space<vmem_shared>>) target_semaphore(%run_scoped3A : memref<!tpu.dma_semaphore, #tpu.memory_space<semaphore_mem>>)
      %dma_wait3A_356 = arith.constant 0 : i32
      %dma_wait3A_357 = tpu.memref_slice %arg18[%multiple_of3A_242, %dma_wait3A_356] : memref<2560x128xf32, #tpu.memory_space<vmem_shared>> -> memref<80x128xf32, #tpu.memory_space<vmem_shared>>
      %dma_wait3A_358 = arith.constant 0 : i32
      %dma_wait3A_359 = tpu.memref_slice %arg18[%multiple_of3A_242, %dma_wait3A_358] : memref<2560x128xf32, #tpu.memory_space<vmem_shared>> -> memref<80x128xf32, #tpu.memory_space<vmem_shared>>
      tpu.wait_dma2 semaphore(%run_scoped3A : memref<!tpu.dma_semaphore, #tpu.memory_space<semaphore_mem>>) src(%arg15 : memref<80x128xf32, #tpu.memory_space<vmem>>) dst(%dma_wait3A_359 : memref<80x128xf32, #tpu.memory_space<vmem_shared>>)
      tpu.yield
    }) : () -> ()
    "tpu.region"() ({
      %run_scoped3A = tpu.sem_alloc : memref<!tpu.dma_semaphore, #tpu.memory_space<semaphore_mem>>
      %dma_start3A_352 = arith.constant 0 : i32
      %dma_start3A_353 = arith.constant 0 : i32
      %dma_start3A_354 = tpu.memref_slice %arg18[%dma_start3A_352, %dma_start3A_353] : memref<2560x128xf32, #tpu.memory_space<vmem_shared>> -> memref<2560x128xf32, #tpu.memory_space<vmem_shared>>
      tpu.enqueue_indirect_dma source(%arg17 : memref<80x128xf32, #tpu.memory_space<vmem>>) target(%dma_start3A_354 : memref<2560x128xf32, #tpu.memory_space<vmem_shared>>) offsets(%arg13 : memref<80xi32, #tpu.memory_space<vmem>>) semaphore(%run_scoped3A : memref<!tpu.dma_semaphore, #tpu.memory_space<semaphore_mem>>) {add = true}
      %dma_wait3A_355 = arith.constant 0 : i32
      %dma_wait3A_356 = arith.constant 0 : i32
      %dma_wait3A_357 = tpu.memref_slice %arg18[%dma_wait3A_355, %dma_wait3A_356] : memref<2560x128xf32, #tpu.memory_space<vmem_shared>> -> memref<2560x128xf32, #tpu.memory_space<vmem_shared>>
      tpu.wait_indirect_dma semaphore(%run_scoped3A : memref<!tpu.dma_semaphore, #tpu.memory_space<semaphore_mem>>) src(%arg17 : memref<80x128xf32, #tpu.memory_space<vmem>>) dst(%dma_wait3A_357 : memref<2560x128xf32, #tpu.memory_space<vmem_shared>>)
      tpu.yield
    }) : () -> ()
    %mul3A_243 = arith.constant 2 : i32
    %mul3A_244 = arith.muli %arg1, %mul3A_243 : i32
    %add3A_245 = arith.constant 1 : i32
    %add3A_246 = arith.addi %mul3A_244, %add3A_245 : i32
    %mul3A_247 = arith.constant 80 : i32
    %mul3A_248 = arith.muli %add3A_246, %mul3A_247 : i32
    %multiple_of3A_249 = tpu.assume_multiple %mul3A_248, 8 : i32
    %add3A_250 = arith.constant 1 : i32
    %add3A_251 = arith.addi %mul3A_2, %add3A_250 : i32
    %add3A_252 = arith.constant 250 : i32
    %add3A_253 = arith.addi %mul3A_2, %add3A_252 : i32
    %sub3A_254 = arith.constant 1 : i32
    %sub3A_255 = arith.subi %add3A_253, %sub3A_254 : i32
    %min3A_256 = arith.minsi %add3A_251, %sub3A_255 : i32
    %mul3A_257 = arith.constant 80 : i32
    %mul3A_258 = arith.muli %min3A_256, %mul3A_257 : i32
    %multiple_of3A_259 = tpu.assume_multiple %mul3A_258, 8 : i32
    %dma_start3A_260 = arith.constant 0 : i32
    %dma_start3A_261 = tpu.memref_slice %arg7[%multiple_of3A_259, %dma_start3A_260] : memref<640000x128xf32, #tpu.memory_space<hbm>> -> memref<80x128xf32, #tpu.memory_space<hbm>>
    %dma_start3A_262 = arith.constant 0 : i32
    %dma_start3A_263 = tpu.memref_slice %arg18[%multiple_of3A_249, %dma_start3A_262] : memref<2560x128xf32, #tpu.memory_space<vmem_shared>> -> memref<80x128xf32, #tpu.memory_space<vmem_shared>>
    tpu.enqueue_dma source(%dma_start3A_263 : memref<80x128xf32, #tpu.memory_space<vmem_shared>>) target(%dma_start3A_261 : memref<80x128xf32, #tpu.memory_space<hbm>>) target_semaphore(%arg28 : memref<!tpu.dma_semaphore, #tpu.memory_space<semaphore_mem>>)
    %add3A_264 = arith.constant 3 : i32
    %add3A_265 = arith.addi %mul3A_2, %add3A_264 : i32
    %add3A_266 = arith.constant 250 : i32
    %add3A_267 = arith.addi %mul3A_2, %add3A_266 : i32
    %sub3A_268 = arith.constant 1 : i32
    %sub3A_269 = arith.subi %add3A_267, %sub3A_268 : i32
    %min3A_270 = arith.minsi %add3A_265, %sub3A_269 : i32
    %mul3A_271 = arith.constant 80 : i32
    %mul3A_272 = arith.muli %min3A_270, %mul3A_271 : i32
    %multiple_of3A_273 = tpu.assume_multiple %mul3A_272, 8 : i32
    %dma_wait3A_274 = tpu.memref_slice %arg4[%multiple_of3A_273] : memref<640000xi32, #tpu.memory_space<hbm>> -> memref<80xi32, #tpu.memory_space<hbm>>
    %dma_wait3A_275 = tpu.memref_slice %arg4[%multiple_of3A_273] : memref<640000xi32, #tpu.memory_space<hbm>> -> memref<80xi32, #tpu.memory_space<hbm>>
    tpu.wait_dma2 semaphore(%arg20 : memref<!tpu.dma_semaphore, #tpu.memory_space<semaphore_mem>>) src(%dma_wait3A_275 : memref<80xi32, #tpu.memory_space<hbm>>) dst(%arg9 : memref<80xi32, #tpu.memory_space<vmem>>)
    %add3A_276 = arith.constant 3 : i32
    %add3A_277 = arith.addi %mul3A_2, %add3A_276 : i32
    %add3A_278 = arith.constant 250 : i32
    %add3A_279 = arith.addi %mul3A_2, %add3A_278 : i32
    %sub3A_280 = arith.constant 1 : i32
    %sub3A_281 = arith.subi %add3A_279, %sub3A_280 : i32
    %min3A_282 = arith.minsi %add3A_277, %sub3A_281 : i32
    %mul3A_283 = arith.constant 80 : i32
    %mul3A_284 = arith.muli %min3A_282, %mul3A_283 : i32
    %multiple_of3A_285 = tpu.assume_multiple %mul3A_284, 8 : i32
    %dma_wait3A_286 = tpu.memref_slice %arg5[%multiple_of3A_285] : memref<640000xi32, #tpu.memory_space<hbm>> -> memref<80xi32, #tpu.memory_space<hbm>>
    %dma_wait3A_287 = tpu.memref_slice %arg5[%multiple_of3A_285] : memref<640000xi32, #tpu.memory_space<hbm>> -> memref<80xi32, #tpu.memory_space<hbm>>
    tpu.wait_dma2 semaphore(%arg22 : memref<!tpu.dma_semaphore, #tpu.memory_space<semaphore_mem>>) src(%dma_wait3A_287 : memref<80xi32, #tpu.memory_space<hbm>>) dst(%arg11 : memref<80xi32, #tpu.memory_space<vmem>>)
    %dma_start3A_288 = arith.constant 0 : i32
    %dma_start3A_289 = arith.constant 0 : i32
    %dma_start3A_290 = tpu.memref_slice %arg2[%dma_start3A_288, %dma_start3A_289] : memref<20000x128xf32, #tpu.memory_space<hbm>> -> memref<20000x128xf32, #tpu.memory_space<hbm>>
    tpu.enqueue_indirect_dma source(%dma_start3A_290 : memref<20000x128xf32, #tpu.memory_space<hbm>>) target(%arg15 : memref<80x128xf32, #tpu.memory_space<vmem>>) offsets(%arg9 : memref<80xi32, #tpu.memory_space<vmem>>) semaphore(%arg24 : memref<!tpu.dma_semaphore, #tpu.memory_space<semaphore_mem>>)
    %dma_start3A_291 = arith.constant 0 : i32
    %dma_start3A_292 = arith.constant 0 : i32
    %dma_start3A_293 = tpu.memref_slice %arg3[%dma_start3A_291, %dma_start3A_292] : memref<20000x128xf32, #tpu.memory_space<hbm>> -> memref<20000x128xf32, #tpu.memory_space<hbm>>
    tpu.enqueue_indirect_dma source(%dma_start3A_293 : memref<20000x128xf32, #tpu.memory_space<hbm>>) target(%arg17 : memref<80x128xf32, #tpu.memory_space<vmem>>) offsets(%arg11 : memref<80xi32, #tpu.memory_space<vmem>>) semaphore(%arg26 : memref<!tpu.dma_semaphore, #tpu.memory_space<semaphore_mem>>)
    %scan3A = arith.constant 0 : i32
    %scan3A_294 = arith.constant 124 : i32
    %scan3A_295 = arith.addi %scan3A, %scan3A_294 : i32
    %scan3A_296 = arith.constant 1 : i32
    scf.for %scan3A_352 = %scan3A to %scan3A_295 step %scan3A_296  : i32 {
      %mul3A_353 = arith.constant 2 : i32
      %mul3A_354 = arith.muli %scan3A_352, %mul3A_353 : i32
      %add3A_355 = arith.constant 2 : i32
      %add3A_356 = arith.addi %add3A_355, %mul3A_354 : i32
      %dma_wait3A_357 = arith.constant 0 : i32
      %dma_wait3A_358 = arith.constant 0 : i32
      %dma_wait3A_359 = tpu.memref_slice %arg2[%dma_wait3A_357, %dma_wait3A_358] : memref<20000x128xf32, #tpu.memory_space<hbm>> -> memref<20000x128xf32, #tpu.memory_space<hbm>>
      tpu.wait_indirect_dma semaphore(%arg23 : memref<!tpu.dma_semaphore, #tpu.memory_space<semaphore_mem>>) src(%dma_wait3A_359 : memref<20000x128xf32, #tpu.memory_space<hbm>>) dst(%arg14 : memref<80x128xf32, #tpu.memory_space<vmem>>)
      %dma_wait3A_360 = arith.constant 0 : i32
      %dma_wait3A_361 = arith.constant 0 : i32
      %dma_wait3A_362 = tpu.memref_slice %arg3[%dma_wait3A_360, %dma_wait3A_361] : memref<20000x128xf32, #tpu.memory_space<hbm>> -> memref<20000x128xf32, #tpu.memory_space<hbm>>
      tpu.wait_indirect_dma semaphore(%arg25 : memref<!tpu.dma_semaphore, #tpu.memory_space<semaphore_mem>>) src(%dma_wait3A_362 : memref<20000x128xf32, #tpu.memory_space<hbm>>) dst(%arg16 : memref<80x128xf32, #tpu.memory_space<vmem>>)
      %add3A_363 = arith.constant 2 : i32
      %add3A_364 = arith.addi %add3A_356, %add3A_363 : i32
      %add3A_365 = arith.addi %mul3A_2, %add3A_364 : i32
      %add3A_366 = arith.constant 250 : i32
      %add3A_367 = arith.addi %mul3A_2, %add3A_366 : i32
      %sub3A_368 = arith.constant 1 : i32
      %sub3A_369 = arith.subi %add3A_367, %sub3A_368 : i32
      %min3A_370 = arith.minsi %add3A_365, %sub3A_369 : i32
      %mul3A_371 = arith.constant 80 : i32
      %mul3A_372 = arith.muli %min3A_370, %mul3A_371 : i32
      %multiple_of3A_373 = tpu.assume_multiple %mul3A_372, 8 : i32
      %dma_start3A_374 = tpu.memref_slice %arg4[%multiple_of3A_373] : memref<640000xi32, #tpu.memory_space<hbm>> -> memref<80xi32, #tpu.memory_space<hbm>>
      %dma_start3A_375 = tpu.memref_slice %arg4[%multiple_of3A_373] : memref<640000xi32, #tpu.memory_space<hbm>> -> memref<80xi32, #tpu.memory_space<hbm>>
      tpu.enqueue_dma source(%dma_start3A_375 : memref<80xi32, #tpu.memory_space<hbm>>) target(%arg8 : memref<80xi32, #tpu.memory_space<vmem>>) target_semaphore(%arg19 : memref<!tpu.dma_semaphore, #tpu.memory_space<semaphore_mem>>)
      %add3A_376 = arith.addi %mul3A_2, %add3A_364 : i32
      %add3A_377 = arith.constant 250 : i32
      %add3A_378 = arith.addi %mul3A_2, %add3A_377 : i32
      %sub3A_379 = arith.constant 1 : i32
      %sub3A_380 = arith.subi %add3A_378, %sub3A_379 : i32
      %min3A_381 = arith.minsi %add3A_376, %sub3A_380 : i32
      %mul3A_382 = arith.constant 80 : i32
      %mul3A_383 = arith.muli %min3A_381, %mul3A_382 : i32
      %multiple_of3A_384 = tpu.assume_multiple %mul3A_383, 8 : i32
      %dma_start3A_385 = tpu.memref_slice %arg5[%multiple_of3A_384] : memref<640000xi32, #tpu.memory_space<hbm>> -> memref<80xi32, #tpu.memory_space<hbm>>
      %dma_start3A_386 = tpu.memref_slice %arg5[%multiple_of3A_384] : memref<640000xi32, #tpu.memory_space<hbm>> -> memref<80xi32, #tpu.memory_space<hbm>>
      tpu.enqueue_dma source(%dma_start3A_386 : memref<80xi32, #tpu.memory_space<hbm>>) target(%arg10 : memref<80xi32, #tpu.memory_space<vmem>>) target_semaphore(%arg21 : memref<!tpu.dma_semaphore, #tpu.memory_space<semaphore_mem>>)
      %mul3A_387 = arith.constant 2 : i32
      %mul3A_388 = arith.muli %arg1, %mul3A_387 : i32
      %add3A_389 = arith.constant 0 : i32
      %add3A_390 = arith.addi %mul3A_388, %add3A_389 : i32
      %mul3A_391 = arith.constant 80 : i32
      %mul3A_392 = arith.muli %add3A_390, %mul3A_391 : i32
      %multiple_of3A_393 = tpu.assume_multiple %mul3A_392, 8 : i32
      %add3A_394 = arith.addi %mul3A_2, %add3A_356 : i32
      %add3A_395 = arith.constant 250 : i32
      %add3A_396 = arith.addi %mul3A_2, %add3A_395 : i32
      %sub3A_397 = arith.constant 1 : i32
      %sub3A_398 = arith.subi %add3A_396, %sub3A_397 : i32
      %min3A_399 = arith.minsi %add3A_394, %sub3A_398 : i32
      %mul3A_400 = arith.constant 80 : i32
      %mul3A_401 = arith.muli %min3A_399, %mul3A_400 : i32
      %multiple_of3A_402 = tpu.assume_multiple %mul3A_401, 8 : i32
      %dma_wait3A_403 = arith.constant 0 : i32
      %dma_wait3A_404 = tpu.memref_slice %arg7[%multiple_of3A_402, %dma_wait3A_403] : memref<640000x128xf32, #tpu.memory_space<hbm>> -> memref<80x128xf32, #tpu.memory_space<hbm>>
      %dma_wait3A_405 = arith.constant 0 : i32
      %dma_wait3A_406 = tpu.memref_slice %arg18[%multiple_of3A_393, %dma_wait3A_405] : memref<2560x128xf32, #tpu.memory_space<vmem_shared>> -> memref<80x128xf32, #tpu.memory_space<vmem_shared>>
      tpu.wait_dma2 semaphore(%arg27 : memref<!tpu.dma_semaphore, #tpu.memory_space<semaphore_mem>>) src(%dma_wait3A_406 : memref<80x128xf32, #tpu.memory_space<vmem_shared>>) dst(%dma_wait3A_404 : memref<80x128xf32, #tpu.memory_space<hbm>>)
      %mul3A_407 = arith.constant 2 : i32
      %mul3A_408 = arith.muli %arg1, %mul3A_407 : i32
      %add3A_409 = arith.constant 0 : i32
      %add3A_410 = arith.addi %mul3A_408, %add3A_409 : i32
      %mul3A_411 = arith.constant 80 : i32
      %mul3A_412 = arith.muli %add3A_410, %mul3A_411 : i32
      %multiple_of3A_413 = tpu.assume_multiple %mul3A_412, 8 : i32
      "tpu.region"() ({
        %run_scoped3A = tpu.sem_alloc : memref<!tpu.dma_semaphore, #tpu.memory_space<semaphore_mem>>
        %dma_start3A_573 = arith.constant 0 : i32
        %dma_start3A_574 = tpu.memref_slice %arg18[%multiple_of3A_413, %dma_start3A_573] : memref<2560x128xf32, #tpu.memory_space<vmem_shared>> -> memref<80x128xf32, #tpu.memory_space<vmem_shared>>
        %dma_start3A_575 = arith.constant 0 : i32
        %dma_start3A_576 = tpu.memref_slice %arg18[%multiple_of3A_413, %dma_start3A_575] : memref<2560x128xf32, #tpu.memory_space<vmem_shared>> -> memref<80x128xf32, #tpu.memory_space<vmem_shared>>
        tpu.enqueue_dma source(%arg14 : memref<80x128xf32, #tpu.memory_space<vmem>>) target(%dma_start3A_576 : memref<80x128xf32, #tpu.memory_space<vmem_shared>>) target_semaphore(%run_scoped3A : memref<!tpu.dma_semaphore, #tpu.memory_space<semaphore_mem>>)
        %dma_wait3A_577 = arith.constant 0 : i32
        %dma_wait3A_578 = tpu.memref_slice %arg18[%multiple_of3A_413, %dma_wait3A_577] : memref<2560x128xf32, #tpu.memory_space<vmem_shared>> -> memref<80x128xf32, #tpu.memory_space<vmem_shared>>
        %dma_wait3A_579 = arith.constant 0 : i32
        %dma_wait3A_580 = tpu.memref_slice %arg18[%multiple_of3A_413, %dma_wait3A_579] : memref<2560x128xf32, #tpu.memory_space<vmem_shared>> -> memref<80x128xf32, #tpu.memory_space<vmem_shared>>
        tpu.wait_dma2 semaphore(%run_scoped3A : memref<!tpu.dma_semaphore, #tpu.memory_space<semaphore_mem>>) src(%arg14 : memref<80x128xf32, #tpu.memory_space<vmem>>) dst(%dma_wait3A_580 : memref<80x128xf32, #tpu.memory_space<vmem_shared>>)
        tpu.yield
      }) : () -> ()
      "tpu.region"() ({
        %run_scoped3A = tpu.sem_alloc : memref<!tpu.dma_semaphore, #tpu.memory_space<semaphore_mem>>
        %dma_start3A_573 = arith.constant 0 : i32
        %dma_start3A_574 = arith.constant 0 : i32
        %dma_start3A_575 = tpu.memref_slice %arg18[%dma_start3A_573, %dma_start3A_574] : memref<2560x128xf32, #tpu.memory_space<vmem_shared>> -> memref<2560x128xf32, #tpu.memory_space<vmem_shared>>
        tpu.enqueue_indirect_dma source(%arg16 : memref<80x128xf32, #tpu.memory_space<vmem>>) target(%dma_start3A_575 : memref<2560x128xf32, #tpu.memory_space<vmem_shared>>) offsets(%arg12 : memref<80xi32, #tpu.memory_space<vmem>>) semaphore(%run_scoped3A : memref<!tpu.dma_semaphore, #tpu.memory_space<semaphore_mem>>) {add = true}
        %dma_wait3A_576 = arith.constant 0 : i32
        %dma_wait3A_577 = arith.constant 0 : i32
        %dma_wait3A_578 = tpu.memref_slice %arg18[%dma_wait3A_576, %dma_wait3A_577] : memref<2560x128xf32, #tpu.memory_space<vmem_shared>> -> memref<2560x128xf32, #tpu.memory_space<vmem_shared>>
        tpu.wait_indirect_dma semaphore(%run_scoped3A : memref<!tpu.dma_semaphore, #tpu.memory_space<semaphore_mem>>) src(%arg16 : memref<80x128xf32, #tpu.memory_space<vmem>>) dst(%dma_wait3A_578 : memref<2560x128xf32, #tpu.memory_space<vmem_shared>>)
        tpu.yield
      }) : () -> ()
      %mul3A_414 = arith.constant 2 : i32
      %mul3A_415 = arith.muli %arg1, %mul3A_414 : i32
      %add3A_416 = arith.constant 0 : i32
      %add3A_417 = arith.addi %mul3A_415, %add3A_416 : i32
      %mul3A_418 = arith.constant 80 : i32
      %mul3A_419 = arith.muli %add3A_417, %mul3A_418 : i32
      %multiple_of3A_420 = tpu.assume_multiple %mul3A_419, 8 : i32
      %add3A_421 = arith.addi %mul3A_2, %add3A_356 : i32
      %add3A_422 = arith.constant 250 : i32
      %add3A_423 = arith.addi %mul3A_2, %add3A_422 : i32
      %sub3A_424 = arith.constant 1 : i32
      %sub3A_425 = arith.subi %add3A_423, %sub3A_424 : i32
      %min3A_426 = arith.minsi %add3A_421, %sub3A_425 : i32
      %mul3A_427 = arith.constant 80 : i32
      %mul3A_428 = arith.muli %min3A_426, %mul3A_427 : i32
      %multiple_of3A_429 = tpu.assume_multiple %mul3A_428, 8 : i32
      %dma_start3A_430 = arith.constant 0 : i32
      %dma_start3A_431 = tpu.memref_slice %arg7[%multiple_of3A_429, %dma_start3A_430] : memref<640000x128xf32, #tpu.memory_space<hbm>> -> memref<80x128xf32, #tpu.memory_space<hbm>>
      %dma_start3A_432 = arith.constant 0 : i32
      %dma_start3A_433 = tpu.memref_slice %arg18[%multiple_of3A_420, %dma_start3A_432] : memref<2560x128xf32, #tpu.memory_space<vmem_shared>> -> memref<80x128xf32, #tpu.memory_space<vmem_shared>>
      tpu.enqueue_dma source(%dma_start3A_433 : memref<80x128xf32, #tpu.memory_space<vmem_shared>>) target(%dma_start3A_431 : memref<80x128xf32, #tpu.memory_space<hbm>>) target_semaphore(%arg27 : memref<!tpu.dma_semaphore, #tpu.memory_space<semaphore_mem>>)
      %add3A_434 = arith.constant 2 : i32
      %add3A_435 = arith.addi %add3A_356, %add3A_434 : i32
      %add3A_436 = arith.addi %mul3A_2, %add3A_435 : i32
      %add3A_437 = arith.constant 250 : i32
      %add3A_438 = arith.addi %mul3A_2, %add3A_437 : i32
      %sub3A_439 = arith.constant 1 : i32
      %sub3A_440 = arith.subi %add3A_438, %sub3A_439 : i32
      %min3A_441 = arith.minsi %add3A_436, %sub3A_440 : i32
      %mul3A_442 = arith.constant 80 : i32
      %mul3A_443 = arith.muli %min3A_441, %mul3A_442 : i32
      %multiple_of3A_444 = tpu.assume_multiple %mul3A_443, 8 : i32
      %dma_wait3A_445 = tpu.memref_slice %arg4[%multiple_of3A_444] : memref<640000xi32, #tpu.memory_space<hbm>> -> memref<80xi32, #tpu.memory_space<hbm>>
      %dma_wait3A_446 = tpu.memref_slice %arg4[%multiple_of3A_444] : memref<640000xi32, #tpu.memory_space<hbm>> -> memref<80xi32, #tpu.memory_space<hbm>>
      tpu.wait_dma2 semaphore(%arg19 : memref<!tpu.dma_semaphore, #tpu.memory_space<semaphore_mem>>) src(%dma_wait3A_446 : memref<80xi32, #tpu.memory_space<hbm>>) dst(%arg8 : memref<80xi32, #tpu.memory_space<vmem>>)
      %add3A_447 = arith.addi %mul3A_2, %add3A_435 : i32
      %add3A_448 = arith.constant 250 : i32
      %add3A_449 = arith.addi %mul3A_2, %add3A_448 : i32
      %sub3A_450 = arith.constant 1 : i32
      %sub3A_451 = arith.subi %add3A_449, %sub3A_450 : i32
      %min3A_452 = arith.minsi %add3A_447, %sub3A_451 : i32
      %mul3A_453 = arith.constant 80 : i32
      %mul3A_454 = arith.muli %min3A_452, %mul3A_453 : i32
      %multiple_of3A_455 = tpu.assume_multiple %mul3A_454, 8 : i32
      %dma_wait3A_456 = tpu.memref_slice %arg5[%multiple_of3A_455] : memref<640000xi32, #tpu.memory_space<hbm>> -> memref<80xi32, #tpu.memory_space<hbm>>
      %dma_wait3A_457 = tpu.memref_slice %arg5[%multiple_of3A_455] : memref<640000xi32, #tpu.memory_space<hbm>> -> memref<80xi32, #tpu.memory_space<hbm>>
      tpu.wait_dma2 semaphore(%arg21 : memref<!tpu.dma_semaphore, #tpu.memory_space<semaphore_mem>>) src(%dma_wait3A_457 : memref<80xi32, #tpu.memory_space<hbm>>) dst(%arg10 : memref<80xi32, #tpu.memory_space<vmem>>)
      %dma_start3A_458 = arith.constant 0 : i32
      %dma_start3A_459 = arith.constant 0 : i32
      %dma_start3A_460 = tpu.memref_slice %arg2[%dma_start3A_458, %dma_start3A_459] : memref<20000x128xf32, #tpu.memory_space<hbm>> -> memref<20000x128xf32, #tpu.memory_space<hbm>>
      tpu.enqueue_indirect_dma source(%dma_start3A_460 : memref<20000x128xf32, #tpu.memory_space<hbm>>) target(%arg14 : memref<80x128xf32, #tpu.memory_space<vmem>>) offsets(%arg8 : memref<80xi32, #tpu.memory_space<vmem>>) semaphore(%arg23 : memref<!tpu.dma_semaphore, #tpu.memory_space<semaphore_mem>>)
      %dma_start3A_461 = arith.constant 0 : i32
      %dma_start3A_462 = arith.constant 0 : i32
      %dma_start3A_463 = tpu.memref_slice %arg3[%dma_start3A_461, %dma_start3A_462] : memref<20000x128xf32, #tpu.memory_space<hbm>> -> memref<20000x128xf32, #tpu.memory_space<hbm>>
      tpu.enqueue_indirect_dma source(%dma_start3A_463 : memref<20000x128xf32, #tpu.memory_space<hbm>>) target(%arg16 : memref<80x128xf32, #tpu.memory_space<vmem>>) offsets(%arg10 : memref<80xi32, #tpu.memory_space<vmem>>) semaphore(%arg25 : memref<!tpu.dma_semaphore, #tpu.memory_space<semaphore_mem>>)
      %add3A_464 = arith.constant 1 : i32
      %add3A_465 = arith.addi %add3A_356, %add3A_464 : i32
      %dma_wait3A_466 = arith.constant 0 : i32
      %dma_wait3A_467 = arith.constant 0 : i32
      %dma_wait3A_468 = tpu.memref_slice %arg2[%dma_wait3A_466, %dma_wait3A_467] : memref<20000x128xf32, #tpu.memory_space<hbm>> -> memref<20000x128xf32, #tpu.memory_space<hbm>>
      tpu.wait_indirect_dma semaphore(%arg24 : memref<!tpu.dma_semaphore, #tpu.memory_space<semaphore_mem>>) src(%dma_wait3A_468 : memref<20000x128xf32, #tpu.memory_space<hbm>>) dst(%arg15 : memref<80x128xf32, #tpu.memory_space<vmem>>)
      %dma_wait3A_469 = arith.constant 0 : i32
      %dma_wait3A_470 = arith.constant 0 : i32
      %dma_wait3A_471 = tpu.memref_slice %arg3[%dma_wait3A_469, %dma_wait3A_470] : memref<20000x128xf32, #tpu.memory_space<hbm>> -> memref<20000x128xf32, #tpu.memory_space<hbm>>
      tpu.wait_indirect_dma semaphore(%arg26 : memref<!tpu.dma_semaphore, #tpu.memory_space<semaphore_mem>>) src(%dma_wait3A_471 : memref<20000x128xf32, #tpu.memory_space<hbm>>) dst(%arg17 : memref<80x128xf32, #tpu.memory_space<vmem>>)
      %add3A_472 = arith.constant 2 : i32
      %add3A_473 = arith.addi %add3A_465, %add3A_472 : i32
      %add3A_474 = arith.addi %mul3A_2, %add3A_473 : i32
      %add3A_475 = arith.constant 250 : i32
      %add3A_476 = arith.addi %mul3A_2, %add3A_475 : i32
      %sub3A_477 = arith.constant 1 : i32
      %sub3A_478 = arith.subi %add3A_476, %sub3A_477 : i32
      %min3A_479 = arith.minsi %add3A_474, %sub3A_478 : i32
      %mul3A_480 = arith.constant 80 : i32
      %mul3A_481 = arith.muli %min3A_479, %mul3A_480 : i32
      %multiple_of3A_482 = tpu.assume_multiple %mul3A_481, 8 : i32
      %dma_start3A_483 = tpu.memref_slice %arg4[%multiple_of3A_482] : memref<640000xi32, #tpu.memory_space<hbm>> -> memref<80xi32, #tpu.memory_space<hbm>>
      %dma_start3A_484 = tpu.memref_slice %arg4[%multiple_of3A_482] : memref<640000xi32, #tpu.memory_space<hbm>> -> memref<80xi32, #tpu.memory_space<hbm>>
      tpu.enqueue_dma source(%dma_start3A_484 : memref<80xi32, #tpu.memory_space<hbm>>) target(%arg9 : memref<80xi32, #tpu.memory_space<vmem>>) target_semaphore(%arg20 : memref<!tpu.dma_semaphore, #tpu.memory_space<semaphore_mem>>)
      %add3A_485 = arith.addi %mul3A_2, %add3A_473 : i32
      %add3A_486 = arith.constant 250 : i32
      %add3A_487 = arith.addi %mul3A_2, %add3A_486 : i32
      %sub3A_488 = arith.constant 1 : i32
      %sub3A_489 = arith.subi %add3A_487, %sub3A_488 : i32
      %min3A_490 = arith.minsi %add3A_485, %sub3A_489 : i32
      %mul3A_491 = arith.constant 80 : i32
      %mul3A_492 = arith.muli %min3A_490, %mul3A_491 : i32
      %multiple_of3A_493 = tpu.assume_multiple %mul3A_492, 8 : i32
      %dma_start3A_494 = tpu.memref_slice %arg5[%multiple_of3A_493] : memref<640000xi32, #tpu.memory_space<hbm>> -> memref<80xi32, #tpu.memory_space<hbm>>
      %dma_start3A_495 = tpu.memref_slice %arg5[%multiple_of3A_493] : memref<640000xi32, #tpu.memory_space<hbm>> -> memref<80xi32, #tpu.memory_space<hbm>>
      tpu.enqueue_dma source(%dma_start3A_495 : memref<80xi32, #tpu.memory_space<hbm>>) target(%arg11 : memref<80xi32, #tpu.memory_space<vmem>>) target_semaphore(%arg22 : memref<!tpu.dma_semaphore, #tpu.memory_space<semaphore_mem>>)
      %mul3A_496 = arith.constant 2 : i32
      %mul3A_497 = arith.muli %arg1, %mul3A_496 : i32
      %add3A_498 = arith.constant 1 : i32
      %add3A_499 = arith.addi %mul3A_497, %add3A_498 : i32
      %mul3A_500 = arith.constant 80 : i32
      %mul3A_501 = arith.muli %add3A_499, %mul3A_500 : i32
      %multiple_of3A_502 = tpu.assume_multiple %mul3A_501, 8 : i32
      %add3A_503 = arith.addi %mul3A_2, %add3A_465 : i32
      %add3A_504 = arith.constant 250 : i32
      %add3A_505 = arith.addi %mul3A_2, %add3A_504 : i32
      %sub3A_506 = arith.constant 1 : i32
      %sub3A_507 = arith.subi %add3A_505, %sub3A_506 : i32
      %min3A_508 = arith.minsi %add3A_503, %sub3A_507 : i32
      %mul3A_509 = arith.constant 80 : i32
      %mul3A_510 = arith.muli %min3A_508, %mul3A_509 : i32
      %multiple_of3A_511 = tpu.assume_multiple %mul3A_510, 8 : i32
      %dma_wait3A_512 = arith.constant 0 : i32
      %dma_wait3A_513 = tpu.memref_slice %arg7[%multiple_of3A_511, %dma_wait3A_512] : memref<640000x128xf32, #tpu.memory_space<hbm>> -> memref<80x128xf32, #tpu.memory_space<hbm>>
      %dma_wait3A_514 = arith.constant 0 : i32
      %dma_wait3A_515 = tpu.memref_slice %arg18[%multiple_of3A_502, %dma_wait3A_514] : memref<2560x128xf32, #tpu.memory_space<vmem_shared>> -> memref<80x128xf32, #tpu.memory_space<vmem_shared>>
      tpu.wait_dma2 semaphore(%arg28 : memref<!tpu.dma_semaphore, #tpu.memory_space<semaphore_mem>>) src(%dma_wait3A_515 : memref<80x128xf32, #tpu.memory_space<vmem_shared>>) dst(%dma_wait3A_513 : memref<80x128xf32, #tpu.memory_space<hbm>>)
      %mul3A_516 = arith.constant 2 : i32
      %mul3A_517 = arith.muli %arg1, %mul3A_516 : i32
      %add3A_518 = arith.constant 1 : i32
      %add3A_519 = arith.addi %mul3A_517, %add3A_518 : i32
      %mul3A_520 = arith.constant 80 : i32
      %mul3A_521 = arith.muli %add3A_519, %mul3A_520 : i32
      %multiple_of3A_522 = tpu.assume_multiple %mul3A_521, 8 : i32
      "tpu.region"() ({
        %run_scoped3A = tpu.sem_alloc : memref<!tpu.dma_semaphore, #tpu.memory_space<semaphore_mem>>
        %dma_start3A_573 = arith.constant 0 : i32
        %dma_start3A_574 = tpu.memref_slice %arg18[%multiple_of3A_522, %dma_start3A_573] : memref<2560x128xf32, #tpu.memory_space<vmem_shared>> -> memref<80x128xf32, #tpu.memory_space<vmem_shared>>
        %dma_start3A_575 = arith.constant 0 : i32
        %dma_start3A_576 = tpu.memref_slice %arg18[%multiple_of3A_522, %dma_start3A_575] : memref<2560x128xf32, #tpu.memory_space<vmem_shared>> -> memref<80x128xf32, #tpu.memory_space<vmem_shared>>
        tpu.enqueue_dma source(%arg15 : memref<80x128xf32, #tpu.memory_space<vmem>>) target(%dma_start3A_576 : memref<80x128xf32, #tpu.memory_space<vmem_shared>>) target_semaphore(%run_scoped3A : memref<!tpu.dma_semaphore, #tpu.memory_space<semaphore_mem>>)
        %dma_wait3A_577 = arith.constant 0 : i32
        %dma_wait3A_578 = tpu.memref_slice %arg18[%multiple_of3A_522, %dma_wait3A_577] : memref<2560x128xf32, #tpu.memory_space<vmem_shared>> -> memref<80x128xf32, #tpu.memory_space<vmem_shared>>
        %dma_wait3A_579 = arith.constant 0 : i32
        %dma_wait3A_580 = tpu.memref_slice %arg18[%multiple_of3A_522, %dma_wait3A_579] : memref<2560x128xf32, #tpu.memory_space<vmem_shared>> -> memref<80x128xf32, #tpu.memory_space<vmem_shared>>
        tpu.wait_dma2 semaphore(%run_scoped3A : memref<!tpu.dma_semaphore, #tpu.memory_space<semaphore_mem>>) src(%arg15 : memref<80x128xf32, #tpu.memory_space<vmem>>) dst(%dma_wait3A_580 : memref<80x128xf32, #tpu.memory_space<vmem_shared>>)
        tpu.yield
      }) : () -> ()
      "tpu.region"() ({
        %run_scoped3A = tpu.sem_alloc : memref<!tpu.dma_semaphore, #tpu.memory_space<semaphore_mem>>
        %dma_start3A_573 = arith.constant 0 : i32
        %dma_start3A_574 = arith.constant 0 : i32
        %dma_start3A_575 = tpu.memref_slice %arg18[%dma_start3A_573, %dma_start3A_574] : memref<2560x128xf32, #tpu.memory_space<vmem_shared>> -> memref<2560x128xf32, #tpu.memory_space<vmem_shared>>
        tpu.enqueue_indirect_dma source(%arg17 : memref<80x128xf32, #tpu.memory_space<vmem>>) target(%dma_start3A_575 : memref<2560x128xf32, #tpu.memory_space<vmem_shared>>) offsets(%arg13 : memref<80xi32, #tpu.memory_space<vmem>>) semaphore(%run_scoped3A : memref<!tpu.dma_semaphore, #tpu.memory_space<semaphore_mem>>) {add = true}
        %dma_wait3A_576 = arith.constant 0 : i32
        %dma_wait3A_577 = arith.constant 0 : i32
        %dma_wait3A_578 = tpu.memref_slice %arg18[%dma_wait3A_576, %dma_wait3A_577] : memref<2560x128xf32, #tpu.memory_space<vmem_shared>> -> memref<2560x128xf32, #tpu.memory_space<vmem_shared>>
        tpu.wait_indirect_dma semaphore(%run_scoped3A : memref<!tpu.dma_semaphore, #tpu.memory_space<semaphore_mem>>) src(%arg17 : memref<80x128xf32, #tpu.memory_space<vmem>>) dst(%dma_wait3A_578 : memref<2560x128xf32, #tpu.memory_space<vmem_shared>>)
        tpu.yield
      }) : () -> ()
      %mul3A_523 = arith.constant 2 : i32
      %mul3A_524 = arith.muli %arg1, %mul3A_523 : i32
      %add3A_525 = arith.constant 1 : i32
      %add3A_526 = arith.addi %mul3A_524, %add3A_525 : i32
      %mul3A_527 = arith.constant 80 : i32
      %mul3A_528 = arith.muli %add3A_526, %mul3A_527 : i32
      %multiple_of3A_529 = tpu.assume_multiple %mul3A_528, 8 : i32
      %add3A_530 = arith.addi %mul3A_2, %add3A_465 : i32
      %add3A_531 = arith.constant 250 : i32
      %add3A_532 = arith.addi %mul3A_2, %add3A_531 : i32
      %sub3A_533 = arith.constant 1 : i32
      %sub3A_534 = arith.subi %add3A_532, %sub3A_533 : i32
      %min3A_535 = arith.minsi %add3A_530, %sub3A_534 : i32
      %mul3A_536 = arith.constant 80 : i32
      %mul3A_537 = arith.muli %min3A_535, %mul3A_536 : i32
      %multiple_of3A_538 = tpu.assume_multiple %mul3A_537, 8 : i32
      %dma_start3A_539 = arith.constant 0 : i32
      %dma_start3A_540 = tpu.memref_slice %arg7[%multiple_of3A_538, %dma_start3A_539] : memref<640000x128xf32, #tpu.memory_space<hbm>> -> memref<80x128xf32, #tpu.memory_space<hbm>>
      %dma_start3A_541 = arith.constant 0 : i32
      %dma_start3A_542 = tpu.memref_slice %arg18[%multiple_of3A_529, %dma_start3A_541] : memref<2560x128xf32, #tpu.memory_space<vmem_shared>> -> memref<80x128xf32, #tpu.memory_space<vmem_shared>>
      tpu.enqueue_dma source(%dma_start3A_542 : memref<80x128xf32, #tpu.memory_space<vmem_shared>>) target(%dma_start3A_540 : memref<80x128xf32, #tpu.memory_space<hbm>>) target_semaphore(%arg28 : memref<!tpu.dma_semaphore, #tpu.memory_space<semaphore_mem>>)
      %add3A_543 = arith.constant 2 : i32
      %add3A_544 = arith.addi %add3A_465, %add3A_543 : i32
      %add3A_545 = arith.addi %mul3A_2, %add3A_544 : i32
      %add3A_546 = arith.constant 250 : i32
      %add3A_547 = arith.addi %mul3A_2, %add3A_546 : i32
      %sub3A_548 = arith.constant 1 : i32
      %sub3A_549 = arith.subi %add3A_547, %sub3A_548 : i32
      %min3A_550 = arith.minsi %add3A_545, %sub3A_549 : i32
      %mul3A_551 = arith.constant 80 : i32
      %mul3A_552 = arith.muli %min3A_550, %mul3A_551 : i32
      %multiple_of3A_553 = tpu.assume_multiple %mul3A_552, 8 : i32
      %dma_wait3A_554 = tpu.memref_slice %arg4[%multiple_of3A_553] : memref<640000xi32, #tpu.memory_space<hbm>> -> memref<80xi32, #tpu.memory_space<hbm>>
      %dma_wait3A_555 = tpu.memref_slice %arg4[%multiple_of3A_553] : memref<640000xi32, #tpu.memory_space<hbm>> -> memref<80xi32, #tpu.memory_space<hbm>>
      tpu.wait_dma2 semaphore(%arg20 : memref<!tpu.dma_semaphore, #tpu.memory_space<semaphore_mem>>) src(%dma_wait3A_555 : memref<80xi32, #tpu.memory_space<hbm>>) dst(%arg9 : memref<80xi32, #tpu.memory_space<vmem>>)
      %add3A_556 = arith.addi %mul3A_2, %add3A_544 : i32
      %add3A_557 = arith.constant 250 : i32
      %add3A_558 = arith.addi %mul3A_2, %add3A_557 : i32
      %sub3A_559 = arith.constant 1 : i32
      %sub3A_560 = arith.subi %add3A_558, %sub3A_559 : i32
      %min3A_561 = arith.minsi %add3A_556, %sub3A_560 : i32
      %mul3A_562 = arith.constant 80 : i32
      %mul3A_563 = arith.muli %min3A_561, %mul3A_562 : i32
      %multiple_of3A_564 = tpu.assume_multiple %mul3A_563, 8 : i32
      %dma_wait3A_565 = tpu.memref_slice %arg5[%multiple_of3A_564] : memref<640000xi32, #tpu.memory_space<hbm>> -> memref<80xi32, #tpu.memory_space<hbm>>
      %dma_wait3A_566 = tpu.memref_slice %arg5[%multiple_of3A_564] : memref<640000xi32, #tpu.memory_space<hbm>> -> memref<80xi32, #tpu.memory_space<hbm>>
      tpu.wait_dma2 semaphore(%arg22 : memref<!tpu.dma_semaphore, #tpu.memory_space<semaphore_mem>>) src(%dma_wait3A_566 : memref<80xi32, #tpu.memory_space<hbm>>) dst(%arg11 : memref<80xi32, #tpu.memory_space<vmem>>)
      %dma_start3A_567 = arith.constant 0 : i32
      %dma_start3A_568 = arith.constant 0 : i32
      %dma_start3A_569 = tpu.memref_slice %arg2[%dma_start3A_567, %dma_start3A_568] : memref<20000x128xf32, #tpu.memory_space<hbm>> -> memref<20000x128xf32, #tpu.memory_space<hbm>>
      tpu.enqueue_indirect_dma source(%dma_start3A_569 : memref<20000x128xf32, #tpu.memory_space<hbm>>) target(%arg15 : memref<80x128xf32, #tpu.memory_space<vmem>>) offsets(%arg9 : memref<80xi32, #tpu.memory_space<vmem>>) semaphore(%arg24 : memref<!tpu.dma_semaphore, #tpu.memory_space<semaphore_mem>>)
      %dma_start3A_570 = arith.constant 0 : i32
      %dma_start3A_571 = arith.constant 0 : i32
      %dma_start3A_572 = tpu.memref_slice %arg3[%dma_start3A_570, %dma_start3A_571] : memref<20000x128xf32, #tpu.memory_space<hbm>> -> memref<20000x128xf32, #tpu.memory_space<hbm>>
      tpu.enqueue_indirect_dma source(%dma_start3A_572 : memref<20000x128xf32, #tpu.memory_space<hbm>>) target(%arg17 : memref<80x128xf32, #tpu.memory_space<vmem>>) offsets(%arg11 : memref<80xi32, #tpu.memory_space<vmem>>) semaphore(%arg26 : memref<!tpu.dma_semaphore, #tpu.memory_space<semaphore_mem>>)
    }
    %scan3A_297 = arith.constant 124 : i32
    %dma_wait3A_298 = arith.constant 0 : i32
    %dma_wait3A_299 = arith.constant 0 : i32
    %dma_wait3A_300 = tpu.memref_slice %arg2[%dma_wait3A_298, %dma_wait3A_299] : memref<20000x128xf32, #tpu.memory_space<hbm>> -> memref<20000x128xf32, #tpu.memory_space<hbm>>
    tpu.wait_indirect_dma semaphore(%arg23 : memref<!tpu.dma_semaphore, #tpu.memory_space<semaphore_mem>>) src(%dma_wait3A_300 : memref<20000x128xf32, #tpu.memory_space<hbm>>) dst(%arg14 : memref<80x128xf32, #tpu.memory_space<vmem>>)
    %dma_wait3A_301 = arith.constant 0 : i32
    %dma_wait3A_302 = arith.constant 0 : i32
    %dma_wait3A_303 = tpu.memref_slice %arg3[%dma_wait3A_301, %dma_wait3A_302] : memref<20000x128xf32, #tpu.memory_space<hbm>> -> memref<20000x128xf32, #tpu.memory_space<hbm>>
    tpu.wait_indirect_dma semaphore(%arg25 : memref<!tpu.dma_semaphore, #tpu.memory_space<semaphore_mem>>) src(%dma_wait3A_303 : memref<20000x128xf32, #tpu.memory_space<hbm>>) dst(%arg16 : memref<80x128xf32, #tpu.memory_space<vmem>>)
    %dma_wait3A_304 = arith.constant 0 : i32
    %dma_wait3A_305 = arith.constant 0 : i32
    %dma_wait3A_306 = tpu.memref_slice %arg2[%dma_wait3A_304, %dma_wait3A_305] : memref<20000x128xf32, #tpu.memory_space<hbm>> -> memref<20000x128xf32, #tpu.memory_space<hbm>>
    tpu.wait_indirect_dma semaphore(%arg24 : memref<!tpu.dma_semaphore, #tpu.memory_space<semaphore_mem>>) src(%dma_wait3A_306 : memref<20000x128xf32, #tpu.memory_space<hbm>>) dst(%arg15 : memref<80x128xf32, #tpu.memory_space<vmem>>)
    %dma_wait3A_307 = arith.constant 0 : i32
    %dma_wait3A_308 = arith.constant 0 : i32
    %dma_wait3A_309 = tpu.memref_slice %arg3[%dma_wait3A_307, %dma_wait3A_308] : memref<20000x128xf32, #tpu.memory_space<hbm>> -> memref<20000x128xf32, #tpu.memory_space<hbm>>
    tpu.wait_indirect_dma semaphore(%arg26 : memref<!tpu.dma_semaphore, #tpu.memory_space<semaphore_mem>>) src(%dma_wait3A_309 : memref<20000x128xf32, #tpu.memory_space<hbm>>) dst(%arg17 : memref<80x128xf32, #tpu.memory_space<vmem>>)
    %mul3A_310 = arith.constant 2 : i32
    %mul3A_311 = arith.muli %arg1, %mul3A_310 : i32
    %add3A_312 = arith.constant 0 : i32
    %add3A_313 = arith.addi %mul3A_311, %add3A_312 : i32
    %mul3A_314 = arith.constant 80 : i32
    %mul3A_315 = arith.muli %add3A_313, %mul3A_314 : i32
    %multiple_of3A_316 = tpu.assume_multiple %mul3A_315, 8 : i32
    %add3A_317 = arith.constant 248 : i32
    %add3A_318 = arith.addi %mul3A_2, %add3A_317 : i32
    %add3A_319 = arith.constant 250 : i32
    %add3A_320 = arith.addi %mul3A_2, %add3A_319 : i32
    %sub3A_321 = arith.constant 1 : i32
    %sub3A_322 = arith.subi %add3A_320, %sub3A_321 : i32
    %min3A_323 = arith.minsi %add3A_318, %sub3A_322 : i32
    %mul3A_324 = arith.constant 80 : i32
    %mul3A_325 = arith.muli %min3A_323, %mul3A_324 : i32
    %multiple_of3A_326 = tpu.assume_multiple %mul3A_325, 8 : i32
    %dma_wait3A_327 = arith.constant 0 : i32
    %dma_wait3A_328 = tpu.memref_slice %arg7[%multiple_of3A_326, %dma_wait3A_327] : memref<640000x128xf32, #tpu.memory_space<hbm>> -> memref<80x128xf32, #tpu.memory_space<hbm>>
    %dma_wait3A_329 = arith.constant 0 : i32
    %dma_wait3A_330 = tpu.memref_slice %arg18[%multiple_of3A_316, %dma_wait3A_329] : memref<2560x128xf32, #tpu.memory_space<vmem_shared>> -> memref<80x128xf32, #tpu.memory_space<vmem_shared>>
    tpu.wait_dma2 semaphore(%arg27 : memref<!tpu.dma_semaphore, #tpu.memory_space<semaphore_mem>>) src(%dma_wait3A_330 : memref<80x128xf32, #tpu.memory_space<vmem_shared>>) dst(%dma_wait3A_328 : memref<80x128xf32, #tpu.memory_space<hbm>>)
    %mul3A_331 = arith.constant 2 : i32
    %mul3A_332 = arith.muli %arg1, %mul3A_331 : i32
    %add3A_333 = arith.constant 1 : i32
    %add3A_334 = arith.addi %mul3A_332, %add3A_333 : i32
    %mul3A_335 = arith.constant 80 : i32
    %mul3A_336 = arith.muli %add3A_334, %mul3A_335 : i32
    %multiple_of3A_337 = tpu.assume_multiple %mul3A_336, 8 : i32
    %add3A_338 = arith.constant 249 : i32
    %add3A_339 = arith.addi %mul3A_2, %add3A_338 : i32
    %add3A_340 = arith.constant 250 : i32
    %add3A_341 = arith.addi %mul3A_2, %add3A_340 : i32
    %sub3A_342 = arith.constant 1 : i32
    %sub3A_343 = arith.subi %add3A_341, %sub3A_342 : i32
    %min3A_344 = arith.minsi %add3A_339, %sub3A_343 : i32
    %mul3A_345 = arith.constant 80 : i32
    %mul3A_346 = arith.muli %min3A_344, %mul3A_345 : i32
    %multiple_of3A_347 = tpu.assume_multiple %mul3A_346, 8 : i32
    %dma_wait3A_348 = arith.constant 0 : i32
    %dma_wait3A_349 = tpu.memref_slice %arg7[%multiple_of3A_347, %dma_wait3A_348] : memref<640000x128xf32, #tpu.memory_space<hbm>> -> memref<80x128xf32, #tpu.memory_space<hbm>>
    %dma_wait3A_350 = arith.constant 0 : i32
    %dma_wait3A_351 = tpu.memref_slice %arg18[%multiple_of3A_337, %dma_wait3A_350] : memref<2560x128xf32, #tpu.memory_space<vmem_shared>> -> memref<80x128xf32, #tpu.memory_space<vmem_shared>>
    tpu.wait_dma2 semaphore(%arg28 : memref<!tpu.dma_semaphore, #tpu.memory_space<semaphore_mem>>) src(%dma_wait3A_351 : memref<80x128xf32, #tpu.memory_space<vmem_shared>>) dst(%dma_wait3A_349 : memref<80x128xf32, #tpu.memory_space<hbm>>)
    return
  }
}

#map = affine_map<(d0, d1) -> (0, 0)>
#map1 = affine_map<(d0, d1) -> (0)>
module attributes {stable_mosaic.version = 14 : i64} {
  func.func @_sc_gather(%arg0: i32, %arg1: i32, %arg2: memref<20000x128xf32, #tpu.memory_space<hbm>>, %arg3: memref<20000x128xf32, #tpu.memory_space<hbm>>, %arg4: memref<640000xi32, #tpu.memory_space<hbm>>, %arg5: memref<640000xi32, #tpu.memory_space<hbm>>, %arg6: memref<2560xi32, #tpu.memory_space<hbm>>, %arg7: memref<640000x128xf32, #tpu.memory_space<hbm>>, %arg8: memref<80xi32, #tpu.memory_space<vmem>>, %arg9: memref<80xi32, #tpu.memory_space<vmem>>, %arg10: memref<80xi32, #tpu.memory_space<vmem>>, %arg11: memref<80xi32, #tpu.memory_space<vmem>>, %arg12: memref<80xi32, #tpu.memory_space<vmem>>, %arg13: memref<80xi32, #tpu.memory_space<vmem>>, %arg14: memref<80x128xf32, #tpu.memory_space<vmem>>, %arg15: memref<80x128xf32, #tpu.memory_space<vmem>>, %arg16: memref<80x128xf32, #tpu.memory_space<vmem>>, %arg17: memref<80x128xf32, #tpu.memory_space<vmem>>, %arg18: memref<2560x128xf32, #tpu.memory_space<vmem_shared>>, %arg19: memref<!tpu.dma_semaphore, #tpu.memory_space<semaphore_mem>>, %arg20: memref<!tpu.dma_semaphore, #tpu.memory_space<semaphore_mem>>, %arg21: memref<!tpu.dma_semaphore, #tpu.memory_space<semaphore_mem>>, %arg22: memref<!tpu.dma_semaphore, #tpu.memory_space<semaphore_mem>>, %arg23: memref<!tpu.dma_semaphore, #tpu.memory_space<semaphore_mem>>, %arg24: memref<!tpu.dma_semaphore, #tpu.memory_space<semaphore_mem>>, %arg25: memref<!tpu.dma_semaphore, #tpu.memory_space<semaphore_mem>>, %arg26: memref<!tpu.dma_semaphore, #tpu.memory_space<semaphore_mem>>, %arg27: memref<!tpu.dma_semaphore, #tpu.memory_space<semaphore_mem>>, %arg28: memref<!tpu.dma_semaphore, #tpu.memory_space<semaphore_mem>>) attributes {dimension_semantics = [#tpu.dimension_semantics<core_parallel>, #tpu.dimension_semantics<subcore_parallel>], iteration_bounds = array<i64: 2, 16>, scalar_prefetch = 0 : i64, scratch_operands = 21 : i64, tpu.core_type = #tpu.core_type<sc_vector_subcore>, window_params = [{transform_indices = #map}, {transform_indices = #map}, {transform_indices = #map1}, {transform_indices = #map1}, {transform_indices = #map1}, {transform_indices = #map}]} {
    %mul3A = arith.constant 16 : i32
    %mul3A_0 = arith.muli %arg0, %mul3A : i32
    %add3A = arith.addi %mul3A_0, %arg1 : i32
    %mul3A_1 = arith.constant 250 : i32
    %mul3A_2 = arith.muli %add3A, %mul3A_1 : i32
    %mul3A_3 = arith.constant 2 : i32
    %mul3A_4 = arith.muli %arg1, %mul3A_3 : i32
    %mul3A_5 = arith.constant 80 : i32
    %mul3A_6 = arith.muli %mul3A_4, %mul3A_5 : i32
    %multiple_of3A = tpu.assume_multiple %mul3A_6, 8 : i32
    "tpu.region"() ({
      %run_scoped3A = tpu.sem_alloc : memref<!tpu.dma_semaphore, #tpu.memory_space<semaphore_mem>>
      %dma_start3A_352 = tpu.memref_slice %arg6[%multiple_of3A] : memref<2560xi32, #tpu.memory_space<hbm>> -> memref<80xi32, #tpu.memory_space<hbm>>
      %dma_start3A_353 = tpu.memref_slice %arg6[%multiple_of3A] : memref<2560xi32, #tpu.memory_space<hbm>> -> memref<80xi32, #tpu.memory_space<hbm>>
      tpu.enqueue_dma source(%dma_start3A_353 : memref<80xi32, #tpu.memory_space<hbm>>) target(%arg12 : memref<80xi32, #tpu.memory_space<vmem>>) target_semaphore(%run_scoped3A : memref<!tpu.dma_semaphore, #tpu.memory_space<semaphore_mem>>)
      %dma_wait3A_354 = tpu.memref_slice %arg6[%multiple_of3A] : memref<2560xi32, #tpu.memory_space<hbm>> -> memref<80xi32, #tpu.memory_space<hbm>>
      %dma_wait3A_355 = tpu.memref_slice %arg6[%multiple_of3A] : memref<2560xi32, #tpu.memory_space<hbm>> -> memref<80xi32, #tpu.memory_space<hbm>>
      tpu.wait_dma2 semaphore(%run_scoped3A : memref<!tpu.dma_semaphore, #tpu.memory_space<semaphore_mem>>) src(%dma_wait3A_355 : memref<80xi32, #tpu.memory_space<hbm>>) dst(%arg12 : memref<80xi32, #tpu.memory_space<vmem>>)
      tpu.yield
    }) : () -> ()
    %mul3A_7 = arith.constant 2 : i32
    %mul3A_8 = arith.muli %arg1, %mul3A_7 : i32
    %mul3A_9 = arith.constant 80 : i32
    %mul3A_10 = arith.muli %mul3A_8, %mul3A_9 : i32
    %add3A_11 = arith.constant 80 : i32
    %add3A_12 = arith.addi %mul3A_10, %add3A_11 : i32
    %multiple_of3A_13 = tpu.assume_multiple %add3A_12, 8 : i32
    "tpu.region"() ({
      %run_scoped3A = tpu.sem_alloc : memref<!tpu.dma_semaphore, #tpu.memory_space<semaphore_mem>>
      %dma_start3A_352 = tpu.memref_slice %arg6[%multiple_of3A_13] : memref<2560xi32, #tpu.memory_space<hbm>> -> memref<80xi32, #tpu.memory_space<hbm>>
      %dma_start3A_353 = tpu.memref_slice %arg6[%multiple_of3A_13] : memref<2560xi32, #tpu.memory_space<hbm>> -> memref<80xi32, #tpu.memory_space<hbm>>
      tpu.enqueue_dma source(%dma_start3A_353 : memref<80xi32, #tpu.memory_space<hbm>>) target(%arg13 : memref<80xi32, #tpu.memory_space<vmem>>) target_semaphore(%run_scoped3A : memref<!tpu.dma_semaphore, #tpu.memory_space<semaphore_mem>>)
      %dma_wait3A_354 = tpu.memref_slice %arg6[%multiple_of3A_13] : memref<2560xi32, #tpu.memory_space<hbm>> -> memref<80xi32, #tpu.memory_space<hbm>>
      %dma_wait3A_355 = tpu.memref_slice %arg6[%multiple_of3A_13] : memref<2560xi32, #tpu.memory_space<hbm>> -> memref<80xi32, #tpu.memory_space<hbm>>
      tpu.wait_dma2 semaphore(%run_scoped3A : memref<!tpu.dma_semaphore, #tpu.memory_space<semaphore_mem>>) src(%dma_wait3A_355 : memref<80xi32, #tpu.memory_space<hbm>>) dst(%arg13 : memref<80xi32, #tpu.memory_space<vmem>>)
      tpu.yield
    }) : () -> ()
    %add3A_14 = arith.constant 0 : i32
    %add3A_15 = arith.addi %mul3A_2, %add3A_14 : i32
    %add3A_16 = arith.constant 250 : i32
    %add3A_17 = arith.addi %mul3A_2, %add3A_16 : i32
    %sub3A = arith.constant 1 : i32
    %sub3A_18 = arith.subi %add3A_17, %sub3A : i32
    %min3A = arith.minsi %add3A_15, %sub3A_18 : i32
    %mul3A_19 = arith.constant 80 : i32
    %mul3A_20 = arith.muli %min3A, %mul3A_19 : i32
    %multiple_of3A_21 = tpu.assume_multiple %mul3A_20, 8 : i32
    %dma_start3A = tpu.memref_slice %arg4[%multiple_of3A_21] : memref<640000xi32, #tpu.memory_space<hbm>> -> memref<80xi32, #tpu.memory_space<hbm>>
    %dma_start3A_22 = tpu.memref_slice %arg4[%multiple_of3A_21] : memref<640000xi32, #tpu.memory_space<hbm>> -> memref<80xi32, #tpu.memory_space<hbm>>
    tpu.enqueue_dma source(%dma_start3A_22 : memref<80xi32, #tpu.memory_space<hbm>>) target(%arg8 : memref<80xi32, #tpu.memory_space<vmem>>) target_semaphore(%arg19 : memref<!tpu.dma_semaphore, #tpu.memory_space<semaphore_mem>>)
    %add3A_23 = arith.constant 0 : i32
    %add3A_24 = arith.addi %mul3A_2, %add3A_23 : i32
    %add3A_25 = arith.constant 250 : i32
    %add3A_26 = arith.addi %mul3A_2, %add3A_25 : i32
    %sub3A_27 = arith.constant 1 : i32
    %sub3A_28 = arith.subi %add3A_26, %sub3A_27 : i32
    %min3A_29 = arith.minsi %add3A_24, %sub3A_28 : i32
    %mul3A_30 = arith.constant 80 : i32
    %mul3A_31 = arith.muli %min3A_29, %mul3A_30 : i32
    %multiple_of3A_32 = tpu.assume_multiple %mul3A_31, 8 : i32
    %dma_start3A_33 = tpu.memref_slice %arg5[%multiple_of3A_32] : memref<640000xi32, #tpu.memory_space<hbm>> -> memref<80xi32, #tpu.memory_space<hbm>>
    %dma_start3A_34 = tpu.memref_slice %arg5[%multiple_of3A_32] : memref<640000xi32, #tpu.memory_space<hbm>> -> memref<80xi32, #tpu.memory_space<hbm>>
    tpu.enqueue_dma source(%dma_start3A_34 : memref<80xi32, #tpu.memory_space<hbm>>) target(%arg10 : memref<80xi32, #tpu.memory_space<vmem>>) target_semaphore(%arg21 : memref<!tpu.dma_semaphore, #tpu.memory_space<semaphore_mem>>)
    %add3A_35 = arith.constant 1 : i32
    %add3A_36 = arith.addi %mul3A_2, %add3A_35 : i32
    %add3A_37 = arith.constant 250 : i32
    %add3A_38 = arith.addi %mul3A_2, %add3A_37 : i32
    %sub3A_39 = arith.constant 1 : i32
    %sub3A_40 = arith.subi %add3A_38, %sub3A_39 : i32
    %min3A_41 = arith.minsi %add3A_36, %sub3A_40 : i32
    %mul3A_42 = arith.constant 80 : i32
    %mul3A_43 = arith.muli %min3A_41, %mul3A_42 : i32
    %multiple_of3A_44 = tpu.assume_multiple %mul3A_43, 8 : i32
    %dma_start3A_45 = tpu.memref_slice %arg4[%multiple_of3A_44] : memref<640000xi32, #tpu.memory_space<hbm>> -> memref<80xi32, #tpu.memory_space<hbm>>
    %dma_start3A_46 = tpu.memref_slice %arg4[%multiple_of3A_44] : memref<640000xi32, #tpu.memory_space<hbm>> -> memref<80xi32, #tpu.memory_space<hbm>>
    tpu.enqueue_dma source(%dma_start3A_46 : memref<80xi32, #tpu.memory_space<hbm>>) target(%arg9 : memref<80xi32, #tpu.memory_space<vmem>>) target_semaphore(%arg20 : memref<!tpu.dma_semaphore, #tpu.memory_space<semaphore_mem>>)
    %add3A_47 = arith.constant 1 : i32
    %add3A_48 = arith.addi %mul3A_2, %add3A_47 : i32
    %add3A_49 = arith.constant 250 : i32
    %add3A_50 = arith.addi %mul3A_2, %add3A_49 : i32
    %sub3A_51 = arith.constant 1 : i32
    %sub3A_52 = arith.subi %add3A_50, %sub3A_51 : i32
    %min3A_53 = arith.minsi %add3A_48, %sub3A_52 : i32
    %mul3A_54 = arith.constant 80 : i32
    %mul3A_55 = arith.muli %min3A_53, %mul3A_54 : i32
    %multiple_of3A_56 = tpu.assume_multiple %mul3A_55, 8 : i32
    %dma_start3A_57 = tpu.memref_slice %arg5[%multiple_of3A_56] : memref<640000xi32, #tpu.memory_space<hbm>> -> memref<80xi32, #tpu.memory_space<hbm>>
    %dma_start3A_58 = tpu.memref_slice %arg5[%multiple_of3A_56] : memref<640000xi32, #tpu.memory_space<hbm>> -> memref<80xi32, #tpu.memory_space<hbm>>
    tpu.enqueue_dma source(%dma_start3A_58 : memref<80xi32, #tpu.memory_space<hbm>>) target(%arg11 : memref<80xi32, #tpu.memory_space<vmem>>) target_semaphore(%arg22 : memref<!tpu.dma_semaphore, #tpu.memory_space<semaphore_mem>>)
    %add3A_59 = arith.constant 0 : i32
    %add3A_60 = arith.addi %mul3A_2, %add3A_59 : i32
    %add3A_61 = arith.constant 250 : i32
    %add3A_62 = arith.addi %mul3A_2, %add3A_61 : i32
    %sub3A_63 = arith.constant 1 : i32
    %sub3A_64 = arith.subi %add3A_62, %sub3A_63 : i32
    %min3A_65 = arith.minsi %add3A_60, %sub3A_64 : i32
    %mul3A_66 = arith.constant 80 : i32
    %mul3A_67 = arith.muli %min3A_65, %mul3A_66 : i32
    %multiple_of3A_68 = tpu.assume_multiple %mul3A_67, 8 : i32
    %dma_wait3A = tpu.memref_slice %arg4[%multiple_of3A_68] : memref<640000xi32, #tpu.memory_space<hbm>> -> memref<80xi32, #tpu.memory_space<hbm>>
    %dma_wait3A_69 = tpu.memref_slice %arg4[%multiple_of3A_68] : memref<640000xi32, #tpu.memory_space<hbm>> -> memref<80xi32, #tpu.memory_space<hbm>>
    tpu.wait_dma2 semaphore(%arg19 : memref<!tpu.dma_semaphore, #tpu.memory_space<semaphore_mem>>) src(%dma_wait3A_69 : memref<80xi32, #tpu.memory_space<hbm>>) dst(%arg8 : memref<80xi32, #tpu.memory_space<vmem>>)
    %add3A_70 = arith.constant 0 : i32
    %add3A_71 = arith.addi %mul3A_2, %add3A_70 : i32
    %add3A_72 = arith.constant 250 : i32
    %add3A_73 = arith.addi %mul3A_2, %add3A_72 : i32
    %sub3A_74 = arith.constant 1 : i32
    %sub3A_75 = arith.subi %add3A_73, %sub3A_74 : i32
    %min3A_76 = arith.minsi %add3A_71, %sub3A_75 : i32
    %mul3A_77 = arith.constant 80 : i32
    %mul3A_78 = arith.muli %min3A_76, %mul3A_77 : i32
    %multiple_of3A_79 = tpu.assume_multiple %mul3A_78, 8 : i32
    %dma_wait3A_80 = tpu.memref_slice %arg5[%multiple_of3A_79] : memref<640000xi32, #tpu.memory_space<hbm>> -> memref<80xi32, #tpu.memory_space<hbm>>
    %dma_wait3A_81 = tpu.memref_slice %arg5[%multiple_of3A_79] : memref<640000xi32, #tpu.memory_space<hbm>> -> memref<80xi32, #tpu.memory_space<hbm>>
    tpu.wait_dma2 semaphore(%arg21 : memref<!tpu.dma_semaphore, #tpu.memory_space<semaphore_mem>>) src(%dma_wait3A_81 : memref<80xi32, #tpu.memory_space<hbm>>) dst(%arg10 : memref<80xi32, #tpu.memory_space<vmem>>)
    %dma_start3A_82 = arith.constant 0 : i32
    %dma_start3A_83 = arith.constant 0 : i32
    %dma_start3A_84 = tpu.memref_slice %arg2[%dma_start3A_82, %dma_start3A_83] : memref<20000x128xf32, #tpu.memory_space<hbm>> -> memref<20000x128xf32, #tpu.memory_space<hbm>>
    tpu.enqueue_indirect_dma source(%dma_start3A_84 : memref<20000x128xf32, #tpu.memory_space<hbm>>) target(%arg14 : memref<80x128xf32, #tpu.memory_space<vmem>>) offsets(%arg8 : memref<80xi32, #tpu.memory_space<vmem>>) semaphore(%arg23 : memref<!tpu.dma_semaphore, #tpu.memory_space<semaphore_mem>>)
    %dma_start3A_85 = arith.constant 0 : i32
    %dma_start3A_86 = arith.constant 0 : i32
    %dma_start3A_87 = tpu.memref_slice %arg3[%dma_start3A_85, %dma_start3A_86] : memref<20000x128xf32, #tpu.memory_space<hbm>> -> memref<20000x128xf32, #tpu.memory_space<hbm>>
    tpu.enqueue_indirect_dma source(%dma_start3A_87 : memref<20000x128xf32, #tpu.memory_space<hbm>>) target(%arg16 : memref<80x128xf32, #tpu.memory_space<vmem>>) offsets(%arg10 : memref<80xi32, #tpu.memory_space<vmem>>) semaphore(%arg25 : memref<!tpu.dma_semaphore, #tpu.memory_space<semaphore_mem>>)
    %add3A_88 = arith.constant 1 : i32
    %add3A_89 = arith.addi %mul3A_2, %add3A_88 : i32
    %add3A_90 = arith.constant 250 : i32
    %add3A_91 = arith.addi %mul3A_2, %add3A_90 : i32
    %sub3A_92 = arith.constant 1 : i32
    %sub3A_93 = arith.subi %add3A_91, %sub3A_92 : i32
    %min3A_94 = arith.minsi %add3A_89, %sub3A_93 : i32
    %mul3A_95 = arith.constant 80 : i32
    %mul3A_96 = arith.muli %min3A_94, %mul3A_95 : i32
    %multiple_of3A_97 = tpu.assume_multiple %mul3A_96, 8 : i32
    %dma_wait3A_98 = tpu.memref_slice %arg4[%multiple_of3A_97] : memref<640000xi32, #tpu.memory_space<hbm>> -> memref<80xi32, #tpu.memory_space<hbm>>
    %dma_wait3A_99 = tpu.memref_slice %arg4[%multiple_of3A_97] : memref<640000xi32, #tpu.memory_space<hbm>> -> memref<80xi32, #tpu.memory_space<hbm>>
    tpu.wait_dma2 semaphore(%arg20 : memref<!tpu.dma_semaphore, #tpu.memory_space<semaphore_mem>>) src(%dma_wait3A_99 : memref<80xi32, #tpu.memory_space<hbm>>) dst(%arg9 : memref<80xi32, #tpu.memory_space<vmem>>)
    %add3A_100 = arith.constant 1 : i32
    %add3A_101 = arith.addi %mul3A_2, %add3A_100 : i32
    %add3A_102 = arith.constant 250 : i32
    %add3A_103 = arith.addi %mul3A_2, %add3A_102 : i32
    %sub3A_104 = arith.constant 1 : i32
    %sub3A_105 = arith.subi %add3A_103, %sub3A_104 : i32
    %min3A_106 = arith.minsi %add3A_101, %sub3A_105 : i32
    %mul3A_107 = arith.constant 80 : i32
    %mul3A_108 = arith.muli %min3A_106, %mul3A_107 : i32
    %multiple_of3A_109 = tpu.assume_multiple %mul3A_108, 8 : i32
    %dma_wait3A_110 = tpu.memref_slice %arg5[%multiple_of3A_109] : memref<640000xi32, #tpu.memory_space<hbm>> -> memref<80xi32, #tpu.memory_space<hbm>>
    %dma_wait3A_111 = tpu.memref_slice %arg5[%multiple_of3A_109] : memref<640000xi32, #tpu.memory_space<hbm>> -> memref<80xi32, #tpu.memory_space<hbm>>
    tpu.wait_dma2 semaphore(%arg22 : memref<!tpu.dma_semaphore, #tpu.memory_space<semaphore_mem>>) src(%dma_wait3A_111 : memref<80xi32, #tpu.memory_space<hbm>>) dst(%arg11 : memref<80xi32, #tpu.memory_space<vmem>>)
    %dma_start3A_112 = arith.constant 0 : i32
    %dma_start3A_113 = arith.constant 0 : i32
    %dma_start3A_114 = tpu.memref_slice %arg2[%dma_start3A_112, %dma_start3A_113] : memref<20000x128xf32, #tpu.memory_space<hbm>> -> memref<20000x128xf32, #tpu.memory_space<hbm>>
    tpu.enqueue_indirect_dma source(%dma_start3A_114 : memref<20000x128xf32, #tpu.memory_space<hbm>>) target(%arg15 : memref<80x128xf32, #tpu.memory_space<vmem>>) offsets(%arg9 : memref<80xi32, #tpu.memory_space<vmem>>) semaphore(%arg24 : memref<!tpu.dma_semaphore, #tpu.memory_space<semaphore_mem>>)
    %dma_start3A_115 = arith.constant 0 : i32
    %dma_start3A_116 = arith.constant 0 : i32
    %dma_start3A_117 = tpu.memref_slice %arg3[%dma_start3A_115, %dma_start3A_116] : memref<20000x128xf32, #tpu.memory_space<hbm>> -> memref<20000x128xf32, #tpu.memory_space<hbm>>
    tpu.enqueue_indirect_dma source(%dma_start3A_117 : memref<20000x128xf32, #tpu.memory_space<hbm>>) target(%arg17 : memref<80x128xf32, #tpu.memory_space<vmem>>) offsets(%arg11 : memref<80xi32, #tpu.memory_space<vmem>>) semaphore(%arg26 : memref<!tpu.dma_semaphore, #tpu.memory_space<semaphore_mem>>)
    %dma_wait3A_118 = arith.constant 0 : i32
    %dma_wait3A_119 = arith.constant 0 : i32
    %dma_wait3A_120 = tpu.memref_slice %arg2[%dma_wait3A_118, %dma_wait3A_119] : memref<20000x128xf32, #tpu.memory_space<hbm>> -> memref<20000x128xf32, #tpu.memory_space<hbm>>
    tpu.wait_indirect_dma semaphore(%arg23 : memref<!tpu.dma_semaphore, #tpu.memory_space<semaphore_mem>>) src(%dma_wait3A_120 : memref<20000x128xf32, #tpu.memory_space<hbm>>) dst(%arg14 : memref<80x128xf32, #tpu.memory_space<vmem>>)
    %dma_wait3A_121 = arith.constant 0 : i32
    %dma_wait3A_122 = arith.constant 0 : i32
    %dma_wait3A_123 = tpu.memref_slice %arg3[%dma_wait3A_121, %dma_wait3A_122] : memref<20000x128xf32, #tpu.memory_space<hbm>> -> memref<20000x128xf32, #tpu.memory_space<hbm>>
    tpu.wait_indirect_dma semaphore(%arg25 : memref<!tpu.dma_semaphore, #tpu.memory_space<semaphore_mem>>) src(%dma_wait3A_123 : memref<20000x128xf32, #tpu.memory_space<hbm>>) dst(%arg16 : memref<80x128xf32, #tpu.memory_space<vmem>>)
    %add3A_124 = arith.constant 2 : i32
    %add3A_125 = arith.addi %mul3A_2, %add3A_124 : i32
    %add3A_126 = arith.constant 250 : i32
    %add3A_127 = arith.addi %mul3A_2, %add3A_126 : i32
    %sub3A_128 = arith.constant 1 : i32
    %sub3A_129 = arith.subi %add3A_127, %sub3A_128 : i32
    %min3A_130 = arith.minsi %add3A_125, %sub3A_129 : i32
    %mul3A_131 = arith.constant 80 : i32
    %mul3A_132 = arith.muli %min3A_130, %mul3A_131 : i32
    %multiple_of3A_133 = tpu.assume_multiple %mul3A_132, 8 : i32
    %dma_start3A_134 = tpu.memref_slice %arg4[%multiple_of3A_133] : memref<640000xi32, #tpu.memory_space<hbm>> -> memref<80xi32, #tpu.memory_space<hbm>>
    %dma_start3A_135 = tpu.memref_slice %arg4[%multiple_of3A_133] : memref<640000xi32, #tpu.memory_space<hbm>> -> memref<80xi32, #tpu.memory_space<hbm>>
    tpu.enqueue_dma source(%dma_start3A_135 : memref<80xi32, #tpu.memory_space<hbm>>) target(%arg8 : memref<80xi32, #tpu.memory_space<vmem>>) target_semaphore(%arg19 : memref<!tpu.dma_semaphore, #tpu.memory_space<semaphore_mem>>)
    %add3A_136 = arith.constant 2 : i32
    %add3A_137 = arith.addi %mul3A_2, %add3A_136 : i32
    %add3A_138 = arith.constant 250 : i32
    %add3A_139 = arith.addi %mul3A_2, %add3A_138 : i32
    %sub3A_140 = arith.constant 1 : i32
    %sub3A_141 = arith.subi %add3A_139, %sub3A_140 : i32
    %min3A_142 = arith.minsi %add3A_137, %sub3A_141 : i32
    %mul3A_143 = arith.constant 80 : i32
    %mul3A_144 = arith.muli %min3A_142, %mul3A_143 : i32
    %multiple_of3A_145 = tpu.assume_multiple %mul3A_144, 8 : i32
    %dma_start3A_146 = tpu.memref_slice %arg5[%multiple_of3A_145] : memref<640000xi32, #tpu.memory_space<hbm>> -> memref<80xi32, #tpu.memory_space<hbm>>
    %dma_start3A_147 = tpu.memref_slice %arg5[%multiple_of3A_145] : memref<640000xi32, #tpu.memory_space<hbm>> -> memref<80xi32, #tpu.memory_space<hbm>>
    tpu.enqueue_dma source(%dma_start3A_147 : memref<80xi32, #tpu.memory_space<hbm>>) target(%arg10 : memref<80xi32, #tpu.memory_space<vmem>>) target_semaphore(%arg21 : memref<!tpu.dma_semaphore, #tpu.memory_space<semaphore_mem>>)
    %mul3A_148 = arith.constant 2 : i32
    %mul3A_149 = arith.muli %arg1, %mul3A_148 : i32
    %add3A_150 = arith.constant 0 : i32
    %add3A_151 = arith.addi %mul3A_149, %add3A_150 : i32
    %mul3A_152 = arith.constant 80 : i32
    %mul3A_153 = arith.muli %add3A_151, %mul3A_152 : i32
    %multiple_of3A_154 = tpu.assume_multiple %mul3A_153, 8 : i32
    "tpu.region"() ({
      %run_scoped3A = tpu.sem_alloc : memref<!tpu.dma_semaphore, #tpu.memory_space<semaphore_mem>>
      %dma_start3A_352 = arith.constant 0 : i32
      %dma_start3A_353 = tpu.memref_slice %arg18[%multiple_of3A_154, %dma_start3A_352] : memref<2560x128xf32, #tpu.memory_space<vmem_shared>> -> memref<80x128xf32, #tpu.memory_space<vmem_shared>>
      %dma_start3A_354 = arith.constant 0 : i32
      %dma_start3A_355 = tpu.memref_slice %arg18[%multiple_of3A_154, %dma_start3A_354] : memref<2560x128xf32, #tpu.memory_space<vmem_shared>> -> memref<80x128xf32, #tpu.memory_space<vmem_shared>>
      tpu.enqueue_dma source(%arg14 : memref<80x128xf32, #tpu.memory_space<vmem>>) target(%dma_start3A_355 : memref<80x128xf32, #tpu.memory_space<vmem_shared>>) target_semaphore(%run_scoped3A : memref<!tpu.dma_semaphore, #tpu.memory_space<semaphore_mem>>)
      %dma_wait3A_356 = arith.constant 0 : i32
      %dma_wait3A_357 = tpu.memref_slice %arg18[%multiple_of3A_154, %dma_wait3A_356] : memref<2560x128xf32, #tpu.memory_space<vmem_shared>> -> memref<80x128xf32, #tpu.memory_space<vmem_shared>>
      %dma_wait3A_358 = arith.constant 0 : i32
      %dma_wait3A_359 = tpu.memref_slice %arg18[%multiple_of3A_154, %dma_wait3A_358] : memref<2560x128xf32, #tpu.memory_space<vmem_shared>> -> memref<80x128xf32, #tpu.memory_space<vmem_shared>>
      tpu.wait_dma2 semaphore(%run_scoped3A : memref<!tpu.dma_semaphore, #tpu.memory_space<semaphore_mem>>) src(%arg14 : memref<80x128xf32, #tpu.memory_space<vmem>>) dst(%dma_wait3A_359 : memref<80x128xf32, #tpu.memory_space<vmem_shared>>)
      tpu.yield
    }) : () -> ()
    "tpu.region"() ({
      %run_scoped3A = tpu.sem_alloc : memref<!tpu.dma_semaphore, #tpu.memory_space<semaphore_mem>>
      %dma_start3A_352 = arith.constant 0 : i32
      %dma_start3A_353 = arith.constant 0 : i32
      %dma_start3A_354 = tpu.memref_slice %arg18[%dma_start3A_352, %dma_start3A_353] : memref<2560x128xf32, #tpu.memory_space<vmem_shared>> -> memref<2560x128xf32, #tpu.memory_space<vmem_shared>>
      tpu.enqueue_indirect_dma source(%arg16 : memref<80x128xf32, #tpu.memory_space<vmem>>) target(%dma_start3A_354 : memref<2560x128xf32, #tpu.memory_space<vmem_shared>>) offsets(%arg12 : memref<80xi32, #tpu.memory_space<vmem>>) semaphore(%run_scoped3A : memref<!tpu.dma_semaphore, #tpu.memory_space<semaphore_mem>>) {add = true}
      %dma_wait3A_355 = arith.constant 0 : i32
      %dma_wait3A_356 = arith.constant 0 : i32
      %dma_wait3A_357 = tpu.memref_slice %arg18[%dma_wait3A_355, %dma_wait3A_356] : memref<2560x128xf32, #tpu.memory_space<vmem_shared>> -> memref<2560x128xf32, #tpu.memory_space<vmem_shared>>
      tpu.wait_indirect_dma semaphore(%run_scoped3A : memref<!tpu.dma_semaphore, #tpu.memory_space<semaphore_mem>>) src(%arg16 : memref<80x128xf32, #tpu.memory_space<vmem>>) dst(%dma_wait3A_357 : memref<2560x128xf32, #tpu.memory_space<vmem_shared>>)
      tpu.yield
    }) : () -> ()
    %mul3A_155 = arith.constant 2 : i32
    %mul3A_156 = arith.muli %arg1, %mul3A_155 : i32
    %add3A_157 = arith.constant 0 : i32
    %add3A_158 = arith.addi %mul3A_156, %add3A_157 : i32
    %mul3A_159 = arith.constant 80 : i32
    %mul3A_160 = arith.muli %add3A_158, %mul3A_159 : i32
    %multiple_of3A_161 = tpu.assume_multiple %mul3A_160, 8 : i32
    %add3A_162 = arith.constant 0 : i32
    %add3A_163 = arith.addi %mul3A_2, %add3A_162 : i32
    %add3A_164 = arith.constant 250 : i32
    %add3A_165 = arith.addi %mul3A_2, %add3A_164 : i32
    %sub3A_166 = arith.constant 1 : i32
    %sub3A_167 = arith.subi %add3A_165, %sub3A_166 : i32
    %min3A_168 = arith.minsi %add3A_163, %sub3A_167 : i32
    %mul3A_169 = arith.constant 80 : i32
    %mul3A_170 = arith.muli %min3A_168, %mul3A_169 : i32
    %multiple_of3A_171 = tpu.assume_multiple %mul3A_170, 8 : i32
    %dma_start3A_172 = arith.constant 0 : i32
    %dma_start3A_173 = tpu.memref_slice %arg7[%multiple_of3A_171, %dma_start3A_172] : memref<640000x128xf32, #tpu.memory_space<hbm>> -> memref<80x128xf32, #tpu.memory_space<hbm>>
    %dma_start3A_174 = arith.constant 0 : i32
    %dma_start3A_175 = tpu.memref_slice %arg18[%multiple_of3A_161, %dma_start3A_174] : memref<2560x128xf32, #tpu.memory_space<vmem_shared>> -> memref<80x128xf32, #tpu.memory_space<vmem_shared>>
    tpu.enqueue_dma source(%dma_start3A_175 : memref<80x128xf32, #tpu.memory_space<vmem_shared>>) target(%dma_start3A_173 : memref<80x128xf32, #tpu.memory_space<hbm>>) target_semaphore(%arg27 : memref<!tpu.dma_semaphore, #tpu.memory_space<semaphore_mem>>)
    %add3A_176 = arith.constant 2 : i32
    %add3A_177 = arith.addi %mul3A_2, %add3A_176 : i32
    %add3A_178 = arith.constant 250 : i32
    %add3A_179 = arith.addi %mul3A_2, %add3A_178 : i32
    %sub3A_180 = arith.constant 1 : i32
    %sub3A_181 = arith.subi %add3A_179, %sub3A_180 : i32
    %min3A_182 = arith.minsi %add3A_177, %sub3A_181 : i32
    %mul3A_183 = arith.constant 80 : i32
    %mul3A_184 = arith.muli %min3A_182, %mul3A_183 : i32
    %multiple_of3A_185 = tpu.assume_multiple %mul3A_184, 8 : i32
    %dma_wait3A_186 = tpu.memref_slice %arg4[%multiple_of3A_185] : memref<640000xi32, #tpu.memory_space<hbm>> -> memref<80xi32, #tpu.memory_space<hbm>>
    %dma_wait3A_187 = tpu.memref_slice %arg4[%multiple_of3A_185] : memref<640000xi32, #tpu.memory_space<hbm>> -> memref<80xi32, #tpu.memory_space<hbm>>
    tpu.wait_dma2 semaphore(%arg19 : memref<!tpu.dma_semaphore, #tpu.memory_space<semaphore_mem>>) src(%dma_wait3A_187 : memref<80xi32, #tpu.memory_space<hbm>>) dst(%arg8 : memref<80xi32, #tpu.memory_space<vmem>>)
    %add3A_188 = arith.constant 2 : i32
    %add3A_189 = arith.addi %mul3A_2, %add3A_188 : i32
    %add3A_190 = arith.constant 250 : i32
    %add3A_191 = arith.addi %mul3A_2, %add3A_190 : i32
    %sub3A_192 = arith.constant 1 : i32
    %sub3A_193 = arith.subi %add3A_191, %sub3A_192 : i32
    %min3A_194 = arith.minsi %add3A_189, %sub3A_193 : i32
    %mul3A_195 = arith.constant 80 : i32
    %mul3A_196 = arith.muli %min3A_194, %mul3A_195 : i32
    %multiple_of3A_197 = tpu.assume_multiple %mul3A_196, 8 : i32
    %dma_wait3A_198 = tpu.memref_slice %arg5[%multiple_of3A_197] : memref<640000xi32, #tpu.memory_space<hbm>> -> memref<80xi32, #tpu.memory_space<hbm>>
    %dma_wait3A_199 = tpu.memref_slice %arg5[%multiple_of3A_197] : memref<640000xi32, #tpu.memory_space<hbm>> -> memref<80xi32, #tpu.memory_space<hbm>>
    tpu.wait_dma2 semaphore(%arg21 : memref<!tpu.dma_semaphore, #tpu.memory_space<semaphore_mem>>) src(%dma_wait3A_199 : memref<80xi32, #tpu.memory_space<hbm>>) dst(%arg10 : memref<80xi32, #tpu.memory_space<vmem>>)
    %dma_start3A_200 = arith.constant 0 : i32
    %dma_start3A_201 = arith.constant 0 : i32
    %dma_start3A_202 = tpu.memref_slice %arg2[%dma_start3A_200, %dma_start3A_201] : memref<20000x128xf32, #tpu.memory_space<hbm>> -> memref<20000x128xf32, #tpu.memory_space<hbm>>
    tpu.enqueue_indirect_dma source(%dma_start3A_202 : memref<20000x128xf32, #tpu.memory_space<hbm>>) target(%arg14 : memref<80x128xf32, #tpu.memory_space<vmem>>) offsets(%arg8 : memref<80xi32, #tpu.memory_space<vmem>>) semaphore(%arg23 : memref<!tpu.dma_semaphore, #tpu.memory_space<semaphore_mem>>)
    %dma_start3A_203 = arith.constant 0 : i32
    %dma_start3A_204 = arith.constant 0 : i32
    %dma_start3A_205 = tpu.memref_slice %arg3[%dma_start3A_203, %dma_start3A_204] : memref<20000x128xf32, #tpu.memory_space<hbm>> -> memref<20000x128xf32, #tpu.memory_space<hbm>>
    tpu.enqueue_indirect_dma source(%dma_start3A_205 : memref<20000x128xf32, #tpu.memory_space<hbm>>) target(%arg16 : memref<80x128xf32, #tpu.memory_space<vmem>>) offsets(%arg10 : memref<80xi32, #tpu.memory_space<vmem>>) semaphore(%arg25 : memref<!tpu.dma_semaphore, #tpu.memory_space<semaphore_mem>>)
    %dma_wait3A_206 = arith.constant 0 : i32
    %dma_wait3A_207 = arith.constant 0 : i32
    %dma_wait3A_208 = tpu.memref_slice %arg2[%dma_wait3A_206, %dma_wait3A_207] : memref<20000x128xf32, #tpu.memory_space<hbm>> -> memref<20000x128xf32, #tpu.memory_space<hbm>>
    tpu.wait_indirect_dma semaphore(%arg24 : memref<!tpu.dma_semaphore, #tpu.memory_space<semaphore_mem>>) src(%dma_wait3A_208 : memref<20000x128xf32, #tpu.memory_space<hbm>>) dst(%arg15 : memref<80x128xf32, #tpu.memory_space<vmem>>)
    %dma_wait3A_209 = arith.constant 0 : i32
    %dma_wait3A_210 = arith.constant 0 : i32
    %dma_wait3A_211 = tpu.memref_slice %arg3[%dma_wait3A_209, %dma_wait3A_210] : memref<20000x128xf32, #tpu.memory_space<hbm>> -> memref<20000x128xf32, #tpu.memory_space<hbm>>
    tpu.wait_indirect_dma semaphore(%arg26 : memref<!tpu.dma_semaphore, #tpu.memory_space<semaphore_mem>>) src(%dma_wait3A_211 : memref<20000x128xf32, #tpu.memory_space<hbm>>) dst(%arg17 : memref<80x128xf32, #tpu.memory_space<vmem>>)
    %add3A_212 = arith.constant 3 : i32
    %add3A_213 = arith.addi %mul3A_2, %add3A_212 : i32
    %add3A_214 = arith.constant 250 : i32
    %add3A_215 = arith.addi %mul3A_2, %add3A_214 : i32
    %sub3A_216 = arith.constant 1 : i32
    %sub3A_217 = arith.subi %add3A_215, %sub3A_216 : i32
    %min3A_218 = arith.minsi %add3A_213, %sub3A_217 : i32
    %mul3A_219 = arith.constant 80 : i32
    %mul3A_220 = arith.muli %min3A_218, %mul3A_219 : i32
    %multiple_of3A_221 = tpu.assume_multiple %mul3A_220, 8 : i32
    %dma_start3A_222 = tpu.memref_slice %arg4[%multiple_of3A_221] : memref<640000xi32, #tpu.memory_space<hbm>> -> memref<80xi32, #tpu.memory_space<hbm>>
    %dma_start3A_223 = tpu.memref_slice %arg4[%multiple_of3A_221] : memref<640000xi32, #tpu.memory_space<hbm>> -> memref<80xi32, #tpu.memory_space<hbm>>
    tpu.enqueue_dma source(%dma_start3A_223 : memref<80xi32, #tpu.memory_space<hbm>>) target(%arg9 : memref<80xi32, #tpu.memory_space<vmem>>) target_semaphore(%arg20 : memref<!tpu.dma_semaphore, #tpu.memory_space<semaphore_mem>>)
    %add3A_224 = arith.constant 3 : i32
    %add3A_225 = arith.addi %mul3A_2, %add3A_224 : i32
    %add3A_226 = arith.constant 250 : i32
    %add3A_227 = arith.addi %mul3A_2, %add3A_226 : i32
    %sub3A_228 = arith.constant 1 : i32
    %sub3A_229 = arith.subi %add3A_227, %sub3A_228 : i32
    %min3A_230 = arith.minsi %add3A_225, %sub3A_229 : i32
    %mul3A_231 = arith.constant 80 : i32
    %mul3A_232 = arith.muli %min3A_230, %mul3A_231 : i32
    %multiple_of3A_233 = tpu.assume_multiple %mul3A_232, 8 : i32
    %dma_start3A_234 = tpu.memref_slice %arg5[%multiple_of3A_233] : memref<640000xi32, #tpu.memory_space<hbm>> -> memref<80xi32, #tpu.memory_space<hbm>>
    %dma_start3A_235 = tpu.memref_slice %arg5[%multiple_of3A_233] : memref<640000xi32, #tpu.memory_space<hbm>> -> memref<80xi32, #tpu.memory_space<hbm>>
    tpu.enqueue_dma source(%dma_start3A_235 : memref<80xi32, #tpu.memory_space<hbm>>) target(%arg11 : memref<80xi32, #tpu.memory_space<vmem>>) target_semaphore(%arg22 : memref<!tpu.dma_semaphore, #tpu.memory_space<semaphore_mem>>)
    %mul3A_236 = arith.constant 2 : i32
    %mul3A_237 = arith.muli %arg1, %mul3A_236 : i32
    %add3A_238 = arith.constant 1 : i32
    %add3A_239 = arith.addi %mul3A_237, %add3A_238 : i32
    %mul3A_240 = arith.constant 80 : i32
    %mul3A_241 = arith.muli %add3A_239, %mul3A_240 : i32
    %multiple_of3A_242 = tpu.assume_multiple %mul3A_241, 8 : i32
    "tpu.region"() ({
      %run_scoped3A = tpu.sem_alloc : memref<!tpu.dma_semaphore, #tpu.memory_space<semaphore_mem>>
      %dma_start3A_352 = arith.constant 0 : i32
      %dma_start3A_353 = tpu.memref_slice %arg18[%multiple_of3A_242, %dma_start3A_352] : memref<2560x128xf32, #tpu.memory_space<vmem_shared>> -> memref<80x128xf32, #tpu.memory_space<vmem_shared>>
      %dma_start3A_354 = arith.constant 0 : i32
      %dma_start3A_355 = tpu.memref_slice %arg18[%multiple_of3A_242, %dma_start3A_354] : memref<2560x128xf32, #tpu.memory_space<vmem_shared>> -> memref<80x128xf32, #tpu.memory_space<vmem_shared>>
      tpu.enqueue_dma source(%arg15 : memref<80x128xf32, #tpu.memory_space<vmem>>) target(%dma_start3A_355 : memref<80x128xf32, #tpu.memory_space<vmem_shared>>) target_semaphore(%run_scoped3A : memref<!tpu.dma_semaphore, #tpu.memory_space<semaphore_mem>>)
      %dma_wait3A_356 = arith.constant 0 : i32
      %dma_wait3A_357 = tpu.memref_slice %arg18[%multiple_of3A_242, %dma_wait3A_356] : memref<2560x128xf32, #tpu.memory_space<vmem_shared>> -> memref<80x128xf32, #tpu.memory_space<vmem_shared>>
      %dma_wait3A_358 = arith.constant 0 : i32
      %dma_wait3A_359 = tpu.memref_slice %arg18[%multiple_of3A_242, %dma_wait3A_358] : memref<2560x128xf32, #tpu.memory_space<vmem_shared>> -> memref<80x128xf32, #tpu.memory_space<vmem_shared>>
      tpu.wait_dma2 semaphore(%run_scoped3A : memref<!tpu.dma_semaphore, #tpu.memory_space<semaphore_mem>>) src(%arg15 : memref<80x128xf32, #tpu.memory_space<vmem>>) dst(%dma_wait3A_359 : memref<80x128xf32, #tpu.memory_space<vmem_shared>>)
      tpu.yield
    }) : () -> ()
    "tpu.region"() ({
      %run_scoped3A = tpu.sem_alloc : memref<!tpu.dma_semaphore, #tpu.memory_space<semaphore_mem>>
      %dma_start3A_352 = arith.constant 0 : i32
      %dma_start3A_353 = arith.constant 0 : i32
      %dma_start3A_354 = tpu.memref_slice %arg18[%dma_start3A_352, %dma_start3A_353] : memref<2560x128xf32, #tpu.memory_space<vmem_shared>> -> memref<2560x128xf32, #tpu.memory_space<vmem_shared>>
      tpu.enqueue_indirect_dma source(%arg17 : memref<80x128xf32, #tpu.memory_space<vmem>>) target(%dma_start3A_354 : memref<2560x128xf32, #tpu.memory_space<vmem_shared>>) offsets(%arg13 : memref<80xi32, #tpu.memory_space<vmem>>) semaphore(%run_scoped3A : memref<!tpu.dma_semaphore, #tpu.memory_space<semaphore_mem>>) {add = true}
      %dma_wait3A_355 = arith.constant 0 : i32
      %dma_wait3A_356 = arith.constant 0 : i32
      %dma_wait3A_357 = tpu.memref_slice %arg18[%dma_wait3A_355, %dma_wait3A_356] : memref<2560x128xf32, #tpu.memory_space<vmem_shared>> -> memref<2560x128xf32, #tpu.memory_space<vmem_shared>>
      tpu.wait_indirect_dma semaphore(%run_scoped3A : memref<!tpu.dma_semaphore, #tpu.memory_space<semaphore_mem>>) src(%arg17 : memref<80x128xf32, #tpu.memory_space<vmem>>) dst(%dma_wait3A_357 : memref<2560x128xf32, #tpu.memory_space<vmem_shared>>)
      tpu.yield
    }) : () -> ()
    %mul3A_243 = arith.constant 2 : i32
    %mul3A_244 = arith.muli %arg1, %mul3A_243 : i32
    %add3A_245 = arith.constant 1 : i32
    %add3A_246 = arith.addi %mul3A_244, %add3A_245 : i32
    %mul3A_247 = arith.constant 80 : i32
    %mul3A_248 = arith.muli %add3A_246, %mul3A_247 : i32
    %multiple_of3A_249 = tpu.assume_multiple %mul3A_248, 8 : i32
    %add3A_250 = arith.constant 1 : i32
    %add3A_251 = arith.addi %mul3A_2, %add3A_250 : i32
    %add3A_252 = arith.constant 250 : i32
    %add3A_253 = arith.addi %mul3A_2, %add3A_252 : i32
    %sub3A_254 = arith.constant 1 : i32
    %sub3A_255 = arith.subi %add3A_253, %sub3A_254 : i32
    %min3A_256 = arith.minsi %add3A_251, %sub3A_255 : i32
    %mul3A_257 = arith.constant 80 : i32
    %mul3A_258 = arith.muli %min3A_256, %mul3A_257 : i32
    %multiple_of3A_259 = tpu.assume_multiple %mul3A_258, 8 : i32
    %dma_start3A_260 = arith.constant 0 : i32
    %dma_start3A_261 = tpu.memref_slice %arg7[%multiple_of3A_259, %dma_start3A_260] : memref<640000x128xf32, #tpu.memory_space<hbm>> -> memref<80x128xf32, #tpu.memory_space<hbm>>
    %dma_start3A_262 = arith.constant 0 : i32
    %dma_start3A_263 = tpu.memref_slice %arg18[%multiple_of3A_249, %dma_start3A_262] : memref<2560x128xf32, #tpu.memory_space<vmem_shared>> -> memref<80x128xf32, #tpu.memory_space<vmem_shared>>
    tpu.enqueue_dma source(%dma_start3A_263 : memref<80x128xf32, #tpu.memory_space<vmem_shared>>) target(%dma_start3A_261 : memref<80x128xf32, #tpu.memory_space<hbm>>) target_semaphore(%arg28 : memref<!tpu.dma_semaphore, #tpu.memory_space<semaphore_mem>>)
    %add3A_264 = arith.constant 3 : i32
    %add3A_265 = arith.addi %mul3A_2, %add3A_264 : i32
    %add3A_266 = arith.constant 250 : i32
    %add3A_267 = arith.addi %mul3A_2, %add3A_266 : i32
    %sub3A_268 = arith.constant 1 : i32
    %sub3A_269 = arith.subi %add3A_267, %sub3A_268 : i32
    %min3A_270 = arith.minsi %add3A_265, %sub3A_269 : i32
    %mul3A_271 = arith.constant 80 : i32
    %mul3A_272 = arith.muli %min3A_270, %mul3A_271 : i32
    %multiple_of3A_273 = tpu.assume_multiple %mul3A_272, 8 : i32
    %dma_wait3A_274 = tpu.memref_slice %arg4[%multiple_of3A_273] : memref<640000xi32, #tpu.memory_space<hbm>> -> memref<80xi32, #tpu.memory_space<hbm>>
    %dma_wait3A_275 = tpu.memref_slice %arg4[%multiple_of3A_273] : memref<640000xi32, #tpu.memory_space<hbm>> -> memref<80xi32, #tpu.memory_space<hbm>>
    tpu.wait_dma2 semaphore(%arg20 : memref<!tpu.dma_semaphore, #tpu.memory_space<semaphore_mem>>) src(%dma_wait3A_275 : memref<80xi32, #tpu.memory_space<hbm>>) dst(%arg9 : memref<80xi32, #tpu.memory_space<vmem>>)
    %add3A_276 = arith.constant 3 : i32
    %add3A_277 = arith.addi %mul3A_2, %add3A_276 : i32
    %add3A_278 = arith.constant 250 : i32
    %add3A_279 = arith.addi %mul3A_2, %add3A_278 : i32
    %sub3A_280 = arith.constant 1 : i32
    %sub3A_281 = arith.subi %add3A_279, %sub3A_280 : i32
    %min3A_282 = arith.minsi %add3A_277, %sub3A_281 : i32
    %mul3A_283 = arith.constant 80 : i32
    %mul3A_284 = arith.muli %min3A_282, %mul3A_283 : i32
    %multiple_of3A_285 = tpu.assume_multiple %mul3A_284, 8 : i32
    %dma_wait3A_286 = tpu.memref_slice %arg5[%multiple_of3A_285] : memref<640000xi32, #tpu.memory_space<hbm>> -> memref<80xi32, #tpu.memory_space<hbm>>
    %dma_wait3A_287 = tpu.memref_slice %arg5[%multiple_of3A_285] : memref<640000xi32, #tpu.memory_space<hbm>> -> memref<80xi32, #tpu.memory_space<hbm>>
    tpu.wait_dma2 semaphore(%arg22 : memref<!tpu.dma_semaphore, #tpu.memory_space<semaphore_mem>>) src(%dma_wait3A_287 : memref<80xi32, #tpu.memory_space<hbm>>) dst(%arg11 : memref<80xi32, #tpu.memory_space<vmem>>)
    %dma_start3A_288 = arith.constant 0 : i32
    %dma_start3A_289 = arith.constant 0 : i32
    %dma_start3A_290 = tpu.memref_slice %arg2[%dma_start3A_288, %dma_start3A_289] : memref<20000x128xf32, #tpu.memory_space<hbm>> -> memref<20000x128xf32, #tpu.memory_space<hbm>>
    tpu.enqueue_indirect_dma source(%dma_start3A_290 : memref<20000x128xf32, #tpu.memory_space<hbm>>) target(%arg15 : memref<80x128xf32, #tpu.memory_space<vmem>>) offsets(%arg9 : memref<80xi32, #tpu.memory_space<vmem>>) semaphore(%arg24 : memref<!tpu.dma_semaphore, #tpu.memory_space<semaphore_mem>>)
    %dma_start3A_291 = arith.constant 0 : i32
    %dma_start3A_292 = arith.constant 0 : i32
    %dma_start3A_293 = tpu.memref_slice %arg3[%dma_start3A_291, %dma_start3A_292] : memref<20000x128xf32, #tpu.memory_space<hbm>> -> memref<20000x128xf32, #tpu.memory_space<hbm>>
    tpu.enqueue_indirect_dma source(%dma_start3A_293 : memref<20000x128xf32, #tpu.memory_space<hbm>>) target(%arg17 : memref<80x128xf32, #tpu.memory_space<vmem>>) offsets(%arg11 : memref<80xi32, #tpu.memory_space<vmem>>) semaphore(%arg26 : memref<!tpu.dma_semaphore, #tpu.memory_space<semaphore_mem>>)
    %scan3A = arith.constant 0 : i32
    %scan3A_294 = arith.constant 124 : i32
    %scan3A_295 = arith.addi %scan3A, %scan3A_294 : i32
    %scan3A_296 = arith.constant 1 : i32
    scf.for %scan3A_352 = %scan3A to %scan3A_295 step %scan3A_296  : i32 {
      %mul3A_353 = arith.constant 2 : i32
      %mul3A_354 = arith.muli %scan3A_352, %mul3A_353 : i32
      %add3A_355 = arith.constant 2 : i32
      %add3A_356 = arith.addi %add3A_355, %mul3A_354 : i32
      %dma_wait3A_357 = arith.constant 0 : i32
      %dma_wait3A_358 = arith.constant 0 : i32
      %dma_wait3A_359 = tpu.memref_slice %arg2[%dma_wait3A_357, %dma_wait3A_358] : memref<20000x128xf32, #tpu.memory_space<hbm>> -> memref<20000x128xf32, #tpu.memory_space<hbm>>
      tpu.wait_indirect_dma semaphore(%arg23 : memref<!tpu.dma_semaphore, #tpu.memory_space<semaphore_mem>>) src(%dma_wait3A_359 : memref<20000x128xf32, #tpu.memory_space<hbm>>) dst(%arg14 : memref<80x128xf32, #tpu.memory_space<vmem>>)
      %dma_wait3A_360 = arith.constant 0 : i32
      %dma_wait3A_361 = arith.constant 0 : i32
      %dma_wait3A_362 = tpu.memref_slice %arg3[%dma_wait3A_360, %dma_wait3A_361] : memref<20000x128xf32, #tpu.memory_space<hbm>> -> memref<20000x128xf32, #tpu.memory_space<hbm>>
      tpu.wait_indirect_dma semaphore(%arg25 : memref<!tpu.dma_semaphore, #tpu.memory_space<semaphore_mem>>) src(%dma_wait3A_362 : memref<20000x128xf32, #tpu.memory_space<hbm>>) dst(%arg16 : memref<80x128xf32, #tpu.memory_space<vmem>>)
      %add3A_363 = arith.constant 2 : i32
      %add3A_364 = arith.addi %add3A_356, %add3A_363 : i32
      %add3A_365 = arith.addi %mul3A_2, %add3A_364 : i32
      %add3A_366 = arith.constant 250 : i32
      %add3A_367 = arith.addi %mul3A_2, %add3A_366 : i32
      %sub3A_368 = arith.constant 1 : i32
      %sub3A_369 = arith.subi %add3A_367, %sub3A_368 : i32
      %min3A_370 = arith.minsi %add3A_365, %sub3A_369 : i32
      %mul3A_371 = arith.constant 80 : i32
      %mul3A_372 = arith.muli %min3A_370, %mul3A_371 : i32
      %multiple_of3A_373 = tpu.assume_multiple %mul3A_372, 8 : i32
      %dma_start3A_374 = tpu.memref_slice %arg4[%multiple_of3A_373] : memref<640000xi32, #tpu.memory_space<hbm>> -> memref<80xi32, #tpu.memory_space<hbm>>
      %dma_start3A_375 = tpu.memref_slice %arg4[%multiple_of3A_373] : memref<640000xi32, #tpu.memory_space<hbm>> -> memref<80xi32, #tpu.memory_space<hbm>>
      tpu.enqueue_dma source(%dma_start3A_375 : memref<80xi32, #tpu.memory_space<hbm>>) target(%arg8 : memref<80xi32, #tpu.memory_space<vmem>>) target_semaphore(%arg19 : memref<!tpu.dma_semaphore, #tpu.memory_space<semaphore_mem>>)
      %add3A_376 = arith.addi %mul3A_2, %add3A_364 : i32
      %add3A_377 = arith.constant 250 : i32
      %add3A_378 = arith.addi %mul3A_2, %add3A_377 : i32
      %sub3A_379 = arith.constant 1 : i32
      %sub3A_380 = arith.subi %add3A_378, %sub3A_379 : i32
      %min3A_381 = arith.minsi %add3A_376, %sub3A_380 : i32
      %mul3A_382 = arith.constant 80 : i32
      %mul3A_383 = arith.muli %min3A_381, %mul3A_382 : i32
      %multiple_of3A_384 = tpu.assume_multiple %mul3A_383, 8 : i32
      %dma_start3A_385 = tpu.memref_slice %arg5[%multiple_of3A_384] : memref<640000xi32, #tpu.memory_space<hbm>> -> memref<80xi32, #tpu.memory_space<hbm>>
      %dma_start3A_386 = tpu.memref_slice %arg5[%multiple_of3A_384] : memref<640000xi32, #tpu.memory_space<hbm>> -> memref<80xi32, #tpu.memory_space<hbm>>
      tpu.enqueue_dma source(%dma_start3A_386 : memref<80xi32, #tpu.memory_space<hbm>>) target(%arg10 : memref<80xi32, #tpu.memory_space<vmem>>) target_semaphore(%arg21 : memref<!tpu.dma_semaphore, #tpu.memory_space<semaphore_mem>>)
      %mul3A_387 = arith.constant 2 : i32
      %mul3A_388 = arith.muli %arg1, %mul3A_387 : i32
      %add3A_389 = arith.constant 0 : i32
      %add3A_390 = arith.addi %mul3A_388, %add3A_389 : i32
      %mul3A_391 = arith.constant 80 : i32
      %mul3A_392 = arith.muli %add3A_390, %mul3A_391 : i32
      %multiple_of3A_393 = tpu.assume_multiple %mul3A_392, 8 : i32
      %add3A_394 = arith.addi %mul3A_2, %add3A_356 : i32
      %add3A_395 = arith.constant 250 : i32
      %add3A_396 = arith.addi %mul3A_2, %add3A_395 : i32
      %sub3A_397 = arith.constant 1 : i32
      %sub3A_398 = arith.subi %add3A_396, %sub3A_397 : i32
      %min3A_399 = arith.minsi %add3A_394, %sub3A_398 : i32
      %mul3A_400 = arith.constant 80 : i32
      %mul3A_401 = arith.muli %min3A_399, %mul3A_400 : i32
      %multiple_of3A_402 = tpu.assume_multiple %mul3A_401, 8 : i32
      %dma_wait3A_403 = arith.constant 0 : i32
      %dma_wait3A_404 = tpu.memref_slice %arg7[%multiple_of3A_402, %dma_wait3A_403] : memref<640000x128xf32, #tpu.memory_space<hbm>> -> memref<80x128xf32, #tpu.memory_space<hbm>>
      %dma_wait3A_405 = arith.constant 0 : i32
      %dma_wait3A_406 = tpu.memref_slice %arg18[%multiple_of3A_393, %dma_wait3A_405] : memref<2560x128xf32, #tpu.memory_space<vmem_shared>> -> memref<80x128xf32, #tpu.memory_space<vmem_shared>>
      tpu.wait_dma2 semaphore(%arg27 : memref<!tpu.dma_semaphore, #tpu.memory_space<semaphore_mem>>) src(%dma_wait3A_406 : memref<80x128xf32, #tpu.memory_space<vmem_shared>>) dst(%dma_wait3A_404 : memref<80x128xf32, #tpu.memory_space<hbm>>)
      %mul3A_407 = arith.constant 2 : i32
      %mul3A_408 = arith.muli %arg1, %mul3A_407 : i32
      %add3A_409 = arith.constant 0 : i32
      %add3A_410 = arith.addi %mul3A_408, %add3A_409 : i32
      %mul3A_411 = arith.constant 80 : i32
      %mul3A_412 = arith.muli %add3A_410, %mul3A_411 : i32
      %multiple_of3A_413 = tpu.assume_multiple %mul3A_412, 8 : i32
      "tpu.region"() ({
        %run_scoped3A = tpu.sem_alloc : memref<!tpu.dma_semaphore, #tpu.memory_space<semaphore_mem>>
        %dma_start3A_573 = arith.constant 0 : i32
        %dma_start3A_574 = tpu.memref_slice %arg18[%multiple_of3A_413, %dma_start3A_573] : memref<2560x128xf32, #tpu.memory_space<vmem_shared>> -> memref<80x128xf32, #tpu.memory_space<vmem_shared>>
        %dma_start3A_575 = arith.constant 0 : i32
        %dma_start3A_576 = tpu.memref_slice %arg18[%multiple_of3A_413, %dma_start3A_575] : memref<2560x128xf32, #tpu.memory_space<vmem_shared>> -> memref<80x128xf32, #tpu.memory_space<vmem_shared>>
        tpu.enqueue_dma source(%arg14 : memref<80x128xf32, #tpu.memory_space<vmem>>) target(%dma_start3A_576 : memref<80x128xf32, #tpu.memory_space<vmem_shared>>) target_semaphore(%run_scoped3A : memref<!tpu.dma_semaphore, #tpu.memory_space<semaphore_mem>>)
        %dma_wait3A_577 = arith.constant 0 : i32
        %dma_wait3A_578 = tpu.memref_slice %arg18[%multiple_of3A_413, %dma_wait3A_577] : memref<2560x128xf32, #tpu.memory_space<vmem_shared>> -> memref<80x128xf32, #tpu.memory_space<vmem_shared>>
        %dma_wait3A_579 = arith.constant 0 : i32
        %dma_wait3A_580 = tpu.memref_slice %arg18[%multiple_of3A_413, %dma_wait3A_579] : memref<2560x128xf32, #tpu.memory_space<vmem_shared>> -> memref<80x128xf32, #tpu.memory_space<vmem_shared>>
        tpu.wait_dma2 semaphore(%run_scoped3A : memref<!tpu.dma_semaphore, #tpu.memory_space<semaphore_mem>>) src(%arg14 : memref<80x128xf32, #tpu.memory_space<vmem>>) dst(%dma_wait3A_580 : memref<80x128xf32, #tpu.memory_space<vmem_shared>>)
        tpu.yield
      }) : () -> ()
      "tpu.region"() ({
        %run_scoped3A = tpu.sem_alloc : memref<!tpu.dma_semaphore, #tpu.memory_space<semaphore_mem>>
        %dma_start3A_573 = arith.constant 0 : i32
        %dma_start3A_574 = arith.constant 0 : i32
        %dma_start3A_575 = tpu.memref_slice %arg18[%dma_start3A_573, %dma_start3A_574] : memref<2560x128xf32, #tpu.memory_space<vmem_shared>> -> memref<2560x128xf32, #tpu.memory_space<vmem_shared>>
        tpu.enqueue_indirect_dma source(%arg16 : memref<80x128xf32, #tpu.memory_space<vmem>>) target(%dma_start3A_575 : memref<2560x128xf32, #tpu.memory_space<vmem_shared>>) offsets(%arg12 : memref<80xi32, #tpu.memory_space<vmem>>) semaphore(%run_scoped3A : memref<!tpu.dma_semaphore, #tpu.memory_space<semaphore_mem>>) {add = true}
        %dma_wait3A_576 = arith.constant 0 : i32
        %dma_wait3A_577 = arith.constant 0 : i32
        %dma_wait3A_578 = tpu.memref_slice %arg18[%dma_wait3A_576, %dma_wait3A_577] : memref<2560x128xf32, #tpu.memory_space<vmem_shared>> -> memref<2560x128xf32, #tpu.memory_space<vmem_shared>>
        tpu.wait_indirect_dma semaphore(%run_scoped3A : memref<!tpu.dma_semaphore, #tpu.memory_space<semaphore_mem>>) src(%arg16 : memref<80x128xf32, #tpu.memory_space<vmem>>) dst(%dma_wait3A_578 : memref<2560x128xf32, #tpu.memory_space<vmem_shared>>)
        tpu.yield
      }) : () -> ()
      %mul3A_414 = arith.constant 2 : i32
      %mul3A_415 = arith.muli %arg1, %mul3A_414 : i32
      %add3A_416 = arith.constant 0 : i32
      %add3A_417 = arith.addi %mul3A_415, %add3A_416 : i32
      %mul3A_418 = arith.constant 80 : i32
      %mul3A_419 = arith.muli %add3A_417, %mul3A_418 : i32
      %multiple_of3A_420 = tpu.assume_multiple %mul3A_419, 8 : i32
      %add3A_421 = arith.addi %mul3A_2, %add3A_356 : i32
      %add3A_422 = arith.constant 250 : i32
      %add3A_423 = arith.addi %mul3A_2, %add3A_422 : i32
      %sub3A_424 = arith.constant 1 : i32
      %sub3A_425 = arith.subi %add3A_423, %sub3A_424 : i32
      %min3A_426 = arith.minsi %add3A_421, %sub3A_425 : i32
      %mul3A_427 = arith.constant 80 : i32
      %mul3A_428 = arith.muli %min3A_426, %mul3A_427 : i32
      %multiple_of3A_429 = tpu.assume_multiple %mul3A_428, 8 : i32
      %dma_start3A_430 = arith.constant 0 : i32
      %dma_start3A_431 = tpu.memref_slice %arg7[%multiple_of3A_429, %dma_start3A_430] : memref<640000x128xf32, #tpu.memory_space<hbm>> -> memref<80x128xf32, #tpu.memory_space<hbm>>
      %dma_start3A_432 = arith.constant 0 : i32
      %dma_start3A_433 = tpu.memref_slice %arg18[%multiple_of3A_420, %dma_start3A_432] : memref<2560x128xf32, #tpu.memory_space<vmem_shared>> -> memref<80x128xf32, #tpu.memory_space<vmem_shared>>
      tpu.enqueue_dma source(%dma_start3A_433 : memref<80x128xf32, #tpu.memory_space<vmem_shared>>) target(%dma_start3A_431 : memref<80x128xf32, #tpu.memory_space<hbm>>) target_semaphore(%arg27 : memref<!tpu.dma_semaphore, #tpu.memory_space<semaphore_mem>>)
      %add3A_434 = arith.constant 2 : i32
      %add3A_435 = arith.addi %add3A_356, %add3A_434 : i32
      %add3A_436 = arith.addi %mul3A_2, %add3A_435 : i32
      %add3A_437 = arith.constant 250 : i32
      %add3A_438 = arith.addi %mul3A_2, %add3A_437 : i32
      %sub3A_439 = arith.constant 1 : i32
      %sub3A_440 = arith.subi %add3A_438, %sub3A_439 : i32
      %min3A_441 = arith.minsi %add3A_436, %sub3A_440 : i32
      %mul3A_442 = arith.constant 80 : i32
      %mul3A_443 = arith.muli %min3A_441, %mul3A_442 : i32
      %multiple_of3A_444 = tpu.assume_multiple %mul3A_443, 8 : i32
      %dma_wait3A_445 = tpu.memref_slice %arg4[%multiple_of3A_444] : memref<640000xi32, #tpu.memory_space<hbm>> -> memref<80xi32, #tpu.memory_space<hbm>>
      %dma_wait3A_446 = tpu.memref_slice %arg4[%multiple_of3A_444] : memref<640000xi32, #tpu.memory_space<hbm>> -> memref<80xi32, #tpu.memory_space<hbm>>
      tpu.wait_dma2 semaphore(%arg19 : memref<!tpu.dma_semaphore, #tpu.memory_space<semaphore_mem>>) src(%dma_wait3A_446 : memref<80xi32, #tpu.memory_space<hbm>>) dst(%arg8 : memref<80xi32, #tpu.memory_space<vmem>>)
      %add3A_447 = arith.addi %mul3A_2, %add3A_435 : i32
      %add3A_448 = arith.constant 250 : i32
      %add3A_449 = arith.addi %mul3A_2, %add3A_448 : i32
      %sub3A_450 = arith.constant 1 : i32
      %sub3A_451 = arith.subi %add3A_449, %sub3A_450 : i32
      %min3A_452 = arith.minsi %add3A_447, %sub3A_451 : i32
      %mul3A_453 = arith.constant 80 : i32
      %mul3A_454 = arith.muli %min3A_452, %mul3A_453 : i32
      %multiple_of3A_455 = tpu.assume_multiple %mul3A_454, 8 : i32
      %dma_wait3A_456 = tpu.memref_slice %arg5[%multiple_of3A_455] : memref<640000xi32, #tpu.memory_space<hbm>> -> memref<80xi32, #tpu.memory_space<hbm>>
      %dma_wait3A_457 = tpu.memref_slice %arg5[%multiple_of3A_455] : memref<640000xi32, #tpu.memory_space<hbm>> -> memref<80xi32, #tpu.memory_space<hbm>>
      tpu.wait_dma2 semaphore(%arg21 : memref<!tpu.dma_semaphore, #tpu.memory_space<semaphore_mem>>) src(%dma_wait3A_457 : memref<80xi32, #tpu.memory_space<hbm>>) dst(%arg10 : memref<80xi32, #tpu.memory_space<vmem>>)
      %dma_start3A_458 = arith.constant 0 : i32
      %dma_start3A_459 = arith.constant 0 : i32
      %dma_start3A_460 = tpu.memref_slice %arg2[%dma_start3A_458, %dma_start3A_459] : memref<20000x128xf32, #tpu.memory_space<hbm>> -> memref<20000x128xf32, #tpu.memory_space<hbm>>
      tpu.enqueue_indirect_dma source(%dma_start3A_460 : memref<20000x128xf32, #tpu.memory_space<hbm>>) target(%arg14 : memref<80x128xf32, #tpu.memory_space<vmem>>) offsets(%arg8 : memref<80xi32, #tpu.memory_space<vmem>>) semaphore(%arg23 : memref<!tpu.dma_semaphore, #tpu.memory_space<semaphore_mem>>)
      %dma_start3A_461 = arith.constant 0 : i32
      %dma_start3A_462 = arith.constant 0 : i32
      %dma_start3A_463 = tpu.memref_slice %arg3[%dma_start3A_461, %dma_start3A_462] : memref<20000x128xf32, #tpu.memory_space<hbm>> -> memref<20000x128xf32, #tpu.memory_space<hbm>>
      tpu.enqueue_indirect_dma source(%dma_start3A_463 : memref<20000x128xf32, #tpu.memory_space<hbm>>) target(%arg16 : memref<80x128xf32, #tpu.memory_space<vmem>>) offsets(%arg10 : memref<80xi32, #tpu.memory_space<vmem>>) semaphore(%arg25 : memref<!tpu.dma_semaphore, #tpu.memory_space<semaphore_mem>>)
      %add3A_464 = arith.constant 1 : i32
      %add3A_465 = arith.addi %add3A_356, %add3A_464 : i32
      %dma_wait3A_466 = arith.constant 0 : i32
      %dma_wait3A_467 = arith.constant 0 : i32
      %dma_wait3A_468 = tpu.memref_slice %arg2[%dma_wait3A_466, %dma_wait3A_467] : memref<20000x128xf32, #tpu.memory_space<hbm>> -> memref<20000x128xf32, #tpu.memory_space<hbm>>
      tpu.wait_indirect_dma semaphore(%arg24 : memref<!tpu.dma_semaphore, #tpu.memory_space<semaphore_mem>>) src(%dma_wait3A_468 : memref<20000x128xf32, #tpu.memory_space<hbm>>) dst(%arg15 : memref<80x128xf32, #tpu.memory_space<vmem>>)
      %dma_wait3A_469 = arith.constant 0 : i32
      %dma_wait3A_470 = arith.constant 0 : i32
      %dma_wait3A_471 = tpu.memref_slice %arg3[%dma_wait3A_469, %dma_wait3A_470] : memref<20000x128xf32, #tpu.memory_space<hbm>> -> memref<20000x128xf32, #tpu.memory_space<hbm>>
      tpu.wait_indirect_dma semaphore(%arg26 : memref<!tpu.dma_semaphore, #tpu.memory_space<semaphore_mem>>) src(%dma_wait3A_471 : memref<20000x128xf32, #tpu.memory_space<hbm>>) dst(%arg17 : memref<80x128xf32, #tpu.memory_space<vmem>>)
      %add3A_472 = arith.constant 2 : i32
      %add3A_473 = arith.addi %add3A_465, %add3A_472 : i32
      %add3A_474 = arith.addi %mul3A_2, %add3A_473 : i32
      %add3A_475 = arith.constant 250 : i32
      %add3A_476 = arith.addi %mul3A_2, %add3A_475 : i32
      %sub3A_477 = arith.constant 1 : i32
      %sub3A_478 = arith.subi %add3A_476, %sub3A_477 : i32
      %min3A_479 = arith.minsi %add3A_474, %sub3A_478 : i32
      %mul3A_480 = arith.constant 80 : i32
      %mul3A_481 = arith.muli %min3A_479, %mul3A_480 : i32
      %multiple_of3A_482 = tpu.assume_multiple %mul3A_481, 8 : i32
      %dma_start3A_483 = tpu.memref_slice %arg4[%multiple_of3A_482] : memref<640000xi32, #tpu.memory_space<hbm>> -> memref<80xi32, #tpu.memory_space<hbm>>
      %dma_start3A_484 = tpu.memref_slice %arg4[%multiple_of3A_482] : memref<640000xi32, #tpu.memory_space<hbm>> -> memref<80xi32, #tpu.memory_space<hbm>>
      tpu.enqueue_dma source(%dma_start3A_484 : memref<80xi32, #tpu.memory_space<hbm>>) target(%arg9 : memref<80xi32, #tpu.memory_space<vmem>>) target_semaphore(%arg20 : memref<!tpu.dma_semaphore, #tpu.memory_space<semaphore_mem>>)
      %add3A_485 = arith.addi %mul3A_2, %add3A_473 : i32
      %add3A_486 = arith.constant 250 : i32
      %add3A_487 = arith.addi %mul3A_2, %add3A_486 : i32
      %sub3A_488 = arith.constant 1 : i32
      %sub3A_489 = arith.subi %add3A_487, %sub3A_488 : i32
      %min3A_490 = arith.minsi %add3A_485, %sub3A_489 : i32
      %mul3A_491 = arith.constant 80 : i32
      %mul3A_492 = arith.muli %min3A_490, %mul3A_491 : i32
      %multiple_of3A_493 = tpu.assume_multiple %mul3A_492, 8 : i32
      %dma_start3A_494 = tpu.memref_slice %arg5[%multiple_of3A_493] : memref<640000xi32, #tpu.memory_space<hbm>> -> memref<80xi32, #tpu.memory_space<hbm>>
      %dma_start3A_495 = tpu.memref_slice %arg5[%multiple_of3A_493] : memref<640000xi32, #tpu.memory_space<hbm>> -> memref<80xi32, #tpu.memory_space<hbm>>
      tpu.enqueue_dma source(%dma_start3A_495 : memref<80xi32, #tpu.memory_space<hbm>>) target(%arg11 : memref<80xi32, #tpu.memory_space<vmem>>) target_semaphore(%arg22 : memref<!tpu.dma_semaphore, #tpu.memory_space<semaphore_mem>>)
      %mul3A_496 = arith.constant 2 : i32
      %mul3A_497 = arith.muli %arg1, %mul3A_496 : i32
      %add3A_498 = arith.constant 1 : i32
      %add3A_499 = arith.addi %mul3A_497, %add3A_498 : i32
      %mul3A_500 = arith.constant 80 : i32
      %mul3A_501 = arith.muli %add3A_499, %mul3A_500 : i32
      %multiple_of3A_502 = tpu.assume_multiple %mul3A_501, 8 : i32
      %add3A_503 = arith.addi %mul3A_2, %add3A_465 : i32
      %add3A_504 = arith.constant 250 : i32
      %add3A_505 = arith.addi %mul3A_2, %add3A_504 : i32
      %sub3A_506 = arith.constant 1 : i32
      %sub3A_507 = arith.subi %add3A_505, %sub3A_506 : i32
      %min3A_508 = arith.minsi %add3A_503, %sub3A_507 : i32
      %mul3A_509 = arith.constant 80 : i32
      %mul3A_510 = arith.muli %min3A_508, %mul3A_509 : i32
      %multiple_of3A_511 = tpu.assume_multiple %mul3A_510, 8 : i32
      %dma_wait3A_512 = arith.constant 0 : i32
      %dma_wait3A_513 = tpu.memref_slice %arg7[%multiple_of3A_511, %dma_wait3A_512] : memref<640000x128xf32, #tpu.memory_space<hbm>> -> memref<80x128xf32, #tpu.memory_space<hbm>>
      %dma_wait3A_514 = arith.constant 0 : i32
      %dma_wait3A_515 = tpu.memref_slice %arg18[%multiple_of3A_502, %dma_wait3A_514] : memref<2560x128xf32, #tpu.memory_space<vmem_shared>> -> memref<80x128xf32, #tpu.memory_space<vmem_shared>>
      tpu.wait_dma2 semaphore(%arg28 : memref<!tpu.dma_semaphore, #tpu.memory_space<semaphore_mem>>) src(%dma_wait3A_515 : memref<80x128xf32, #tpu.memory_space<vmem_shared>>) dst(%dma_wait3A_513 : memref<80x128xf32, #tpu.memory_space<hbm>>)
      %mul3A_516 = arith.constant 2 : i32
      %mul3A_517 = arith.muli %arg1, %mul3A_516 : i32
      %add3A_518 = arith.constant 1 : i32
      %add3A_519 = arith.addi %mul3A_517, %add3A_518 : i32
      %mul3A_520 = arith.constant 80 : i32
      %mul3A_521 = arith.muli %add3A_519, %mul3A_520 : i32
      %multiple_of3A_522 = tpu.assume_multiple %mul3A_521, 8 : i32
      "tpu.region"() ({
        %run_scoped3A = tpu.sem_alloc : memref<!tpu.dma_semaphore, #tpu.memory_space<semaphore_mem>>
        %dma_start3A_573 = arith.constant 0 : i32
        %dma_start3A_574 = tpu.memref_slice %arg18[%multiple_of3A_522, %dma_start3A_573] : memref<2560x128xf32, #tpu.memory_space<vmem_shared>> -> memref<80x128xf32, #tpu.memory_space<vmem_shared>>
        %dma_start3A_575 = arith.constant 0 : i32
        %dma_start3A_576 = tpu.memref_slice %arg18[%multiple_of3A_522, %dma_start3A_575] : memref<2560x128xf32, #tpu.memory_space<vmem_shared>> -> memref<80x128xf32, #tpu.memory_space<vmem_shared>>
        tpu.enqueue_dma source(%arg15 : memref<80x128xf32, #tpu.memory_space<vmem>>) target(%dma_start3A_576 : memref<80x128xf32, #tpu.memory_space<vmem_shared>>) target_semaphore(%run_scoped3A : memref<!tpu.dma_semaphore, #tpu.memory_space<semaphore_mem>>)
        %dma_wait3A_577 = arith.constant 0 : i32
        %dma_wait3A_578 = tpu.memref_slice %arg18[%multiple_of3A_522, %dma_wait3A_577] : memref<2560x128xf32, #tpu.memory_space<vmem_shared>> -> memref<80x128xf32, #tpu.memory_space<vmem_shared>>
        %dma_wait3A_579 = arith.constant 0 : i32
        %dma_wait3A_580 = tpu.memref_slice %arg18[%multiple_of3A_522, %dma_wait3A_579] : memref<2560x128xf32, #tpu.memory_space<vmem_shared>> -> memref<80x128xf32, #tpu.memory_space<vmem_shared>>
        tpu.wait_dma2 semaphore(%run_scoped3A : memref<!tpu.dma_semaphore, #tpu.memory_space<semaphore_mem>>) src(%arg15 : memref<80x128xf32, #tpu.memory_space<vmem>>) dst(%dma_wait3A_580 : memref<80x128xf32, #tpu.memory_space<vmem_shared>>)
        tpu.yield
      }) : () -> ()
      "tpu.region"() ({
        %run_scoped3A = tpu.sem_alloc : memref<!tpu.dma_semaphore, #tpu.memory_space<semaphore_mem>>
        %dma_start3A_573 = arith.constant 0 : i32
        %dma_start3A_574 = arith.constant 0 : i32
        %dma_start3A_575 = tpu.memref_slice %arg18[%dma_start3A_573, %dma_start3A_574] : memref<2560x128xf32, #tpu.memory_space<vmem_shared>> -> memref<2560x128xf32, #tpu.memory_space<vmem_shared>>
        tpu.enqueue_indirect_dma source(%arg17 : memref<80x128xf32, #tpu.memory_space<vmem>>) target(%dma_start3A_575 : memref<2560x128xf32, #tpu.memory_space<vmem_shared>>) offsets(%arg13 : memref<80xi32, #tpu.memory_space<vmem>>) semaphore(%run_scoped3A : memref<!tpu.dma_semaphore, #tpu.memory_space<semaphore_mem>>) {add = true}
        %dma_wait3A_576 = arith.constant 0 : i32
        %dma_wait3A_577 = arith.constant 0 : i32
        %dma_wait3A_578 = tpu.memref_slice %arg18[%dma_wait3A_576, %dma_wait3A_577] : memref<2560x128xf32, #tpu.memory_space<vmem_shared>> -> memref<2560x128xf32, #tpu.memory_space<vmem_shared>>
        tpu.wait_indirect_dma semaphore(%run_scoped3A : memref<!tpu.dma_semaphore, #tpu.memory_space<semaphore_mem>>) src(%arg17 : memref<80x128xf32, #tpu.memory_space<vmem>>) dst(%dma_wait3A_578 : memref<2560x128xf32, #tpu.memory_space<vmem_shared>>)
        tpu.yield
      }) : () -> ()
      %mul3A_523 = arith.constant 2 : i32
      %mul3A_524 = arith.muli %arg1, %mul3A_523 : i32
      %add3A_525 = arith.constant 1 : i32
      %add3A_526 = arith.addi %mul3A_524, %add3A_525 : i32
      %mul3A_527 = arith.constant 80 : i32
      %mul3A_528 = arith.muli %add3A_526, %mul3A_527 : i32
      %multiple_of3A_529 = tpu.assume_multiple %mul3A_528, 8 : i32
      %add3A_530 = arith.addi %mul3A_2, %add3A_465 : i32
      %add3A_531 = arith.constant 250 : i32
      %add3A_532 = arith.addi %mul3A_2, %add3A_531 : i32
      %sub3A_533 = arith.constant 1 : i32
      %sub3A_534 = arith.subi %add3A_532, %sub3A_533 : i32
      %min3A_535 = arith.minsi %add3A_530, %sub3A_534 : i32
      %mul3A_536 = arith.constant 80 : i32
      %mul3A_537 = arith.muli %min3A_535, %mul3A_536 : i32
      %multiple_of3A_538 = tpu.assume_multiple %mul3A_537, 8 : i32
      %dma_start3A_539 = arith.constant 0 : i32
      %dma_start3A_540 = tpu.memref_slice %arg7[%multiple_of3A_538, %dma_start3A_539] : memref<640000x128xf32, #tpu.memory_space<hbm>> -> memref<80x128xf32, #tpu.memory_space<hbm>>
      %dma_start3A_541 = arith.constant 0 : i32
      %dma_start3A_542 = tpu.memref_slice %arg18[%multiple_of3A_529, %dma_start3A_541] : memref<2560x128xf32, #tpu.memory_space<vmem_shared>> -> memref<80x128xf32, #tpu.memory_space<vmem_shared>>
      tpu.enqueue_dma source(%dma_start3A_542 : memref<80x128xf32, #tpu.memory_space<vmem_shared>>) target(%dma_start3A_540 : memref<80x128xf32, #tpu.memory_space<hbm>>) target_semaphore(%arg28 : memref<!tpu.dma_semaphore, #tpu.memory_space<semaphore_mem>>)
      %add3A_543 = arith.constant 2 : i32
      %add3A_544 = arith.addi %add3A_465, %add3A_543 : i32
      %add3A_545 = arith.addi %mul3A_2, %add3A_544 : i32
      %add3A_546 = arith.constant 250 : i32
      %add3A_547 = arith.addi %mul3A_2, %add3A_546 : i32
      %sub3A_548 = arith.constant 1 : i32
      %sub3A_549 = arith.subi %add3A_547, %sub3A_548 : i32
      %min3A_550 = arith.minsi %add3A_545, %sub3A_549 : i32
      %mul3A_551 = arith.constant 80 : i32
      %mul3A_552 = arith.muli %min3A_550, %mul3A_551 : i32
      %multiple_of3A_553 = tpu.assume_multiple %mul3A_552, 8 : i32
      %dma_wait3A_554 = tpu.memref_slice %arg4[%multiple_of3A_553] : memref<640000xi32, #tpu.memory_space<hbm>> -> memref<80xi32, #tpu.memory_space<hbm>>
      %dma_wait3A_555 = tpu.memref_slice %arg4[%multiple_of3A_553] : memref<640000xi32, #tpu.memory_space<hbm>> -> memref<80xi32, #tpu.memory_space<hbm>>
      tpu.wait_dma2 semaphore(%arg20 : memref<!tpu.dma_semaphore, #tpu.memory_space<semaphore_mem>>) src(%dma_wait3A_555 : memref<80xi32, #tpu.memory_space<hbm>>) dst(%arg9 : memref<80xi32, #tpu.memory_space<vmem>>)
      %add3A_556 = arith.addi %mul3A_2, %add3A_544 : i32
      %add3A_557 = arith.constant 250 : i32
      %add3A_558 = arith.addi %mul3A_2, %add3A_557 : i32
      %sub3A_559 = arith.constant 1 : i32
      %sub3A_560 = arith.subi %add3A_558, %sub3A_559 : i32
      %min3A_561 = arith.minsi %add3A_556, %sub3A_560 : i32
      %mul3A_562 = arith.constant 80 : i32
      %mul3A_563 = arith.muli %min3A_561, %mul3A_562 : i32
      %multiple_of3A_564 = tpu.assume_multiple %mul3A_563, 8 : i32
      %dma_wait3A_565 = tpu.memref_slice %arg5[%multiple_of3A_564] : memref<640000xi32, #tpu.memory_space<hbm>> -> memref<80xi32, #tpu.memory_space<hbm>>
      %dma_wait3A_566 = tpu.memref_slice %arg5[%multiple_of3A_564] : memref<640000xi32, #tpu.memory_space<hbm>> -> memref<80xi32, #tpu.memory_space<hbm>>
      tpu.wait_dma2 semaphore(%arg22 : memref<!tpu.dma_semaphore, #tpu.memory_space<semaphore_mem>>) src(%dma_wait3A_566 : memref<80xi32, #tpu.memory_space<hbm>>) dst(%arg11 : memref<80xi32, #tpu.memory_space<vmem>>)
      %dma_start3A_567 = arith.constant 0 : i32
      %dma_start3A_568 = arith.constant 0 : i32
      %dma_start3A_569 = tpu.memref_slice %arg2[%dma_start3A_567, %dma_start3A_568] : memref<20000x128xf32, #tpu.memory_space<hbm>> -> memref<20000x128xf32, #tpu.memory_space<hbm>>
      tpu.enqueue_indirect_dma source(%dma_start3A_569 : memref<20000x128xf32, #tpu.memory_space<hbm>>) target(%arg15 : memref<80x128xf32, #tpu.memory_space<vmem>>) offsets(%arg9 : memref<80xi32, #tpu.memory_space<vmem>>) semaphore(%arg24 : memref<!tpu.dma_semaphore, #tpu.memory_space<semaphore_mem>>)
      %dma_start3A_570 = arith.constant 0 : i32
      %dma_start3A_571 = arith.constant 0 : i32
      %dma_start3A_572 = tpu.memref_slice %arg3[%dma_start3A_570, %dma_start3A_571] : memref<20000x128xf32, #tpu.memory_space<hbm>> -> memref<20000x128xf32, #tpu.memory_space<hbm>>
      tpu.enqueue_indirect_dma source(%dma_start3A_572 : memref<20000x128xf32, #tpu.memory_space<hbm>>) target(%arg17 : memref<80x128xf32, #tpu.memory_space<vmem>>) offsets(%arg11 : memref<80xi32, #tpu.memory_space<vmem>>) semaphore(%arg26 : memref<!tpu.dma_semaphore, #tpu.memory_space<semaphore_mem>>)
    }
    %scan3A_297 = arith.constant 124 : i32
    %dma_wait3A_298 = arith.constant 0 : i32
    %dma_wait3A_299 = arith.constant 0 : i32
    %dma_wait3A_300 = tpu.memref_slice %arg2[%dma_wait3A_298, %dma_wait3A_299] : memref<20000x128xf32, #tpu.memory_space<hbm>> -> memref<20000x128xf32, #tpu.memory_space<hbm>>
    tpu.wait_indirect_dma semaphore(%arg23 : memref<!tpu.dma_semaphore, #tpu.memory_space<semaphore_mem>>) src(%dma_wait3A_300 : memref<20000x128xf32, #tpu.memory_space<hbm>>) dst(%arg14 : memref<80x128xf32, #tpu.memory_space<vmem>>)
    %dma_wait3A_301 = arith.constant 0 : i32
    %dma_wait3A_302 = arith.constant 0 : i32
    %dma_wait3A_303 = tpu.memref_slice %arg3[%dma_wait3A_301, %dma_wait3A_302] : memref<20000x128xf32, #tpu.memory_space<hbm>> -> memref<20000x128xf32, #tpu.memory_space<hbm>>
    tpu.wait_indirect_dma semaphore(%arg25 : memref<!tpu.dma_semaphore, #tpu.memory_space<semaphore_mem>>) src(%dma_wait3A_303 : memref<20000x128xf32, #tpu.memory_space<hbm>>) dst(%arg16 : memref<80x128xf32, #tpu.memory_space<vmem>>)
    %dma_wait3A_304 = arith.constant 0 : i32
    %dma_wait3A_305 = arith.constant 0 : i32
    %dma_wait3A_306 = tpu.memref_slice %arg2[%dma_wait3A_304, %dma_wait3A_305] : memref<20000x128xf32, #tpu.memory_space<hbm>> -> memref<20000x128xf32, #tpu.memory_space<hbm>>
    tpu.wait_indirect_dma semaphore(%arg24 : memref<!tpu.dma_semaphore, #tpu.memory_space<semaphore_mem>>) src(%dma_wait3A_306 : memref<20000x128xf32, #tpu.memory_space<hbm>>) dst(%arg15 : memref<80x128xf32, #tpu.memory_space<vmem>>)
    %dma_wait3A_307 = arith.constant 0 : i32
    %dma_wait3A_308 = arith.constant 0 : i32
    %dma_wait3A_309 = tpu.memref_slice %arg3[%dma_wait3A_307, %dma_wait3A_308] : memref<20000x128xf32, #tpu.memory_space<hbm>> -> memref<20000x128xf32, #tpu.memory_space<hbm>>
    tpu.wait_indirect_dma semaphore(%arg26 : memref<!tpu.dma_semaphore, #tpu.memory_space<semaphore_mem>>) src(%dma_wait3A_309 : memref<20000x128xf32, #tpu.memory_space<hbm>>) dst(%arg17 : memref<80x128xf32, #tpu.memory_space<vmem>>)
    %mul3A_310 = arith.constant 2 : i32
    %mul3A_311 = arith.muli %arg1, %mul3A_310 : i32
    %add3A_312 = arith.constant 0 : i32
    %add3A_313 = arith.addi %mul3A_311, %add3A_312 : i32
    %mul3A_314 = arith.constant 80 : i32
    %mul3A_315 = arith.muli %add3A_313, %mul3A_314 : i32
    %multiple_of3A_316 = tpu.assume_multiple %mul3A_315, 8 : i32
    %add3A_317 = arith.constant 248 : i32
    %add3A_318 = arith.addi %mul3A_2, %add3A_317 : i32
    %add3A_319 = arith.constant 250 : i32
    %add3A_320 = arith.addi %mul3A_2, %add3A_319 : i32
    %sub3A_321 = arith.constant 1 : i32
    %sub3A_322 = arith.subi %add3A_320, %sub3A_321 : i32
    %min3A_323 = arith.minsi %add3A_318, %sub3A_322 : i32
    %mul3A_324 = arith.constant 80 : i32
    %mul3A_325 = arith.muli %min3A_323, %mul3A_324 : i32
    %multiple_of3A_326 = tpu.assume_multiple %mul3A_325, 8 : i32
    %dma_wait3A_327 = arith.constant 0 : i32
    %dma_wait3A_328 = tpu.memref_slice %arg7[%multiple_of3A_326, %dma_wait3A_327] : memref<640000x128xf32, #tpu.memory_space<hbm>> -> memref<80x128xf32, #tpu.memory_space<hbm>>
    %dma_wait3A_329 = arith.constant 0 : i32
    %dma_wait3A_330 = tpu.memref_slice %arg18[%multiple_of3A_316, %dma_wait3A_329] : memref<2560x128xf32, #tpu.memory_space<vmem_shared>> -> memref<80x128xf32, #tpu.memory_space<vmem_shared>>
    tpu.wait_dma2 semaphore(%arg27 : memref<!tpu.dma_semaphore, #tpu.memory_space<semaphore_mem>>) src(%dma_wait3A_330 : memref<80x128xf32, #tpu.memory_space<vmem_shared>>) dst(%dma_wait3A_328 : memref<80x128xf32, #tpu.memory_space<hbm>>)
    %mul3A_331 = arith.constant 2 : i32
    %mul3A_332 = arith.muli %arg1, %mul3A_331 : i32
    %add3A_333 = arith.constant 1 : i32
    %add3A_334 = arith.addi %mul3A_332, %add3A_333 : i32
    %mul3A_335 = arith.constant 80 : i32
    %mul3A_336 = arith.muli %add3A_334, %mul3A_335 : i32
    %multiple_of3A_337 = tpu.assume_multiple %mul3A_336, 8 : i32
    %add3A_338 = arith.constant 249 : i32
    %add3A_339 = arith.addi %mul3A_2, %add3A_338 : i32
    %add3A_340 = arith.constant 250 : i32
    %add3A_341 = arith.addi %mul3A_2, %add3A_340 : i32
    %sub3A_342 = arith.constant 1 : i32
    %sub3A_343 = arith.subi %add3A_341, %sub3A_342 : i32
    %min3A_344 = arith.minsi %add3A_339, %sub3A_343 : i32
    %mul3A_345 = arith.constant 80 : i32
    %mul3A_346 = arith.muli %min3A_344, %mul3A_345 : i32
    %multiple_of3A_347 = tpu.assume_multiple %mul3A_346, 8 : i32
    %dma_wait3A_348 = arith.constant 0 : i32
    %dma_wait3A_349 = tpu.memref_slice %arg7[%multiple_of3A_347, %dma_wait3A_348] : memref<640000x128xf32, #tpu.memory_space<hbm>> -> memref<80x128xf32, #tpu.memory_space<hbm>>
    %dma_wait3A_350 = arith.constant 0 : i32
    %dma_wait3A_351 = tpu.memref_slice %arg18[%multiple_of3A_337, %dma_wait3A_350] : memref<2560x128xf32, #tpu.memory_space<vmem_shared>> -> memref<80x128xf32, #tpu.memory_space<vmem_shared>>
    tpu.wait_dma2 semaphore(%arg28 : memref<!tpu.dma_semaphore, #tpu.memory_space<semaphore_mem>>) src(%dma_wait3A_351 : memref<80x128xf32, #tpu.memory_space<vmem_shared>>) dst(%dma_wait3A_349 : memref<80x128xf32, #tpu.memory_space<hbm>>)
    return
  }
}

#map = affine_map<(d0, d1) -> (0, 0)>
#map1 = affine_map<(d0, d1) -> (0)>
module attributes {stable_mosaic.version = 14 : i64} {
  func.func @_sc_scatter(%arg0: i32, %arg1: i32, %arg2: memref<20000x128xf32, #tpu.memory_space<hbm>>, %arg3: memref<320000x256xf32, #tpu.memory_space<hbm>>, %arg4: memref<640000xi32, #tpu.memory_space<hbm>>, %arg5: memref<320000xi32, #tpu.memory_space<hbm>>, %arg6: memref<1000x128xf32, #tpu.memory_space<hbm>>, %arg7: memref<20000x128xf32, #tpu.memory_space<hbm>>, %arg8: memref<80xi32, #tpu.memory_space<vmem>>, %arg9: memref<80xi32, #tpu.memory_space<vmem>>, %arg10: memref<80xi32, #tpu.memory_space<vmem>>, %arg11: memref<80xi32, #tpu.memory_space<vmem>>, %arg12: memref<80x128xf32, #tpu.memory_space<vmem>>, %arg13: memref<80x128xf32, #tpu.memory_space<vmem>>, %arg14: memref<80x128xf32, #tpu.memory_space<vmem>>, %arg15: memref<80x128xf32, #tpu.memory_space<vmem>>, %arg16: memref<10000x128xf32, #tpu.memory_space<vmem_shared>>, %arg17: memref<!tpu.dma_semaphore, #tpu.memory_space<semaphore_mem>>, %arg18: memref<!tpu.dma_semaphore, #tpu.memory_space<semaphore_mem>>, %arg19: memref<!tpu.dma_semaphore, #tpu.memory_space<semaphore_mem>>, %arg20: memref<!tpu.dma_semaphore, #tpu.memory_space<semaphore_mem>>, %arg21: memref<!tpu.dma_semaphore, #tpu.memory_space<semaphore_mem>>, %arg22: memref<!tpu.dma_semaphore, #tpu.memory_space<semaphore_mem>>, %arg23: memref<!tpu.dma_semaphore, #tpu.memory_space<semaphore_mem>>, %arg24: memref<!tpu.dma_semaphore, #tpu.memory_space<semaphore_mem>>) attributes {dimension_semantics = [#tpu.dimension_semantics<core_parallel>, #tpu.dimension_semantics<subcore_parallel>], iteration_bounds = array<i64: 2, 16>, scalar_prefetch = 0 : i64, scratch_operands = 17 : i64, tpu.core_type = #tpu.core_type<sc_vector_subcore>, window_params = [{transform_indices = #map}, {transform_indices = #map}, {transform_indices = #map1}, {transform_indices = #map1}, {transform_indices = #map}, {transform_indices = #map}]} {
    %lt3A = arith.constant 10 : i32
    %lt3A_0 = arith.cmpi slt, %arg1, %lt3A : i32
    %convert_element_type3A = arith.extui %lt3A_0 : i1 to i32
    %cond3A = arith.constant 0 : i32
    %cond3A_1 = arith.cmpi ne, %convert_element_type3A, %cond3A : i32
    scf.if %cond3A_1 {
      %mul3A_180 = arith.constant 1000 : i32
      %mul3A_181 = arith.muli %arg1, %mul3A_180 : i32
      "tpu.region"() ({
        %run_scoped3A = tpu.sem_alloc : memref<!tpu.dma_semaphore, #tpu.memory_space<semaphore_mem>>
        %dma_start3A_182 = arith.constant 0 : i32
        %dma_start3A_183 = tpu.memref_slice %arg16[%mul3A_181, %dma_start3A_182] : memref<10000x128xf32, #tpu.memory_space<vmem_shared>> -> memref<1000x128xf32, #tpu.memory_space<vmem_shared>>
        tpu.enqueue_dma source(%arg6 : memref<1000x128xf32, #tpu.memory_space<hbm>>) target(%dma_start3A_183 : memref<1000x128xf32, #tpu.memory_space<vmem_shared>>) target_semaphore(%run_scoped3A : memref<!tpu.dma_semaphore, #tpu.memory_space<semaphore_mem>>)
        %dma_wait3A_184 = arith.constant 0 : i32
        %dma_wait3A_185 = tpu.memref_slice %arg16[%mul3A_181, %dma_wait3A_184] : memref<10000x128xf32, #tpu.memory_space<vmem_shared>> -> memref<1000x128xf32, #tpu.memory_space<vmem_shared>>
        tpu.wait_dma2 semaphore(%run_scoped3A : memref<!tpu.dma_semaphore, #tpu.memory_space<semaphore_mem>>) src(%arg6 : memref<1000x128xf32, #tpu.memory_space<hbm>>) dst(%dma_wait3A_185 : memref<1000x128xf32, #tpu.memory_space<vmem_shared>>)
        tpu.yield
      }) : () -> ()
    } else {
    }
    %mul3A = arith.constant 16 : i32
    %mul3A_2 = arith.muli %arg0, %mul3A : i32
    %add3A = arith.addi %mul3A_2, %arg1 : i32
    %mul3A_3 = arith.constant 250 : i32
    %mul3A_4 = arith.muli %add3A, %mul3A_3 : i32
    %mul3A_5 = arith.constant 250 : i32
    %mul3A_6 = arith.muli %arg1, %mul3A_5 : i32
    %add3A_7 = arith.constant 0 : i32
    %add3A_8 = arith.addi %mul3A_4, %add3A_7 : i32
    %add3A_9 = arith.constant 250 : i32
    %add3A_10 = arith.addi %mul3A_4, %add3A_9 : i32
    %sub3A = arith.constant 1 : i32
    %sub3A_11 = arith.subi %add3A_10, %sub3A : i32
    %min3A = arith.minsi %add3A_8, %sub3A_11 : i32
    %mul3A_12 = arith.constant 80 : i32
    %mul3A_13 = arith.muli %min3A, %mul3A_12 : i32
    %multiple_of3A = tpu.assume_multiple %mul3A_13, 8 : i32
    %dma_start3A = tpu.memref_slice %arg4[%multiple_of3A] : memref<640000xi32, #tpu.memory_space<hbm>> -> memref<80xi32, #tpu.memory_space<hbm>>
    %dma_start3A_14 = tpu.memref_slice %arg4[%multiple_of3A] : memref<640000xi32, #tpu.memory_space<hbm>> -> memref<80xi32, #tpu.memory_space<hbm>>
    tpu.enqueue_dma source(%dma_start3A_14 : memref<80xi32, #tpu.memory_space<hbm>>) target(%arg8 : memref<80xi32, #tpu.memory_space<vmem>>) target_semaphore(%arg17 : memref<!tpu.dma_semaphore, #tpu.memory_space<semaphore_mem>>)
    %add3A_15 = arith.constant 1 : i32
    %add3A_16 = arith.addi %mul3A_4, %add3A_15 : i32
    %add3A_17 = arith.constant 250 : i32
    %add3A_18 = arith.addi %mul3A_4, %add3A_17 : i32
    %sub3A_19 = arith.constant 1 : i32
    %sub3A_20 = arith.subi %add3A_18, %sub3A_19 : i32
    %min3A_21 = arith.minsi %add3A_16, %sub3A_20 : i32
    %mul3A_22 = arith.constant 80 : i32
    %mul3A_23 = arith.muli %min3A_21, %mul3A_22 : i32
    %multiple_of3A_24 = tpu.assume_multiple %mul3A_23, 8 : i32
    %dma_start3A_25 = tpu.memref_slice %arg4[%multiple_of3A_24] : memref<640000xi32, #tpu.memory_space<hbm>> -> memref<80xi32, #tpu.memory_space<hbm>>
    %dma_start3A_26 = tpu.memref_slice %arg4[%multiple_of3A_24] : memref<640000xi32, #tpu.memory_space<hbm>> -> memref<80xi32, #tpu.memory_space<hbm>>
    tpu.enqueue_dma source(%dma_start3A_26 : memref<80xi32, #tpu.memory_space<hbm>>) target(%arg9 : memref<80xi32, #tpu.memory_space<vmem>>) target_semaphore(%arg18 : memref<!tpu.dma_semaphore, #tpu.memory_space<semaphore_mem>>)
    %add3A_27 = arith.constant 0 : i32
    %add3A_28 = arith.addi %mul3A_6, %add3A_27 : i32
    %add3A_29 = arith.constant 250 : i32
    %add3A_30 = arith.addi %mul3A_6, %add3A_29 : i32
    %sub3A_31 = arith.constant 1 : i32
    %sub3A_32 = arith.subi %add3A_30, %sub3A_31 : i32
    %min3A_33 = arith.minsi %add3A_28, %sub3A_32 : i32
    %mul3A_34 = arith.constant 80 : i32
    %mul3A_35 = arith.muli %min3A_33, %mul3A_34 : i32
    %multiple_of3A_36 = tpu.assume_multiple %mul3A_35, 8 : i32
    %dma_start3A_37 = tpu.memref_slice %arg5[%multiple_of3A_36] : memref<320000xi32, #tpu.memory_space<hbm>> -> memref<80xi32, #tpu.memory_space<hbm>>
    %dma_start3A_38 = tpu.memref_slice %arg5[%multiple_of3A_36] : memref<320000xi32, #tpu.memory_space<hbm>> -> memref<80xi32, #tpu.memory_space<hbm>>
    tpu.enqueue_dma source(%dma_start3A_38 : memref<80xi32, #tpu.memory_space<hbm>>) target(%arg10 : memref<80xi32, #tpu.memory_space<vmem>>) target_semaphore(%arg19 : memref<!tpu.dma_semaphore, #tpu.memory_space<semaphore_mem>>)
    %add3A_39 = arith.constant 1 : i32
    %add3A_40 = arith.addi %mul3A_6, %add3A_39 : i32
    %add3A_41 = arith.constant 250 : i32
    %add3A_42 = arith.addi %mul3A_6, %add3A_41 : i32
    %sub3A_43 = arith.constant 1 : i32
    %sub3A_44 = arith.subi %add3A_42, %sub3A_43 : i32
    %min3A_45 = arith.minsi %add3A_40, %sub3A_44 : i32
    %mul3A_46 = arith.constant 80 : i32
    %mul3A_47 = arith.muli %min3A_45, %mul3A_46 : i32
    %multiple_of3A_48 = tpu.assume_multiple %mul3A_47, 8 : i32
    %dma_start3A_49 = tpu.memref_slice %arg5[%multiple_of3A_48] : memref<320000xi32, #tpu.memory_space<hbm>> -> memref<80xi32, #tpu.memory_space<hbm>>
    %dma_start3A_50 = tpu.memref_slice %arg5[%multiple_of3A_48] : memref<320000xi32, #tpu.memory_space<hbm>> -> memref<80xi32, #tpu.memory_space<hbm>>
    tpu.enqueue_dma source(%dma_start3A_50 : memref<80xi32, #tpu.memory_space<hbm>>) target(%arg11 : memref<80xi32, #tpu.memory_space<vmem>>) target_semaphore(%arg20 : memref<!tpu.dma_semaphore, #tpu.memory_space<semaphore_mem>>)
    %add3A_51 = arith.constant 0 : i32
    %add3A_52 = arith.addi %mul3A_4, %add3A_51 : i32
    %add3A_53 = arith.constant 250 : i32
    %add3A_54 = arith.addi %mul3A_4, %add3A_53 : i32
    %sub3A_55 = arith.constant 1 : i32
    %sub3A_56 = arith.subi %add3A_54, %sub3A_55 : i32
    %min3A_57 = arith.minsi %add3A_52, %sub3A_56 : i32
    %mul3A_58 = arith.constant 80 : i32
    %mul3A_59 = arith.muli %min3A_57, %mul3A_58 : i32
    %multiple_of3A_60 = tpu.assume_multiple %mul3A_59, 8 : i32
    %dma_wait3A = tpu.memref_slice %arg4[%multiple_of3A_60] : memref<640000xi32, #tpu.memory_space<hbm>> -> memref<80xi32, #tpu.memory_space<hbm>>
    %dma_wait3A_61 = tpu.memref_slice %arg4[%multiple_of3A_60] : memref<640000xi32, #tpu.memory_space<hbm>> -> memref<80xi32, #tpu.memory_space<hbm>>
    tpu.wait_dma2 semaphore(%arg17 : memref<!tpu.dma_semaphore, #tpu.memory_space<semaphore_mem>>) src(%dma_wait3A_61 : memref<80xi32, #tpu.memory_space<hbm>>) dst(%arg8 : memref<80xi32, #tpu.memory_space<vmem>>)
    %dma_start3A_62 = arith.constant 0 : i32
    %dma_start3A_63 = arith.constant 0 : i32
    %dma_start3A_64 = tpu.memref_slice %arg2[%dma_start3A_62, %dma_start3A_63] : memref<20000x128xf32, #tpu.memory_space<hbm>> -> memref<20000x128xf32, #tpu.memory_space<hbm>>
    tpu.enqueue_indirect_dma source(%dma_start3A_64 : memref<20000x128xf32, #tpu.memory_space<hbm>>) target(%arg12 : memref<80x128xf32, #tpu.memory_space<vmem>>) offsets(%arg8 : memref<80xi32, #tpu.memory_space<vmem>>) semaphore(%arg21 : memref<!tpu.dma_semaphore, #tpu.memory_space<semaphore_mem>>)
    %add3A_65 = arith.constant 0 : i32
    %add3A_66 = arith.addi %mul3A_6, %add3A_65 : i32
    %add3A_67 = arith.constant 250 : i32
    %add3A_68 = arith.addi %mul3A_6, %add3A_67 : i32
    %sub3A_69 = arith.constant 1 : i32
    %sub3A_70 = arith.subi %add3A_68, %sub3A_69 : i32
    %min3A_71 = arith.minsi %add3A_66, %sub3A_70 : i32
    %mul3A_72 = arith.constant 80 : i32
    %mul3A_73 = arith.muli %min3A_71, %mul3A_72 : i32
    %multiple_of3A_74 = tpu.assume_multiple %mul3A_73, 8 : i32
    %mul3A_75 = arith.constant 128 : i32
    %mul3A_76 = arith.muli %arg0, %mul3A_75 : i32
    %multiple_of3A_77 = tpu.assume_multiple %mul3A_76, 128 : i32
    %dma_start3A_78 = tpu.memref_slice %arg3[%multiple_of3A_74, %multiple_of3A_77] : memref<320000x256xf32, #tpu.memory_space<hbm>> -> memref<80x128xf32, #tpu.memory_space<hbm>>
    %dma_start3A_79 = tpu.memref_slice %arg3[%multiple_of3A_74, %multiple_of3A_77] : memref<320000x256xf32, #tpu.memory_space<hbm>> -> memref<80x128xf32, #tpu.memory_space<hbm>>
    tpu.enqueue_dma source(%dma_start3A_79 : memref<80x128xf32, #tpu.memory_space<hbm>>) target(%arg14 : memref<80x128xf32, #tpu.memory_space<vmem>>) target_semaphore(%arg23 : memref<!tpu.dma_semaphore, #tpu.memory_space<semaphore_mem>>)
    %add3A_80 = arith.constant 1 : i32
    %add3A_81 = arith.addi %mul3A_4, %add3A_80 : i32
    %add3A_82 = arith.constant 250 : i32
    %add3A_83 = arith.addi %mul3A_4, %add3A_82 : i32
    %sub3A_84 = arith.constant 1 : i32
    %sub3A_85 = arith.subi %add3A_83, %sub3A_84 : i32
    %min3A_86 = arith.minsi %add3A_81, %sub3A_85 : i32
    %mul3A_87 = arith.constant 80 : i32
    %mul3A_88 = arith.muli %min3A_86, %mul3A_87 : i32
    %multiple_of3A_89 = tpu.assume_multiple %mul3A_88, 8 : i32
    %dma_wait3A_90 = tpu.memref_slice %arg4[%multiple_of3A_89] : memref<640000xi32, #tpu.memory_space<hbm>> -> memref<80xi32, #tpu.memory_space<hbm>>
    %dma_wait3A_91 = tpu.memref_slice %arg4[%multiple_of3A_89] : memref<640000xi32, #tpu.memory_space<hbm>> -> memref<80xi32, #tpu.memory_space<hbm>>
    tpu.wait_dma2 semaphore(%arg18 : memref<!tpu.dma_semaphore, #tpu.memory_space<semaphore_mem>>) src(%dma_wait3A_91 : memref<80xi32, #tpu.memory_space<hbm>>) dst(%arg9 : memref<80xi32, #tpu.memory_space<vmem>>)
    %dma_start3A_92 = arith.constant 0 : i32
    %dma_start3A_93 = arith.constant 0 : i32
    %dma_start3A_94 = tpu.memref_slice %arg2[%dma_start3A_92, %dma_start3A_93] : memref<20000x128xf32, #tpu.memory_space<hbm>> -> memref<20000x128xf32, #tpu.memory_space<hbm>>
    tpu.enqueue_indirect_dma source(%dma_start3A_94 : memref<20000x128xf32, #tpu.memory_space<hbm>>) target(%arg13 : memref<80x128xf32, #tpu.memory_space<vmem>>) offsets(%arg9 : memref<80xi32, #tpu.memory_space<vmem>>) semaphore(%arg22 : memref<!tpu.dma_semaphore, #tpu.memory_space<semaphore_mem>>)
    %add3A_95 = arith.constant 1 : i32
    %add3A_96 = arith.addi %mul3A_6, %add3A_95 : i32
    %add3A_97 = arith.constant 250 : i32
    %add3A_98 = arith.addi %mul3A_6, %add3A_97 : i32
    %sub3A_99 = arith.constant 1 : i32
    %sub3A_100 = arith.subi %add3A_98, %sub3A_99 : i32
    %min3A_101 = arith.minsi %add3A_96, %sub3A_100 : i32
    %mul3A_102 = arith.constant 80 : i32
    %mul3A_103 = arith.muli %min3A_101, %mul3A_102 : i32
    %multiple_of3A_104 = tpu.assume_multiple %mul3A_103, 8 : i32
    %mul3A_105 = arith.constant 128 : i32
    %mul3A_106 = arith.muli %arg0, %mul3A_105 : i32
    %multiple_of3A_107 = tpu.assume_multiple %mul3A_106, 128 : i32
    %dma_start3A_108 = tpu.memref_slice %arg3[%multiple_of3A_104, %multiple_of3A_107] : memref<320000x256xf32, #tpu.memory_space<hbm>> -> memref<80x128xf32, #tpu.memory_space<hbm>>
    %dma_start3A_109 = tpu.memref_slice %arg3[%multiple_of3A_104, %multiple_of3A_107] : memref<320000x256xf32, #tpu.memory_space<hbm>> -> memref<80x128xf32, #tpu.memory_space<hbm>>
    tpu.enqueue_dma source(%dma_start3A_109 : memref<80x128xf32, #tpu.memory_space<hbm>>) target(%arg15 : memref<80x128xf32, #tpu.memory_space<vmem>>) target_semaphore(%arg24 : memref<!tpu.dma_semaphore, #tpu.memory_space<semaphore_mem>>)
    %barrier3A = arith.constant 0 : index
    tpu.barrier barrier_id(%barrier3A)
    %scan3A = arith.constant 0 : i32
    %scan3A_110 = arith.constant 125 : i32
    %scan3A_111 = arith.addi %scan3A, %scan3A_110 : i32
    %scan3A_112 = arith.constant 1 : i32
    scf.for %scan3A_180 = %scan3A to %scan3A_111 step %scan3A_112  : i32 {
      %mul3A_181 = arith.constant 2 : i32
      %mul3A_182 = arith.muli %scan3A_180, %mul3A_181 : i32
      %add3A_183 = arith.constant 0 : i32
      %add3A_184 = arith.addi %add3A_183, %mul3A_182 : i32
      %add3A_185 = arith.constant 2 : i32
      %add3A_186 = arith.addi %add3A_184, %add3A_185 : i32
      %dma_wait3A_187 = arith.constant 0 : i32
      %dma_wait3A_188 = arith.constant 0 : i32
      %dma_wait3A_189 = tpu.memref_slice %arg2[%dma_wait3A_187, %dma_wait3A_188] : memref<20000x128xf32, #tpu.memory_space<hbm>> -> memref<20000x128xf32, #tpu.memory_space<hbm>>
      tpu.wait_indirect_dma semaphore(%arg21 : memref<!tpu.dma_semaphore, #tpu.memory_space<semaphore_mem>>) src(%dma_wait3A_189 : memref<20000x128xf32, #tpu.memory_space<hbm>>) dst(%arg12 : memref<80x128xf32, #tpu.memory_space<vmem>>)
      %add3A_190 = arith.addi %mul3A_6, %add3A_184 : i32
      %add3A_191 = arith.constant 250 : i32
      %add3A_192 = arith.addi %mul3A_6, %add3A_191 : i32
      %sub3A_193 = arith.constant 1 : i32
      %sub3A_194 = arith.subi %add3A_192, %sub3A_193 : i32
      %min3A_195 = arith.minsi %add3A_190, %sub3A_194 : i32
      %mul3A_196 = arith.constant 80 : i32
      %mul3A_197 = arith.muli %min3A_195, %mul3A_196 : i32
      %multiple_of3A_198 = tpu.assume_multiple %mul3A_197, 8 : i32
      %mul3A_199 = arith.constant 128 : i32
      %mul3A_200 = arith.muli %arg0, %mul3A_199 : i32
      %multiple_of3A_201 = tpu.assume_multiple %mul3A_200, 128 : i32
      %dma_wait3A_202 = tpu.memref_slice %arg3[%multiple_of3A_198, %multiple_of3A_201] : memref<320000x256xf32, #tpu.memory_space<hbm>> -> memref<80x128xf32, #tpu.memory_space<hbm>>
      %dma_wait3A_203 = tpu.memref_slice %arg3[%multiple_of3A_198, %multiple_of3A_201] : memref<320000x256xf32, #tpu.memory_space<hbm>> -> memref<80x128xf32, #tpu.memory_space<hbm>>
      tpu.wait_dma2 semaphore(%arg23 : memref<!tpu.dma_semaphore, #tpu.memory_space<semaphore_mem>>) src(%dma_wait3A_203 : memref<80x128xf32, #tpu.memory_space<hbm>>) dst(%arg14 : memref<80x128xf32, #tpu.memory_space<vmem>>)
      %add3A_204 = arith.addi %mul3A_4, %add3A_186 : i32
      %add3A_205 = arith.constant 250 : i32
      %add3A_206 = arith.addi %mul3A_4, %add3A_205 : i32
      %sub3A_207 = arith.constant 1 : i32
      %sub3A_208 = arith.subi %add3A_206, %sub3A_207 : i32
      %min3A_209 = arith.minsi %add3A_204, %sub3A_208 : i32
      %mul3A_210 = arith.constant 80 : i32
      %mul3A_211 = arith.muli %min3A_209, %mul3A_210 : i32
      %multiple_of3A_212 = tpu.assume_multiple %mul3A_211, 8 : i32
      %dma_start3A_213 = tpu.memref_slice %arg4[%multiple_of3A_212] : memref<640000xi32, #tpu.memory_space<hbm>> -> memref<80xi32, #tpu.memory_space<hbm>>
      %dma_start3A_214 = tpu.memref_slice %arg4[%multiple_of3A_212] : memref<640000xi32, #tpu.memory_space<hbm>> -> memref<80xi32, #tpu.memory_space<hbm>>
      tpu.enqueue_dma source(%dma_start3A_214 : memref<80xi32, #tpu.memory_space<hbm>>) target(%arg8 : memref<80xi32, #tpu.memory_space<vmem>>) target_semaphore(%arg17 : memref<!tpu.dma_semaphore, #tpu.memory_space<semaphore_mem>>)
      %add3A_215 = arith.addi %mul3A_6, %add3A_184 : i32
      %add3A_216 = arith.constant 250 : i32
      %add3A_217 = arith.addi %mul3A_6, %add3A_216 : i32
      %sub3A_218 = arith.constant 1 : i32
      %sub3A_219 = arith.subi %add3A_217, %sub3A_218 : i32
      %min3A_220 = arith.minsi %add3A_215, %sub3A_219 : i32
      %mul3A_221 = arith.constant 80 : i32
      %mul3A_222 = arith.muli %min3A_220, %mul3A_221 : i32
      %multiple_of3A_223 = tpu.assume_multiple %mul3A_222, 8 : i32
      %dma_wait3A_224 = tpu.memref_slice %arg5[%multiple_of3A_223] : memref<320000xi32, #tpu.memory_space<hbm>> -> memref<80xi32, #tpu.memory_space<hbm>>
      %dma_wait3A_225 = tpu.memref_slice %arg5[%multiple_of3A_223] : memref<320000xi32, #tpu.memory_space<hbm>> -> memref<80xi32, #tpu.memory_space<hbm>>
      tpu.wait_dma2 semaphore(%arg19 : memref<!tpu.dma_semaphore, #tpu.memory_space<semaphore_mem>>) src(%dma_wait3A_225 : memref<80xi32, #tpu.memory_space<hbm>>) dst(%arg10 : memref<80xi32, #tpu.memory_space<vmem>>)
      "tpu.region"() ({
        %run_scoped3A = tpu.sem_alloc : memref<!tpu.dma_semaphore, #tpu.memory_space<semaphore_mem>>
        %dma_start3A_347 = arith.constant 0 : i32
        %dma_start3A_348 = arith.constant 0 : i32
        %dma_start3A_349 = tpu.memref_slice %arg16[%dma_start3A_347, %dma_start3A_348] : memref<10000x128xf32, #tpu.memory_space<vmem_shared>> -> memref<10000x128xf32, #tpu.memory_space<vmem_shared>>
        tpu.enqueue_indirect_dma source(%arg12 : memref<80x128xf32, #tpu.memory_space<vmem>>) target(%dma_start3A_349 : memref<10000x128xf32, #tpu.memory_space<vmem_shared>>) offsets(%arg10 : memref<80xi32, #tpu.memory_space<vmem>>) semaphore(%run_scoped3A : memref<!tpu.dma_semaphore, #tpu.memory_space<semaphore_mem>>) {add = true}
        %dma_wait3A_350 = arith.constant 0 : i32
        %dma_wait3A_351 = arith.constant 0 : i32
        %dma_wait3A_352 = tpu.memref_slice %arg16[%dma_wait3A_350, %dma_wait3A_351] : memref<10000x128xf32, #tpu.memory_space<vmem_shared>> -> memref<10000x128xf32, #tpu.memory_space<vmem_shared>>
        tpu.wait_indirect_dma semaphore(%run_scoped3A : memref<!tpu.dma_semaphore, #tpu.memory_space<semaphore_mem>>) src(%arg12 : memref<80x128xf32, #tpu.memory_space<vmem>>) dst(%dma_wait3A_352 : memref<10000x128xf32, #tpu.memory_space<vmem_shared>>)
        tpu.yield
      }) : () -> ()
      "tpu.region"() ({
        %run_scoped3A = tpu.sem_alloc : memref<!tpu.dma_semaphore, #tpu.memory_space<semaphore_mem>>
        %dma_start3A_347 = arith.constant 0 : i32
        %dma_start3A_348 = arith.constant 0 : i32
        %dma_start3A_349 = tpu.memref_slice %arg16[%dma_start3A_347, %dma_start3A_348] : memref<10000x128xf32, #tpu.memory_space<vmem_shared>> -> memref<10000x128xf32, #tpu.memory_space<vmem_shared>>
        tpu.enqueue_indirect_dma source(%arg14 : memref<80x128xf32, #tpu.memory_space<vmem>>) target(%dma_start3A_349 : memref<10000x128xf32, #tpu.memory_space<vmem_shared>>) offsets(%arg10 : memref<80xi32, #tpu.memory_space<vmem>>) semaphore(%run_scoped3A : memref<!tpu.dma_semaphore, #tpu.memory_space<semaphore_mem>>) {add = true}
        %dma_wait3A_350 = arith.constant 0 : i32
        %dma_wait3A_351 = arith.constant 0 : i32
        %dma_wait3A_352 = tpu.memref_slice %arg16[%dma_wait3A_350, %dma_wait3A_351] : memref<10000x128xf32, #tpu.memory_space<vmem_shared>> -> memref<10000x128xf32, #tpu.memory_space<vmem_shared>>
        tpu.wait_indirect_dma semaphore(%run_scoped3A : memref<!tpu.dma_semaphore, #tpu.memory_space<semaphore_mem>>) src(%arg14 : memref<80x128xf32, #tpu.memory_space<vmem>>) dst(%dma_wait3A_352 : memref<10000x128xf32, #tpu.memory_space<vmem_shared>>)
        tpu.yield
      }) : () -> ()
      %add3A_226 = arith.addi %mul3A_6, %add3A_186 : i32
      %add3A_227 = arith.constant 250 : i32
      %add3A_228 = arith.addi %mul3A_6, %add3A_227 : i32
      %sub3A_229 = arith.constant 1 : i32
      %sub3A_230 = arith.subi %add3A_228, %sub3A_229 : i32
      %min3A_231 = arith.minsi %add3A_226, %sub3A_230 : i32
      %mul3A_232 = arith.constant 80 : i32
      %mul3A_233 = arith.muli %min3A_231, %mul3A_232 : i32
      %multiple_of3A_234 = tpu.assume_multiple %mul3A_233, 8 : i32
      %dma_start3A_235 = tpu.memref_slice %arg5[%multiple_of3A_234] : memref<320000xi32, #tpu.memory_space<hbm>> -> memref<80xi32, #tpu.memory_space<hbm>>
      %dma_start3A_236 = tpu.memref_slice %arg5[%multiple_of3A_234] : memref<320000xi32, #tpu.memory_space<hbm>> -> memref<80xi32, #tpu.memory_space<hbm>>
      tpu.enqueue_dma source(%dma_start3A_236 : memref<80xi32, #tpu.memory_space<hbm>>) target(%arg10 : memref<80xi32, #tpu.memory_space<vmem>>) target_semaphore(%arg19 : memref<!tpu.dma_semaphore, #tpu.memory_space<semaphore_mem>>)
      %add3A_237 = arith.addi %mul3A_4, %add3A_186 : i32
      %add3A_238 = arith.constant 250 : i32
      %add3A_239 = arith.addi %mul3A_4, %add3A_238 : i32
      %sub3A_240 = arith.constant 1 : i32
      %sub3A_241 = arith.subi %add3A_239, %sub3A_240 : i32
      %min3A_242 = arith.minsi %add3A_237, %sub3A_241 : i32
      %mul3A_243 = arith.constant 80 : i32
      %mul3A_244 = arith.muli %min3A_242, %mul3A_243 : i32
      %multiple_of3A_245 = tpu.assume_multiple %mul3A_244, 8 : i32
      %dma_wait3A_246 = tpu.memref_slice %arg4[%multiple_of3A_245] : memref<640000xi32, #tpu.memory_space<hbm>> -> memref<80xi32, #tpu.memory_space<hbm>>
      %dma_wait3A_247 = tpu.memref_slice %arg4[%multiple_of3A_245] : memref<640000xi32, #tpu.memory_space<hbm>> -> memref<80xi32, #tpu.memory_space<hbm>>
      tpu.wait_dma2 semaphore(%arg17 : memref<!tpu.dma_semaphore, #tpu.memory_space<semaphore_mem>>) src(%dma_wait3A_247 : memref<80xi32, #tpu.memory_space<hbm>>) dst(%arg8 : memref<80xi32, #tpu.memory_space<vmem>>)
      %dma_start3A_248 = arith.constant 0 : i32
      %dma_start3A_249 = arith.constant 0 : i32
      %dma_start3A_250 = tpu.memref_slice %arg2[%dma_start3A_248, %dma_start3A_249] : memref<20000x128xf32, #tpu.memory_space<hbm>> -> memref<20000x128xf32, #tpu.memory_space<hbm>>
      tpu.enqueue_indirect_dma source(%dma_start3A_250 : memref<20000x128xf32, #tpu.memory_space<hbm>>) target(%arg12 : memref<80x128xf32, #tpu.memory_space<vmem>>) offsets(%arg8 : memref<80xi32, #tpu.memory_space<vmem>>) semaphore(%arg21 : memref<!tpu.dma_semaphore, #tpu.memory_space<semaphore_mem>>)
      %add3A_251 = arith.addi %mul3A_6, %add3A_186 : i32
      %add3A_252 = arith.constant 250 : i32
      %add3A_253 = arith.addi %mul3A_6, %add3A_252 : i32
      %sub3A_254 = arith.constant 1 : i32
      %sub3A_255 = arith.subi %add3A_253, %sub3A_254 : i32
      %min3A_256 = arith.minsi %add3A_251, %sub3A_255 : i32
      %mul3A_257 = arith.constant 80 : i32
      %mul3A_258 = arith.muli %min3A_256, %mul3A_257 : i32
      %multiple_of3A_259 = tpu.assume_multiple %mul3A_258, 8 : i32
      %mul3A_260 = arith.constant 128 : i32
      %mul3A_261 = arith.muli %arg0, %mul3A_260 : i32
      %multiple_of3A_262 = tpu.assume_multiple %mul3A_261, 128 : i32
      %dma_start3A_263 = tpu.memref_slice %arg3[%multiple_of3A_259, %multiple_of3A_262] : memref<320000x256xf32, #tpu.memory_space<hbm>> -> memref<80x128xf32, #tpu.memory_space<hbm>>
      %dma_start3A_264 = tpu.memref_slice %arg3[%multiple_of3A_259, %multiple_of3A_262] : memref<320000x256xf32, #tpu.memory_space<hbm>> -> memref<80x128xf32, #tpu.memory_space<hbm>>
      tpu.enqueue_dma source(%dma_start3A_264 : memref<80x128xf32, #tpu.memory_space<hbm>>) target(%arg14 : memref<80x128xf32, #tpu.memory_space<vmem>>) target_semaphore(%arg23 : memref<!tpu.dma_semaphore, #tpu.memory_space<semaphore_mem>>)
      %add3A_265 = arith.constant 1 : i32
      %add3A_266 = arith.addi %add3A_184, %add3A_265 : i32
      %add3A_267 = arith.constant 3 : i32
      %add3A_268 = arith.addi %add3A_184, %add3A_267 : i32
      %dma_wait3A_269 = arith.constant 0 : i32
      %dma_wait3A_270 = arith.constant 0 : i32
      %dma_wait3A_271 = tpu.memref_slice %arg2[%dma_wait3A_269, %dma_wait3A_270] : memref<20000x128xf32, #tpu.memory_space<hbm>> -> memref<20000x128xf32, #tpu.memory_space<hbm>>
      tpu.wait_indirect_dma semaphore(%arg22 : memref<!tpu.dma_semaphore, #tpu.memory_space<semaphore_mem>>) src(%dma_wait3A_271 : memref<20000x128xf32, #tpu.memory_space<hbm>>) dst(%arg13 : memref<80x128xf32, #tpu.memory_space<vmem>>)
      %add3A_272 = arith.addi %mul3A_6, %add3A_266 : i32
      %add3A_273 = arith.constant 250 : i32
      %add3A_274 = arith.addi %mul3A_6, %add3A_273 : i32
      %sub3A_275 = arith.constant 1 : i32
      %sub3A_276 = arith.subi %add3A_274, %sub3A_275 : i32
      %min3A_277 = arith.minsi %add3A_272, %sub3A_276 : i32
      %mul3A_278 = arith.constant 80 : i32
      %mul3A_279 = arith.muli %min3A_277, %mul3A_278 : i32
      %multiple_of3A_280 = tpu.assume_multiple %mul3A_279, 8 : i32
      %mul3A_281 = arith.constant 128 : i32
      %mul3A_282 = arith.muli %arg0, %mul3A_281 : i32
      %multiple_of3A_283 = tpu.assume_multiple %mul3A_282, 128 : i32
      %dma_wait3A_284 = tpu.memref_slice %arg3[%multiple_of3A_280, %multiple_of3A_283] : memref<320000x256xf32, #tpu.memory_space<hbm>> -> memref<80x128xf32, #tpu.memory_space<hbm>>
      %dma_wait3A_285 = tpu.memref_slice %arg3[%multiple_of3A_280, %multiple_of3A_283] : memref<320000x256xf32, #tpu.memory_space<hbm>> -> memref<80x128xf32, #tpu.memory_space<hbm>>
      tpu.wait_dma2 semaphore(%arg24 : memref<!tpu.dma_semaphore, #tpu.memory_space<semaphore_mem>>) src(%dma_wait3A_285 : memref<80x128xf32, #tpu.memory_space<hbm>>) dst(%arg15 : memref<80x128xf32, #tpu.memory_space<vmem>>)
      %add3A_286 = arith.addi %mul3A_4, %add3A_268 : i32
      %add3A_287 = arith.constant 250 : i32
      %add3A_288 = arith.addi %mul3A_4, %add3A_287 : i32
      %sub3A_289 = arith.constant 1 : i32
      %sub3A_290 = arith.subi %add3A_288, %sub3A_289 : i32
      %min3A_291 = arith.minsi %add3A_286, %sub3A_290 : i32
      %mul3A_292 = arith.constant 80 : i32
      %mul3A_293 = arith.muli %min3A_291, %mul3A_292 : i32
      %multiple_of3A_294 = tpu.assume_multiple %mul3A_293, 8 : i32
      %dma_start3A_295 = tpu.memref_slice %arg4[%multiple_of3A_294] : memref<640000xi32, #tpu.memory_space<hbm>> -> memref<80xi32, #tpu.memory_space<hbm>>
      %dma_start3A_296 = tpu.memref_slice %arg4[%multiple_of3A_294] : memref<640000xi32, #tpu.memory_space<hbm>> -> memref<80xi32, #tpu.memory_space<hbm>>
      tpu.enqueue_dma source(%dma_start3A_296 : memref<80xi32, #tpu.memory_space<hbm>>) target(%arg9 : memref<80xi32, #tpu.memory_space<vmem>>) target_semaphore(%arg18 : memref<!tpu.dma_semaphore, #tpu.memory_space<semaphore_mem>>)
      %add3A_297 = arith.addi %mul3A_6, %add3A_266 : i32
      %add3A_298 = arith.constant 250 : i32
      %add3A_299 = arith.addi %mul3A_6, %add3A_298 : i32
      %sub3A_300 = arith.constant 1 : i32
      %sub3A_301 = arith.subi %add3A_299, %sub3A_300 : i32
      %min3A_302 = arith.minsi %add3A_297, %sub3A_301 : i32
      %mul3A_303 = arith.constant 80 : i32
      %mul3A_304 = arith.muli %min3A_302, %mul3A_303 : i32
      %multiple_of3A_305 = tpu.assume_multiple %mul3A_304, 8 : i32
      %dma_wait3A_306 = tpu.memref_slice %arg5[%multiple_of3A_305] : memref<320000xi32, #tpu.memory_space<hbm>> -> memref<80xi32, #tpu.memory_space<hbm>>
      %dma_wait3A_307 = tpu.memref_slice %arg5[%multiple_of3A_305] : memref<320000xi32, #tpu.memory_space<hbm>> -> memref<80xi32, #tpu.memory_space<hbm>>
      tpu.wait_dma2 semaphore(%arg20 : memref<!tpu.dma_semaphore, #tpu.memory_space<semaphore_mem>>) src(%dma_wait3A_307 : memref<80xi32, #tpu.memory_space<hbm>>) dst(%arg11 : memref<80xi32, #tpu.memory_space<vmem>>)
      "tpu.region"() ({
        %run_scoped3A = tpu.sem_alloc : memref<!tpu.dma_semaphore, #tpu.memory_space<semaphore_mem>>
        %dma_start3A_347 = arith.constant 0 : i32
        %dma_start3A_348 = arith.constant 0 : i32
        %dma_start3A_349 = tpu.memref_slice %arg16[%dma_start3A_347, %dma_start3A_348] : memref<10000x128xf32, #tpu.memory_space<vmem_shared>> -> memref<10000x128xf32, #tpu.memory_space<vmem_shared>>
        tpu.enqueue_indirect_dma source(%arg13 : memref<80x128xf32, #tpu.memory_space<vmem>>) target(%dma_start3A_349 : memref<10000x128xf32, #tpu.memory_space<vmem_shared>>) offsets(%arg11 : memref<80xi32, #tpu.memory_space<vmem>>) semaphore(%run_scoped3A : memref<!tpu.dma_semaphore, #tpu.memory_space<semaphore_mem>>) {add = true}
        %dma_wait3A_350 = arith.constant 0 : i32
        %dma_wait3A_351 = arith.constant 0 : i32
        %dma_wait3A_352 = tpu.memref_slice %arg16[%dma_wait3A_350, %dma_wait3A_351] : memref<10000x128xf32, #tpu.memory_space<vmem_shared>> -> memref<10000x128xf32, #tpu.memory_space<vmem_shared>>
        tpu.wait_indirect_dma semaphore(%run_scoped3A : memref<!tpu.dma_semaphore, #tpu.memory_space<semaphore_mem>>) src(%arg13 : memref<80x128xf32, #tpu.memory_space<vmem>>) dst(%dma_wait3A_352 : memref<10000x128xf32, #tpu.memory_space<vmem_shared>>)
        tpu.yield
      }) : () -> ()
      "tpu.region"() ({
        %run_scoped3A = tpu.sem_alloc : memref<!tpu.dma_semaphore, #tpu.memory_space<semaphore_mem>>
        %dma_start3A_347 = arith.constant 0 : i32
        %dma_start3A_348 = arith.constant 0 : i32
        %dma_start3A_349 = tpu.memref_slice %arg16[%dma_start3A_347, %dma_start3A_348] : memref<10000x128xf32, #tpu.memory_space<vmem_shared>> -> memref<10000x128xf32, #tpu.memory_space<vmem_shared>>
        tpu.enqueue_indirect_dma source(%arg15 : memref<80x128xf32, #tpu.memory_space<vmem>>) target(%dma_start3A_349 : memref<10000x128xf32, #tpu.memory_space<vmem_shared>>) offsets(%arg11 : memref<80xi32, #tpu.memory_space<vmem>>) semaphore(%run_scoped3A : memref<!tpu.dma_semaphore, #tpu.memory_space<semaphore_mem>>) {add = true}
        %dma_wait3A_350 = arith.constant 0 : i32
        %dma_wait3A_351 = arith.constant 0 : i32
        %dma_wait3A_352 = tpu.memref_slice %arg16[%dma_wait3A_350, %dma_wait3A_351] : memref<10000x128xf32, #tpu.memory_space<vmem_shared>> -> memref<10000x128xf32, #tpu.memory_space<vmem_shared>>
        tpu.wait_indirect_dma semaphore(%run_scoped3A : memref<!tpu.dma_semaphore, #tpu.memory_space<semaphore_mem>>) src(%arg15 : memref<80x128xf32, #tpu.memory_space<vmem>>) dst(%dma_wait3A_352 : memref<10000x128xf32, #tpu.memory_space<vmem_shared>>)
        tpu.yield
      }) : () -> ()
      %add3A_308 = arith.addi %mul3A_6, %add3A_268 : i32
      %add3A_309 = arith.constant 250 : i32
      %add3A_310 = arith.addi %mul3A_6, %add3A_309 : i32
      %sub3A_311 = arith.constant 1 : i32
      %sub3A_312 = arith.subi %add3A_310, %sub3A_311 : i32
      %min3A_313 = arith.minsi %add3A_308, %sub3A_312 : i32
      %mul3A_314 = arith.constant 80 : i32
      %mul3A_315 = arith.muli %min3A_313, %mul3A_314 : i32
      %multiple_of3A_316 = tpu.assume_multiple %mul3A_315, 8 : i32
      %dma_start3A_317 = tpu.memref_slice %arg5[%multiple_of3A_316] : memref<320000xi32, #tpu.memory_space<hbm>> -> memref<80xi32, #tpu.memory_space<hbm>>
      %dma_start3A_318 = tpu.memref_slice %arg5[%multiple_of3A_316] : memref<320000xi32, #tpu.memory_space<hbm>> -> memref<80xi32, #tpu.memory_space<hbm>>
      tpu.enqueue_dma source(%dma_start3A_318 : memref<80xi32, #tpu.memory_space<hbm>>) target(%arg11 : memref<80xi32, #tpu.memory_space<vmem>>) target_semaphore(%arg20 : memref<!tpu.dma_semaphore, #tpu.memory_space<semaphore_mem>>)
      %add3A_319 = arith.addi %mul3A_4, %add3A_268 : i32
      %add3A_320 = arith.constant 250 : i32
      %add3A_321 = arith.addi %mul3A_4, %add3A_320 : i32
      %sub3A_322 = arith.constant 1 : i32
      %sub3A_323 = arith.subi %add3A_321, %sub3A_322 : i32
      %min3A_324 = arith.minsi %add3A_319, %sub3A_323 : i32
      %mul3A_325 = arith.constant 80 : i32
      %mul3A_326 = arith.muli %min3A_324, %mul3A_325 : i32
      %multiple_of3A_327 = tpu.assume_multiple %mul3A_326, 8 : i32
      %dma_wait3A_328 = tpu.memref_slice %arg4[%multiple_of3A_327] : memref<640000xi32, #tpu.memory_space<hbm>> -> memref<80xi32, #tpu.memory_space<hbm>>
      %dma_wait3A_329 = tpu.memref_slice %arg4[%multiple_of3A_327] : memref<640000xi32, #tpu.memory_space<hbm>> -> memref<80xi32, #tpu.memory_space<hbm>>
      tpu.wait_dma2 semaphore(%arg18 : memref<!tpu.dma_semaphore, #tpu.memory_space<semaphore_mem>>) src(%dma_wait3A_329 : memref<80xi32, #tpu.memory_space<hbm>>) dst(%arg9 : memref<80xi32, #tpu.memory_space<vmem>>)
      %dma_start3A_330 = arith.constant 0 : i32
      %dma_start3A_331 = arith.constant 0 : i32
      %dma_start3A_332 = tpu.memref_slice %arg2[%dma_start3A_330, %dma_start3A_331] : memref<20000x128xf32, #tpu.memory_space<hbm>> -> memref<20000x128xf32, #tpu.memory_space<hbm>>
      tpu.enqueue_indirect_dma source(%dma_start3A_332 : memref<20000x128xf32, #tpu.memory_space<hbm>>) target(%arg13 : memref<80x128xf32, #tpu.memory_space<vmem>>) offsets(%arg9 : memref<80xi32, #tpu.memory_space<vmem>>) semaphore(%arg22 : memref<!tpu.dma_semaphore, #tpu.memory_space<semaphore_mem>>)
      %add3A_333 = arith.addi %mul3A_6, %add3A_268 : i32
      %add3A_334 = arith.constant 250 : i32
      %add3A_335 = arith.addi %mul3A_6, %add3A_334 : i32
      %sub3A_336 = arith.constant 1 : i32
      %sub3A_337 = arith.subi %add3A_335, %sub3A_336 : i32
      %min3A_338 = arith.minsi %add3A_333, %sub3A_337 : i32
      %mul3A_339 = arith.constant 80 : i32
      %mul3A_340 = arith.muli %min3A_338, %mul3A_339 : i32
      %multiple_of3A_341 = tpu.assume_multiple %mul3A_340, 8 : i32
      %mul3A_342 = arith.constant 128 : i32
      %mul3A_343 = arith.muli %arg0, %mul3A_342 : i32
      %multiple_of3A_344 = tpu.assume_multiple %mul3A_343, 128 : i32
      %dma_start3A_345 = tpu.memref_slice %arg3[%multiple_of3A_341, %multiple_of3A_344] : memref<320000x256xf32, #tpu.memory_space<hbm>> -> memref<80x128xf32, #tpu.memory_space<hbm>>
      %dma_start3A_346 = tpu.memref_slice %arg3[%multiple_of3A_341, %multiple_of3A_344] : memref<320000x256xf32, #tpu.memory_space<hbm>> -> memref<80x128xf32, #tpu.memory_space<hbm>>
      tpu.enqueue_dma source(%dma_start3A_346 : memref<80x128xf32, #tpu.memory_space<hbm>>) target(%arg15 : memref<80x128xf32, #tpu.memory_space<vmem>>) target_semaphore(%arg24 : memref<!tpu.dma_semaphore, #tpu.memory_space<semaphore_mem>>)
    }
    %scan3A_113 = arith.constant 125 : i32
    %dma_wait3A_114 = arith.constant 0 : i32
    %dma_wait3A_115 = arith.constant 0 : i32
    %dma_wait3A_116 = tpu.memref_slice %arg2[%dma_wait3A_114, %dma_wait3A_115] : memref<20000x128xf32, #tpu.memory_space<hbm>> -> memref<20000x128xf32, #tpu.memory_space<hbm>>
    tpu.wait_indirect_dma semaphore(%arg21 : memref<!tpu.dma_semaphore, #tpu.memory_space<semaphore_mem>>) src(%dma_wait3A_116 : memref<20000x128xf32, #tpu.memory_space<hbm>>) dst(%arg12 : memref<80x128xf32, #tpu.memory_space<vmem>>)
    %add3A_117 = arith.constant 250 : i32
    %add3A_118 = arith.addi %mul3A_6, %add3A_117 : i32
    %add3A_119 = arith.constant 250 : i32
    %add3A_120 = arith.addi %mul3A_6, %add3A_119 : i32
    %sub3A_121 = arith.constant 1 : i32
    %sub3A_122 = arith.subi %add3A_120, %sub3A_121 : i32
    %min3A_123 = arith.minsi %add3A_118, %sub3A_122 : i32
    %mul3A_124 = arith.constant 80 : i32
    %mul3A_125 = arith.muli %min3A_123, %mul3A_124 : i32
    %multiple_of3A_126 = tpu.assume_multiple %mul3A_125, 8 : i32
    %mul3A_127 = arith.constant 128 : i32
    %mul3A_128 = arith.muli %arg0, %mul3A_127 : i32
    %multiple_of3A_129 = tpu.assume_multiple %mul3A_128, 128 : i32
    %dma_wait3A_130 = tpu.memref_slice %arg3[%multiple_of3A_126, %multiple_of3A_129] : memref<320000x256xf32, #tpu.memory_space<hbm>> -> memref<80x128xf32, #tpu.memory_space<hbm>>
    %dma_wait3A_131 = tpu.memref_slice %arg3[%multiple_of3A_126, %multiple_of3A_129] : memref<320000x256xf32, #tpu.memory_space<hbm>> -> memref<80x128xf32, #tpu.memory_space<hbm>>
    tpu.wait_dma2 semaphore(%arg23 : memref<!tpu.dma_semaphore, #tpu.memory_space<semaphore_mem>>) src(%dma_wait3A_131 : memref<80x128xf32, #tpu.memory_space<hbm>>) dst(%arg14 : memref<80x128xf32, #tpu.memory_space<vmem>>)
    %dma_wait3A_132 = arith.constant 0 : i32
    %dma_wait3A_133 = arith.constant 0 : i32
    %dma_wait3A_134 = tpu.memref_slice %arg2[%dma_wait3A_132, %dma_wait3A_133] : memref<20000x128xf32, #tpu.memory_space<hbm>> -> memref<20000x128xf32, #tpu.memory_space<hbm>>
    tpu.wait_indirect_dma semaphore(%arg22 : memref<!tpu.dma_semaphore, #tpu.memory_space<semaphore_mem>>) src(%dma_wait3A_134 : memref<20000x128xf32, #tpu.memory_space<hbm>>) dst(%arg13 : memref<80x128xf32, #tpu.memory_space<vmem>>)
    %add3A_135 = arith.constant 251 : i32
    %add3A_136 = arith.addi %mul3A_6, %add3A_135 : i32
    %add3A_137 = arith.constant 250 : i32
    %add3A_138 = arith.addi %mul3A_6, %add3A_137 : i32
    %sub3A_139 = arith.constant 1 : i32
    %sub3A_140 = arith.subi %add3A_138, %sub3A_139 : i32
    %min3A_141 = arith.minsi %add3A_136, %sub3A_140 : i32
    %mul3A_142 = arith.constant 80 : i32
    %mul3A_143 = arith.muli %min3A_141, %mul3A_142 : i32
    %multiple_of3A_144 = tpu.assume_multiple %mul3A_143, 8 : i32
    %mul3A_145 = arith.constant 128 : i32
    %mul3A_146 = arith.muli %arg0, %mul3A_145 : i32
    %multiple_of3A_147 = tpu.assume_multiple %mul3A_146, 128 : i32
    %dma_wait3A_148 = tpu.memref_slice %arg3[%multiple_of3A_144, %multiple_of3A_147] : memref<320000x256xf32, #tpu.memory_space<hbm>> -> memref<80x128xf32, #tpu.memory_space<hbm>>
    %dma_wait3A_149 = tpu.memref_slice %arg3[%multiple_of3A_144, %multiple_of3A_147] : memref<320000x256xf32, #tpu.memory_space<hbm>> -> memref<80x128xf32, #tpu.memory_space<hbm>>
    tpu.wait_dma2 semaphore(%arg24 : memref<!tpu.dma_semaphore, #tpu.memory_space<semaphore_mem>>) src(%dma_wait3A_149 : memref<80x128xf32, #tpu.memory_space<hbm>>) dst(%arg15 : memref<80x128xf32, #tpu.memory_space<vmem>>)
    %add3A_150 = arith.constant 250 : i32
    %add3A_151 = arith.addi %mul3A_6, %add3A_150 : i32
    %add3A_152 = arith.constant 250 : i32
    %add3A_153 = arith.addi %mul3A_6, %add3A_152 : i32
    %sub3A_154 = arith.constant 1 : i32
    %sub3A_155 = arith.subi %add3A_153, %sub3A_154 : i32
    %min3A_156 = arith.minsi %add3A_151, %sub3A_155 : i32
    %mul3A_157 = arith.constant 80 : i32
    %mul3A_158 = arith.muli %min3A_156, %mul3A_157 : i32
    %multiple_of3A_159 = tpu.assume_multiple %mul3A_158, 8 : i32
    %dma_wait3A_160 = tpu.memref_slice %arg5[%multiple_of3A_159] : memref<320000xi32, #tpu.memory_space<hbm>> -> memref<80xi32, #tpu.memory_space<hbm>>
    %dma_wait3A_161 = tpu.memref_slice %arg5[%multiple_of3A_159] : memref<320000xi32, #tpu.memory_space<hbm>> -> memref<80xi32, #tpu.memory_space<hbm>>
    tpu.wait_dma2 semaphore(%arg19 : memref<!tpu.dma_semaphore, #tpu.memory_space<semaphore_mem>>) src(%dma_wait3A_161 : memref<80xi32, #tpu.memory_space<hbm>>) dst(%arg10 : memref<80xi32, #tpu.memory_space<vmem>>)
    %add3A_162 = arith.constant 251 : i32
    %add3A_163 = arith.addi %mul3A_6, %add3A_162 : i32
    %add3A_164 = arith.constant 250 : i32
    %add3A_165 = arith.addi %mul3A_6, %add3A_164 : i32
    %sub3A_166 = arith.constant 1 : i32
    %sub3A_167 = arith.subi %add3A_165, %sub3A_166 : i32
    %min3A_168 = arith.minsi %add3A_163, %sub3A_167 : i32
    %mul3A_169 = arith.constant 80 : i32
    %mul3A_170 = arith.muli %min3A_168, %mul3A_169 : i32
    %multiple_of3A_171 = tpu.assume_multiple %mul3A_170, 8 : i32
    %dma_wait3A_172 = tpu.memref_slice %arg5[%multiple_of3A_171] : memref<320000xi32, #tpu.memory_space<hbm>> -> memref<80xi32, #tpu.memory_space<hbm>>
    %dma_wait3A_173 = tpu.memref_slice %arg5[%multiple_of3A_171] : memref<320000xi32, #tpu.memory_space<hbm>> -> memref<80xi32, #tpu.memory_space<hbm>>
    tpu.wait_dma2 semaphore(%arg20 : memref<!tpu.dma_semaphore, #tpu.memory_space<semaphore_mem>>) src(%dma_wait3A_173 : memref<80xi32, #tpu.memory_space<hbm>>) dst(%arg11 : memref<80xi32, #tpu.memory_space<vmem>>)
    %barrier3A_174 = arith.constant 0 : index
    tpu.barrier barrier_id(%barrier3A_174)
    %lt3A_175 = arith.constant 10 : i32
    %lt3A_176 = arith.cmpi slt, %arg1, %lt3A_175 : i32
    %convert_element_type3A_177 = arith.extui %lt3A_176 : i1 to i32
    %cond3A_178 = arith.constant 0 : i32
    %cond3A_179 = arith.cmpi ne, %convert_element_type3A_177, %cond3A_178 : i32
    scf.if %cond3A_179 {
      %mul3A_180 = arith.constant 1000 : i32
      %mul3A_181 = arith.muli %arg1, %mul3A_180 : i32
      %mul3A_182 = arith.constant 10000 : i32
      %mul3A_183 = arith.muli %arg0, %mul3A_182 : i32
      %mul3A_184 = arith.constant 1000 : i32
      %mul3A_185 = arith.muli %arg1, %mul3A_184 : i32
      %add3A_186 = arith.addi %mul3A_183, %mul3A_185 : i32
      "tpu.region"() ({
        %run_scoped3A = tpu.sem_alloc : memref<!tpu.dma_semaphore, #tpu.memory_space<semaphore_mem>>
        %dma_start3A_187 = arith.constant 0 : i32
        %dma_start3A_188 = tpu.memref_slice %arg7[%add3A_186, %dma_start3A_187] : memref<20000x128xf32, #tpu.memory_space<hbm>> -> memref<1000x128xf32, #tpu.memory_space<hbm>>
        %dma_start3A_189 = arith.constant 0 : i32
        %dma_start3A_190 = tpu.memref_slice %arg16[%mul3A_181, %dma_start3A_189] : memref<10000x128xf32, #tpu.memory_space<vmem_shared>> -> memref<1000x128xf32, #tpu.memory_space<vmem_shared>>
        tpu.enqueue_dma source(%dma_start3A_190 : memref<1000x128xf32, #tpu.memory_space<vmem_shared>>) target(%dma_start3A_188 : memref<1000x128xf32, #tpu.memory_space<hbm>>) target_semaphore(%run_scoped3A : memref<!tpu.dma_semaphore, #tpu.memory_space<semaphore_mem>>)
        %dma_wait3A_191 = arith.constant 0 : i32
        %dma_wait3A_192 = tpu.memref_slice %arg7[%add3A_186, %dma_wait3A_191] : memref<20000x128xf32, #tpu.memory_space<hbm>> -> memref<1000x128xf32, #tpu.memory_space<hbm>>
        %dma_wait3A_193 = arith.constant 0 : i32
        %dma_wait3A_194 = tpu.memref_slice %arg16[%mul3A_181, %dma_wait3A_193] : memref<10000x128xf32, #tpu.memory_space<vmem_shared>> -> memref<1000x128xf32, #tpu.memory_space<vmem_shared>>
        tpu.wait_dma2 semaphore(%run_scoped3A : memref<!tpu.dma_semaphore, #tpu.memory_space<semaphore_mem>>) src(%dma_wait3A_194 : memref<1000x128xf32, #tpu.memory_space<vmem_shared>>) dst(%dma_wait3A_192 : memref<1000x128xf32, #tpu.memory_space<hbm>>)
        tpu.yield
      }) : () -> ()
    } else {
    }
    return
  }
}

module attributes {stable_mosaic.version = 14 : i64} {
  func.func @_prep_kernel(%arg0: i32, %arg1: memref<2000x128xf32, #tpu.memory_space<vmem>>, %arg2: memref<128x256xf32, #tpu.memory_space<vmem>>, %arg3: memref<1x256xf32, #tpu.memory_space<vmem>>, %arg4: memref<256x256xf32, #tpu.memory_space<vmem>>, %arg5: memref<2000x256xf32, #tpu.memory_space<vmem>>, %arg6: memref<2000x256xf32, #tpu.memory_space<vmem>>) attributes {dimension_semantics = [#tpu.dimension_semantics<arbitrary>], iteration_bounds = array<i64: 5>, scalar_prefetch = 0 : i64, scratch_operands = 0 : i64, tpu.core_type = #tpu.core_type<tc>, window_params = [{transform_indices = @transform_0, window_bounds = array<i64: 2000, 128>}, {pipeline_mode = #tpu.pipeline_mode<synchronous>, transform_indices = @transform_1, window_bounds = array<i64: 128, 256>}, {pipeline_mode = #tpu.pipeline_mode<synchronous>, transform_indices = @transform_2, window_bounds = array<i64: 1, 256>}, {pipeline_mode = #tpu.pipeline_mode<synchronous>, transform_indices = @transform_3, window_bounds = array<i64: 256, 256>}, {transform_indices = @transform_4, window_bounds = array<i64: 2000, 256>}, {transform_indices = @transform_5, window_bounds = array<i64: 2000, 256>}]} {
    %get3A = arith.constant 0 : index
    %get3A_0 = arith.constant 0 : index
    %get3A_1 = vector.load %arg1[%get3A, %get3A_0] : memref<2000x128xf32, #tpu.memory_space<vmem>>, vector<2000x128xf32>
    %get3A_2 = arith.constant 0 : index
    %get3A_3 = arith.constant 0 : index
    %get3A_4 = vector.load %arg2[%get3A_2, %get3A_3] : memref<128x256xf32, #tpu.memory_space<vmem>>, vector<128x256xf32>
    %dot_general3A = arith.constant dense<0.000000e+00> : vector<2000x256xf32>
    %dot_general3A_5 = tpu.matmul %get3A_1, %get3A_4, %dot_general3A {dimension_numbers = #tpu.dot_dimension_numbers<[1], [0], [0], [1], [0, 0, 1, 1], [], []>, transpose_lhs_hint = false} : vector<2000x128xf32>, vector<128x256xf32>, vector<2000x256xf32> -> vector<2000x256xf32>
    %get3A_6 = arith.constant 0 : index
    %get3A_7 = arith.constant 0 : index
    %get3A_8 = vector.load %arg3[%get3A_6, %get3A_7] : memref<1x256xf32, #tpu.memory_space<vmem>>, vector<1x256xf32>
    %add3A = vector.broadcast %get3A_8 : vector<1x256xf32> to vector<2000x256xf32>
    %add3A_9 = arith.addf %dot_general3A_5, %add3A : vector<2000x256xf32>
    %swap3A = arith.constant 0 : index
    %swap3A_10 = arith.constant 0 : index
    %swap3A_11 = vector.load %arg5[%swap3A, %swap3A_10] : memref<2000x256xf32, #tpu.memory_space<vmem>>, vector<2000x256xf32>
    tpu.vector_store %arg5[%swap3A, %swap3A_10], %add3A_9 {strides = array<i32>} : memref<2000x256xf32, #tpu.memory_space<vmem>>, vector<2000x256xf32>,
    %get3A_12 = arith.constant 0 : index
    %get3A_13 = arith.constant 0 : index
    %get3A_14 = vector.load %arg4[%get3A_12, %get3A_13] : memref<256x256xf32, #tpu.memory_space<vmem>>, vector<256x256xf32>
    %dot_general3A_15 = arith.constant dense<0.000000e+00> : vector<2000x256xf32>
    %dot_general3A_16 = tpu.matmul %add3A_9, %get3A_14, %dot_general3A_15 {dimension_numbers = #tpu.dot_dimension_numbers<[1], [0], [0], [1], [0, 0, 1, 1], [], []>, transpose_lhs_hint = false} : vector<2000x256xf32>, vector<256x256xf32>, vector<2000x256xf32> -> vector<2000x256xf32>
    %swap3A_17 = arith.constant 0 : index
    %swap3A_18 = arith.constant 0 : index
    %swap3A_19 = vector.load %arg6[%swap3A_17, %swap3A_18] : memref<2000x256xf32, #tpu.memory_space<vmem>>, vector<2000x256xf32>
    tpu.vector_store %arg6[%swap3A_17, %swap3A_18], %dot_general3A_16 {strides = array<i32>} : memref<2000x256xf32, #tpu.memory_space<vmem>>, vector<2000x256xf32>,
    return
  }
  func.func @transform_0(%arg0: i32) -> (i32, i32) {
    %c0_i32 = arith.constant 0 : i32
    %c0_i32_0 = arith.constant 0 : i32
    return %arg0, %c0_i32 : i32, i32
  }
  func.func @transform_1(%arg0: i32) -> (i32, i32) {
    %c0_i32 = arith.constant 0 : i32
    %c0_i32_0 = arith.constant 0 : i32
    %c0_i32_1 = arith.constant 0 : i32
    return %c0_i32, %c0_i32_0 : i32, i32
  }
  func.func @transform_2(%arg0: i32) -> (i32, i32) {
    %c0_i32 = arith.constant 0 : i32
    %c0_i32_0 = arith.constant 0 : i32
    %c0_i32_1 = arith.constant 0 : i32
    return %c0_i32, %c0_i32_0 : i32, i32
  }
  func.func @transform_3(%arg0: i32) -> (i32, i32) {
    %c0_i32 = arith.constant 0 : i32
    %c0_i32_0 = arith.constant 0 : i32
    %c0_i32_1 = arith.constant 0 : i32
    return %c0_i32, %c0_i32_0 : i32, i32
  }
  func.func @transform_4(%arg0: i32) -> (i32, i32) {
    %c0_i32 = arith.constant 0 : i32
    %c0_i32_0 = arith.constant 0 : i32
    return %arg0, %c0_i32 : i32, i32
  }
  func.func @transform_5(%arg0: i32) -> (i32, i32) {
    %c0_i32 = arith.constant 0 : i32
    %c0_i32_0 = arith.constant 0 : i32
    return %arg0, %c0_i32 : i32, i32
  }
}

module attributes {stable_mosaic.version = 14 : i64} {
  func.func @_edge_mm0_kernel(%arg0: i32, %arg1: memref<2560x16xf32, #tpu.memory_space<vmem>>, %arg2: memref<16x256xf32, #tpu.memory_space<vmem>>, %arg3: memref<16x256xf32, #tpu.memory_space<vmem>>, %arg4: memref<1x256xf32, #tpu.memory_space<vmem>>, %arg5: memref<1x256xf32, #tpu.memory_space<vmem>>, %arg6: memref<2560x256xf32, #tpu.memory_space<vmem>>, %arg7: memref<2560x256xf32, #tpu.memory_space<vmem>>) attributes {dimension_semantics = [#tpu.dimension_semantics<arbitrary>], iteration_bounds = array<i64: 125>, scalar_prefetch = 0 : i64, scratch_operands = 0 : i64, tpu.core_type = #tpu.core_type<tc>, window_params = [{transform_indices = @transform_0, window_bounds = array<i64: 2560, 16>}, {pipeline_mode = #tpu.pipeline_mode<synchronous>, transform_indices = @transform_1, window_bounds = array<i64: 16, 256>}, {pipeline_mode = #tpu.pipeline_mode<synchronous>, transform_indices = @transform_2, window_bounds = array<i64: 16, 256>}, {pipeline_mode = #tpu.pipeline_mode<synchronous>, transform_indices = @transform_3, window_bounds = array<i64: 1, 256>}, {pipeline_mode = #tpu.pipeline_mode<synchronous>, transform_indices = @transform_4, window_bounds = array<i64: 1, 256>}, {transform_indices = @transform_5, window_bounds = array<i64: 2560, 256>}, {transform_indices = @transform_6, window_bounds = array<i64: 2560, 256>}]} {
    %get3A = arith.constant 0 : index
    %get3A_0 = arith.constant 0 : index
    %get3A_1 = vector.load %arg1[%get3A, %get3A_0] : memref<2560x16xf32, #tpu.memory_space<vmem>>, vector<2560x16xf32>
    %get3A_2 = arith.constant 0 : index
    %get3A_3 = arith.constant 0 : index
    %get3A_4 = vector.load %arg2[%get3A_2, %get3A_3] : memref<16x256xf32, #tpu.memory_space<vmem>>, vector<16x256xf32>
    %dot_general3A = arith.constant dense<0.000000e+00> : vector<2560x256xf32>
    %dot_general3A_5 = tpu.matmul %get3A_1, %get3A_4, %dot_general3A {dimension_numbers = #tpu.dot_dimension_numbers<[1], [0], [0], [1], [0, 0, 1, 1], [], []>, transpose_lhs_hint = false} : vector<2560x16xf32>, vector<16x256xf32>, vector<2560x256xf32> -> vector<2560x256xf32>
    %get3A_6 = arith.constant 0 : index
    %get3A_7 = arith.constant 0 : index
    %get3A_8 = vector.load %arg4[%get3A_6, %get3A_7] : memref<1x256xf32, #tpu.memory_space<vmem>>, vector<1x256xf32>
    %add3A = vector.broadcast %get3A_8 : vector<1x256xf32> to vector<2560x256xf32>
    %add3A_9 = arith.addf %dot_general3A_5, %add3A : vector<2560x256xf32>
    %swap3A = arith.constant 0 : index
    %swap3A_10 = arith.constant 0 : index
    %swap3A_11 = vector.load %arg6[%swap3A, %swap3A_10] : memref<2560x256xf32, #tpu.memory_space<vmem>>, vector<2560x256xf32>
    tpu.vector_store %arg6[%swap3A, %swap3A_10], %add3A_9 {strides = array<i32>} : memref<2560x256xf32, #tpu.memory_space<vmem>>, vector<2560x256xf32>,
    %get3A_12 = arith.constant 0 : index
    %get3A_13 = arith.constant 0 : index
    %get3A_14 = vector.load %arg3[%get3A_12, %get3A_13] : memref<16x256xf32, #tpu.memory_space<vmem>>, vector<16x256xf32>
    %dot_general3A_15 = arith.constant dense<0.000000e+00> : vector<2560x256xf32>
    %dot_general3A_16 = tpu.matmul %get3A_1, %get3A_14, %dot_general3A_15 {dimension_numbers = #tpu.dot_dimension_numbers<[1], [0], [0], [1], [0, 0, 1, 1], [], []>, transpose_lhs_hint = false} : vector<2560x16xf32>, vector<16x256xf32>, vector<2560x256xf32> -> vector<2560x256xf32>
    %get3A_17 = arith.constant 0 : index
    %get3A_18 = arith.constant 0 : index
    %get3A_19 = vector.load %arg5[%get3A_17, %get3A_18] : memref<1x256xf32, #tpu.memory_space<vmem>>, vector<1x256xf32>
    %add3A_20 = vector.broadcast %get3A_19 : vector<1x256xf32> to vector<2560x256xf32>
    %add3A_21 = arith.addf %dot_general3A_16, %add3A_20 : vector<2560x256xf32>
    %swap3A_22 = arith.constant 0 : index
    %swap3A_23 = arith.constant 0 : index
    %swap3A_24 = vector.load %arg7[%swap3A_22, %swap3A_23] : memref<2560x256xf32, #tpu.memory_space<vmem>>, vector<2560x256xf32>
    tpu.vector_store %arg7[%swap3A_22, %swap3A_23], %add3A_21 {strides = array<i32>} : memref<2560x256xf32, #tpu.memory_space<vmem>>, vector<2560x256xf32>,
    return
  }
  func.func @transform_0(%arg0: i32) -> (i32, i32) {
    %c0_i32 = arith.constant 0 : i32
    %c0_i32_0 = arith.constant 0 : i32
    return %arg0, %c0_i32 : i32, i32
  }
  func.func @transform_1(%arg0: i32) -> (i32, i32) {
    %c0_i32 = arith.constant 0 : i32
    %c0_i32_0 = arith.constant 0 : i32
    %c0_i32_1 = arith.constant 0 : i32
    return %c0_i32, %c0_i32_0 : i32, i32
  }
  func.func @transform_2(%arg0: i32) -> (i32, i32) {
    %c0_i32 = arith.constant 0 : i32
    %c0_i32_0 = arith.constant 0 : i32
    %c0_i32_1 = arith.constant 0 : i32
    return %c0_i32, %c0_i32_0 : i32, i32
  }
  func.func @transform_3(%arg0: i32) -> (i32, i32) {
    %c0_i32 = arith.constant 0 : i32
    %c0_i32_0 = arith.constant 0 : i32
    %c0_i32_1 = arith.constant 0 : i32
    return %c0_i32, %c0_i32_0 : i32, i32
  }
  func.func @transform_4(%arg0: i32) -> (i32, i32) {
    %c0_i32 = arith.constant 0 : i32
    %c0_i32_0 = arith.constant 0 : i32
    %c0_i32_1 = arith.constant 0 : i32
    return %c0_i32, %c0_i32_0 : i32, i32
  }
  func.func @transform_5(%arg0: i32) -> (i32, i32) {
    %c0_i32 = arith.constant 0 : i32
    %c0_i32_0 = arith.constant 0 : i32
    return %arg0, %c0_i32 : i32, i32
  }
  func.func @transform_6(%arg0: i32) -> (i32, i32) {
    %c0_i32 = arith.constant 0 : i32
    %c0_i32_0 = arith.constant 0 : i32
    return %arg0, %c0_i32 : i32, i32
  }
}

module attributes {stable_mosaic.version = 14 : i64} {
  func.func @_node_mid_kernel(%arg0: i32, %arg1: memref<2000x256xf32, #tpu.memory_space<vmem>>, %arg2: memref<2000x128xf32, #tpu.memory_space<vmem>>, %arg3: memref<2000x128xf32, #tpu.memory_space<vmem>>, %arg4: memref<256x256xf32, #tpu.memory_space<vmem>>, %arg5: memref<1x256xf32, #tpu.memory_space<vmem>>, %arg6: memref<256x256xf32, #tpu.memory_space<vmem>>, %arg7: memref<256x256xf32, #tpu.memory_space<vmem>>, %arg8: memref<256x256xf32, #tpu.memory_space<vmem>>, %arg9: memref<2000x256xf32, #tpu.memory_space<vmem>>, %arg10: memref<2000x256xf32, #tpu.memory_space<vmem>>, %arg11: memref<2000x256xf32, #tpu.memory_space<vmem>>, %arg12: memref<2000x256xf32, #tpu.memory_space<vmem>>) attributes {dimension_semantics = [#tpu.dimension_semantics<arbitrary>], iteration_bounds = array<i64: 5>, scalar_prefetch = 0 : i64, scratch_operands = 0 : i64, tpu.core_type = #tpu.core_type<tc>, window_params = [{transform_indices = @transform_0, window_bounds = array<i64: 2000, 256>}, {transform_indices = @transform_1, window_bounds = array<i64: 2000, 128>}, {transform_indices = @transform_2, window_bounds = array<i64: 2000, 128>}, {pipeline_mode = #tpu.pipeline_mode<synchronous>, transform_indices = @transform_3, window_bounds = array<i64: 256, 256>}, {pipeline_mode = #tpu.pipeline_mode<synchronous>, transform_indices = @transform_4, window_bounds = array<i64: 1, 256>}, {pipeline_mode = #tpu.pipeline_mode<synchronous>, transform_indices = @transform_5, window_bounds = array<i64: 256, 256>}, {pipeline_mode = #tpu.pipeline_mode<synchronous>, transform_indices = @transform_6, window_bounds = array<i64: 256, 256>}, {pipeline_mode = #tpu.pipeline_mode<synchronous>, transform_indices = @transform_7, window_bounds = array<i64: 256, 256>}, {transform_indices = @transform_8, window_bounds = array<i64: 2000, 256>}, {transform_indices = @transform_9, window_bounds = array<i64: 2000, 256>}, {transform_indices = @transform_10, window_bounds = array<i64: 2000, 256>}, {transform_indices = @transform_11, window_bounds = array<i64: 2000, 256>}]} {
    %get3A = arith.constant 0 : index
    %get3A_0 = arith.constant 0 : index
    %get3A_1 = vector.load %arg1[%get3A, %get3A_0] : memref<2000x256xf32, #tpu.memory_space<vmem>>, vector<2000x256xf32>
    %get3A_2 = arith.constant 0 : index
    %get3A_3 = arith.constant 0 : index
    %get3A_4 = vector.load %arg4[%get3A_2, %get3A_3] : memref<256x256xf32, #tpu.memory_space<vmem>>, vector<256x256xf32>
    %dot_general3A = arith.constant dense<0.000000e+00> : vector<2000x256xf32>
    %dot_general3A_5 = tpu.matmul %get3A_1, %get3A_4, %dot_general3A {dimension_numbers = #tpu.dot_dimension_numbers<[1], [0], [0], [1], [0, 0, 1, 1], [], []>, transpose_lhs_hint = false} : vector<2000x256xf32>, vector<256x256xf32>, vector<2000x256xf32> -> vector<2000x256xf32>
    %get3A_6 = arith.constant 0 : index
    %get3A_7 = arith.constant 0 : index
    %get3A_8 = vector.load %arg2[%get3A_6, %get3A_7] : memref<2000x128xf32, #tpu.memory_space<vmem>>, vector<2000x128xf32>
    %get3A_9 = arith.constant 0 : index
    %get3A_10 = arith.constant 0 : index
    %get3A_11 = vector.load %arg3[%get3A_9, %get3A_10] : memref<2000x128xf32, #tpu.memory_space<vmem>>, vector<2000x128xf32>
    %concatenate3A = tpu.concatenate %get3A_8, %get3A_11 in 1 : vector<2000x128xf32>, vector<2000x128xf32> -> vector<2000x256xf32>
    %add3A = arith.addf %dot_general3A_5, %concatenate3A : vector<2000x256xf32>
    %get3A_12 = arith.constant 0 : index
    %get3A_13 = arith.constant 0 : index
    %get3A_14 = vector.load %arg5[%get3A_12, %get3A_13] : memref<1x256xf32, #tpu.memory_space<vmem>>, vector<1x256xf32>
    %add3A_15 = vector.broadcast %get3A_14 : vector<1x256xf32> to vector<2000x256xf32>
    %add3A_16 = arith.addf %add3A, %add3A_15 : vector<2000x256xf32>
    %max3A = arith.constant 0.000000e+00 : f32
    %max3A_17 = vector.broadcast %max3A : f32 to vector<2000x256xf32>
    %max3A_18 = arith.maximumf %add3A_16, %max3A_17 : vector<2000x256xf32>
    %swap3A = arith.constant 0 : index
    %swap3A_19 = arith.constant 0 : index
    %swap3A_20 = vector.load %arg9[%swap3A, %swap3A_19] : memref<2000x256xf32, #tpu.memory_space<vmem>>, vector<2000x256xf32>
    tpu.vector_store %arg9[%swap3A, %swap3A_19], %max3A_18 {strides = array<i32>} : memref<2000x256xf32, #tpu.memory_space<vmem>>, vector<2000x256xf32>,
    %get3A_21 = arith.constant 0 : index
    %get3A_22 = arith.constant 0 : index
    %get3A_23 = vector.load %arg6[%get3A_21, %get3A_22] : memref<256x256xf32, #tpu.memory_space<vmem>>, vector<256x256xf32>
    %dot_general3A_24 = arith.constant dense<0.000000e+00> : vector<2000x256xf32>
    %dot_general3A_25 = tpu.matmul %max3A_18, %get3A_23, %dot_general3A_24 {dimension_numbers = #tpu.dot_dimension_numbers<[1], [0], [0], [1], [0, 0, 1, 1], [], []>, transpose_lhs_hint = false} : vector<2000x256xf32>, vector<256x256xf32>, vector<2000x256xf32> -> vector<2000x256xf32>
    %swap3A_26 = arith.constant 0 : index
    %swap3A_27 = arith.constant 0 : index
    %swap3A_28 = vector.load %arg10[%swap3A_26, %swap3A_27] : memref<2000x256xf32, #tpu.memory_space<vmem>>, vector<2000x256xf32>
    tpu.vector_store %arg10[%swap3A_26, %swap3A_27], %dot_general3A_25 {strides = array<i32>} : memref<2000x256xf32, #tpu.memory_space<vmem>>, vector<2000x256xf32>,
    %get3A_29 = arith.constant 0 : index
    %get3A_30 = arith.constant 0 : index
    %get3A_31 = vector.load %arg7[%get3A_29, %get3A_30] : memref<256x256xf32, #tpu.memory_space<vmem>>, vector<256x256xf32>
    %dot_general3A_32 = arith.constant dense<0.000000e+00> : vector<2000x256xf32>
    %dot_general3A_33 = tpu.matmul %max3A_18, %get3A_31, %dot_general3A_32 {dimension_numbers = #tpu.dot_dimension_numbers<[1], [0], [0], [1], [0, 0, 1, 1], [], []>, transpose_lhs_hint = false} : vector<2000x256xf32>, vector<256x256xf32>, vector<2000x256xf32> -> vector<2000x256xf32>
    %swap3A_34 = arith.constant 0 : index
    %swap3A_35 = arith.constant 0 : index
    %swap3A_36 = vector.load %arg11[%swap3A_34, %swap3A_35] : memref<2000x256xf32, #tpu.memory_space<vmem>>, vector<2000x256xf32>
    tpu.vector_store %arg11[%swap3A_34, %swap3A_35], %dot_general3A_33 {strides = array<i32>} : memref<2000x256xf32, #tpu.memory_space<vmem>>, vector<2000x256xf32>,
    %get3A_37 = arith.constant 0 : index
    %get3A_38 = arith.constant 0 : index
    %get3A_39 = vector.load %arg8[%get3A_37, %get3A_38] : memref<256x256xf32, #tpu.memory_space<vmem>>, vector<256x256xf32>
    %dot_general3A_40 = arith.constant dense<0.000000e+00> : vector<2000x256xf32>
    %dot_general3A_41 = tpu.matmul %max3A_18, %get3A_39, %dot_general3A_40 {dimension_numbers = #tpu.dot_dimension_numbers<[1], [0], [0], [1], [0, 0, 1, 1], [], []>, transpose_lhs_hint = false} : vector<2000x256xf32>, vector<256x256xf32>, vector<2000x256xf32> -> vector<2000x256xf32>
    %swap3A_42 = arith.constant 0 : index
    %swap3A_43 = arith.constant 0 : index
    %swap3A_44 = vector.load %arg12[%swap3A_42, %swap3A_43] : memref<2000x256xf32, #tpu.memory_space<vmem>>, vector<2000x256xf32>
    tpu.vector_store %arg12[%swap3A_42, %swap3A_43], %dot_general3A_41 {strides = array<i32>} : memref<2000x256xf32, #tpu.memory_space<vmem>>, vector<2000x256xf32>,
    return
  }
  func.func @transform_0(%arg0: i32) -> (i32, i32) {
    %c0_i32 = arith.constant 0 : i32
    %c0_i32_0 = arith.constant 0 : i32
    return %arg0, %c0_i32 : i32, i32
  }
  func.func @transform_1(%arg0: i32) -> (i32, i32) {
    %c0_i32 = arith.constant 0 : i32
    %c0_i32_0 = arith.constant 0 : i32
    return %arg0, %c0_i32 : i32, i32
  }
  func.func @transform_2(%arg0: i32) -> (i32, i32) {
    %add3A = arith.constant 5 : i32
    %add3A_0 = arith.addi %arg0, %add3A : i32
    %c0_i32 = arith.constant 0 : i32
    %c0_i32_1 = arith.constant 0 : i32
    return %add3A_0, %c0_i32 : i32, i32
  }
  func.func @transform_3(%arg0: i32) -> (i32, i32) {
    %c0_i32 = arith.constant 0 : i32
    %c0_i32_0 = arith.constant 0 : i32
    %c0_i32_1 = arith.constant 0 : i32
    return %c0_i32, %c0_i32_0 : i32, i32
  }
  func.func @transform_4(%arg0: i32) -> (i32, i32) {
    %c0_i32 = arith.constant 0 : i32
    %c0_i32_0 = arith.constant 0 : i32
    %c0_i32_1 = arith.constant 0 : i32
    return %c0_i32, %c0_i32_0 : i32, i32
  }
  func.func @transform_5(%arg0: i32) -> (i32, i32) {
    %c0_i32 = arith.constant 0 : i32
    %c0_i32_0 = arith.constant 0 : i32
    %c0_i32_1 = arith.constant 0 : i32
    return %c0_i32, %c0_i32_0 : i32, i32
  }
  func.func @transform_6(%arg0: i32) -> (i32, i32) {
    %c0_i32 = arith.constant 0 : i32
    %c0_i32_0 = arith.constant 0 : i32
    %c0_i32_1 = arith.constant 0 : i32
    return %c0_i32, %c0_i32_0 : i32, i32
  }
  func.func @transform_7(%arg0: i32) -> (i32, i32) {
    %c0_i32 = arith.constant 0 : i32
    %c0_i32_0 = arith.constant 0 : i32
    %c0_i32_1 = arith.constant 0 : i32
    return %c0_i32, %c0_i32_0 : i32, i32
  }
  func.func @transform_8(%arg0: i32) -> (i32, i32) {
    %c0_i32 = arith.constant 0 : i32
    %c0_i32_0 = arith.constant 0 : i32
    return %arg0, %c0_i32 : i32, i32
  }
  func.func @transform_9(%arg0: i32) -> (i32, i32) {
    %c0_i32 = arith.constant 0 : i32
    %c0_i32_0 = arith.constant 0 : i32
    return %arg0, %c0_i32 : i32, i32
  }
  func.func @transform_10(%arg0: i32) -> (i32, i32) {
    %c0_i32 = arith.constant 0 : i32
    %c0_i32_0 = arith.constant 0 : i32
    return %arg0, %c0_i32 : i32, i32
  }
  func.func @transform_11(%arg0: i32) -> (i32, i32) {
    %c0_i32 = arith.constant 0 : i32
    %c0_i32_0 = arith.constant 0 : i32
    return %arg0, %c0_i32 : i32, i32
  }
}

module attributes {stable_mosaic.version = 14 : i64} {
  func.func @_edge_mm_kernel(%arg0: i32, %arg1: memref<2560x256xf32, #tpu.memory_space<vmem>>, %arg2: memref<2560x128xf32, #tpu.memory_space<vmem>>, %arg3: memref<2560x128xf32, #tpu.memory_space<vmem>>, %arg4: memref<1x256xf32, #tpu.memory_space<vmem>>, %arg5: memref<256x256xf32, #tpu.memory_space<vmem>>, %arg6: memref<256x256xf32, #tpu.memory_space<vmem>>, %arg7: memref<2560x256xf32, #tpu.memory_space<vmem>>, %arg8: memref<2560x256xf32, #tpu.memory_space<vmem>>) attributes {dimension_semantics = [#tpu.dimension_semantics<arbitrary>], iteration_bounds = array<i64: 125>, scalar_prefetch = 0 : i64, scratch_operands = 0 : i64, tpu.core_type = #tpu.core_type<tc>, window_params = [{transform_indices = @transform_0, window_bounds = array<i64: 2560, 256>}, {transform_indices = @transform_1, window_bounds = array<i64: 2560, 128>}, {transform_indices = @transform_2, window_bounds = array<i64: 2560, 128>}, {pipeline_mode = #tpu.pipeline_mode<synchronous>, transform_indices = @transform_3, window_bounds = array<i64: 1, 256>}, {pipeline_mode = #tpu.pipeline_mode<synchronous>, transform_indices = @transform_4, window_bounds = array<i64: 256, 256>}, {pipeline_mode = #tpu.pipeline_mode<synchronous>, transform_indices = @transform_5, window_bounds = array<i64: 256, 256>}, {transform_indices = @transform_6, window_bounds = array<i64: 2560, 256>}, {transform_indices = @transform_7, window_bounds = array<i64: 2560, 256>}]} {
    %get3A = arith.constant 0 : index
    %get3A_0 = arith.constant 0 : index
    %get3A_1 = vector.load %arg1[%get3A, %get3A_0] : memref<2560x256xf32, #tpu.memory_space<vmem>>, vector<2560x256xf32>
    %get3A_2 = arith.constant 0 : index
    %get3A_3 = arith.constant 0 : index
    %get3A_4 = vector.load %arg2[%get3A_2, %get3A_3] : memref<2560x128xf32, #tpu.memory_space<vmem>>, vector<2560x128xf32>
    %get3A_5 = arith.constant 0 : index
    %get3A_6 = arith.constant 0 : index
    %get3A_7 = vector.load %arg3[%get3A_5, %get3A_6] : memref<2560x128xf32, #tpu.memory_space<vmem>>, vector<2560x128xf32>
    %concatenate3A = tpu.concatenate %get3A_4, %get3A_7 in 1 : vector<2560x128xf32>, vector<2560x128xf32> -> vector<2560x256xf32>
    %add3A = arith.addf %get3A_1, %concatenate3A : vector<2560x256xf32>
    %get3A_8 = arith.constant 0 : index
    %get3A_9 = arith.constant 0 : index
    %get3A_10 = vector.load %arg4[%get3A_8, %get3A_9] : memref<1x256xf32, #tpu.memory_space<vmem>>, vector<1x256xf32>
    %add3A_11 = vector.broadcast %get3A_10 : vector<1x256xf32> to vector<2560x256xf32>
    %add3A_12 = arith.addf %add3A, %add3A_11 : vector<2560x256xf32>
    %max3A = arith.constant 0.000000e+00 : f32
    %max3A_13 = vector.broadcast %max3A : f32 to vector<2560x256xf32>
    %max3A_14 = arith.maximumf %add3A_12, %max3A_13 : vector<2560x256xf32>
    %get3A_15 = arith.constant 0 : index
    %get3A_16 = arith.constant 0 : index
    %get3A_17 = vector.load %arg5[%get3A_15, %get3A_16] : memref<256x256xf32, #tpu.memory_space<vmem>>, vector<256x256xf32>
    %dot_general3A = arith.constant dense<0.000000e+00> : vector<2560x256xf32>
    %dot_general3A_18 = tpu.matmul %max3A_14, %get3A_17, %dot_general3A {dimension_numbers = #tpu.dot_dimension_numbers<[1], [0], [0], [1], [0, 0, 1, 1], [], []>, transpose_lhs_hint = false} : vector<2560x256xf32>, vector<256x256xf32>, vector<2560x256xf32> -> vector<2560x256xf32>
    %swap3A = arith.constant 0 : index
    %swap3A_19 = arith.constant 0 : index
    %swap3A_20 = vector.load %arg7[%swap3A, %swap3A_19] : memref<2560x256xf32, #tpu.memory_space<vmem>>, vector<2560x256xf32>
    tpu.vector_store %arg7[%swap3A, %swap3A_19], %dot_general3A_18 {strides = array<i32>} : memref<2560x256xf32, #tpu.memory_space<vmem>>, vector<2560x256xf32>,
    %get3A_21 = arith.constant 0 : index
    %get3A_22 = arith.constant 0 : index
    %get3A_23 = vector.load %arg6[%get3A_21, %get3A_22] : memref<256x256xf32, #tpu.memory_space<vmem>>, vector<256x256xf32>
    %dot_general3A_24 = arith.constant dense<0.000000e+00> : vector<2560x256xf32>
    %dot_general3A_25 = tpu.matmul %max3A_14, %get3A_23, %dot_general3A_24 {dimension_numbers = #tpu.dot_dimension_numbers<[1], [0], [0], [1], [0, 0, 1, 1], [], []>, transpose_lhs_hint = false} : vector<2560x256xf32>, vector<256x256xf32>, vector<2560x256xf32> -> vector<2560x256xf32>
    %swap3A_26 = arith.constant 0 : index
    %swap3A_27 = arith.constant 0 : index
    %swap3A_28 = vector.load %arg8[%swap3A_26, %swap3A_27] : memref<2560x256xf32, #tpu.memory_space<vmem>>, vector<2560x256xf32>
    tpu.vector_store %arg8[%swap3A_26, %swap3A_27], %dot_general3A_25 {strides = array<i32>} : memref<2560x256xf32, #tpu.memory_space<vmem>>, vector<2560x256xf32>,
    return
  }
  func.func @transform_0(%arg0: i32) -> (i32, i32) {
    %c0_i32 = arith.constant 0 : i32
    %c0_i32_0 = arith.constant 0 : i32
    return %arg0, %c0_i32 : i32, i32
  }
  func.func @transform_1(%arg0: i32) -> (i32, i32) {
    %c0_i32 = arith.constant 0 : i32
    %c0_i32_0 = arith.constant 0 : i32
    return %arg0, %c0_i32 : i32, i32
  }
  func.func @transform_2(%arg0: i32) -> (i32, i32) {
    %add3A = arith.constant 125 : i32
    %add3A_0 = arith.addi %arg0, %add3A : i32
    %c0_i32 = arith.constant 0 : i32
    %c0_i32_1 = arith.constant 0 : i32
    return %add3A_0, %c0_i32 : i32, i32
  }
  func.func @transform_3(%arg0: i32) -> (i32, i32) {
    %c0_i32 = arith.constant 0 : i32
    %c0_i32_0 = arith.constant 0 : i32
    %c0_i32_1 = arith.constant 0 : i32
    return %c0_i32, %c0_i32_0 : i32, i32
  }
  func.func @transform_4(%arg0: i32) -> (i32, i32) {
    %c0_i32 = arith.constant 0 : i32
    %c0_i32_0 = arith.constant 0 : i32
    %c0_i32_1 = arith.constant 0 : i32
    return %c0_i32, %c0_i32_0 : i32, i32
  }
  func.func @transform_5(%arg0: i32) -> (i32, i32) {
    %c0_i32 = arith.constant 0 : i32
    %c0_i32_0 = arith.constant 0 : i32
    %c0_i32_1 = arith.constant 0 : i32
    return %c0_i32, %c0_i32_0 : i32, i32
  }
  func.func @transform_6(%arg0: i32) -> (i32, i32) {
    %c0_i32 = arith.constant 0 : i32
    %c0_i32_0 = arith.constant 0 : i32
    return %arg0, %c0_i32 : i32, i32
  }
  func.func @transform_7(%arg0: i32) -> (i32, i32) {
    %c0_i32 = arith.constant 0 : i32
    %c0_i32_0 = arith.constant 0 : i32
    return %arg0, %c0_i32 : i32, i32
  }
}

module attributes {stable_mosaic.version = 14 : i64} {
  func.func @body(%arg0: i32, %arg1: memref<2560x256xf32, #tpu.memory_space<vmem>>, %arg2: memref<2560x128xf32, #tpu.memory_space<vmem>>, %arg3: memref<2560x128xf32, #tpu.memory_space<vmem>>, %arg4: memref<1x256xf32, #tpu.memory_space<vmem>>, %arg5: memref<256x256xf32, #tpu.memory_space<vmem>>, %arg6: memref<2560x256xf32, #tpu.memory_space<vmem>>) attributes {dimension_semantics = [#tpu.dimension_semantics<arbitrary>], iteration_bounds = array<i64: 125>, scalar_prefetch = 0 : i64, scratch_operands = 0 : i64, tpu.core_type = #tpu.core_type<tc>, window_params = [{transform_indices = @transform_0, window_bounds = array<i64: 2560, 256>}, {transform_indices = @transform_1, window_bounds = array<i64: 2560, 128>}, {transform_indices = @transform_2, window_bounds = array<i64: 2560, 128>}, {pipeline_mode = #tpu.pipeline_mode<synchronous>, transform_indices = @transform_3, window_bounds = array<i64: 1, 256>}, {pipeline_mode = #tpu.pipeline_mode<synchronous>, transform_indices = @transform_4, window_bounds = array<i64: 256, 256>}, {transform_indices = @transform_5, window_bounds = array<i64: 2560, 256>}]} {
    %get3A = arith.constant 0 : index
    %get3A_0 = arith.constant 0 : index
    %get3A_1 = vector.load %arg1[%get3A, %get3A_0] : memref<2560x256xf32, #tpu.memory_space<vmem>>, vector<2560x256xf32>
    %get3A_2 = arith.constant 0 : index
    %get3A_3 = arith.constant 0 : index
    %get3A_4 = vector.load %arg2[%get3A_2, %get3A_3] : memref<2560x128xf32, #tpu.memory_space<vmem>>, vector<2560x128xf32>
    %get3A_5 = arith.constant 0 : index
    %get3A_6 = arith.constant 0 : index
    %get3A_7 = vector.load %arg3[%get3A_5, %get3A_6] : memref<2560x128xf32, #tpu.memory_space<vmem>>, vector<2560x128xf32>
    %concatenate3A = tpu.concatenate %get3A_4, %get3A_7 in 1 : vector<2560x128xf32>, vector<2560x128xf32> -> vector<2560x256xf32>
    %add3A = arith.addf %get3A_1, %concatenate3A : vector<2560x256xf32>
    %get3A_8 = arith.constant 0 : index
    %get3A_9 = arith.constant 0 : index
    %get3A_10 = vector.load %arg4[%get3A_8, %get3A_9] : memref<1x256xf32, #tpu.memory_space<vmem>>, vector<1x256xf32>
    %add3A_11 = vector.broadcast %get3A_10 : vector<1x256xf32> to vector<2560x256xf32>
    %add3A_12 = arith.addf %add3A, %add3A_11 : vector<2560x256xf32>
    %max3A = arith.constant 0.000000e+00 : f32
    %max3A_13 = vector.broadcast %max3A : f32 to vector<2560x256xf32>
    %max3A_14 = arith.maximumf %add3A_12, %max3A_13 : vector<2560x256xf32>
    %get3A_15 = arith.constant 0 : index
    %get3A_16 = arith.constant 0 : index
    %get3A_17 = vector.load %arg5[%get3A_15, %get3A_16] : memref<256x256xf32, #tpu.memory_space<vmem>>, vector<256x256xf32>
    %dot_general3A = arith.constant dense<0.000000e+00> : vector<2560x256xf32>
    %dot_general3A_18 = tpu.matmul %max3A_14, %get3A_17, %dot_general3A {dimension_numbers = #tpu.dot_dimension_numbers<[1], [0], [0], [1], [0, 0, 1, 1], [], []>, transpose_lhs_hint = false} : vector<2560x256xf32>, vector<256x256xf32>, vector<2560x256xf32> -> vector<2560x256xf32>
    %swap3A = arith.constant 0 : index
    %swap3A_19 = arith.constant 0 : index
    %swap3A_20 = vector.load %arg6[%swap3A, %swap3A_19] : memref<2560x256xf32, #tpu.memory_space<vmem>>, vector<2560x256xf32>
    tpu.vector_store %arg6[%swap3A, %swap3A_19], %dot_general3A_18 {strides = array<i32>} : memref<2560x256xf32, #tpu.memory_space<vmem>>, vector<2560x256xf32>,
    return
  }
  func.func @transform_0(%arg0: i32) -> (i32, i32) {
    %c0_i32 = arith.constant 0 : i32
    %c0_i32_0 = arith.constant 0 : i32
    return %arg0, %c0_i32 : i32, i32
  }
  func.func @transform_1(%arg0: i32) -> (i32, i32) {
    %c0_i32 = arith.constant 0 : i32
    %c0_i32_0 = arith.constant 0 : i32
    return %arg0, %c0_i32 : i32, i32
  }
  func.func @transform_2(%arg0: i32) -> (i32, i32) {
    %add3A = arith.constant 125 : i32
    %add3A_0 = arith.addi %arg0, %add3A : i32
    %c0_i32 = arith.constant 0 : i32
    %c0_i32_1 = arith.constant 0 : i32
    return %add3A_0, %c0_i32 : i32, i32
  }
  func.func @transform_3(%arg0: i32) -> (i32, i32) {
    %c0_i32 = arith.constant 0 : i32
    %c0_i32_0 = arith.constant 0 : i32
    %c0_i32_1 = arith.constant 0 : i32
    return %c0_i32, %c0_i32_0 : i32, i32
  }
  func.func @transform_4(%arg0: i32) -> (i32, i32) {
    %c0_i32 = arith.constant 0 : i32
    %c0_i32_0 = arith.constant 0 : i32
    %c0_i32_1 = arith.constant 0 : i32
    return %c0_i32, %c0_i32_0 : i32, i32
  }
  func.func @transform_5(%arg0: i32) -> (i32, i32) {
    %c0_i32 = arith.constant 0 : i32
    %c0_i32_0 = arith.constant 0 : i32
    return %arg0, %c0_i32 : i32, i32
  }
}

module attributes {stable_mosaic.version = 14 : i64} {
  func.func @_node_last_kernel(%arg0: i32, %arg1: memref<2000x256xf32, #tpu.memory_space<vmem>>, %arg2: memref<2000x128xf32, #tpu.memory_space<vmem>>, %arg3: memref<2000x128xf32, #tpu.memory_space<vmem>>, %arg4: memref<256x256xf32, #tpu.memory_space<vmem>>, %arg5: memref<1x256xf32, #tpu.memory_space<vmem>>, %arg6: memref<256x128xf32, #tpu.memory_space<vmem>>, %arg7: memref<2000x128xf32, #tpu.memory_space<vmem>>) attributes {dimension_semantics = [#tpu.dimension_semantics<arbitrary>], iteration_bounds = array<i64: 5>, scalar_prefetch = 0 : i64, scratch_operands = 0 : i64, tpu.core_type = #tpu.core_type<tc>, window_params = [{transform_indices = @transform_0, window_bounds = array<i64: 2000, 256>}, {transform_indices = @transform_1, window_bounds = array<i64: 2000, 128>}, {transform_indices = @transform_2, window_bounds = array<i64: 2000, 128>}, {pipeline_mode = #tpu.pipeline_mode<synchronous>, transform_indices = @transform_3, window_bounds = array<i64: 256, 256>}, {pipeline_mode = #tpu.pipeline_mode<synchronous>, transform_indices = @transform_4, window_bounds = array<i64: 1, 256>}, {pipeline_mode = #tpu.pipeline_mode<synchronous>, transform_indices = @transform_5, window_bounds = array<i64: 256, 128>}, {transform_indices = @transform_6, window_bounds = array<i64: 2000, 128>}]} {
    %get3A = arith.constant 0 : index
    %get3A_0 = arith.constant 0 : index
    %get3A_1 = vector.load %arg1[%get3A, %get3A_0] : memref<2000x256xf32, #tpu.memory_space<vmem>>, vector<2000x256xf32>
    %get3A_2 = arith.constant 0 : index
    %get3A_3 = arith.constant 0 : index
    %get3A_4 = vector.load %arg4[%get3A_2, %get3A_3] : memref<256x256xf32, #tpu.memory_space<vmem>>, vector<256x256xf32>
    %dot_general3A = arith.constant dense<0.000000e+00> : vector<2000x256xf32>
    %dot_general3A_5 = tpu.matmul %get3A_1, %get3A_4, %dot_general3A {dimension_numbers = #tpu.dot_dimension_numbers<[1], [0], [0], [1], [0, 0, 1, 1], [], []>, transpose_lhs_hint = false} : vector<2000x256xf32>, vector<256x256xf32>, vector<2000x256xf32> -> vector<2000x256xf32>
    %get3A_6 = arith.constant 0 : index
    %get3A_7 = arith.constant 0 : index
    %get3A_8 = vector.load %arg2[%get3A_6, %get3A_7] : memref<2000x128xf32, #tpu.memory_space<vmem>>, vector<2000x128xf32>
    %get3A_9 = arith.constant 0 : index
    %get3A_10 = arith.constant 0 : index
    %get3A_11 = vector.load %arg3[%get3A_9, %get3A_10] : memref<2000x128xf32, #tpu.memory_space<vmem>>, vector<2000x128xf32>
    %concatenate3A = tpu.concatenate %get3A_8, %get3A_11 in 1 : vector<2000x128xf32>, vector<2000x128xf32> -> vector<2000x256xf32>
    %add3A = arith.addf %dot_general3A_5, %concatenate3A : vector<2000x256xf32>
    %get3A_12 = arith.constant 0 : index
    %get3A_13 = arith.constant 0 : index
    %get3A_14 = vector.load %arg5[%get3A_12, %get3A_13] : memref<1x256xf32, #tpu.memory_space<vmem>>, vector<1x256xf32>
    %add3A_15 = vector.broadcast %get3A_14 : vector<1x256xf32> to vector<2000x256xf32>
    %add3A_16 = arith.addf %add3A, %add3A_15 : vector<2000x256xf32>
    %max3A = arith.constant 0.000000e+00 : f32
    %max3A_17 = vector.broadcast %max3A : f32 to vector<2000x256xf32>
    %max3A_18 = arith.maximumf %add3A_16, %max3A_17 : vector<2000x256xf32>
    %get3A_19 = arith.constant 0 : index
    %get3A_20 = arith.constant 0 : index
    %get3A_21 = vector.load %arg6[%get3A_19, %get3A_20] : memref<256x128xf32, #tpu.memory_space<vmem>>, vector<256x128xf32>
    %dot_general3A_22 = arith.constant dense<0.000000e+00> : vector<2000x128xf32>
    %dot_general3A_23 = tpu.matmul %max3A_18, %get3A_21, %dot_general3A_22 {dimension_numbers = #tpu.dot_dimension_numbers<[1], [0], [0], [1], [0, 0, 1, 1], [], []>, transpose_lhs_hint = false} : vector<2000x256xf32>, vector<256x128xf32>, vector<2000x128xf32> -> vector<2000x128xf32>
    %swap3A = arith.constant 0 : index
    %swap3A_24 = arith.constant 0 : index
    %swap3A_25 = vector.load %arg7[%swap3A, %swap3A_24] : memref<2000x128xf32, #tpu.memory_space<vmem>>, vector<2000x128xf32>
    tpu.vector_store %arg7[%swap3A, %swap3A_24], %dot_general3A_23 {strides = array<i32>} : memref<2000x128xf32, #tpu.memory_space<vmem>>, vector<2000x128xf32>,
    return
  }
  func.func @transform_0(%arg0: i32) -> (i32, i32) {
    %c0_i32 = arith.constant 0 : i32
    %c0_i32_0 = arith.constant 0 : i32
    return %arg0, %c0_i32 : i32, i32
  }
  func.func @transform_1(%arg0: i32) -> (i32, i32) {
    %c0_i32 = arith.constant 0 : i32
    %c0_i32_0 = arith.constant 0 : i32
    return %arg0, %c0_i32 : i32, i32
  }
  func.func @transform_2(%arg0: i32) -> (i32, i32) {
    %add3A = arith.constant 5 : i32
    %add3A_0 = arith.addi %arg0, %add3A : i32
    %c0_i32 = arith.constant 0 : i32
    %c0_i32_1 = arith.constant 0 : i32
    return %add3A_0, %c0_i32 : i32, i32
  }
  func.func @transform_3(%arg0: i32) -> (i32, i32) {
    %c0_i32 = arith.constant 0 : i32
    %c0_i32_0 = arith.constant 0 : i32
    %c0_i32_1 = arith.constant 0 : i32
    return %c0_i32, %c0_i32_0 : i32, i32
  }
  func.func @transform_4(%arg0: i32) -> (i32, i32) {
    %c0_i32 = arith.constant 0 : i32
    %c0_i32_0 = arith.constant 0 : i32
    %c0_i32_1 = arith.constant 0 : i32
    return %c0_i32, %c0_i32_0 : i32, i32
  }
  func.func @transform_5(%arg0: i32) -> (i32, i32) {
    %c0_i32 = arith.constant 0 : i32
    %c0_i32_0 = arith.constant 0 : i32
    %c0_i32_1 = arith.constant 0 : i32
    return %c0_i32, %c0_i32_0 : i32, i32
  }
  func.func @transform_6(%arg0: i32) -> (i32, i32) {
    %c0_i32 = arith.constant 0 : i32
    %c0_i32_0 = arith.constant 0 : i32
    return %arg0, %c0_i32 : i32, i32
  }
}

</mosaic_0001>

<sc_bundles>
// kernel: kernel.14.cloned.1.call-start
scs
__scs_entry_jumppad:
0x0: {  	(pc) =	sbr.rel $0x88, $3  }
0x1: {  	(tag) =	ssettag $0x0;
	lr =	simm.s32 $0x1  }
0x2: {  	[smem:$0x3F8B] =	sst lr;
	_ =	strace $0xD0000000  }
0x3: {  	_ = 	snop  }
0x4: {  	_ = 	snop  }
0x5: {  	_ = 	snop  }
0x6: {  	_ = 	snop  }
0x7: {  	_ = 	snop  }
__scs_overlays_trampoline_lowered:
0x8: {  	[smem:$0x3F9A] =	sst s0  }
0x9: {  	[smem:$0x3F9B] =	sst s1  }
0xa: {  	[smem:$0x3F9C] =	sst s2  }
0xb: {  	[smem:$0x3F9D] =	sst s3  }
0xc: {  	[smem:$0x3F9E] =	sst s4  }
0xd: {  	[smem:$0x3F9F] =	sst s5  }
0xe: {  	[smem:$0x3FA0] =	sst s6  }
0xf: {  	[smem:$0x3FA1] =	sst s7  }
0x10: {  	[smem:$0x3FA2] =	sst s8  }
0x11: {  	[smem:$0x3FA3] =	sst s9;
	s0 =	simm.s32 @!p0 $0x0  }
0x12: {  	s1 =	sld [smem:$0x3F89];
	s0 =	simm.s32 @p0 $0x1  }
0x13: {  	[smem:$0x3FA4] =	sst s0;
	s0 =	simm.s32 @!p1 $0x0  }
0x14: {  	s2 =	sld [smem:$0x3F88];
	s0 =	simm.s32 @p1 $0x1  }
0x15: {  	[smem:$0x3FA5] =	sst s0;
	s0 =	simm.s32 @!p2 $0x0  }
0x16: {  	s3 =	sld [smem:$0x3FDB];
	s0 =	simm.s32 @p2 $0x1  }
0x17: {  	s4 =	simm.s32 $0x1BF5;
	[smem:$0x3FA7] =	sst s0  }
0x18: {  	s0 =	sld [smem:$0x3F8A];
	_ =	swait.ge [sflag:s4], $0x0  }
0x19: {  	s7 =	sld [smem:$0x3F8B]  }
0x1a: {  	s8 =	sadd.s32 $0xFFFFE003, lr  }
0x1b: {  	s9 =	sadd.s32 $0xFFFFFEF7, lr;
	s5 =	simm.s32 $0xFFFFFFFF;
	p2 =	slt.u32 s8, $0xFFFFF086  }
0x1c: {  	p1 =	slt.u32 s9, $0xF7A;
	s5 =	simm.s32 @!p2 $0x0  }
0x1d: {  	s5 =	simm.s32 @p1 $0x1;
	p0 =	seq.s32 s7, s2  }
0x1e: {  	s7 =	smul.u32 @!p0 $0xF7A, s2;
	p2 =	seq.s32 @!p0 s5, $0x0  }
0x1f: {  	s9 =	smul.u32 $0xF7A, s1;
	s8 =	simm.s32 @!p0 $0x1BF5;
	p2 =	por !p2, p0  }
0x20: {  	[sflag:s8] =	ssyncset.s32 @!p0 $0xFFFFF086;
	s6 =	sadd.s32 @!p0 s3, s7;
	s7 =	simm.s32 @!p0 $0x108  }
0x21: {  	s3 =	sadd.s32 s3, s9;
	s6 =	sadd.s32 @!p0 $0x88, s6;
	s7 =	simm.s32 @p2 $0x1082  }
0x22: {  	[simem:s7], [sflag:s8] =	dma.local @!p0 [hbm:s6], $0xF7A  }
0x23: {  	s9 =	sor.u32 $0xD0000000, s2;
	s6 =	simm.s32 $0x108;
	_ =	swait.ge @!p0 [sflag:s8], $0x0  }
0x24: {  	s3 =	sadd.s32 $0x88, s3;
	s6 =	simm.s32 @!p1 $0x1082;
	[sflag:s4] =	ssyncset.s32 $0xFFFFF086  }
0x25: {  	[simem:s6], [sflag:s4] =	dma.local [hbm:s3], $0xF7A  }
0x26: {  	[smem:$0x3F8B] =	sst s1;
	(tag) =	ssettag s2;
	_ =	strace s9  }
0x27: {  	s1 =	sld [smem:$0x3F9B]  }
0x28: {  	s2 =	sld [smem:$0x3F9C]  }
0x29: {  	s4 =	sld [smem:$0x3F9E]  }
0x2a: {  	p0 =	seq.s32 s5, $0x0;
	s5 =	sld [smem:$0x3F9F]  }
0x2b: {  	s6 =	sld [smem:$0x3FA0]  }
0x2c: {  	s7 =	sld [smem:$0x3FA1]  }
0x2d: {  	s3 =	simm.s32 $0x108;
	s8 =	sld [smem:$0x3FA2]  }
0x2e: {  	s3 =	simm.s32 @!p0 $0x1082;
	s9 =	sld [smem:$0x3FA3]  }
0x2f: {  	lr =	sadd.s32 s0, s3;
	s0 =	sld [smem:$0x3F9A]  }
0x30: {  	s3 =	sld [smem:$0x3F9D]  }
0x31: {  	[smem:$0x3FA6] =	sst s10  }
0x32: {  	s10 =	sld [smem:$0x3FA4];
	_ =	sdelay $0x3  }
0x33: {  	p0 =	seq.s32 s10, $0x1;
	s10 =	sld [smem:$0x3FA6];
	_ =	sdelay $0x3  }
0x34: {  	[smem:$0x3FA6] =	sst s10  }
0x35: {  	s10 =	sld [smem:$0x3FA5];
	_ =	sdelay $0x3  }
0x36: {  	p1 =	seq.s32 s10, $0x1;
	s10 =	sld [smem:$0x3FA6];
	_ =	sdelay $0x3  }
0x37: {  	[smem:$0x3FA6] =	sst s10  }
0x38: {  	s10 =	sld [smem:$0x3FA7]  }
0x39: {  	_ = 	snop;
	(pc) =	sbr.ind lr, $3  }
0x3a: {  	_ = 	snop  }
0x3b: {  	_ = 	snop  }
0x3c: {  	p2 =	seq.s32 s10, $0x1;
	s10 =	sld [smem:$0x3FA6]  }
0x3d: {  	_ =	shalt  }
0x3e: {  	_ =	shalt  }
0x3f: {  	_ =	shalt  }
0x40: {  	_ =	shalt  }
0x41: {  	_ =	shalt  }
0x42: {  	_ =	shalt  }
0x43: {  	_ =	shalt  }
0x44: {  	_ =	shalt  }
0x45: {  	_ =	shalt  }
0x46: {  	_ =	shalt  }
0x47: {  	_ =	shalt  }
0x48: {  	_ =	shalt  }
0x49: {  	_ =	shalt  }
0x4a: {  	_ =	shalt  }
0x4b: {  	_ =	shalt  }
0x4c: {  	_ =	shalt  }
0x4d: {  	_ =	shalt  }
0x4e: {  	_ =	shalt  }
0x4f: {  	_ =	shalt  }
0x50: {  	_ =	shalt  }
0x51: {  	_ =	shalt  }
0x52: {  	_ =	shalt  }
0x53: {  	_ =	shalt  }
0x54: {  	_ =	shalt  }
0x55: {  	_ =	shalt  }
0x56: {  	_ =	shalt  }
0x57: {  	_ =	shalt  }
0x58: {  	_ =	shalt  }
0x59: {  	_ =	shalt  }
0x5a: {  	_ =	shalt  }
0x5b: {  	_ =	shalt  }
0x5c: {  	_ =	shalt  }
0x5d: {  	_ =	shalt  }
0x5e: {  	_ =	shalt  }
0x5f: {  	_ =	shalt  }
0x60: {  	_ =	shalt  }
0x61: {  	_ =	shalt  }
0x62: {  	_ =	shalt  }
0x63: {  	_ =	shalt  }
0x64: {  	_ =	shalt  }
0x65: {  	_ =	shalt  }
0x66: {  	_ =	shalt  }
0x67: {  	_ =	shalt  }
0x68: {  	_ =	shalt  }
0x69: {  	_ =	shalt  }
0x6a: {  	_ =	shalt  }
0x6b: {  	_ =	shalt  }
0x6c: {  	_ =	shalt  }
0x6d: {  	_ =	shalt  }
0x6e: {  	_ =	shalt  }
0x6f: {  	_ =	shalt  }
0x70: {  	_ =	shalt  }
0x71: {  	_ =	shalt  }
0x72: {  	_ =	shalt  }
0x73: {  	_ =	shalt  }
0x74: {  	_ =	shalt  }
0x75: {  	_ =	shalt  }
0x76: {  	_ =	shalt  }
0x77: {  	_ =	shalt  }
0x78: {  	_ =	shalt  }
0x79: {  	_ =	shalt  }
0x7a: {  	_ =	shalt  }
0x7b: {  	_ =	shalt  }
0x7c: {  	_ =	shalt  }
0x7d: {  	_ =	shalt  }
0x7e: {  	_ =	shalt  }
0x7f: {  	_ =	shalt  }
0x80: {  	_ =	shalt  }
0x81: {  	_ =	shalt  }
0x82: {  	_ =	shalt  }
0x83: {  	_ =	shalt  }
0x84: {  	_ =	shalt  }
0x85: {  	_ =	shalt  }
0x86: {  	_ =	shalt  }
0x87: {  	_ =	shalt  }
.Lfunc_end0:
.L_simem_size_0:
called_computation_lowered:
.L_overlay_start_0:
0x88: {  	s2 =	sld [smem:$0x3FD9]  }
0x89: {  	s3 =	sld [smem:$0x3FFE];
	_ =	sdelay $0x1  }
0x8a: {  	s1 =	srdreg.scid  }
0x8b: {  	s0 =	sand.u32 $0x1, s1  }
0x8c: {  	s16 =	sshll.u32 s0, $0xA;
	s2 =	sadd.s32 s3, s2  }
0x8d: {  	s2 =	sadd.s32 s2, s16  }
0x8e: {  	[smem:$0x3FB2] =	sst s2  }
0x8f: {  	_ = 	snop  }
0x90: {  	(tm) =	ssettm $0x1  }
0x91: {  	s17 =	sld [smem:$0x3FFB];
	_ =	sdelay $0x3  }
0x92: {  	_ =	strace s17  }
0x93: {  	s2 =	sld [smem:$0x3FFC];
	_ =	sdelay $0x3  }
0x94: {  	_ =	strace s2  }
0x95: {  	s2 =	sld [smem:$0x3FFD];
	_ =	sdelay $0x3  }
0x96: {  	_ =	strace s2  }
0x97: {  	_ =	strace $0x8FFFFFFF  }
0x98: {  	s18 =	sld [smem:$0x3FDB];
	_ =	sdelay $0x1  }
0x99: {  	s19 =	simm.s32 $_scs_section_size  }
0x9a: {  	s4 =	simm.s32 $_size__tile_overlayer_lowered;
	s5 =	simm.s32 $_tile_overlayer_lowered  }
0x9b: {  	s22 =	simm.s32 $0x1BFF;
	s21 =	sshll.u32 s5, $0x1;
	s2 =	sadd.s32 s19, s18  }
0x9c: {  	s6 =	simm.s32 $0x0;
	s20 =	sshll.u32 s4, $0x1;
	s4 =	sadd.s32 s21, s2  }
0x9d: {  	[timem:s6], [sflag:s22] =	dma.local [hbm:s4], s20  }
0x9e: {  	_ =	swait.ge [sflag:s22], s20  }
0x9f: {  	s3 =	ssub.s32 $0x0, s20;
	[sflag:s22] =	ssyncset.done $0x0  }
0xa0: {  	[sflag:s22] =	ssyncadd.s32 s3;
	_ =	sdelay $0x1  }
0xa1: {  	s23 =	simm.s32 $0x1B8B  }
0xa2: {  	_ =	swait.ge [sflag:s23], $0x1  }
0xa3: {  	[sflag:s23] =	ssyncset.done $0x0  }
0xa4: {  	s25 =	simm.s32 $0x1B8E;
	s24 =	sld [smem:$0x3FFE];
	[sflag:s23] =	ssyncadd.s32 $0xFFFFFFFF  }
0xa5: {  	s26 =	simm.s32 $execute0_lowered;
	[smem:$0x3FD2] =	sst s25  }
0xa6: {  	s4 =	sshll.u32 s26, $0x1;
	_ =	strace $0x80000046;
	[dreg:$0x1] =	wrdreg $0xFFFFFFFF  }
0xa7: {  	s28 =	simm.s32 $_size_execute0_lowered;
	s2 =	sadd.s32 s2, s4;
	[dreg:$0x0] =	wrdreg $0x0  }
0xa8: {  	s4 =	sshll.u32 s28, $0x1;
	[dreg:$0x2] =	wrdreg s2  }
0xa9: {  	[dreg:$0x3] =	wrdreg s4  }
0xaa: {  	[dreg:$0x4] =	wrdreg $0xC0  }
0xab: {  	_ =	task [dreg:s6], $0x5FFFF  }
0xac: {  	[dreg:$0x1] =	wrdreg $0xFFFFFFFF  }
0xad: {  	[dreg:$0x0] =	wrdreg $0x60  }
0xae: {  	[dreg:$0x2] =	wrdreg s24  }
0xaf: {  	[dreg:$0x3] =	wrdreg $0xA2000  }
0xb0: {  	[dreg:$0x4] =	wrdreg $0x9  }
0xb1: {  	_ =	task.clear_ibuf [dreg:s6], $0x5FFFF;
	_ =	strace $0x90000046  }
0xb2: {  	s29 =	simm.s32 $0x9;
	_ =	strace $0x80000048  }
0xb3: {  	_ =	swait.ge [sflag:s29], $0x1  }
0xb4: {  	[sflag:s29] =	ssyncadd.s32 $0xFFFFFFFF  }
0xb5: {  	_ =	strace $0x90000048  }
0xb6: {  	_ =	sfence  }
0xb7: {  	s30 =	sld [smem:$0x0];
	_ =	sdelay $0x2  }
0xb8: {  	s31 =	sshll.u32 s1, $0xD;
	s1 =	sshrl.u32 s1, $0x2  }
0xb9: {  	s3 =	sand.u32 $0x4000, s31;
	s1 =	sadd.s32 s1, s30  }
0xba: {  	s0 =	sor.u32 s3, s0;
	s1 =	sshll.u32 s1, $0x11  }
0xbb: {  	s0 =	sor.u32 s1, s0  }
0xbc: {  	s0 =	sadd.s32 $0x8F2B, s0  }
0xbd: {  	[sflag:s0] =	ssyncadd.remote.s32 $0x1  }
0xbe: {  	_ =	sfence.sel $0xFFFF  }
0xbf: {  	[dreg:$0x0] =	wrdreg $0xFFFFFFFF;
	(pc) =	sbr.abs _section_cstart, $3  }
0xc0: {  	[dreg:$0x1] =	wrdreg $0xFFFFFFFF  }
0xc1: {  	_ =	task.clear_ibuf [dreg:s6], $0x2FFFF;
	_ =	strace $0x9FFFFFFF  }
0xc2: {  	(tm) =	ssettm $0x7FFFFFFF  }
0xc3: {  	_ =	shalt  }
tec
execute0_lowered:
.L_overlay_start_1:
0x0: {  	(tag) =	ssettag $0x1  }
0x1: {  	s0 =	rddreg [dreg:$0x0]  }
0x2: {  	s1 =	rddreg [dreg:$0x1];
	s2 =	simm.s32 $0x0;
	s3 =	srdreg.scid  }
0x3: {  	s18 =	stileid.u32;
	s28 =	simm.s32 $0x50;
	s31 =	simm.s32 $0x5200  }
0x4: {  	s30 =	simm.s32 $0x2A00;
	[smem:$0x7FF] =	sst s2;
	s9 =	smul.u32 $0x3E80, s18  }
0x5: {  	s4 =	sadd.s32 $0xA3200, s0;
	s5 =	sadd.s32 $0x5D3600, s0;
	s21 =	smul.u32 $0x7D000, s18  }
0x6: {  	s3 =	sand.u32 $0x1, s3;
	s6 =	sadd.s32 $0x24600, s0;
	s14 =	smul.u32 $0xFA, s18  }
0x7: {  	s7 =	sadd.s32 $0x6E00, s0;
	s11 =	sadd.s32 $0x38000, s0;
	s15 =	smul.u32 $0x9C4, s18  }
0x8: {  	s16 =	smul.u32 $0x4E2000, s18;
	p0 =	sgt.u32 s18, $0x9;
	_ =	strace $0x80000047  }
0x9: {  	s8 =	smul.u32 $0x27100, s3;
	s10 =	sshll.u32 s3, $0x4;
	s22 =	ssub.s32 $0x2, s3  }
0xa: {  	[dreg:$0x4] =	wrdreg s11;
	s10 =	sor.u32 s18, s10;
	s23 =	sshrl.u32 s22, $0x1  }
0xb: {  	s24 =	sshrl.u32 s21, $0x2;
	s26 =	sor.u32 $0x1, s14;
	s12 =	smul.u32 $0xFA, s10  }
0xc: {  	s13 =	sadd.s32 $0xF9, s14;
	s15 =	sadd.s32 s7, s15;
	s10 =	smul.u32 $0x9C4, s10  }
0xd: {  	s8 =	sadd.s32 s9, s8;
	s11 =	sadd.s32 s24, s1;
	s17 =	smul.u32 $0x5000, s26  }
0xe: {  	[dreg:$0x7] =	wrdreg s15;
	s15 =	simm.s32 $0x3;
	s0 =	sadd.s32 s8, s0  }
0xf: {  	s8 =	ssub.s32 s22, s23;
	s25 =	sadd.s32 s6, s10;
	s10 =	smul.u32 $0xA, s26  }
0x10: {  	s29 =	sadd.s32 $0xF9, s12;
	s12 =	sshll.u32 s3, $0xA;
	s3 =	smul.u32 $0xFA0, s3  }
0x11: {  	s0 =	sadd.s32 $0xF1400, s0;
	s26 =	sadd.s32 $0x2, s14;
	s14 =	simm.s32 $0x2  }
0x12: {  	[dreg:$0x5] =	wrdreg s25;
	s9 =	sadd.s32 $0xA, s25;
	s16 =	sor.u32 s12, s16  }
0x13: {  	s20 =	sor.u32 s12, s17;
	[dreg:$0xb] =	wrdreg s0;
	s25 =	smax.u32 s8, $0x1  }
0x14: {  	s0 =	sshll.u32 @!p0 s18, $0x6;
	[dreg:$0xd] =	wrdreg s26;
	s17 =	simm.s32 $0x6  }
0x15: {  	s18 =	simm.s32 $0x8;
	[dreg:$0x6] =	wrdreg s9;
	s19 =	sshrl.u32 s16, $0x3  }
0x16: {  	s21 =	sadd.s32 s7, s10;
	s23 =	sshrl.u32 s20, $0x3;
	[dreg:$0xc] =	wrdreg s25  }
0x17: {  	[dreg:$0x3] =	wrdreg s3;
	s25 =	simm.s32 $0x180;
	s3 =	simm.s32 $0x1  }
0x18: {  	s10 =	simm.s32 $0x7;
	[dreg:$0x8] =	wrdreg s21;
	s22 =	sadd.s32 s5, s19  }
0x19: {  	s16 =	simm.s32 $0x9;
	s24 =	sadd.s32 s5, s23;
	[dreg:$0x9] =	wrdreg s22  }
0x1a: {  	s21 =	sor.u32 @!p0 $0x1C09, s0;
	s23 =	simm.s32 $0x80;
	[dreg:$0xa] =	wrdreg s24  }
0x1b: {  	s19 =	simm.s32 $0x4;
	s22 =	sshrl.u32 @!p0 s11, $0x3;
	[dreg:$0xe] =	wrdreg s21  }
0x1c: {  	s0 =	simm.s32 $0x0;
	s24 =	simm.s32 $0x100;
	[dreg:$0xf] =	wrdreg s22  }
.LBB2_1:
0x1d: {  	[dreg:$0x10] =	wrdreg s0  }
0x1e: {  	s9 =	rddreg [dreg:$0x4];
	s20 =	simm.s32 @!p0 $0x9  }
0x1f: {  	[spmem:s22], [sflag:s21] =	dma.local @!p0 [hbm:s9], $0x3E80  }
0x20: {  	_ =	swait.ge @!p0 [sflag:s20], $0x3E80  }
0x21: {  	[sflag:s20] =	ssyncset.done @!p0 $0x0  }
0x22: {  	s22 =	rddreg [dreg:$0x5];
	[sflag:s20] =	ssyncadd.s32 @!p0 $0xFFFFC180  }
0x23: {  	[tilespmem:s2], [sflag:$0x1] =	stream.linear.gather [hbm4b:s22+s2], $0x50, $0x38;
	[tilespmem:$0x1DA80] =	vst v63  }
0x24: {  	s26 =	rddreg [dreg:$0x6]  }
0x25: {  	[tilespmem:s23], [sflag:$0x2] =	stream.linear.gather [hbm4b:s26+s2], $0x50, $0x38;
	[tilespmem:$0x1DA80] =	vst v63  }
0x26: {  	s0 =	rddreg [dreg:$0x7]  }
0x27: {  	[tilespmem:s24], [sflag:$0x3] =	stream.linear.gather [hbm4b:s0+s2], $0x50, $0x38;
	[tilespmem:$0x1DA80] =	vst v63  }
0x28: {  	s8 =	rddreg [dreg:$0x8]  }
0x29: {  	[tilespmem:s25], [sflag:$0x4] =	stream.linear.gather [hbm4b:s8+s2], $0x50, $0x38;
	[tilespmem:$0x1DA80] =	vst v63  }
0x2a: {  	_ =	swait.ge [sflag:s3], $0x50  }
0x2b: {  	[sflag:s3] =	ssyncset.done $0x0  }
0x2c: {  	s26 =	simm.s32 $0x200;
	[sflag:s3] =	ssyncadd.s32 $0xFFFFFFB0  }
0x2d: {  	[tilespmem:s26], [sflag:$0x5] =	stream.indirect.gather [hbm4b:s4+s28], $0x80, s2, s28, $0xb8;
	[tilespmem:$0x1DA80] =	vst v63  }
0x2e: {  	s0 =	simm.s32 $0x400;
	s8 =	simm.s32 $0x800;
	s11 =	rddreg [dreg:$0x9]  }
0x2f: {  	[tilespmem:s31], [sflag:$0x7] =	stream.strided.gather [hbm4b:s11+s0], $0x2800, s8, s0, $0x38;
	[tilespmem:$0x1DA80] =	vst v63  }
0x30: {  	_ =	swait.ge [sflag:s14], $0x50  }
0x31: {  	[sflag:s14] =	ssyncset.done $0x0  }
0x32: {  	[sflag:s14] =	ssyncadd.s32 $0xFFFFFFB0  }
0x33: {  	[tilespmem:s30], [sflag:$0x6] =	stream.indirect.gather [hbm4b:s4+s28], $0x80, s23, s28, $0xb8;
	[tilespmem:$0x1DA80] =	vst v63  }
0x34: {  	s11 =	simm.s32 $0x7A00;
	s20 =	rddreg [dreg:$0xa]  }
0x35: {  	[tilespmem:s11], [sflag:$0x8] =	stream.strided.gather [hbm4b:s20+s0], $0x2800, s8, s0, $0x38;
	[tilespmem:$0x1DA80] =	vst v63  }
0x36: {  	s21 =	simm.s32 $0x5;
	[bflag:$0x0] =	sbarrier.arrive $0xFFFF  }
0x37: {  	_ =	swait.ge [sflag:s21], $0x2800  }
0x38: {  	[sflag:s21] =	ssyncset.done $0x0  }
0x39: {  	[sflag:s21] =	ssyncadd.s32 $0xFFFFD800  }
0x3a: {  	_ =	swait.ge [sflag:s10], $0x2800  }
0x3b: {  	s22 =	rddreg [dreg:$0x3]  }
0x3c: {  	s9 =	rddreg [dreg:$0xd]  }
0x3d: {  	s20 =	sadd.s32 s9, s22  }
0x3e: {  	s21 =	smov.u32 s29;
	p1 =	slt.s32 s20, s29  }
0x3f: {  	s21 =	smov.u32 @p1 s20  }
0x40: {  	s21 =	smul.u32 $0xA, s21  }
0x41: {  	[sflag:s10] =	ssyncset.done $0x0  }
0x42: {  	[sflag:s10] =	ssyncadd.s32 $0xFFFFD800;
	s21 =	sadd.s32 s6, s21  }
0x43: {  	[tilespmem:s2], [sflag:$0x1] =	stream.linear.gather [hbm4b:s21+s2], $0x50, $0x38;
	[tilespmem:$0x1DA80] =	vst v63  }
0x44: {  	_ =	swait.ge [sflag:s15], $0x50  }
0x45: {  	[sflag:s15] =	ssyncset.done $0x0  }
0x46: {  	[sflag:s15] =	ssyncadd.s32 $0xFFFFFFB0  }
0x47: {  	[spmem:s1] =	stream.indirect.scatter.add.f32 [tilespmem:s26], [sflag:$0x9], $0x80, s24, s28, $0xb8;
	[tilespmem:$0x1DA80] =	vst v63  }
0x48: {  	_ =	swait.ge [sflag:s16], $0x2800  }
0x49: {  	p1 =	slt.s32 s9, s13;
	s21 =	smov.u32 s13;
	[sflag:s16] =	ssyncset.done $0x0  }
0x4a: {  	s21 =	smov.u32 @p1 s9;
	[sflag:s16] =	ssyncadd.s32 $0xFFFFD800  }
0x4b: {  	[spmem:s1] =	stream.indirect.scatter.add.f32 [tilespmem:s31], [sflag:$0x9], $0x80, s24, s28, $0xb8;
	[tilespmem:$0x1DA80] =	vst v63  }
0x4c: {  	s22 =	smul.u32 $0xA, s21;
	_ =	swait.ge [sflag:s16], $0x2800  }
0x4d: {  	[sflag:s16] =	ssyncset.done $0x0  }
0x4e: {  	s21 =	smul.u32 $0x5000, s21;
	s22 =	sadd.s32 s7, s22;
	[sflag:s16] =	ssyncadd.s32 $0xFFFFD800  }
0x4f: {  	[tilespmem:s24], [sflag:$0x3] =	stream.linear.gather [hbm4b:s22+s2], $0x50, $0x38;
	[tilespmem:$0x1DA80] =	vst v63  }
0x50: {  	_ =	swait.ge [sflag:s3], $0x50  }
0x51: {  	s21 =	sor.u32 s12, s21;
	[sflag:s3] =	ssyncset.done $0x0  }
0x52: {  	s21 =	sshrl.u32 s21, $0x3;
	[sflag:s3] =	ssyncadd.s32 $0xFFFFFFB0  }
0x53: {  	[tilespmem:s26], [sflag:$0x5] =	stream.indirect.gather [hbm4b:s4+s28], $0x80, s2, s28, $0xb8;
	[tilespmem:$0x1DA80] =	vst v63  }
0x54: {  	s21 =	sadd.s32 s5, s21  }
0x55: {  	[tilespmem:s31], [sflag:$0x7] =	stream.strided.gather [hbm4b:s21+s0], $0x2800, s8, s0, $0x38;
	[tilespmem:$0x1DA80] =	vst v63  }
0x56: {  	s20 =	sadd.s32 $0x1, s20;
	_ =	swait.ge [sflag:s17], $0x2800  }
0x57: {  	p1 =	slt.s32 s20, s29;
	s21 =	smov.u32 s29;
	[sflag:s17] =	ssyncset.done $0x0  }
0x58: {  	s21 =	smov.u32 @p1 s20;
	[sflag:s17] =	ssyncadd.s32 $0xFFFFD800  }
0x59: {  	s20 =	smul.u32 $0xA, s21;
	_ =	swait.ge [sflag:s18], $0x2800  }
0x5a: {  	[sflag:s18] =	ssyncset.done $0x0  }
0x5b: {  	s20 =	sadd.s32 s6, s20;
	[sflag:s18] =	ssyncadd.s32 $0xFFFFD800  }
0x5c: {  	[tilespmem:s23], [sflag:$0x2] =	stream.linear.gather [hbm4b:s20+s2], $0x50, $0x38;
	[tilespmem:$0x1DA80] =	vst v63  }
0x5d: {  	_ =	swait.ge [sflag:s19], $0x50  }
0x5e: {  	[sflag:s19] =	ssyncset.done $0x0  }
0x5f: {  	[sflag:s19] =	ssyncadd.s32 $0xFFFFFFB0  }
0x60: {  	[spmem:s1] =	stream.indirect.scatter.add.f32 [tilespmem:s30], [sflag:$0x9], $0x80, s25, s28, $0xb8;
	[tilespmem:$0x1DA80] =	vst v63  }
0x61: {  	s20 =	sadd.s32 $0x1, s9;
	_ =	swait.ge [sflag:s16], $0x2800  }
0x62: {  	s21 =	smov.u32 s13;
	p1 =	slt.s32 s20, s13;
	[sflag:s16] =	ssyncset.done $0x0  }
0x63: {  	s21 =	smov.u32 @p1 s20;
	[sflag:s16] =	ssyncadd.s32 $0xFFFFD800  }
0x64: {  	[spmem:s1] =	stream.indirect.scatter.add.f32 [tilespmem:s11], [sflag:$0x9], $0x80, s25, s28, $0xb8;
	[tilespmem:$0x1DA80] =	vst v63  }
0x65: {  	s20 =	smul.u32 $0xA, s21;
	_ =	swait.ge [sflag:s16], $0x2800  }
0x66: {  	[sflag:s16] =	ssyncset.done $0x0  }
0x67: {  	s31 =	smul.u32 $0x5000, s21;
	s20 =	sadd.s32 s7, s20;
	[sflag:s16] =	ssyncadd.s32 $0xFFFFD800  }
0x68: {  	[tilespmem:s25], [sflag:$0x4] =	stream.linear.gather [hbm4b:s20+s2], $0x50, $0x38;
	[tilespmem:$0x1DA80] =	vst v63  }
0x69: {  	s22 =	simm.s32 $0x7C;
	s3 =	simm.s32 $0x1;
	s20 =	sor.u32 s12, s31  }
0x6a: {  	s26 =	simm.s32 $0x180;
	_ =	swait.ge [sflag:s14], $0x50;
	s20 =	sshrl.u32 s20, $0x3  }
0x6b: {  	s25 =	simm.s32 $0x100;
	[sflag:s14] =	ssyncset.done $0x0;
	s21 =	sadd.s32 s5, s20  }
0x6c: {  	s20 =	smov.u32 s9;
	[sflag:s14] =	ssyncadd.s32 $0xFFFFFFB0;
	s14 =	simm.s32 $0x2  }
0x6d: {  	[tilespmem:s30], [sflag:$0x6] =	stream.indirect.gather [hbm4b:s4+s28], $0x80, s23, s28, $0xb8;
	[tilespmem:$0x1DA80] =	vst v63  }
.LBB2_2:
0x6e: {  	s31 =	simm.s32 $0x400  }
0x6f: {  	s8 =	simm.s32 $0x800;
	s24 =	simm.s32 $0x7A00;
	s0 =	simm.s32 $0x5  }
0x70: {  	[tilespmem:s24], [sflag:$0x8] =	stream.strided.gather [hbm4b:s21+s31], $0x2800, s8, s31, $0x38;
	[tilespmem:$0x1DA80] =	vst v63  }
0x71: {  	_ =	swait.ge [sflag:s0], $0x2800  }
0x72: {  	[sflag:s0] =	ssyncset.done $0x0  }
0x73: {  	[sflag:s0] =	ssyncadd.s32 $0xFFFFD800  }
0x74: {  	_ =	swait.ge [sflag:s10], $0x2800  }
0x75: {  	s20 =	sadd.s32 $0x2, s20;
	s9 =	rddreg [dreg:$0x3]  }
0x76: {  	s21 =	sadd.s32 s20, s9  }
0x77: {  	s9 =	smov.u32 s29;
	p2 =	slt.s32 s21, s29  }
0x78: {  	s9 =	smov.u32 @p2 s21  }
0x79: {  	s9 =	smul.u32 $0xA, s9  }
0x7a: {  	[sflag:s10] =	ssyncset.done $0x0  }
0x7b: {  	[sflag:s10] =	ssyncadd.s32 $0xFFFFD800;
	s9 =	sadd.s32 s6, s9  }
0x7c: {  	[tilespmem:s2], [sflag:$0x1] =	stream.linear.gather [hbm4b:s9+s2], $0x50, $0x38;
	[tilespmem:$0x1DA80] =	vst v63  }
0x7d: {  	_ =	swait.ge [sflag:s15], $0x50  }
0x7e: {  	s0 =	simm.s32 $0x200;
	s23 =	sadd.s32 $0x1, s21;
	[sflag:s15] =	ssyncset.done $0x0  }
0x7f: {  	p2 =	slt.s32 s23, s29;
	s21 =	smov.u32 s29;
	[sflag:s15] =	ssyncadd.s32 $0xFFFFFFB0  }
0x80: {  	[spmem:s1] =	stream.indirect.scatter.add.f32 [tilespmem:s0], [sflag:$0x9], $0x80, s25, s28, $0xb8;
	[tilespmem:$0x1DA80] =	vst v63  }
0x81: {  	s21 =	smov.u32 @p2 s23;
	_ =	swait.ge [sflag:s16], $0x2800  }
0x82: {  	p2 =	slt.s32 s20, s13;
	s9 =	smov.u32 s13;
	[sflag:s16] =	ssyncset.done $0x0  }
0x83: {  	s30 =	simm.s32 $0x5200;
	s9 =	smov.u32 @p2 s20;
	[sflag:s16] =	ssyncadd.s32 $0xFFFFD800  }
0x84: {  	[spmem:s1] =	stream.indirect.scatter.add.f32 [tilespmem:s30], [sflag:$0x9], $0x80, s25, s28, $0xb8;
	[tilespmem:$0x1DA80] =	vst v63  }
0x85: {  	s11 =	smul.u32 $0xA, s9;
	_ =	swait.ge [sflag:s16], $0x2800  }
0x86: {  	[sflag:s16] =	ssyncset.done $0x0  }
0x87: {  	s9 =	smul.u32 $0x5000, s9;
	s23 =	sadd.s32 s7, s11;
	[sflag:s16] =	ssyncadd.s32 $0xFFFFD800  }
0x88: {  	[tilespmem:s25], [sflag:$0x3] =	stream.linear.gather [hbm4b:s23+s2], $0x50, $0x38;
	[tilespmem:$0x1DA80] =	vst v63  }
0x89: {  	_ =	swait.ge [sflag:s3], $0x50  }
0x8a: {  	s9 =	sor.u32 s12, s9;
	[sflag:s3] =	ssyncset.done $0x0  }
0x8b: {  	s9 =	sshrl.u32 s9, $0x3;
	[sflag:s3] =	ssyncadd.s32 $0xFFFFFFB0  }
0x8c: {  	[tilespmem:s0], [sflag:$0x5] =	stream.indirect.gather [hbm4b:s4+s28], $0x80, s2, s28, $0xb8;
	[tilespmem:$0x1DA80] =	vst v63  }
0x8d: {  	s9 =	sadd.s32 s5, s9  }
0x8e: {  	[tilespmem:s30], [sflag:$0x7] =	stream.strided.gather [hbm4b:s9+s31], $0x2800, s8, s31, $0x38;
	[tilespmem:$0x1DA80] =	vst v63  }
0x8f: {  	_ =	swait.ge [sflag:s17], $0x2800  }
0x90: {  	[sflag:s17] =	ssyncset.done $0x0  }
0x91: {  	[sflag:s17] =	ssyncadd.s32 $0xFFFFD800  }
0x92: {  	s21 =	smul.u32 $0xA, s21;
	_ =	swait.ge [sflag:s18], $0x2800  }
0x93: {  	[sflag:s18] =	ssyncset.done $0x0  }
0x94: {  	s21 =	sadd.s32 s6, s21;
	s23 =	simm.s32 $0x80;
	[sflag:s18] =	ssyncadd.s32 $0xFFFFD800  }
0x95: {  	[tilespmem:s23], [sflag:$0x2] =	stream.linear.gather [hbm4b:s21+s2], $0x50, $0x38;
	[tilespmem:$0x1DA80] =	vst v63  }
0x96: {  	_ =	swait.ge [sflag:s19], $0x50  }
0x97: {  	[sflag:s19] =	ssyncset.done $0x0  }
0x98: {  	s30 =	simm.s32 $0x2A00;
	[sflag:s19] =	ssyncadd.s32 $0xFFFFFFB0  }
0x99: {  	[spmem:s1] =	stream.indirect.scatter.add.f32 [tilespmem:s30], [sflag:$0x9], $0x80, s26, s28, $0xb8;
	[tilespmem:$0x1DA80] =	vst v63  }
0x9a: {  	s9 =	sadd.s32 $0x1, s20;
	_ =	swait.ge [sflag:s16], $0x2800  }
0x9b: {  	p2 =	slt.s32 s9, s13;
	s21 =	smov.u32 s13;
	[sflag:s16] =	ssyncset.done $0x0  }
0x9c: {  	s21 =	smov.u32 @p2 s9;
	[sflag:s16] =	ssyncadd.s32 $0xFFFFD800  }
0x9d: {  	[spmem:s1] =	stream.indirect.scatter.add.f32 [tilespmem:s24], [sflag:$0x9], $0x80, s26, s28, $0xb8;
	[tilespmem:$0x1DA80] =	vst v63  }
0x9e: {  	s9 =	smul.u32 $0xA, s21;
	_ =	swait.ge [sflag:s16], $0x2800  }
0x9f: {  	p1 =	sne.s32 s22, $0x1;
	[sflag:s16] =	ssyncset.done $0x0  }
0xa0: {  	s21 =	smul.u32 $0x5000, s21;
	s9 =	sadd.s32 s7, s9;
	[sflag:s16] =	ssyncadd.s32 $0xFFFFD800  }
0xa1: {  	[tilespmem:s26], [sflag:$0x4] =	stream.linear.gather [hbm4b:s9+s2], $0x50, $0x38;
	[tilespmem:$0x1DA80] =	vst v63  }
.Ltmp0:
0xa2: {  	s22 =	sadd.s32 $0xFFFFFFFF, s22;
	s11 =	simm.s32 $0x800;
	(pc) =	sbr.rel @p1 .LBB2_2-.Ltmp0, $4  }
0xa3: {  	s0 =	simm.s32 $0x400;
	s24 =	sor.u32 s12, s21;
	_ =	swait.ge [sflag:s14], $0x50  }
0xa4: {  	s31 =	simm.s32 $0x5200;
	s9 =	sshrl.u32 s24, $0x3;
	[sflag:s14] =	ssyncset.done $0x0  }
0xa5: {  	s8 =	simm.s32 $0x7A00;
	s21 =	sadd.s32 s5, s9;
	[sflag:s14] =	ssyncadd.s32 $0xFFFFFFB0  }
0xa6: {  	[tilespmem:s30], [sflag:$0x6] =	stream.indirect.gather [hbm4b:s4+s28], $0x80, s23, s28, $0xb8;
	[tilespmem:$0x1DA80] =	vst v63  }
0xa7: {  	[tilespmem:s8], [sflag:$0x8] =	stream.strided.gather [hbm4b:s21+s0], $0x2800, s11, s0, $0x38;
	[tilespmem:$0x1DA80] =	vst v63  }
0xa8: {  	s25 =	simm.s32 $0x5  }
0xa9: {  	_ =	swait.ge [sflag:s25], $0x2800  }
0xaa: {  	[sflag:s25] =	ssyncset.done $0x0  }
0xab: {  	[sflag:s25] =	ssyncadd.s32 $0xFFFFD800  }
0xac: {  	_ =	swait.ge [sflag:s10], $0x2800  }
0xad: {  	[sflag:s10] =	ssyncset.done $0x0  }
0xae: {  	[sflag:s10] =	ssyncadd.s32 $0xFFFFD800  }
0xaf: {  	_ =	swait.ge [sflag:s17], $0x2800  }
0xb0: {  	[sflag:s17] =	ssyncset.done $0x0  }
0xb1: {  	[sflag:s17] =	ssyncadd.s32 $0xFFFFD800  }
0xb2: {  	_ =	swait.ge [sflag:s18], $0x2800  }
0xb3: {  	[sflag:s18] =	ssyncset.done $0x0  }
0xb4: {  	[sflag:s18] =	ssyncadd.s32 $0xFFFFD800  }
0xb5: {  	_ =	swait.ge [sflag:s15], $0x50  }
0xb6: {  	[sflag:s15] =	ssyncset.done $0x0  }
0xb7: {  	[sflag:s15] =	ssyncadd.s32 $0xFFFFFFB0  }
0xb8: {  	_ =	swait.ge [sflag:s19], $0x50  }
0xb9: {  	[sflag:s19] =	ssyncset.done $0x0  }
0xba: {  	[sflag:s19] =	ssyncadd.s32 $0xFFFFFFB0  }
0xbb: {  	[bflag:$0x0] =	sbarrier.arrive $0xFFFF  }
0xbc: {  	s9 =	rddreg [dreg:$0xb]  }
0xbd: {  	s21 =	rddreg [dreg:$0xe]  }
0xbe: {  	s22 =	rddreg [dreg:$0xf]  }
0xbf: {  	[hbm:s9], [sflag:s21] =	dma.local @!p0 [spmem:s22], $0x3E80  }
0xc0: {  	s9 =	simm.s32 @!p0 $0x9  }
0xc1: {  	_ =	swait.ge @!p0 [sflag:s9], $0x3E80  }
0xc2: {  	s26 =	rddreg [dreg:$0x10]  }
0xc3: {  	s20 =	rddreg [dreg:$0xc];
	s0 =	sadd.s32 $0x1, s26  }
0xc4: {  	p1 =	sne.s32 s0, s20  }
.Ltmp1:
0xc5: {  	_ = 	snop;
	(pc) =	sbr.rel @p1 .LBB2_1-.Ltmp1, $3  }
0xc6: {  	_ =	sdelay $0x1  }
0xc7: {  	s24 =	simm.s32 $0x100;
	s3 =	simm.s32 $0x1;
	[sflag:s9] =	ssyncset.done @!p0 $0x0  }
0xc8: {  	s14 =	simm.s32 $0x2;
	s25 =	simm.s32 $0x180;
	[sflag:s9] =	ssyncadd.s32 @!p0 $0xFFFFC180  }
0xc9: {  	_ =	sfence.sel $0x180000  }
0xca: {  	[bflag:$0x0] =	sbarrier.arrive $0xFFFF  }
0xcb: {  	_ =	strace $0x90000047  }
0xcc: {  	s0 =	stileid.u32;
	[bflag:$0x2] =	sbarrier.arrive $0xFFFF  }
0xcd: {  	p0 =	sne.s32 s0, $0x0;
	s0 =	rddreg [dreg:$0x2]  }
0xce: {  	s0 =	sadd.s32 @!p0 $0x100000, s0  }
0xcf: {  	[sflag:s0] =	ssyncadd.tile.s32 @!p0 $0x1;
	_ =	shalt  }
.Lfunc_end2:
_tile_overlayer_lowered:
.L_overlay_start_2:
0xd0: {  	(tag) =	ssettag $0x2  }
0xd1: {  	s0 =	rddreg [dreg:$0x0];
	s2 =	stileid.u32  }
0xd2: {  	s1 =	rddreg [dreg:$0x1];
	p0 =	sne.s32 s2, $0x0  }
0xd3: {  	s3 =	rddreg [dreg:$0x2];
	[bflag:$0x3] =	sbarrier.arrive $0xFFFF;
	s2 =	simm.s32 @!p0 $0x1C09  }
0xd4: {  	[timem:s3], [sflag:s2] =	dma.local @!p0 [hbm:s0], s1  }
0xd5: {  	s0 =	simm.s32 @!p0 $0x9  }
0xd6: {  	_ =	swait.ge @!p0 [sflag:s0], s1  }
0xd7: {  	s1 =	ssub.s32 @!p0 $0x0, s1;
	[sflag:s0] =	ssyncset.done @!p0 $0x0  }
0xd8: {  	[sflag:s0] =	ssyncadd.s32 @!p0 s1  }
0xd9: {  	[bflag:$0x3] =	sbarrier.arrive $0xFFFF  }
0xda: {  	_ =	shalt  }

// kernel: kernel.17.cloned.1.call-start
scs
__scs_entry_jumppad:
0x0: {  	(pc) =	sbr.rel $0x88, $3  }
0x1: {  	(tag) =	ssettag $0x0;
	lr =	simm.s32 $0x1  }
0x2: {  	[smem:$0x3F8B] =	sst lr;
	_ =	strace $0xD0000000  }
0x3: {  	_ = 	snop  }
0x4: {  	_ = 	snop  }
0x5: {  	_ = 	snop  }
0x6: {  	_ = 	snop  }
0x7: {  	_ = 	snop  }
__scs_overlays_trampoline_lowered:
0x8: {  	[smem:$0x3F9A] =	sst s0  }
0x9: {  	[smem:$0x3F9B] =	sst s1  }
0xa: {  	[smem:$0x3F9C] =	sst s2  }
0xb: {  	[smem:$0x3F9D] =	sst s3  }
0xc: {  	[smem:$0x3F9E] =	sst s4  }
0xd: {  	[smem:$0x3F9F] =	sst s5  }
0xe: {  	[smem:$0x3FA0] =	sst s6  }
0xf: {  	[smem:$0x3FA1] =	sst s7  }
0x10: {  	[smem:$0x3FA2] =	sst s8  }
0x11: {  	[smem:$0x3FA3] =	sst s9;
	s0 =	simm.s32 @!p0 $0x0  }
0x12: {  	s1 =	sld [smem:$0x3F89];
	s0 =	simm.s32 @p0 $0x1  }
0x13: {  	[smem:$0x3FA4] =	sst s0;
	s0 =	simm.s32 @!p1 $0x0  }
0x14: {  	s2 =	sld [smem:$0x3F88];
	s0 =	simm.s32 @p1 $0x1  }
0x15: {  	[smem:$0x3FA5] =	sst s0;
	s0 =	simm.s32 @!p2 $0x0  }
0x16: {  	s3 =	sld [smem:$0x3FDB];
	s0 =	simm.s32 @p2 $0x1  }
0x17: {  	s4 =	simm.s32 $0x1BF5;
	[smem:$0x3FA7] =	sst s0  }
0x18: {  	s0 =	sld [smem:$0x3F8A];
	_ =	swait.ge [sflag:s4], $0x0  }
0x19: {  	s7 =	sld [smem:$0x3F8B]  }
0x1a: {  	s8 =	sadd.s32 $0xFFFFE003, lr  }
0x1b: {  	s9 =	sadd.s32 $0xFFFFFEF7, lr;
	s5 =	simm.s32 $0xFFFFFFFF;
	p2 =	slt.u32 s8, $0xFFFFF086  }
0x1c: {  	p1 =	slt.u32 s9, $0xF7A;
	s5 =	simm.s32 @!p2 $0x0  }
0x1d: {  	s5 =	simm.s32 @p1 $0x1;
	p0 =	seq.s32 s7, s2  }
0x1e: {  	s7 =	smul.u32 @!p0 $0xF7A, s2;
	p2 =	seq.s32 @!p0 s5, $0x0  }
0x1f: {  	s9 =	smul.u32 $0xF7A, s1;
	s8 =	simm.s32 @!p0 $0x1BF5;
	p2 =	por !p2, p0  }
0x20: {  	[sflag:s8] =	ssyncset.s32 @!p0 $0xFFFFF086;
	s6 =	sadd.s32 @!p0 s3, s7;
	s7 =	simm.s32 @!p0 $0x108  }
0x21: {  	s3 =	sadd.s32 s3, s9;
	s6 =	sadd.s32 @!p0 $0x88, s6;
	s7 =	simm.s32 @p2 $0x1082  }
0x22: {  	[simem:s7], [sflag:s8] =	dma.local @!p0 [hbm:s6], $0xF7A  }
0x23: {  	s9 =	sor.u32 $0xD0000000, s2;
	s6 =	simm.s32 $0x108;
	_ =	swait.ge @!p0 [sflag:s8], $0x0  }
0x24: {  	s3 =	sadd.s32 $0x88, s3;
	s6 =	simm.s32 @!p1 $0x1082;
	[sflag:s4] =	ssyncset.s32 $0xFFFFF086  }
0x25: {  	[simem:s6], [sflag:s4] =	dma.local [hbm:s3], $0xF7A  }
0x26: {  	[smem:$0x3F8B] =	sst s1;
	(tag) =	ssettag s2;
	_ =	strace s9  }
0x27: {  	s1 =	sld [smem:$0x3F9B]  }
0x28: {  	s2 =	sld [smem:$0x3F9C]  }
0x29: {  	s4 =	sld [smem:$0x3F9E]  }
0x2a: {  	p0 =	seq.s32 s5, $0x0;
	s5 =	sld [smem:$0x3F9F]  }
0x2b: {  	s6 =	sld [smem:$0x3FA0]  }
0x2c: {  	s7 =	sld [smem:$0x3FA1]  }
0x2d: {  	s3 =	simm.s32 $0x108;
	s8 =	sld [smem:$0x3FA2]  }
0x2e: {  	s3 =	simm.s32 @!p0 $0x1082;
	s9 =	sld [smem:$0x3FA3]  }
0x2f: {  	lr =	sadd.s32 s0, s3;
	s0 =	sld [smem:$0x3F9A]  }
0x30: {  	s3 =	sld [smem:$0x3F9D]  }
0x31: {  	[smem:$0x3FA6] =	sst s10  }
0x32: {  	s10 =	sld [smem:$0x3FA4];
	_ =	sdelay $0x3  }
0x33: {  	p0 =	seq.s32 s10, $0x1;
	s10 =	sld [smem:$0x3FA6];
	_ =	sdelay $0x3  }
0x34: {  	[smem:$0x3FA6] =	sst s10  }
0x35: {  	s10 =	sld [smem:$0x3FA5];
	_ =	sdelay $0x3  }
0x36: {  	p1 =	seq.s32 s10, $0x1;
	s10 =	sld [smem:$0x3FA6];
	_ =	sdelay $0x3  }
0x37: {  	[smem:$0x3FA6] =	sst s10  }
0x38: {  	s10 =	sld [smem:$0x3FA7]  }
0x39: {  	_ = 	snop;
	(pc) =	sbr.ind lr, $3  }
0x3a: {  	_ = 	snop  }
0x3b: {  	_ = 	snop  }
0x3c: {  	p2 =	seq.s32 s10, $0x1;
	s10 =	sld [smem:$0x3FA6]  }
0x3d: {  	_ =	shalt  }
0x3e: {  	_ =	shalt  }
0x3f: {  	_ =	shalt  }
0x40: {  	_ =	shalt  }
0x41: {  	_ =	shalt  }
0x42: {  	_ =	shalt  }
0x43: {  	_ =	shalt  }
0x44: {  	_ =	shalt  }
0x45: {  	_ =	shalt  }
0x46: {  	_ =	shalt  }
0x47: {  	_ =	shalt  }
0x48: {  	_ =	shalt  }
0x49: {  	_ =	shalt  }
0x4a: {  	_ =	shalt  }
0x4b: {  	_ =	shalt  }
0x4c: {  	_ =	shalt  }
0x4d: {  	_ =	shalt  }
0x4e: {  	_ =	shalt  }
0x4f: {  	_ =	shalt  }
0x50: {  	_ =	shalt  }
0x51: {  	_ =	shalt  }
0x52: {  	_ =	shalt  }
0x53: {  	_ =	shalt  }
0x54: {  	_ =	shalt  }
0x55: {  	_ =	shalt  }
0x56: {  	_ =	shalt  }
0x57: {  	_ =	shalt  }
0x58: {  	_ =	shalt  }
0x59: {  	_ =	shalt  }
0x5a: {  	_ =	shalt  }
0x5b: {  	_ =	shalt  }
0x5c: {  	_ =	shalt  }
0x5d: {  	_ =	shalt  }
0x5e: {  	_ =	shalt  }
0x5f: {  	_ =	shalt  }
0x60: {  	_ =	shalt  }
0x61: {  	_ =	shalt  }
0x62: {  	_ =	shalt  }
0x63: {  	_ =	shalt  }
0x64: {  	_ =	shalt  }
0x65: {  	_ =	shalt  }
0x66: {  	_ =	shalt  }
0x67: {  	_ =	shalt  }
0x68: {  	_ =	shalt  }
0x69: {  	_ =	shalt  }
0x6a: {  	_ =	shalt  }
0x6b: {  	_ =	shalt  }
0x6c: {  	_ =	shalt  }
0x6d: {  	_ =	shalt  }
0x6e: {  	_ =	shalt  }
0x6f: {  	_ =	shalt  }
0x70: {  	_ =	shalt  }
0x71: {  	_ =	shalt  }
0x72: {  	_ =	shalt  }
0x73: {  	_ =	shalt  }
0x74: {  	_ =	shalt  }
0x75: {  	_ =	shalt  }
0x76: {  	_ =	shalt  }
0x77: {  	_ =	shalt  }
0x78: {  	_ =	shalt  }
0x79: {  	_ =	shalt  }
0x7a: {  	_ =	shalt  }
0x7b: {  	_ =	shalt  }
0x7c: {  	_ =	shalt  }
0x7d: {  	_ =	shalt  }
0x7e: {  	_ =	shalt  }
0x7f: {  	_ =	shalt  }
0x80: {  	_ =	shalt  }
0x81: {  	_ =	shalt  }
0x82: {  	_ =	shalt  }
0x83: {  	_ =	shalt  }
0x84: {  	_ =	shalt  }
0x85: {  	_ =	shalt  }
0x86: {  	_ =	shalt  }
0x87: {  	_ =	shalt  }
.Lfunc_end0:
.L_simem_size_0:
called_computation.1_lowered:
.L_overlay_start_0:
0x88: {  	s2 =	sld [smem:$0x3FD9]  }
0x89: {  	s3 =	sld [smem:$0x3FFE];
	_ =	sdelay $0x1  }
0x8a: {  	s1 =	srdreg.scid  }
0x8b: {  	s0 =	sand.u32 $0x1, s1  }
0x8c: {  	s17 =	sshll.u32 s0, $0xA;
	s2 =	sadd.s32 s3, s2  }
0x8d: {  	s2 =	sadd.s32 s2, s17  }
0x8e: {  	[smem:$0x3FB2] =	sst s2  }
0x8f: {  	_ = 	snop  }
0x90: {  	s2 =	sld [smem:$0x3FD0];
	(tm) =	ssettm $0x1  }
0x91: {  	s18 =	sld [smem:$0x3FFB];
	_ =	sdelay $0x3  }
0x92: {  	_ =	strace s18  }
0x93: {  	s3 =	sld [smem:$0x3FFC];
	_ =	sdelay $0x3  }
0x94: {  	_ =	strace s3  }
0x95: {  	s3 =	sld [smem:$0x3FFD];
	_ =	sdelay $0x3  }
0x96: {  	_ =	strace s3  }
0x97: {  	_ =	strace $0x8FFFFFFF  }
0x98: {  	s19 =	sld [smem:$0x3FDB];
	_ =	sdelay $0x1  }
0x99: {  	s4 =	simm.s32 $_scs_section_size  }
0x9a: {  	s5 =	simm.s32 $_size__tile_overlayer_lowered;
	s6 =	simm.s32 $_tile_overlayer_lowered  }
0x9b: {  	s22 =	simm.s32 $0x1BFF;
	s21 =	sshll.u32 s6, $0x1;
	s3 =	sadd.s32 s4, s19  }
0x9c: {  	s7 =	simm.s32 $0x0;
	s20 =	sshll.u32 s5, $0x1;
	s5 =	sadd.s32 s21, s3  }
0x9d: {  	[timem:s7], [sflag:s22] =	dma.local [hbm:s5], s20  }
0x9e: {  	_ =	swait.ge [sflag:s22], s20  }
0x9f: {  	s4 =	ssub.s32 $0x0, s20;
	[sflag:s22] =	ssyncset.done $0x0  }
0xa0: {  	[sflag:s22] =	ssyncadd.s32 s4;
	_ =	sdelay $0x1  }
0xa1: {  	s23 =	simm.s32 $0x1B8B  }
0xa2: {  	_ =	swait.ge [sflag:s23], $0x1  }
0xa3: {  	[sflag:s23] =	ssyncset.done $0x0  }
0xa4: {  	s25 =	simm.s32 $0x1B8E;
	s24 =	sld [smem:$0x3FFE];
	[sflag:s23] =	ssyncadd.s32 $0xFFFFFFFF  }
0xa5: {  	s26 =	simm.s32 $execute0_lowered;
	[smem:$0x3FD2] =	sst s25  }
0xa6: {  	s5 =	sshll.u32 s26, $0x1;
	_ =	strace $0x80000049;
	[dreg:$0x1] =	wrdreg $0xFFFFFFFF  }
0xa7: {  	s28 =	simm.s32 $_size_execute0_lowered;
	s3 =	sadd.s32 s3, s5;
	[dreg:$0x0] =	wrdreg $0x0  }
0xa8: {  	s5 =	sshll.u32 s28, $0x1;
	[dreg:$0x2] =	wrdreg s3  }
0xa9: {  	[dreg:$0x3] =	wrdreg s5  }
0xaa: {  	[dreg:$0x4] =	wrdreg $0xC0  }
0xab: {  	_ =	task [dreg:s7], $0x5FFFF  }
0xac: {  	[dreg:$0x1] =	wrdreg $0xFFFFFFFF  }
0xad: {  	[dreg:$0x0] =	wrdreg $0x60  }
0xae: {  	[dreg:$0x2] =	wrdreg s24  }
0xaf: {  	[dreg:$0x3] =	wrdreg s2  }
0xb0: {  	[dreg:$0x4] =	wrdreg $0xA3000  }
0xb1: {  	[dreg:$0x5] =	wrdreg $0x9  }
0xb2: {  	_ =	task.clear_ibuf [dreg:s7], $0x6FFFF;
	_ =	strace $0x90000049  }
0xb3: {  	s29 =	simm.s32 $0x9;
	_ =	strace $0x8000004B  }
0xb4: {  	_ =	swait.ge [sflag:s29], $0x1  }
0xb5: {  	[sflag:s29] =	ssyncadd.s32 $0xFFFFFFFF  }
0xb6: {  	_ =	strace $0x9000004B  }
0xb7: {  	_ =	sfence  }
0xb8: {  	s30 =	sld [smem:$0x0];
	_ =	sdelay $0x2  }
0xb9: {  	s31 =	sshll.u32 s1, $0xD;
	s1 =	sshrl.u32 s1, $0x2  }
0xba: {  	s3 =	sand.u32 $0x4000, s31;
	s1 =	sadd.s32 s1, s30  }
0xbb: {  	s0 =	sor.u32 s3, s0;
	s1 =	sshll.u32 s1, $0x11  }
0xbc: {  	s0 =	sor.u32 s1, s0  }
0xbd: {  	s0 =	sadd.s32 $0x8F2B, s0  }
0xbe: {  	[sflag:s0] =	ssyncadd.remote.s32 $0x1  }
0xbf: {  	_ =	sfence.sel $0xFFFF  }
0xc0: {  	[dreg:$0x0] =	wrdreg $0xFFFFFFFF;
	(pc) =	sbr.abs _section_cstart, $3  }
0xc1: {  	[dreg:$0x1] =	wrdreg $0xFFFFFFFF  }
0xc2: {  	_ =	task.clear_ibuf [dreg:s7], $0x2FFFF;
	_ =	strace $0x9FFFFFFF  }
0xc3: {  	(tm) =	ssettm $0x7FFFFFFF  }
tec
execute0_lowered:
.L_overlay_start_1:
0x0: {  	(tag) =	ssettag $0x1  }
0x1: {  	s0 =	rddreg [dreg:$0x0]  }
0x2: {  	s1 =	rddreg [dreg:$0x1]  }
0x3: {  	s28 =	rddreg [dreg:$0x2];
	s16 =	stileid.u32  }
0x4: {  	s2 =	srdreg.scid;
	s3 =	simm.s32 $0x0;
	s11 =	smul.u32 $0xA0, s16  }
0x5: {  	s29 =	simm.s32 $0x200;
	s2 =	sand.u32 $0x1, s2;
	s24 =	smul.u32 $0x14000, s16  }
0x6: {  	[smem:$0x7FF] =	sst s3;
	s5 =	sadd.s32 $0x13F600, s0;
	s18 =	smul.u32 $0x4E200, s16  }
0x7: {  	s6 =	sadd.s32 $0x24600, s0;
	s4 =	sshll.u32 s2, $0x4;
	s17 =	smul.u32 $0x4E2000, s2  }
0x8: {  	s10 =	ssub.s32 $0x2, s2;
	s2 =	smul.u32 $0xFA0, s2;
	s8 =	sor.u32 s16, s4  }
0x9: {  	s7 =	sadd.s32 $0x10C00, s0;
	_ =	strace $0x8000004A;
	s9 =	smul.u32 $0xFA, s8  }
0xa: {  	s4 =	sadd.s32 $0x8A200, s0;
	s0 =	sadd.s32 $0x18D800, s0;
	s13 =	smul.u32 $0x9C4, s8  }
0xb: {  	s12 =	sshrl.u32 s10, $0x1;
	s11 =	sshrl.u32 s11, $0x3;
	s21 =	smul.u32 $0x4E20, s8  }
0xc: {  	s12 =	ssub.s32 s10, s12;
	s11 =	sadd.s32 s1, s11;
	s8 =	smul.u32 $0x4E200, s8  }
0xd: {  	[dreg:$0x5] =	wrdreg s11;
	s11 =	sadd.s32 $0xA, s11;
	s14 =	sor.u32 $0x1, s9  }
0xe: {  	[dreg:$0x6] =	wrdreg s11;
	s31 =	sadd.s32 $0xF9, s9;
	s22 =	sadd.s32 s6, s13  }
0xf: {  	s23 =	sadd.s32 s7, s13;
	s9 =	sshrl.u32 s21, $0x3;
	s11 =	sshrl.u32 s24, $0x2  }
0x10: {  	s8 =	sadd.s32 s0, s8;
	s21 =	smul.u32 $0xFA, s16;
	[dreg:$0x7] =	wrdreg s22  }
0x11: {  	s20 =	smul.u32 $0xA, s14;
	[dreg:$0x8] =	wrdreg s23;
	s26 =	sadd.s32 $0x14, s9  }
0x12: {  	s10 =	smul.u32 $0x500, s14;
	s11 =	sadd.s32 s11, s28;
	[dreg:$0xd] =	wrdreg s8  }
0x13: {  	s19 =	sadd.s32 $0x1E, s9;
	s8 =	simm.s32 $0x280;
	s9 =	simm.s32 $0x50  }
0x14: {  	s14 =	simm.s32 $0x4;
	s15 =	sadd.s32 s6, s26;
	s22 =	sadd.s32 s6, s19  }
0x15: {  	s23 =	sadd.s32 s7, s19;
	s24 =	sadd.s32 s21, s2;
	[dreg:$0x14] =	wrdreg s11  }
0x16: {  	s30 =	sadd.s32 $0x2800, s11;
	s2 =	simm.s32 $0x3;
	[dreg:$0xb] =	wrdreg s15  }
0x17: {  	s19 =	simm.s32 $0x6;
	s21 =	simm.s32 $0x9;
	[dreg:$0xf] =	wrdreg s22  }
0x18: {  	s25 =	sadd.s32 s6, s20;
	s1 =	sadd.s32 s7, s20;
	[dreg:$0x10] =	wrdreg s23  }
0x19: {  	s20 =	sadd.s32 s0, s10;
	s0 =	sadd.s32 s17, s0;
	[dreg:$0x9] =	wrdreg s25  }
0x1a: {  	s15 =	simm.s32 $0x80;
	s17 =	simm.s32 $0x300;
	[dreg:$0xa] =	wrdreg s1  }
0x1b: {  	s22 =	simm.s32 $0x5300;
	s1 =	sadd.s32 s7, s26;
	[dreg:$0xe] =	wrdreg s20  }
0x1c: {  	s10 =	simm.s32 $0x2;
	s25 =	smax.u32 s12, $0x1;
	[dreg:$0xc] =	wrdreg s1  }
0x1d: {  	s23 =	simm.s32 $0xA;
	s0 =	sadd.s32 s18, s0;
	[dreg:$0x11] =	wrdreg s25  }
0x1e: {  	s26 =	sadd.s32 $0x5, s24;
	s12 =	simm.s32 $0x100;
	[dreg:$0x4] =	wrdreg s0  }
0x1f: {  	s24 =	simm.s32 $0x2B00;
	s20 =	simm.s32 $0x8;
	[dreg:$0x12] =	wrdreg s26  }
0x20: {  	s26 =	simm.s32 $0xB;
	s0 =	simm.s32 $0x1;
	s25 =	simm.s32 $0x0  }
.LBB2_1:
0x21: {  	[dreg:$0x13] =	wrdreg s25  }
0x22: {  	s1 =	rddreg [dreg:$0x5]  }
0x23: {  	[tilespmem:s29], [sflag:$0xB] =	stream.linear.gather [hbm4b:s1+s3], $0x50, $0x38;
	[tilespmem:$0xF300] =	vst v63  }
0x24: {  	_ =	swait.ge [sflag:s26], $0x50  }
0x25: {  	[sflag:s26] =	ssyncset.done $0x0  }
0x26: {  	s16 =	rddreg [dreg:$0x6];
	[sflag:s26] =	ssyncadd.s32 $0xFFFFFFB0  }
0x27: {  	[tilespmem:s8], [sflag:$0xB] =	stream.linear.gather [hbm4b:s16+s3], $0x50, $0x38;
	[tilespmem:$0xF300] =	vst v63  }
0x28: {  	_ =	swait.ge [sflag:s26], $0x50  }
0x29: {  	[sflag:s26] =	ssyncset.done $0x0  }
0x2a: {  	s18 =	rddreg [dreg:$0x7];
	[sflag:s26] =	ssyncadd.s32 $0xFFFFFFB0  }
0x2b: {  	[tilespmem:s3], [sflag:$0x1] =	stream.linear.gather [hbm4b:s18+s3], $0x50, $0x38;
	[tilespmem:$0xF300] =	vst v63  }
0x2c: {  	s25 =	rddreg [dreg:$0x8]  }
0x2d: {  	[tilespmem:s12], [sflag:$0x3] =	stream.linear.gather [hbm4b:s25+s3], $0x50, $0x38;
	[tilespmem:$0xF300] =	vst v63  }
0x2e: {  	s13 =	rddreg [dreg:$0x9]  }
0x2f: {  	[tilespmem:s15], [sflag:$0x2] =	stream.linear.gather [hbm4b:s13+s3], $0x50, $0x38;
	[tilespmem:$0xF300] =	vst v63  }
0x30: {  	s16 =	rddreg [dreg:$0xa];
	s13 =	simm.s32 $0x180  }
0x31: {  	[tilespmem:s13], [sflag:$0x4] =	stream.linear.gather [hbm4b:s16+s3], $0x50, $0x38;
	[tilespmem:$0xF300] =	vst v63  }
0x32: {  	_ =	swait.ge [sflag:s0], $0x50  }
0x33: {  	[sflag:s0] =	ssyncset.done $0x0  }
0x34: {  	[sflag:s0] =	ssyncadd.s32 $0xFFFFFFB0  }
0x35: {  	_ =	swait.ge [sflag:s2], $0x50  }
0x36: {  	[sflag:s2] =	ssyncset.done $0x0  }
0x37: {  	[sflag:s2] =	ssyncadd.s32 $0xFFFFFFB0  }
0x38: {  	[tilespmem:s17], [sflag:$0x5] =	stream.indirect.gather [hbm4b:s4+s9], $0x80, s3, s9, $0xb8;
	[tilespmem:$0xF300] =	vst v63  }
0x39: {  	_ = 	snop  }
0x3a: {  	[tilespmem:s22], [sflag:$0x7] =	stream.indirect.gather [hbm4b:s5+s9], $0x80, s12, s9, $0xb8;
	[tilespmem:$0xF300] =	vst v63  }
0x3b: {  	_ =	swait.ge [sflag:s10], $0x50  }
0x3c: {  	[sflag:s10] =	ssyncset.done $0x0  }
0x3d: {  	[sflag:s10] =	ssyncadd.s32 $0xFFFFFFB0  }
0x3e: {  	_ =	swait.ge [sflag:s14], $0x50  }
0x3f: {  	[sflag:s14] =	ssyncset.done $0x0  }
0x40: {  	[sflag:s14] =	ssyncadd.s32 $0xFFFFFFB0  }
0x41: {  	[tilespmem:s24], [sflag:$0x6] =	stream.indirect.gather [hbm4b:s4+s9], $0x80, s15, s9, $0xb8;
	[tilespmem:$0xF300] =	vst v63  }
0x42: {  	s18 =	simm.s32 $0x180;
	s25 =	simm.s32 $0x7B00  }
0x43: {  	[tilespmem:s25], [sflag:$0x8] =	stream.indirect.gather [hbm4b:s5+s9], $0x80, s18, s9, $0xb8;
	[tilespmem:$0xF300] =	vst v63  }
0x44: {  	s25 =	simm.s32 $0x5  }
0x45: {  	_ =	swait.ge [sflag:s25], $0x2800  }
0x46: {  	[sflag:s25] =	ssyncset.done $0x0  }
0x47: {  	s18 =	simm.s32 $0x7;
	[sflag:s25] =	ssyncadd.s32 $0xFFFFD800  }
0x48: {  	_ =	swait.ge [sflag:s18], $0x2800  }
0x49: {  	[sflag:s18] =	ssyncset.done $0x0  }
0x4a: {  	s10 =	rddreg [dreg:$0xb];
	[sflag:s18] =	ssyncadd.s32 $0xFFFFD800  }
0x4b: {  	[tilespmem:s3], [sflag:$0x1] =	stream.linear.gather [hbm4b:s10+s3], $0x50, $0x38;
	[tilespmem:$0xF300] =	vst v63  }
0x4c: {  	s13 =	rddreg [dreg:$0xc]  }
0x4d: {  	[tilespmem:s12], [sflag:$0x3] =	stream.linear.gather [hbm4b:s13+s3], $0x50, $0x38;
	[tilespmem:$0xF300] =	vst v63  }
0x4e: {  	_ = 	snop  }
0x4f: {  	[spmem:s11] =	stream.linear.scatter [tilespmem:s17], [sflag:$0xB], $0x2800, $0x38;
	[tilespmem:$0xF300] =	vst v63  }
0x50: {  	_ =	swait.ge [sflag:s26], $0x2800  }
0x51: {  	[sflag:s26] =	ssyncset.done $0x0  }
0x52: {  	[sflag:s26] =	ssyncadd.s32 $0xFFFFD800  }
0x53: {  	[spmem:s28] =	stream.indirect.scatter.add.f32 [tilespmem:s22], [sflag:$0xB], $0x80, s29, s9, $0xb8;
	[tilespmem:$0xF300] =	vst v63  }
0x54: {  	s16 =	smov.u32 s11;
	s15 =	stileid.u32;
	_ =	swait.ge [sflag:s26], $0x2800  }
0x55: {  	s1 =	sshll.u32 s15, $0x6;
	s10 =	sshrl.u32 s16, $0x3;
	[sflag:s26] =	ssyncset.done $0x0  }
0x56: {  	s11 =	sor.u32 $0x1C09, s1;
	s12 =	rddreg [dreg:$0xd];
	[sflag:s26] =	ssyncadd.s32 $0xFFFFD800  }
0x57: {  	[hbm:s12], [sflag:s11] =	dma.local [spmem:s10], $0x500  }
0x58: {  	_ =	swait.ge [sflag:s0], $0x50  }
0x59: {  	[sflag:s0] =	ssyncset.done $0x0  }
0x5a: {  	[sflag:s0] =	ssyncadd.s32 $0xFFFFFFB0  }
0x5b: {  	_ =	swait.ge [sflag:s2], $0x50  }
0x5c: {  	[sflag:s2] =	ssyncset.done $0x0  }
0x5d: {  	[sflag:s2] =	ssyncadd.s32 $0xFFFFFFB0  }
0x5e: {  	[tilespmem:s17], [sflag:$0x5] =	stream.indirect.gather [hbm4b:s4+s9], $0x80, s3, s9, $0xb8;
	[tilespmem:$0xF300] =	vst v63  }
0x5f: {  	s15 =	simm.s32 $0x100  }
0x60: {  	[tilespmem:s22], [sflag:$0x7] =	stream.indirect.gather [hbm4b:s5+s9], $0x80, s15, s9, $0xb8;
	[tilespmem:$0xF300] =	vst v63  }
0x61: {  	_ =	swait.ge [sflag:s19], $0x2800  }
0x62: {  	[sflag:s19] =	ssyncset.done $0x0  }
0x63: {  	[sflag:s19] =	ssyncadd.s32 $0xFFFFD800  }
0x64: {  	_ =	swait.ge [sflag:s20], $0x2800  }
0x65: {  	[sflag:s20] =	ssyncset.done $0x0  }
0x66: {  	s16 =	simm.s32 $0x80;
	s22 =	rddreg [dreg:$0xf];
	[sflag:s20] =	ssyncadd.s32 $0xFFFFD800  }
0x67: {  	[tilespmem:s16], [sflag:$0x2] =	stream.linear.gather [hbm4b:s22+s3], $0x50, $0x38;
	[tilespmem:$0xF300] =	vst v63  }
0x68: {  	s2 =	simm.s32 $0x180;
	s0 =	rddreg [dreg:$0x10]  }
0x69: {  	[tilespmem:s2], [sflag:$0x4] =	stream.linear.gather [hbm4b:s0+s3], $0x50, $0x38;
	[tilespmem:$0xF300] =	vst v63  }
0x6a: {  	_ = 	snop  }
0x6b: {  	[spmem:s30] =	stream.linear.scatter [tilespmem:s24], [sflag:$0xB], $0x2800, $0x38;
	[tilespmem:$0xF300] =	vst v63  }
0x6c: {  	_ =	swait.ge [sflag:s26], $0x2800  }
0x6d: {  	[sflag:s26] =	ssyncset.done $0x0  }
0x6e: {  	s16 =	simm.s32 $0x7B00;
	[sflag:s26] =	ssyncadd.s32 $0xFFFFD800  }
0x6f: {  	[spmem:s28] =	stream.indirect.scatter.add.f32 [tilespmem:s16], [sflag:$0xB], $0x80, s8, s9, $0xb8;
	[tilespmem:$0xF300] =	vst v63  }
0x70: {  	s13 =	simm.s32 $0x2;
	_ =	swait.ge [sflag:s26], $0x2800  }
0x71: {  	s1 =	sor.u32 $0x1C0A, s1;
	s15 =	smov.u32 s28;
	[sflag:s26] =	ssyncset.done $0x0  }
0x72: {  	s28 =	sshrl.u32 s30, $0x3;
	s22 =	rddreg [dreg:$0xe];
	[sflag:s26] =	ssyncadd.s32 $0xFFFFD800  }
0x73: {  	[hbm:s22], [sflag:s1] =	dma.local [spmem:s28], $0x500  }
0x74: {  	_ =	swait.ge [sflag:s13], $0x50  }
0x75: {  	[sflag:s13] =	ssyncset.done $0x0  }
0x76: {  	[sflag:s13] =	ssyncadd.s32 $0xFFFFFFB0  }
0x77: {  	_ =	swait.ge [sflag:s14], $0x50  }
0x78: {  	[sflag:s14] =	ssyncset.done $0x0  }
0x79: {  	s17 =	simm.s32 $0x80;
	[sflag:s14] =	ssyncadd.s32 $0xFFFFFFB0  }
0x7a: {  	[tilespmem:s24], [sflag:$0x6] =	stream.indirect.gather [hbm4b:s4+s9], $0x80, s17, s9, $0xb8;
	[tilespmem:$0xF300] =	vst v63  }
0x7b: {  	_ = 	snop  }
0x7c: {  	[tilespmem:s16], [sflag:$0x8] =	stream.indirect.gather [hbm4b:s5+s9], $0x80, s2, s9, $0xb8;
	[tilespmem:$0xF300] =	vst v63  }
0x7d: {  	_ =	swait.ge [sflag:s25], $0x2800  }
0x7e: {  	s8 =	rddreg [dreg:$0x12]  }
0x7f: {  	s17 =	sadd.s32 $0xFFFFFFFF, s8  }
0x80: {  	s22 =	smov.u32 s31;
	[sflag:s25] =	ssyncset.done $0x0;
	p0 =	slt.s32 s17, s31  }
0x81: {  	[sflag:s25] =	ssyncadd.s32 $0xFFFFD800;
	s22 =	smov.u32 @p0 s17  }
0x82: {  	_ =	swait.ge [sflag:s18], $0x2800;
	s17 =	smul.u32 $0xA, s22  }
0x83: {  	[sflag:s18] =	ssyncset.done $0x0  }
0x84: {  	[sflag:s18] =	ssyncadd.s32 $0xFFFFD800;
	s22 =	sadd.s32 s6, s17  }
0x85: {  	[tilespmem:s3], [sflag:$0x1] =	stream.linear.gather [hbm4b:s22+s3], $0x50, $0x38;
	[tilespmem:$0xF300] =	vst v63  }
0x86: {  	s12 =	simm.s32 $0x100;
	s17 =	sadd.s32 s7, s17  }
0x87: {  	[tilespmem:s12], [sflag:$0x3] =	stream.linear.gather [hbm4b:s17+s3], $0x50, $0x38;
	[tilespmem:$0xF300] =	vst v63  }
0x88: {  	_ =	swait.ge [sflag:s21], $0x500  }
0x89: {  	[sflag:s21] =	ssyncset.done $0x0  }
0x8a: {  	s24 =	simm.s32 $0x300;
	s18 =	rddreg [dreg:$0x14];
	[sflag:s21] =	ssyncadd.s32 $0xFFFFFB00  }
0x8b: {  	[spmem:s18] =	stream.linear.scatter [tilespmem:s24], [sflag:$0xB], $0x2800, $0x38;
	[tilespmem:$0xF300] =	vst v63  }
0x8c: {  	_ =	swait.ge [sflag:s26], $0x2800  }
0x8d: {  	[sflag:s26] =	ssyncset.done $0x0  }
0x8e: {  	s16 =	simm.s32 $0x5300;
	[sflag:s26] =	ssyncadd.s32 $0xFFFFD800  }
0x8f: {  	[spmem:s15] =	stream.indirect.scatter.add.f32 [tilespmem:s16], [sflag:$0xB], $0x80, s29, s9, $0xb8;
	[tilespmem:$0xF300] =	vst v63  }
0x90: {  	_ =	swait.ge [sflag:s26], $0x2800  }
0x91: {  	s25 =	rddreg [dreg:$0x4]  }
0x92: {  	[sflag:s26] =	ssyncset.done $0x0;
	s17 =	sadd.s32 $0x0, s25  }
0x93: {  	s2 =	simm.s32 $0x1;
	[sflag:s26] =	ssyncadd.s32 $0xFFFFD800;
	s29 =	sadd.s32 $0xA00, s17  }
0x94: {  	[hbm:s29], [sflag:s11] =	dma.local [spmem:s10], $0x500  }
0x95: {  	_ =	swait.ge [sflag:s2], $0x50  }
0x96: {  	[sflag:s2] =	ssyncset.done $0x0  }
0x97: {  	s25 =	simm.s32 $0x3;
	[sflag:s2] =	ssyncadd.s32 $0xFFFFFFB0  }
0x98: {  	_ =	swait.ge [sflag:s25], $0x50  }
0x99: {  	[sflag:s25] =	ssyncset.done $0x0  }
0x9a: {  	[sflag:s25] =	ssyncadd.s32 $0xFFFFFFB0  }
0x9b: {  	[tilespmem:s24], [sflag:$0x5] =	stream.indirect.gather [hbm4b:s4+s9], $0x80, s3, s9, $0xb8;
	[tilespmem:$0xF300] =	vst v63  }
0x9c: {  	_ = 	snop  }
0x9d: {  	[tilespmem:s16], [sflag:$0x7] =	stream.indirect.gather [hbm4b:s5+s9], $0x80, s12, s9, $0xb8;
	[tilespmem:$0xF300] =	vst v63  }
0x9e: {  	_ =	swait.ge [sflag:s19], $0x2800  }
0x9f: {  	p0 =	slt.s32 s8, s31;
	s22 =	smov.u32 s31;
	[sflag:s19] =	ssyncset.done $0x0  }
0xa0: {  	s22 =	smov.u32 @p0 s8;
	[sflag:s19] =	ssyncadd.s32 $0xFFFFD800  }
0xa1: {  	s22 =	smul.u32 $0xA, s22;
	_ =	swait.ge [sflag:s20], $0x2800  }
0xa2: {  	s0 =	smov.u32 s11;
	[sflag:s20] =	ssyncset.done $0x0  }
0xa3: {  	s11 =	simm.s32 $0x80;
	s12 =	sadd.s32 s6, s22;
	[sflag:s20] =	ssyncadd.s32 $0xFFFFD800  }
0xa4: {  	[tilespmem:s11], [sflag:$0x2] =	stream.linear.gather [hbm4b:s12+s3], $0x50, $0x38;
	[tilespmem:$0xF300] =	vst v63  }
0xa5: {  	s22 =	sadd.s32 s7, s22;
	s16 =	simm.s32 $0x180  }
0xa6: {  	[tilespmem:s16], [sflag:$0x4] =	stream.linear.gather [hbm4b:s22+s3], $0x50, $0x38;
	[tilespmem:$0xF300] =	vst v63  }
0xa7: {  	_ =	swait.ge [sflag:s23], $0x500  }
0xa8: {  	[sflag:s23] =	ssyncset.done $0x0  }
0xa9: {  	s12 =	simm.s32 $0x2B00;
	[sflag:s23] =	ssyncadd.s32 $0xFFFFFB00  }
0xaa: {  	[spmem:s30] =	stream.linear.scatter [tilespmem:s12], [sflag:$0xB], $0x2800, $0x38;
	[tilespmem:$0xF300] =	vst v63  }
0xab: {  	_ =	swait.ge [sflag:s26], $0x2800  }
0xac: {  	[sflag:s26] =	ssyncset.done $0x0  }
0xad: {  	s29 =	simm.s32 $0x280;
	s24 =	simm.s32 $0x7B00;
	[sflag:s26] =	ssyncadd.s32 $0xFFFFD800  }
0xae: {  	[spmem:s15] =	stream.indirect.scatter.add.f32 [tilespmem:s24], [sflag:$0xB], $0x80, s29, s9, $0xb8;
	[tilespmem:$0xF300] =	vst v63  }
0xaf: {  	_ =	swait.ge [sflag:s26], $0x2800  }
0xb0: {  	s13 =	smov.u32 s10;
	[sflag:s26] =	ssyncset.done $0x0  }
0xb1: {  	s17 =	sadd.s32 $0xF00, s17;
	s10 =	simm.s32 $0x2;
	[sflag:s26] =	ssyncadd.s32 $0xFFFFD800  }
0xb2: {  	[hbm:s17], [sflag:s1] =	dma.local [spmem:s28], $0x500  }
0xb3: {  	_ =	swait.ge [sflag:s10], $0x50  }
0xb4: {  	[sflag:s10] =	ssyncset.done $0x0  }
0xb5: {  	[sflag:s10] =	ssyncadd.s32 $0xFFFFFFB0  }
0xb6: {  	_ =	swait.ge [sflag:s14], $0x50  }
0xb7: {  	s16 =	smov.u32 s28;
	s22 =	sadd.s32 $0x2, s8;
	[sflag:s14] =	ssyncset.done $0x0  }
0xb8: {  	s24 =	smov.u32 s1;
	s17 =	simm.s32 $0xA00;
	[sflag:s14] =	ssyncadd.s32 $0xFFFFFFB0  }
0xb9: {  	[tilespmem:s12], [sflag:$0x6] =	stream.indirect.gather [hbm4b:s4+s9], $0x80, s11, s9, $0xb8;
	[tilespmem:$0xF300] =	vst v63  }
0xba: {  	s28 =	simm.s32 $0x4;
	s12 =	smov.u32 s18;
	s11 =	smov.u32 s15  }
.LBB2_2:
0xbb: {  	s15 =	simm.s32 $0x180;
	s1 =	simm.s32 $0x7B00;
	s10 =	simm.s32 $0x5  }
0xbc: {  	[tilespmem:s1], [sflag:$0x8] =	stream.indirect.gather [hbm4b:s5+s9], $0x80, s15, s9, $0xb8;
	[tilespmem:$0xF300] =	vst v63  }
0xbd: {  	_ =	swait.ge [sflag:s10], $0x2800  }
0xbe: {  	s8 =	smov.u32 s30;
	s30 =	sadd.s32 $0xFFFFFFFF, s22;
	[sflag:s10] =	ssyncset.done $0x0  }
0xbf: {  	p1 =	slt.s32 s30, s31;
	[sflag:s10] =	ssyncadd.s32 $0xFFFFD800;
	s10 =	smov.u32 s31  }
0xc0: {  	s14 =	simm.s32 $0x7;
	s10 =	smov.u32 @p1 s30  }
0xc1: {  	_ =	swait.ge [sflag:s14], $0x2800;
	s10 =	smul.u32 $0xA, s10  }
0xc2: {  	[sflag:s14] =	ssyncset.done $0x0  }
0xc3: {  	[sflag:s14] =	ssyncadd.s32 $0xFFFFD800;
	s30 =	sadd.s32 s6, s10  }
0xc4: {  	[tilespmem:s3], [sflag:$0x1] =	stream.linear.gather [hbm4b:s30+s3], $0x50, $0x38;
	[tilespmem:$0xF300] =	vst v63  }
0xc5: {  	s14 =	simm.s32 $0x100;
	s10 =	sadd.s32 s7, s10  }
0xc6: {  	[tilespmem:s14], [sflag:$0x3] =	stream.linear.gather [hbm4b:s10+s3], $0x50, $0x38;
	[tilespmem:$0xF300] =	vst v63  }
0xc7: {  	_ =	swait.ge [sflag:s21], $0x500  }
0xc8: {  	[sflag:s21] =	ssyncset.done $0x0  }
0xc9: {  	s30 =	simm.s32 $0x300;
	[sflag:s21] =	ssyncadd.s32 $0xFFFFFB00  }
0xca: {  	[spmem:s12] =	stream.linear.scatter [tilespmem:s30], [sflag:$0xB], $0x2800, $0x38;
	[tilespmem:$0xF300] =	vst v63  }
0xcb: {  	_ =	swait.ge [sflag:s26], $0x2800  }
0xcc: {  	[sflag:s26] =	ssyncset.done $0x0  }
0xcd: {  	s18 =	simm.s32 $0x5300;
	s10 =	simm.s32 $0x200;
	[sflag:s26] =	ssyncadd.s32 $0xFFFFD800  }
0xce: {  	[spmem:s11] =	stream.indirect.scatter.add.f32 [tilespmem:s18], [sflag:$0xB], $0x80, s10, s9, $0xb8;
	[tilespmem:$0xF300] =	vst v63  }
0xcf: {  	_ =	swait.ge [sflag:s26], $0x2800  }
0xd0: {  	s29 =	smov.u32 s17;
	s10 =	rddreg [dreg:$0x4]  }
0xd1: {  	[sflag:s26] =	ssyncset.done $0x0;
	s29 =	sadd.s32 s29, s10  }
0xd2: {  	[sflag:s26] =	ssyncadd.s32 $0xFFFFD800;
	s10 =	sadd.s32 $0xA00, s29  }
0xd3: {  	[hbm:s10], [sflag:s0] =	dma.local [spmem:s13], $0x500  }
0xd4: {  	_ =	swait.ge [sflag:s2], $0x50  }
0xd5: {  	[sflag:s2] =	ssyncset.done $0x0  }
0xd6: {  	[sflag:s2] =	ssyncadd.s32 $0xFFFFFFB0  }
0xd7: {  	_ =	swait.ge [sflag:s25], $0x50  }
0xd8: {  	[sflag:s25] =	ssyncset.done $0x0  }
0xd9: {  	[sflag:s25] =	ssyncadd.s32 $0xFFFFFFB0  }
0xda: {  	[tilespmem:s30], [sflag:$0x5] =	stream.indirect.gather [hbm4b:s4+s9], $0x80, s3, s9, $0xb8;
	[tilespmem:$0xF300] =	vst v63  }
0xdb: {  	_ = 	snop  }
0xdc: {  	[tilespmem:s18], [sflag:$0x7] =	stream.indirect.gather [hbm4b:s5+s9], $0x80, s14, s9, $0xb8;
	[tilespmem:$0xF300] =	vst v63  }
0xdd: {  	_ =	swait.ge [sflag:s19], $0x2800  }
0xde: {  	p1 =	slt.s32 s22, s31;
	s10 =	smov.u32 s31;
	[sflag:s19] =	ssyncset.done $0x0  }
0xdf: {  	s10 =	smov.u32 @p1 s22;
	[sflag:s19] =	ssyncadd.s32 $0xFFFFD800  }
0xe0: {  	s10 =	smul.u32 $0xA, s10;
	_ =	swait.ge [sflag:s20], $0x2800  }
0xe1: {  	[sflag:s20] =	ssyncset.done $0x0  }
0xe2: {  	s30 =	sadd.s32 s6, s10;
	s14 =	simm.s32 $0x80;
	[sflag:s20] =	ssyncadd.s32 $0xFFFFD800  }
0xe3: {  	[tilespmem:s14], [sflag:$0x2] =	stream.linear.gather [hbm4b:s30+s3], $0x50, $0x38;
	[tilespmem:$0xF300] =	vst v63  }
0xe4: {  	s10 =	sadd.s32 s7, s10  }
0xe5: {  	[tilespmem:s15], [sflag:$0x4] =	stream.linear.gather [hbm4b:s10+s3], $0x50, $0x38;
	[tilespmem:$0xF300] =	vst v63  }
0xe6: {  	_ =	swait.ge [sflag:s23], $0x500  }
0xe7: {  	[sflag:s23] =	ssyncset.done $0x0  }
0xe8: {  	s18 =	simm.s32 $0x2B00;
	s30 =	smov.u32 s8;
	[sflag:s23] =	ssyncadd.s32 $0xFFFFFB00  }
0xe9: {  	[spmem:s30] =	stream.linear.scatter [tilespmem:s18], [sflag:$0xB], $0x2800, $0x38;
	[tilespmem:$0xF300] =	vst v63  }
0xea: {  	_ =	swait.ge [sflag:s26], $0x2800  }
0xeb: {  	[sflag:s26] =	ssyncset.done $0x0  }
0xec: {  	s10 =	simm.s32 $0x280;
	[sflag:s26] =	ssyncadd.s32 $0xFFFFD800  }
0xed: {  	[spmem:s11] =	stream.indirect.scatter.add.f32 [tilespmem:s1], [sflag:$0xB], $0x80, s10, s9, $0xb8;
	[tilespmem:$0xF300] =	vst v63  }
0xee: {  	_ =	swait.ge [sflag:s26], $0x2800  }
0xef: {  	[sflag:s26] =	ssyncset.done $0x0  }
0xf0: {  	s29 =	sadd.s32 $0xF00, s29;
	s10 =	simm.s32 $0x2;
	[sflag:s26] =	ssyncadd.s32 $0xFFFFD800  }
0xf1: {  	[hbm:s29], [sflag:s24] =	dma.local [spmem:s16], $0x500  }
0xf2: {  	_ =	swait.ge [sflag:s10], $0x50  }
0xf3: {  	p0 =	sne.s32 s17, $0x4CE00;
	[sflag:s10] =	ssyncset.done $0x0  }
.Ltmp0:
0xf4: {  	[sflag:s10] =	ssyncadd.s32 $0xFFFFFFB0;
	(pc) =	sbr.rel @p0 .LBB2_2-.Ltmp0, $4  }
0xf5: {  	_ =	swait.ge [sflag:s28], $0x50  }
0xf6: {  	s17 =	sadd.s32 $0xA00, s17;
	s22 =	sadd.s32 $0x2, s22;
	[sflag:s28] =	ssyncset.done $0x0  }
0xf7: {  	s8 =	simm.s32 $0x180;
	s15 =	simm.s32 $0x7B00;
	[sflag:s28] =	ssyncadd.s32 $0xFFFFFFB0  }
0xf8: {  	[tilespmem:s18], [sflag:$0x6] =	stream.indirect.gather [hbm4b:s4+s9], $0x80, s14, s9, $0xb8;
	[tilespmem:$0xF300] =	vst v63  }
0xf9: {  	[tilespmem:s15], [sflag:$0x8] =	stream.indirect.gather [hbm4b:s5+s9], $0x80, s8, s9, $0xb8;
	[tilespmem:$0xF300] =	vst v63  }
0xfa: {  	s0 =	simm.s32 $0x5  }
0xfb: {  	_ =	swait.ge [sflag:s0], $0x2800  }
0xfc: {  	[sflag:s0] =	ssyncset.done $0x0  }
0xfd: {  	s25 =	simm.s32 $0x7;
	[sflag:s0] =	ssyncadd.s32 $0xFFFFD800  }
0xfe: {  	_ =	swait.ge [sflag:s25], $0x2800  }
0xff: {  	[sflag:s25] =	ssyncset.done $0x0  }
0x100: {  	[sflag:s25] =	ssyncadd.s32 $0xFFFFD800  }
0x101: {  	_ =	swait.ge [sflag:s19], $0x2800  }
0x102: {  	[sflag:s19] =	ssyncset.done $0x0  }
0x103: {  	[sflag:s19] =	ssyncadd.s32 $0xFFFFD800  }
0x104: {  	_ =	swait.ge [sflag:s20], $0x2800  }
0x105: {  	[sflag:s20] =	ssyncset.done $0x0  }
0x106: {  	[sflag:s20] =	ssyncadd.s32 $0xFFFFD800  }
0x107: {  	_ =	swait.ge [sflag:s21], $0x500  }
0x108: {  	[sflag:s21] =	ssyncset.done $0x0  }
0x109: {  	[sflag:s21] =	ssyncadd.s32 $0xFFFFFB00  }
0x10a: {  	_ =	swait.ge [sflag:s23], $0x500  }
0x10b: {  	s25 =	rddreg [dreg:$0x13]  }
0x10c: {  	s1 =	rddreg [dreg:$0x11];
	s25 =	sadd.s32 $0x1, s25  }
0x10d: {  	p0 =	sne.s32 s25, s1  }
.Ltmp1:
0x10e: {  	s28 =	smov.u32 s11;
	s11 =	smov.u32 s12;
	(pc) =	sbr.rel @p0 .LBB2_1-.Ltmp1, $4  }
0x10f: {  	s29 =	simm.s32 $0x200;
	s8 =	simm.s32 $0x280;
	s12 =	simm.s32 $0x100  }
0x110: {  	s15 =	simm.s32 $0x80;
	s17 =	simm.s32 $0x300;
	s22 =	simm.s32 $0x5300  }
0x111: {  	s24 =	simm.s32 $0x2B00;
	s2 =	simm.s32 $0x3;
	[sflag:s23] =	ssyncset.done $0x0  }
0x112: {  	s14 =	simm.s32 $0x4;
	s0 =	simm.s32 $0x1;
	[sflag:s23] =	ssyncadd.s32 $0xFFFFFB00  }
0x113: {  	_ =	sfence.sel $0x180000  }
0x114: {  	[bflag:$0x0] =	sbarrier.arrive $0xFFFF  }
0x115: {  	_ =	strace $0x9000004A  }
0x116: {  	s0 =	stileid.u32;
	[bflag:$0x2] =	sbarrier.arrive $0xFFFF  }
0x117: {  	p0 =	sne.s32 s0, $0x0;
	s0 =	rddreg [dreg:$0x3]  }
0x118: {  	s0 =	sadd.s32 @!p0 $0x100000, s0  }
0x119: {  	[sflag:s0] =	ssyncadd.tile.s32 @!p0 $0x1;
	_ =	shalt  }
.Lfunc_end2:
_tile_overlayer_lowered:
.L_overlay_start_2:
0x11a: {  	(tag) =	ssettag $0x2  }
0x11b: {  	s0 =	rddreg [dreg:$0x0];
	s2 =	stileid.u32  }
0x11c: {  	s1 =	rddreg [dreg:$0x1];
	p0 =	sne.s32 s2, $0x0  }
0x11d: {  	s3 =	rddreg [dreg:$0x2];
	[bflag:$0x3] =	sbarrier.arrive $0xFFFF;
	s2 =	simm.s32 @!p0 $0x1C0B  }
0x11e: {  	[timem:s3], [sflag:s2] =	dma.local @!p0 [hbm:s0], s1  }
0x11f: {  	s0 =	simm.s32 @!p0 $0xB  }
0x120: {  	_ =	swait.ge @!p0 [sflag:s0], s1  }
0x121: {  	s1 =	ssub.s32 @!p0 $0x0, s1;
	[sflag:s0] =	ssyncset.done @!p0 $0x0  }
0x122: {  	[sflag:s0] =	ssyncadd.s32 @!p0 s1  }
0x123: {  	[bflag:$0x3] =	sbarrier.arrive $0xFFFF  }
0x124: {  	_ =	shalt  }

// kernel: kernel.20.cloned.1.call-start
scs
__scs_entry_jumppad:
0x0: {  	(pc) =	sbr.rel $0x88, $3  }
0x1: {  	(tag) =	ssettag $0x0;
	lr =	simm.s32 $0x1  }
0x2: {  	[smem:$0x3F8B] =	sst lr;
	_ =	strace $0xD0000000  }
0x3: {  	_ = 	snop  }
0x4: {  	_ = 	snop  }
0x5: {  	_ = 	snop  }
0x6: {  	_ = 	snop  }
0x7: {  	_ = 	snop  }
__scs_overlays_trampoline_lowered:
0x8: {  	[smem:$0x3F9A] =	sst s0  }
0x9: {  	[smem:$0x3F9B] =	sst s1  }
0xa: {  	[smem:$0x3F9C] =	sst s2  }
0xb: {  	[smem:$0x3F9D] =	sst s3  }
0xc: {  	[smem:$0x3F9E] =	sst s4  }
0xd: {  	[smem:$0x3F9F] =	sst s5  }
0xe: {  	[smem:$0x3FA0] =	sst s6  }
0xf: {  	[smem:$0x3FA1] =	sst s7  }
0x10: {  	[smem:$0x3FA2] =	sst s8  }
0x11: {  	[smem:$0x3FA3] =	sst s9;
	s0 =	simm.s32 @!p0 $0x0  }
0x12: {  	s1 =	sld [smem:$0x3F89];
	s0 =	simm.s32 @p0 $0x1  }
0x13: {  	[smem:$0x3FA4] =	sst s0;
	s0 =	simm.s32 @!p1 $0x0  }
0x14: {  	s2 =	sld [smem:$0x3F88];
	s0 =	simm.s32 @p1 $0x1  }
0x15: {  	[smem:$0x3FA5] =	sst s0;
	s0 =	simm.s32 @!p2 $0x0  }
0x16: {  	s3 =	sld [smem:$0x3FDB];
	s0 =	simm.s32 @p2 $0x1  }
0x17: {  	s4 =	simm.s32 $0x1BF5;
	[smem:$0x3FA7] =	sst s0  }
0x18: {  	s0 =	sld [smem:$0x3F8A];
	_ =	swait.ge [sflag:s4], $0x0  }
0x19: {  	s7 =	sld [smem:$0x3F8B]  }
0x1a: {  	s8 =	sadd.s32 $0xFFFFE003, lr  }
0x1b: {  	s9 =	sadd.s32 $0xFFFFFEF7, lr;
	s5 =	simm.s32 $0xFFFFFFFF;
	p2 =	slt.u32 s8, $0xFFFFF086  }
0x1c: {  	p1 =	slt.u32 s9, $0xF7A;
	s5 =	simm.s32 @!p2 $0x0  }
0x1d: {  	s5 =	simm.s32 @p1 $0x1;
	p0 =	seq.s32 s7, s2  }
0x1e: {  	s7 =	smul.u32 @!p0 $0xF7A, s2;
	p2 =	seq.s32 @!p0 s5, $0x0  }
0x1f: {  	s9 =	smul.u32 $0xF7A, s1;
	s8 =	simm.s32 @!p0 $0x1BF5;
	p2 =	por !p2, p0  }
0x20: {  	[sflag:s8] =	ssyncset.s32 @!p0 $0xFFFFF086;
	s6 =	sadd.s32 @!p0 s3, s7;
	s7 =	simm.s32 @!p0 $0x108  }
0x21: {  	s3 =	sadd.s32 s3, s9;
	s6 =	sadd.s32 @!p0 $0x88, s6;
	s7 =	simm.s32 @p2 $0x1082  }
0x22: {  	[simem:s7], [sflag:s8] =	dma.local @!p0 [hbm:s6], $0xF7A  }
0x23: {  	s9 =	sor.u32 $0xD0000000, s2;
	s6 =	simm.s32 $0x108;
	_ =	swait.ge @!p0 [sflag:s8], $0x0  }
0x24: {  	s3 =	sadd.s32 $0x88, s3;
	s6 =	simm.s32 @!p1 $0x1082;
	[sflag:s4] =	ssyncset.s32 $0xFFFFF086  }
0x25: {  	[simem:s6], [sflag:s4] =	dma.local [hbm:s3], $0xF7A  }
0x26: {  	[smem:$0x3F8B] =	sst s1;
	(tag) =	ssettag s2;
	_ =	strace s9  }
0x27: {  	s1 =	sld [smem:$0x3F9B]  }
0x28: {  	s2 =	sld [smem:$0x3F9C]  }
0x29: {  	s4 =	sld [smem:$0x3F9E]  }
0x2a: {  	p0 =	seq.s32 s5, $0x0;
	s5 =	sld [smem:$0x3F9F]  }
0x2b: {  	s6 =	sld [smem:$0x3FA0]  }
0x2c: {  	s7 =	sld [smem:$0x3FA1]  }
0x2d: {  	s3 =	simm.s32 $0x108;
	s8 =	sld [smem:$0x3FA2]  }
0x2e: {  	s3 =	simm.s32 @!p0 $0x1082;
	s9 =	sld [smem:$0x3FA3]  }
0x2f: {  	lr =	sadd.s32 s0, s3;
	s0 =	sld [smem:$0x3F9A]  }
0x30: {  	s3 =	sld [smem:$0x3F9D]  }
0x31: {  	[smem:$0x3FA6] =	sst s10  }
0x32: {  	s10 =	sld [smem:$0x3FA4];
	_ =	sdelay $0x3  }
0x33: {  	p0 =	seq.s32 s10, $0x1;
	s10 =	sld [smem:$0x3FA6];
	_ =	sdelay $0x3  }
0x34: {  	[smem:$0x3FA6] =	sst s10  }
0x35: {  	s10 =	sld [smem:$0x3FA5];
	_ =	sdelay $0x3  }
0x36: {  	p1 =	seq.s32 s10, $0x1;
	s10 =	sld [smem:$0x3FA6];
	_ =	sdelay $0x3  }
0x37: {  	[smem:$0x3FA6] =	sst s10  }
0x38: {  	s10 =	sld [smem:$0x3FA7]  }
0x39: {  	_ = 	snop;
	(pc) =	sbr.ind lr, $3  }
0x3a: {  	_ = 	snop  }
0x3b: {  	_ = 	snop  }
0x3c: {  	p2 =	seq.s32 s10, $0x1;
	s10 =	sld [smem:$0x3FA6]  }
0x3d: {  	_ =	shalt  }
0x3e: {  	_ =	shalt  }
0x3f: {  	_ =	shalt  }
0x40: {  	_ =	shalt  }
0x41: {  	_ =	shalt  }
0x42: {  	_ =	shalt  }
0x43: {  	_ =	shalt  }
0x44: {  	_ =	shalt  }
0x45: {  	_ =	shalt  }
0x46: {  	_ =	shalt  }
0x47: {  	_ =	shalt  }
0x48: {  	_ =	shalt  }
0x49: {  	_ =	shalt  }
0x4a: {  	_ =	shalt  }
0x4b: {  	_ =	shalt  }
0x4c: {  	_ =	shalt  }
0x4d: {  	_ =	shalt  }
0x4e: {  	_ =	shalt  }
0x4f: {  	_ =	shalt  }
0x50: {  	_ =	shalt  }
0x51: {  	_ =	shalt  }
0x52: {  	_ =	shalt  }
0x53: {  	_ =	shalt  }
0x54: {  	_ =	shalt  }
0x55: {  	_ =	shalt  }
0x56: {  	_ =	shalt  }
0x57: {  	_ =	shalt  }
0x58: {  	_ =	shalt  }
0x59: {  	_ =	shalt  }
0x5a: {  	_ =	shalt  }
0x5b: {  	_ =	shalt  }
0x5c: {  	_ =	shalt  }
0x5d: {  	_ =	shalt  }
0x5e: {  	_ =	shalt  }
0x5f: {  	_ =	shalt  }
0x60: {  	_ =	shalt  }
0x61: {  	_ =	shalt  }
0x62: {  	_ =	shalt  }
0x63: {  	_ =	shalt  }
0x64: {  	_ =	shalt  }
0x65: {  	_ =	shalt  }
0x66: {  	_ =	shalt  }
0x67: {  	_ =	shalt  }
0x68: {  	_ =	shalt  }
0x69: {  	_ =	shalt  }
0x6a: {  	_ =	shalt  }
0x6b: {  	_ =	shalt  }
0x6c: {  	_ =	shalt  }
0x6d: {  	_ =	shalt  }
0x6e: {  	_ =	shalt  }
0x6f: {  	_ =	shalt  }
0x70: {  	_ =	shalt  }
0x71: {  	_ =	shalt  }
0x72: {  	_ =	shalt  }
0x73: {  	_ =	shalt  }
0x74: {  	_ =	shalt  }
0x75: {  	_ =	shalt  }
0x76: {  	_ =	shalt  }
0x77: {  	_ =	shalt  }
0x78: {  	_ =	shalt  }
0x79: {  	_ =	shalt  }
0x7a: {  	_ =	shalt  }
0x7b: {  	_ =	shalt  }
0x7c: {  	_ =	shalt  }
0x7d: {  	_ =	shalt  }
0x7e: {  	_ =	shalt  }
0x7f: {  	_ =	shalt  }
0x80: {  	_ =	shalt  }
0x81: {  	_ =	shalt  }
0x82: {  	_ =	shalt  }
0x83: {  	_ =	shalt  }
0x84: {  	_ =	shalt  }
0x85: {  	_ =	shalt  }
0x86: {  	_ =	shalt  }
0x87: {  	_ =	shalt  }
.Lfunc_end0:
.L_simem_size_0:
called_computation.2_lowered:
.L_overlay_start_0:
0x88: {  	s2 =	sld [smem:$0x3FD9]  }
0x89: {  	s3 =	sld [smem:$0x3FFE];
	_ =	sdelay $0x1  }
0x8a: {  	s1 =	srdreg.scid  }
0x8b: {  	s0 =	sand.u32 $0x1, s1  }
0x8c: {  	s16 =	sshll.u32 s0, $0xA;
	s2 =	sadd.s32 s3, s2  }
0x8d: {  	s2 =	sadd.s32 s2, s16  }
0x8e: {  	[smem:$0x3FB2] =	sst s2  }
0x8f: {  	_ = 	snop  }
0x90: {  	(tm) =	ssettm $0x1  }
0x91: {  	s17 =	sld [smem:$0x3FFB];
	_ =	sdelay $0x3  }
0x92: {  	_ =	strace s17  }
0x93: {  	s2 =	sld [smem:$0x3FFC];
	_ =	sdelay $0x3  }
0x94: {  	_ =	strace s2  }
0x95: {  	s2 =	sld [smem:$0x3FFD];
	_ =	sdelay $0x3  }
0x96: {  	_ =	strace s2  }
0x97: {  	_ =	strace $0x8FFFFFFF  }
0x98: {  	s18 =	sld [smem:$0x3FDB];
	_ =	sdelay $0x1  }
0x99: {  	s19 =	simm.s32 $_scs_section_size  }
0x9a: {  	s4 =	simm.s32 $_size__tile_overlayer_lowered;
	s5 =	simm.s32 $_tile_overlayer_lowered  }
0x9b: {  	s22 =	simm.s32 $0x1BFF;
	s21 =	sshll.u32 s5, $0x1;
	s2 =	sadd.s32 s19, s18  }
0x9c: {  	s6 =	simm.s32 $0x0;
	s20 =	sshll.u32 s4, $0x1;
	s4 =	sadd.s32 s21, s2  }
0x9d: {  	[timem:s6], [sflag:s22] =	dma.local [hbm:s4], s20  }
0x9e: {  	_ =	swait.ge [sflag:s22], s20  }
0x9f: {  	s3 =	ssub.s32 $0x0, s20;
	[sflag:s22] =	ssyncset.done $0x0  }
0xa0: {  	[sflag:s22] =	ssyncadd.s32 s3;
	_ =	sdelay $0x1  }
0xa1: {  	s23 =	simm.s32 $0x1B8B  }
0xa2: {  	_ =	swait.ge [sflag:s23], $0x1  }
0xa3: {  	[sflag:s23] =	ssyncset.done $0x0  }
0xa4: {  	s25 =	simm.s32 $0x1B8E;
	s24 =	sld [smem:$0x3FFE];
	[sflag:s23] =	ssyncadd.s32 $0xFFFFFFFF  }
0xa5: {  	s26 =	simm.s32 $execute0_lowered;
	[smem:$0x3FD2] =	sst s25  }
0xa6: {  	s4 =	sshll.u32 s26, $0x1;
	_ =	strace $0x8000004C;
	[dreg:$0x1] =	wrdreg $0xFFFFFFFF  }
0xa7: {  	s28 =	simm.s32 $_size_execute0_lowered;
	s2 =	sadd.s32 s2, s4;
	[dreg:$0x0] =	wrdreg $0x0  }
0xa8: {  	s4 =	sshll.u32 s28, $0x1;
	[dreg:$0x2] =	wrdreg s2  }
0xa9: {  	[dreg:$0x3] =	wrdreg s4  }
0xaa: {  	[dreg:$0x4] =	wrdreg $0xC0  }
0xab: {  	_ =	task [dreg:s6], $0x5FFFF  }
0xac: {  	[dreg:$0x1] =	wrdreg $0xFFFFFFFF  }
0xad: {  	[dreg:$0x0] =	wrdreg $0x60  }
0xae: {  	[dreg:$0x2] =	wrdreg s24  }
0xaf: {  	[dreg:$0x3] =	wrdreg $0xA2000  }
0xb0: {  	[dreg:$0x4] =	wrdreg $0x9  }
0xb1: {  	_ =	task.clear_ibuf [dreg:s6], $0x5FFFF;
	_ =	strace $0x9000004C  }
0xb2: {  	s29 =	simm.s32 $0x9;
	_ =	strace $0x8000004E  }
0xb3: {  	_ =	swait.ge [sflag:s29], $0x1  }
0xb4: {  	[sflag:s29] =	ssyncadd.s32 $0xFFFFFFFF  }
0xb5: {  	_ =	strace $0x9000004E  }
0xb6: {  	_ =	sfence  }
0xb7: {  	s30 =	sld [smem:$0x0];
	_ =	sdelay $0x2  }
0xb8: {  	s31 =	sshll.u32 s1, $0xD;
	s1 =	sshrl.u32 s1, $0x2  }
0xb9: {  	s3 =	sand.u32 $0x4000, s31;
	s1 =	sadd.s32 s1, s30  }
0xba: {  	s0 =	sor.u32 s3, s0;
	s1 =	sshll.u32 s1, $0x11  }
0xbb: {  	s0 =	sor.u32 s1, s0  }
0xbc: {  	s0 =	sadd.s32 $0x8F2B, s0  }
0xbd: {  	[sflag:s0] =	ssyncadd.remote.s32 $0x1  }
0xbe: {  	_ =	sfence.sel $0xFFFF  }
0xbf: {  	[dreg:$0x0] =	wrdreg $0xFFFFFFFF;
	(pc) =	sbr.abs _section_cstart, $3  }
0xc0: {  	[dreg:$0x1] =	wrdreg $0xFFFFFFFF  }
0xc1: {  	_ =	task.clear_ibuf [dreg:s6], $0x2FFFF;
	_ =	strace $0x9FFFFFFF  }
0xc2: {  	(tm) =	ssettm $0x7FFFFFFF  }
0xc3: {  	_ =	shalt  }
tec
execute0_lowered:
.L_overlay_start_1:
0x0: {  	(tag) =	ssettag $0x1  }
0x1: {  	s0 =	rddreg [dreg:$0x0]  }
0x2: {  	s1 =	rddreg [dreg:$0x1];
	s2 =	simm.s32 $0x0;
	s3 =	srdreg.scid  }
0x3: {  	s18 =	stileid.u32;
	s28 =	simm.s32 $0x50;
	s31 =	simm.s32 $0x5200  }
0x4: {  	s30 =	simm.s32 $0x2A00;
	[smem:$0x7FF] =	sst s2;
	s9 =	smul.u32 $0x3E80, s18  }
0x5: {  	s4 =	sadd.s32 $0x3C000, s0;
	s5 =	sadd.s32 $0x195B600, s0;
	s21 =	smul.u32 $0x7D000, s18  }
0x6: {  	s3 =	sand.u32 $0x1, s3;
	s6 =	sadd.s32 $0x24600, s0;
	s14 =	smul.u32 $0xFA, s18  }
0x7: {  	s7 =	sadd.s32 $0x6E00, s0;
	s11 =	sadd.s32 $0x38000, s0;
	s15 =	smul.u32 $0x9C4, s18  }
0x8: {  	s16 =	smul.u32 $0x4E2000, s18;
	p0 =	sgt.u32 s18, $0x9;
	_ =	strace $0x8000004D  }
0x9: {  	s8 =	smul.u32 $0x27100, s3;
	s10 =	sshll.u32 s3, $0x4;
	s22 =	ssub.s32 $0x2, s3  }
0xa: {  	[dreg:$0x4] =	wrdreg s11;
	s10 =	sor.u32 s18, s10;
	s23 =	sshrl.u32 s22, $0x1  }
0xb: {  	s24 =	sshrl.u32 s21, $0x2;
	s26 =	sor.u32 $0x1, s14;
	s12 =	smul.u32 $0xFA, s10  }
0xc: {  	s13 =	sadd.s32 $0xF9, s14;
	s15 =	sadd.s32 s7, s15;
	s10 =	smul.u32 $0x9C4, s10  }
0xd: {  	s8 =	sadd.s32 s9, s8;
	s11 =	sadd.s32 s24, s1;
	s17 =	smul.u32 $0x5000, s26  }
0xe: {  	[dreg:$0x7] =	wrdreg s15;
	s15 =	simm.s32 $0x3;
	s0 =	sadd.s32 s8, s0  }
0xf: {  	s8 =	ssub.s32 s22, s23;
	s25 =	sadd.s32 s6, s10;
	s10 =	smul.u32 $0xA, s26  }
0x10: {  	s29 =	sadd.s32 $0xF9, s12;
	s12 =	sshll.u32 s3, $0xA;
	s3 =	smul.u32 $0xFA0, s3  }
0x11: {  	s0 =	sadd.s32 $0x8A200, s0;
	s26 =	sadd.s32 $0x2, s14;
	s14 =	simm.s32 $0x2  }
0x12: {  	[dreg:$0x5] =	wrdreg s25;
	s9 =	sadd.s32 $0xA, s25;
	s16 =	sor.u32 s12, s16  }
0x13: {  	s20 =	sor.u32 s12, s17;
	[dreg:$0xb] =	wrdreg s0;
	s25 =	smax.u32 s8, $0x1  }
0x14: {  	s0 =	sshll.u32 @!p0 s18, $0x6;
	[dreg:$0xd] =	wrdreg s26;
	s17 =	simm.s32 $0x6  }
0x15: {  	s18 =	simm.s32 $0x8;
	[dreg:$0x6] =	wrdreg s9;
	s19 =	sshrl.u32 s16, $0x3  }
0x16: {  	s21 =	sadd.s32 s7, s10;
	s23 =	sshrl.u32 s20, $0x3;
	[dreg:$0xc] =	wrdreg s25  }
0x17: {  	[dreg:$0x3] =	wrdreg s3;
	s25 =	simm.s32 $0x180;
	s3 =	simm.s32 $0x1  }
0x18: {  	s10 =	simm.s32 $0x7;
	[dreg:$0x8] =	wrdreg s21;
	s22 =	sadd.s32 s5, s19  }
0x19: {  	s16 =	simm.s32 $0x9;
	s24 =	sadd.s32 s5, s23;
	[dreg:$0x9] =	wrdreg s22  }
0x1a: {  	s21 =	sor.u32 @!p0 $0x1C09, s0;
	s23 =	simm.s32 $0x80;
	[dreg:$0xa] =	wrdreg s24  }
0x1b: {  	s19 =	simm.s32 $0x4;
	s22 =	sshrl.u32 @!p0 s11, $0x3;
	[dreg:$0xe] =	wrdreg s21  }
0x1c: {  	s0 =	simm.s32 $0x0;
	s24 =	simm.s32 $0x100;
	[dreg:$0xf] =	wrdreg s22  }
.LBB2_1:
0x1d: {  	[dreg:$0x10] =	wrdreg s0  }
0x1e: {  	s9 =	rddreg [dreg:$0x4];
	s20 =	simm.s32 @!p0 $0x9  }
0x1f: {  	[spmem:s22], [sflag:s21] =	dma.local @!p0 [hbm:s9], $0x3E80  }
0x20: {  	_ =	swait.ge @!p0 [sflag:s20], $0x3E80  }
0x21: {  	[sflag:s20] =	ssyncset.done @!p0 $0x0  }
0x22: {  	s22 =	rddreg [dreg:$0x5];
	[sflag:s20] =	ssyncadd.s32 @!p0 $0xFFFFC180  }
0x23: {  	[tilespmem:s2], [sflag:$0x1] =	stream.linear.gather [hbm4b:s22+s2], $0x50, $0x38;
	[tilespmem:$0x1DA80] =	vst v63  }
0x24: {  	s26 =	rddreg [dreg:$0x6]  }
0x25: {  	[tilespmem:s23], [sflag:$0x2] =	stream.linear.gather [hbm4b:s26+s2], $0x50, $0x38;
	[tilespmem:$0x1DA80] =	vst v63  }
0x26: {  	s0 =	rddreg [dreg:$0x7]  }
0x27: {  	[tilespmem:s24], [sflag:$0x3] =	stream.linear.gather [hbm4b:s0+s2], $0x50, $0x38;
	[tilespmem:$0x1DA80] =	vst v63  }
0x28: {  	s8 =	rddreg [dreg:$0x8]  }
0x29: {  	[tilespmem:s25], [sflag:$0x4] =	stream.linear.gather [hbm4b:s8+s2], $0x50, $0x38;
	[tilespmem:$0x1DA80] =	vst v63  }
0x2a: {  	_ =	swait.ge [sflag:s3], $0x50  }
0x2b: {  	[sflag:s3] =	ssyncset.done $0x0  }
0x2c: {  	s26 =	simm.s32 $0x200;
	[sflag:s3] =	ssyncadd.s32 $0xFFFFFFB0  }
0x2d: {  	[tilespmem:s26], [sflag:$0x5] =	stream.indirect.gather [hbm4b:s4+s28], $0x80, s2, s28, $0xb8;
	[tilespmem:$0x1DA80] =	vst v63  }
0x2e: {  	s0 =	simm.s32 $0x400;
	s8 =	simm.s32 $0x800;
	s11 =	rddreg [dreg:$0x9]  }
0x2f: {  	[tilespmem:s31], [sflag:$0x7] =	stream.strided.gather [hbm4b:s11+s0], $0x2800, s8, s0, $0x38;
	[tilespmem:$0x1DA80] =	vst v63  }
0x30: {  	_ =	swait.ge [sflag:s14], $0x50  }
0x31: {  	[sflag:s14] =	ssyncset.done $0x0  }
0x32: {  	[sflag:s14] =	ssyncadd.s32 $0xFFFFFFB0  }
0x33: {  	[tilespmem:s30], [sflag:$0x6] =	stream.indirect.gather [hbm4b:s4+s28], $0x80, s23, s28, $0xb8;
	[tilespmem:$0x1DA80] =	vst v63  }
0x34: {  	s11 =	simm.s32 $0x7A00;
	s20 =	rddreg [dreg:$0xa]  }
0x35: {  	[tilespmem:s11], [sflag:$0x8] =	stream.strided.gather [hbm4b:s20+s0], $0x2800, s8, s0, $0x38;
	[tilespmem:$0x1DA80] =	vst v63  }
0x36: {  	s21 =	simm.s32 $0x5;
	[bflag:$0x0] =	sbarrier.arrive $0xFFFF  }
0x37: {  	_ =	swait.ge [sflag:s21], $0x2800  }
0x38: {  	[sflag:s21] =	ssyncset.done $0x0  }
0x39: {  	[sflag:s21] =	ssyncadd.s32 $0xFFFFD800  }
0x3a: {  	_ =	swait.ge [sflag:s10], $0x2800  }
0x3b: {  	s22 =	rddreg [dreg:$0x3]  }
0x3c: {  	s9 =	rddreg [dreg:$0xd]  }
0x3d: {  	s20 =	sadd.s32 s9, s22  }
0x3e: {  	s21 =	smov.u32 s29;
	p1 =	slt.s32 s20, s29  }
0x3f: {  	s21 =	smov.u32 @p1 s20  }
0x40: {  	s21 =	smul.u32 $0xA, s21  }
0x41: {  	[sflag:s10] =	ssyncset.done $0x0  }
0x42: {  	[sflag:s10] =	ssyncadd.s32 $0xFFFFD800;
	s21 =	sadd.s32 s6, s21  }
0x43: {  	[tilespmem:s2], [sflag:$0x1] =	stream.linear.gather [hbm4b:s21+s2], $0x50, $0x38;
	[tilespmem:$0x1DA80] =	vst v63  }
0x44: {  	_ =	swait.ge [sflag:s15], $0x50  }
0x45: {  	[sflag:s15] =	ssyncset.done $0x0  }
0x46: {  	[sflag:s15] =	ssyncadd.s32 $0xFFFFFFB0  }
0x47: {  	[spmem:s1] =	stream.indirect.scatter.add.f32 [tilespmem:s26], [sflag:$0x9], $0x80, s24, s28, $0xb8;
	[tilespmem:$0x1DA80] =	vst v63  }
0x48: {  	_ =	swait.ge [sflag:s16], $0x2800  }
0x49: {  	p1 =	slt.s32 s9, s13;
	s21 =	smov.u32 s13;
	[sflag:s16] =	ssyncset.done $0x0  }
0x4a: {  	s21 =	smov.u32 @p1 s9;
	[sflag:s16] =	ssyncadd.s32 $0xFFFFD800  }
0x4b: {  	[spmem:s1] =	stream.indirect.scatter.add.f32 [tilespmem:s31], [sflag:$0x9], $0x80, s24, s28, $0xb8;
	[tilespmem:$0x1DA80] =	vst v63  }
0x4c: {  	s22 =	smul.u32 $0xA, s21;
	_ =	swait.ge [sflag:s16], $0x2800  }
0x4d: {  	[sflag:s16] =	ssyncset.done $0x0  }
0x4e: {  	s21 =	smul.u32 $0x5000, s21;
	s22 =	sadd.s32 s7, s22;
	[sflag:s16] =	ssyncadd.s32 $0xFFFFD800  }
0x4f: {  	[tilespmem:s24], [sflag:$0x3] =	stream.linear.gather [hbm4b:s22+s2], $0x50, $0x38;
	[tilespmem:$0x1DA80] =	vst v63  }
0x50: {  	_ =	swait.ge [sflag:s3], $0x50  }
0x51: {  	s21 =	sor.u32 s12, s21;
	[sflag:s3] =	ssyncset.done $0x0  }
0x52: {  	s21 =	sshrl.u32 s21, $0x3;
	[sflag:s3] =	ssyncadd.s32 $0xFFFFFFB0  }
0x53: {  	[tilespmem:s26], [sflag:$0x5] =	stream.indirect.gather [hbm4b:s4+s28], $0x80, s2, s28, $0xb8;
	[tilespmem:$0x1DA80] =	vst v63  }
0x54: {  	s21 =	sadd.s32 s5, s21  }
0x55: {  	[tilespmem:s31], [sflag:$0x7] =	stream.strided.gather [hbm4b:s21+s0], $0x2800, s8, s0, $0x38;
	[tilespmem:$0x1DA80] =	vst v63  }
0x56: {  	s20 =	sadd.s32 $0x1, s20;
	_ =	swait.ge [sflag:s17], $0x2800  }
0x57: {  	p1 =	slt.s32 s20, s29;
	s21 =	smov.u32 s29;
	[sflag:s17] =	ssyncset.done $0x0  }
0x58: {  	s21 =	smov.u32 @p1 s20;
	[sflag:s17] =	ssyncadd.s32 $0xFFFFD800  }
0x59: {  	s20 =	smul.u32 $0xA, s21;
	_ =	swait.ge [sflag:s18], $0x2800  }
0x5a: {  	[sflag:s18] =	ssyncset.done $0x0  }
0x5b: {  	s20 =	sadd.s32 s6, s20;
	[sflag:s18] =	ssyncadd.s32 $0xFFFFD800  }
0x5c: {  	[tilespmem:s23], [sflag:$0x2] =	stream.linear.gather [hbm4b:s20+s2], $0x50, $0x38;
	[tilespmem:$0x1DA80] =	vst v63  }
0x5d: {  	_ =	swait.ge [sflag:s19], $0x50  }
0x5e: {  	[sflag:s19] =	ssyncset.done $0x0  }
0x5f: {  	[sflag:s19] =	ssyncadd.s32 $0xFFFFFFB0  }
0x60: {  	[spmem:s1] =	stream.indirect.scatter.add.f32 [tilespmem:s30], [sflag:$0x9], $0x80, s25, s28, $0xb8;
	[tilespmem:$0x1DA80] =	vst v63  }
0x61: {  	s20 =	sadd.s32 $0x1, s9;
	_ =	swait.ge [sflag:s16], $0x2800  }
0x62: {  	s21 =	smov.u32 s13;
	p1 =	slt.s32 s20, s13;
	[sflag:s16] =	ssyncset.done $0x0  }
0x63: {  	s21 =	smov.u32 @p1 s20;
	[sflag:s16] =	ssyncadd.s32 $0xFFFFD800  }
0x64: {  	[spmem:s1] =	stream.indirect.scatter.add.f32 [tilespmem:s11], [sflag:$0x9], $0x80, s25, s28, $0xb8;
	[tilespmem:$0x1DA80] =	vst v63  }
0x65: {  	s20 =	smul.u32 $0xA, s21;
	_ =	swait.ge [sflag:s16], $0x2800  }
0x66: {  	[sflag:s16] =	ssyncset.done $0x0  }
0x67: {  	s31 =	smul.u32 $0x5000, s21;
	s20 =	sadd.s32 s7, s20;
	[sflag:s16] =	ssyncadd.s32 $0xFFFFD800  }
0x68: {  	[tilespmem:s25], [sflag:$0x4] =	stream.linear.gather [hbm4b:s20+s2], $0x50, $0x38;
	[tilespmem:$0x1DA80] =	vst v63  }
0x69: {  	s22 =	simm.s32 $0x7C;
	s3 =	simm.s32 $0x1;
	s20 =	sor.u32 s12, s31  }
0x6a: {  	s26 =	simm.s32 $0x180;
	_ =	swait.ge [sflag:s14], $0x50;
	s20 =	sshrl.u32 s20, $0x3  }
0x6b: {  	s25 =	simm.s32 $0x100;
	[sflag:s14] =	ssyncset.done $0x0;
	s21 =	sadd.s32 s5, s20  }
0x6c: {  	s20 =	smov.u32 s9;
	[sflag:s14] =	ssyncadd.s32 $0xFFFFFFB0;
	s14 =	simm.s32 $0x2  }
0x6d: {  	[tilespmem:s30], [sflag:$0x6] =	stream.indirect.gather [hbm4b:s4+s28], $0x80, s23, s28, $0xb8;
	[tilespmem:$0x1DA80] =	vst v63  }
.LBB2_2:
0x6e: {  	s31 =	simm.s32 $0x400  }
0x6f: {  	s8 =	simm.s32 $0x800;
	s24 =	simm.s32 $0x7A00;
	s0 =	simm.s32 $0x5  }
0x70: {  	[tilespmem:s24], [sflag:$0x8] =	stream.strided.gather [hbm4b:s21+s31], $0x2800, s8, s31, $0x38;
	[tilespmem:$0x1DA80] =	vst v63  }
0x71: {  	_ =	swait.ge [sflag:s0], $0x2800  }
0x72: {  	[sflag:s0] =	ssyncset.done $0x0  }
0x73: {  	[sflag:s0] =	ssyncadd.s32 $0xFFFFD800  }
0x74: {  	_ =	swait.ge [sflag:s10], $0x2800  }
0x75: {  	s20 =	sadd.s32 $0x2, s20;
	s9 =	rddreg [dreg:$0x3]  }
0x76: {  	s21 =	sadd.s32 s20, s9  }
0x77: {  	s9 =	smov.u32 s29;
	p2 =	slt.s32 s21, s29  }
0x78: {  	s9 =	smov.u32 @p2 s21  }
0x79: {  	s9 =	smul.u32 $0xA, s9  }
0x7a: {  	[sflag:s10] =	ssyncset.done $0x0  }
0x7b: {  	[sflag:s10] =	ssyncadd.s32 $0xFFFFD800;
	s9 =	sadd.s32 s6, s9  }
0x7c: {  	[tilespmem:s2], [sflag:$0x1] =	stream.linear.gather [hbm4b:s9+s2], $0x50, $0x38;
	[tilespmem:$0x1DA80] =	vst v63  }
0x7d: {  	_ =	swait.ge [sflag:s15], $0x50  }
0x7e: {  	s0 =	simm.s32 $0x200;
	s23 =	sadd.s32 $0x1, s21;
	[sflag:s15] =	ssyncset.done $0x0  }
0x7f: {  	p2 =	slt.s32 s23, s29;
	s21 =	smov.u32 s29;
	[sflag:s15] =	ssyncadd.s32 $0xFFFFFFB0  }
0x80: {  	[spmem:s1] =	stream.indirect.scatter.add.f32 [tilespmem:s0], [sflag:$0x9], $0x80, s25, s28, $0xb8;
	[tilespmem:$0x1DA80] =	vst v63  }
0x81: {  	s21 =	smov.u32 @p2 s23;
	_ =	swait.ge [sflag:s16], $0x2800  }
0x82: {  	p2 =	slt.s32 s20, s13;
	s9 =	smov.u32 s13;
	[sflag:s16] =	ssyncset.done $0x0  }
0x83: {  	s30 =	simm.s32 $0x5200;
	s9 =	smov.u32 @p2 s20;
	[sflag:s16] =	ssyncadd.s32 $0xFFFFD800  }
0x84: {  	[spmem:s1] =	stream.indirect.scatter.add.f32 [tilespmem:s30], [sflag:$0x9], $0x80, s25, s28, $0xb8;
	[tilespmem:$0x1DA80] =	vst v63  }
0x85: {  	s11 =	smul.u32 $0xA, s9;
	_ =	swait.ge [sflag:s16], $0x2800  }
0x86: {  	[sflag:s16] =	ssyncset.done $0x0  }
0x87: {  	s9 =	smul.u32 $0x5000, s9;
	s23 =	sadd.s32 s7, s11;
	[sflag:s16] =	ssyncadd.s32 $0xFFFFD800  }
0x88: {  	[tilespmem:s25], [sflag:$0x3] =	stream.linear.gather [hbm4b:s23+s2], $0x50, $0x38;
	[tilespmem:$0x1DA80] =	vst v63  }
0x89: {  	_ =	swait.ge [sflag:s3], $0x50  }
0x8a: {  	s9 =	sor.u32 s12, s9;
	[sflag:s3] =	ssyncset.done $0x0  }
0x8b: {  	s9 =	sshrl.u32 s9, $0x3;
	[sflag:s3] =	ssyncadd.s32 $0xFFFFFFB0  }
0x8c: {  	[tilespmem:s0], [sflag:$0x5] =	stream.indirect.gather [hbm4b:s4+s28], $0x80, s2, s28, $0xb8;
	[tilespmem:$0x1DA80] =	vst v63  }
0x8d: {  	s9 =	sadd.s32 s5, s9  }
0x8e: {  	[tilespmem:s30], [sflag:$0x7] =	stream.strided.gather [hbm4b:s9+s31], $0x2800, s8, s31, $0x38;
	[tilespmem:$0x1DA80] =	vst v63  }
0x8f: {  	_ =	swait.ge [sflag:s17], $0x2800  }
0x90: {  	[sflag:s17] =	ssyncset.done $0x0  }
0x91: {  	[sflag:s17] =	ssyncadd.s32 $0xFFFFD800  }
0x92: {  	s21 =	smul.u32 $0xA, s21;
	_ =	swait.ge [sflag:s18], $0x2800  }
0x93: {  	[sflag:s18] =	ssyncset.done $0x0  }
0x94: {  	s21 =	sadd.s32 s6, s21;
	s23 =	simm.s32 $0x80;
	[sflag:s18] =	ssyncadd.s32 $0xFFFFD800  }
0x95: {  	[tilespmem:s23], [sflag:$0x2] =	stream.linear.gather [hbm4b:s21+s2], $0x50, $0x38;
	[tilespmem:$0x1DA80] =	vst v63  }
0x96: {  	_ =	swait.ge [sflag:s19], $0x50  }
0x97: {  	[sflag:s19] =	ssyncset.done $0x0  }
0x98: {  	s30 =	simm.s32 $0x2A00;
	[sflag:s19] =	ssyncadd.s32 $0xFFFFFFB0  }
0x99: {  	[spmem:s1] =	stream.indirect.scatter.add.f32 [tilespmem:s30], [sflag:$0x9], $0x80, s26, s28, $0xb8;
	[tilespmem:$0x1DA80] =	vst v63  }
0x9a: {  	s9 =	sadd.s32 $0x1, s20;
	_ =	swait.ge [sflag:s16], $0x2800  }
0x9b: {  	p2 =	slt.s32 s9, s13;
	s21 =	smov.u32 s13;
	[sflag:s16] =	ssyncset.done $0x0  }
0x9c: {  	s21 =	smov.u32 @p2 s9;
	[sflag:s16] =	ssyncadd.s32 $0xFFFFD800  }
0x9d: {  	[spmem:s1] =	stream.indirect.scatter.add.f32 [tilespmem:s24], [sflag:$0x9], $0x80, s26, s28, $0xb8;
	[tilespmem:$0x1DA80] =	vst v63  }
0x9e: {  	s9 =	smul.u32 $0xA, s21;
	_ =	swait.ge [sflag:s16], $0x2800  }
0x9f: {  	p1 =	sne.s32 s22, $0x1;
	[sflag:s16] =	ssyncset.done $0x0  }
0xa0: {  	s21 =	smul.u32 $0x5000, s21;
	s9 =	sadd.s32 s7, s9;
	[sflag:s16] =	ssyncadd.s32 $0xFFFFD800  }
0xa1: {  	[tilespmem:s26], [sflag:$0x4] =	stream.linear.gather [hbm4b:s9+s2], $0x50, $0x38;
	[tilespmem:$0x1DA80] =	vst v63  }
.Ltmp0:
0xa2: {  	s22 =	sadd.s32 $0xFFFFFFFF, s22;
	s11 =	simm.s32 $0x800;
	(pc) =	sbr.rel @p1 .LBB2_2-.Ltmp0, $4  }
0xa3: {  	s0 =	simm.s32 $0x400;
	s24 =	sor.u32 s12, s21;
	_ =	swait.ge [sflag:s14], $0x50  }
0xa4: {  	s31 =	simm.s32 $0x5200;
	s9 =	sshrl.u32 s24, $0x3;
	[sflag:s14] =	ssyncset.done $0x0  }
0xa5: {  	s8 =	simm.s32 $0x7A00;
	s21 =	sadd.s32 s5, s9;
	[sflag:s14] =	ssyncadd.s32 $0xFFFFFFB0  }
0xa6: {  	[tilespmem:s30], [sflag:$0x6] =	stream.indirect.gather [hbm4b:s4+s28], $0x80, s23, s28, $0xb8;
	[tilespmem:$0x1DA80] =	vst v63  }
0xa7: {  	[tilespmem:s8], [sflag:$0x8] =	stream.strided.gather [hbm4b:s21+s0], $0x2800, s11, s0, $0x38;
	[tilespmem:$0x1DA80] =	vst v63  }
0xa8: {  	s25 =	simm.s32 $0x5  }
0xa9: {  	_ =	swait.ge [sflag:s25], $0x2800  }
0xaa: {  	[sflag:s25] =	ssyncset.done $0x0  }
0xab: {  	[sflag:s25] =	ssyncadd.s32 $0xFFFFD800  }
0xac: {  	_ =	swait.ge [sflag:s10], $0x2800  }
0xad: {  	[sflag:s10] =	ssyncset.done $0x0  }
0xae: {  	[sflag:s10] =	ssyncadd.s32 $0xFFFFD800  }
0xaf: {  	_ =	swait.ge [sflag:s17], $0x2800  }
0xb0: {  	[sflag:s17] =	ssyncset.done $0x0  }
0xb1: {  	[sflag:s17] =	ssyncadd.s32 $0xFFFFD800  }
0xb2: {  	_ =	swait.ge [sflag:s18], $0x2800  }
0xb3: {  	[sflag:s18] =	ssyncset.done $0x0  }
0xb4: {  	[sflag:s18] =	ssyncadd.s32 $0xFFFFD800  }
0xb5: {  	_ =	swait.ge [sflag:s15], $0x50  }
0xb6: {  	[sflag:s15] =	ssyncset.done $0x0  }
0xb7: {  	[sflag:s15] =	ssyncadd.s32 $0xFFFFFFB0  }
0xb8: {  	_ =	swait.ge [sflag:s19], $0x50  }
0xb9: {  	[sflag:s19] =	ssyncset.done $0x0  }
0xba: {  	[sflag:s19] =	ssyncadd.s32 $0xFFFFFFB0  }
0xbb: {  	[bflag:$0x0] =	sbarrier.arrive $0xFFFF  }
0xbc: {  	s9 =	rddreg [dreg:$0xb]  }
0xbd: {  	s21 =	rddreg [dreg:$0xe]  }
0xbe: {  	s22 =	rddreg [dreg:$0xf]  }
0xbf: {  	[hbm:s9], [sflag:s21] =	dma.local @!p0 [spmem:s22], $0x3E80  }
0xc0: {  	s9 =	simm.s32 @!p0 $0x9  }
0xc1: {  	_ =	swait.ge @!p0 [sflag:s9], $0x3E80  }
0xc2: {  	s26 =	rddreg [dreg:$0x10]  }
0xc3: {  	s20 =	rddreg [dreg:$0xc];
	s0 =	sadd.s32 $0x1, s26  }
0xc4: {  	p1 =	sne.s32 s0, s20  }
.Ltmp1:
0xc5: {  	_ = 	snop;
	(pc) =	sbr.rel @p1 .LBB2_1-.Ltmp1, $3  }
0xc6: {  	_ =	sdelay $0x1  }
0xc7: {  	s24 =	simm.s32 $0x100;
	s3 =	simm.s32 $0x1;
	[sflag:s9] =	ssyncset.done @!p0 $0x0  }
0xc8: {  	s14 =	simm.s32 $0x2;
	s25 =	simm.s32 $0x180;
	[sflag:s9] =	ssyncadd.s32 @!p0 $0xFFFFC180  }
0xc9: {  	_ =	sfence.sel $0x180000  }
0xca: {  	[bflag:$0x0] =	sbarrier.arrive $0xFFFF  }
0xcb: {  	_ =	strace $0x9000004D  }
0xcc: {  	s0 =	stileid.u32;
	[bflag:$0x2] =	sbarrier.arrive $0xFFFF  }
0xcd: {  	p0 =	sne.s32 s0, $0x0;
	s0 =	rddreg [dreg:$0x2]  }
0xce: {  	s0 =	sadd.s32 @!p0 $0x100000, s0  }
0xcf: {  	[sflag:s0] =	ssyncadd.tile.s32 @!p0 $0x1;
	_ =	shalt  }
.Lfunc_end2:
_tile_overlayer_lowered:
.L_overlay_start_2:
0xd0: {  	(tag) =	ssettag $0x2  }
0xd1: {  	s0 =	rddreg [dreg:$0x0];
	s2 =	stileid.u32  }
0xd2: {  	s1 =	rddreg [dreg:$0x1];
	p0 =	sne.s32 s2, $0x0  }
0xd3: {  	s3 =	rddreg [dreg:$0x2];
	[bflag:$0x3] =	sbarrier.arrive $0xFFFF;
	s2 =	simm.s32 @!p0 $0x1C09  }
0xd4: {  	[timem:s3], [sflag:s2] =	dma.local @!p0 [hbm:s0], s1  }
0xd5: {  	s0 =	simm.s32 @!p0 $0x9  }
0xd6: {  	_ =	swait.ge @!p0 [sflag:s0], s1  }
0xd7: {  	s1 =	ssub.s32 @!p0 $0x0, s1;
	[sflag:s0] =	ssyncset.done @!p0 $0x0  }
0xd8: {  	[sflag:s0] =	ssyncadd.s32 @!p0 s1  }
0xd9: {  	[bflag:$0x3] =	sbarrier.arrive $0xFFFF  }
0xda: {  	_ =	shalt  }

// kernel: kernel.23.cloned.1.call-start
scs
__scs_entry_jumppad:
0x0: {  	(pc) =	sbr.rel $0x88, $3  }
0x1: {  	(tag) =	ssettag $0x0;
	lr =	simm.s32 $0x1  }
0x2: {  	[smem:$0x3F8B] =	sst lr;
	_ =	strace $0xD0000000  }
0x3: {  	_ = 	snop  }
0x4: {  	_ = 	snop  }
0x5: {  	_ = 	snop  }
0x6: {  	_ = 	snop  }
0x7: {  	_ = 	snop  }
__scs_overlays_trampoline_lowered:
0x8: {  	[smem:$0x3F9A] =	sst s0  }
0x9: {  	[smem:$0x3F9B] =	sst s1  }
0xa: {  	[smem:$0x3F9C] =	sst s2  }
0xb: {  	[smem:$0x3F9D] =	sst s3  }
0xc: {  	[smem:$0x3F9E] =	sst s4  }
0xd: {  	[smem:$0x3F9F] =	sst s5  }
0xe: {  	[smem:$0x3FA0] =	sst s6  }
0xf: {  	[smem:$0x3FA1] =	sst s7  }
0x10: {  	[smem:$0x3FA2] =	sst s8  }
0x11: {  	[smem:$0x3FA3] =	sst s9;
	s0 =	simm.s32 @!p0 $0x0  }
0x12: {  	s1 =	sld [smem:$0x3F89];
	s0 =	simm.s32 @p0 $0x1  }
0x13: {  	[smem:$0x3FA4] =	sst s0;
	s0 =	simm.s32 @!p1 $0x0  }
0x14: {  	s2 =	sld [smem:$0x3F88];
	s0 =	simm.s32 @p1 $0x1  }
0x15: {  	[smem:$0x3FA5] =	sst s0;
	s0 =	simm.s32 @!p2 $0x0  }
0x16: {  	s3 =	sld [smem:$0x3FDB];
	s0 =	simm.s32 @p2 $0x1  }
0x17: {  	s4 =	simm.s32 $0x1BF5;
	[smem:$0x3FA7] =	sst s0  }
0x18: {  	s0 =	sld [smem:$0x3F8A];
	_ =	swait.ge [sflag:s4], $0x0  }
0x19: {  	s7 =	sld [smem:$0x3F8B]  }
0x1a: {  	s8 =	sadd.s32 $0xFFFFE003, lr  }
0x1b: {  	s9 =	sadd.s32 $0xFFFFFEF7, lr;
	s5 =	simm.s32 $0xFFFFFFFF;
	p2 =	slt.u32 s8, $0xFFFFF086  }
0x1c: {  	p1 =	slt.u32 s9, $0xF7A;
	s5 =	simm.s32 @!p2 $0x0  }
0x1d: {  	s5 =	simm.s32 @p1 $0x1;
	p0 =	seq.s32 s7, s2  }
0x1e: {  	s7 =	smul.u32 @!p0 $0xF7A, s2;
	p2 =	seq.s32 @!p0 s5, $0x0  }
0x1f: {  	s9 =	smul.u32 $0xF7A, s1;
	s8 =	simm.s32 @!p0 $0x1BF5;
	p2 =	por !p2, p0  }
0x20: {  	[sflag:s8] =	ssyncset.s32 @!p0 $0xFFFFF086;
	s6 =	sadd.s32 @!p0 s3, s7;
	s7 =	simm.s32 @!p0 $0x108  }
0x21: {  	s3 =	sadd.s32 s3, s9;
	s6 =	sadd.s32 @!p0 $0x88, s6;
	s7 =	simm.s32 @p2 $0x1082  }
0x22: {  	[simem:s7], [sflag:s8] =	dma.local @!p0 [hbm:s6], $0xF7A  }
0x23: {  	s9 =	sor.u32 $0xD0000000, s2;
	s6 =	simm.s32 $0x108;
	_ =	swait.ge @!p0 [sflag:s8], $0x0  }
0x24: {  	s3 =	sadd.s32 $0x88, s3;
	s6 =	simm.s32 @!p1 $0x1082;
	[sflag:s4] =	ssyncset.s32 $0xFFFFF086  }
0x25: {  	[simem:s6], [sflag:s4] =	dma.local [hbm:s3], $0xF7A  }
0x26: {  	[smem:$0x3F8B] =	sst s1;
	(tag) =	ssettag s2;
	_ =	strace s9  }
0x27: {  	s1 =	sld [smem:$0x3F9B]  }
0x28: {  	s2 =	sld [smem:$0x3F9C]  }
0x29: {  	s4 =	sld [smem:$0x3F9E]  }
0x2a: {  	p0 =	seq.s32 s5, $0x0;
	s5 =	sld [smem:$0x3F9F]  }
0x2b: {  	s6 =	sld [smem:$0x3FA0]  }
0x2c: {  	s7 =	sld [smem:$0x3FA1]  }
0x2d: {  	s3 =	simm.s32 $0x108;
	s8 =	sld [smem:$0x3FA2]  }
0x2e: {  	s3 =	simm.s32 @!p0 $0x1082;
	s9 =	sld [smem:$0x3FA3]  }
0x2f: {  	lr =	sadd.s32 s0, s3;
	s0 =	sld [smem:$0x3F9A]  }
0x30: {  	s3 =	sld [smem:$0x3F9D]  }
0x31: {  	[smem:$0x3FA6] =	sst s10  }
0x32: {  	s10 =	sld [smem:$0x3FA4];
	_ =	sdelay $0x3  }
0x33: {  	p0 =	seq.s32 s10, $0x1;
	s10 =	sld [smem:$0x3FA6];
	_ =	sdelay $0x3  }
0x34: {  	[smem:$0x3FA6] =	sst s10  }
0x35: {  	s10 =	sld [smem:$0x3FA5];
	_ =	sdelay $0x3  }
0x36: {  	p1 =	seq.s32 s10, $0x1;
	s10 =	sld [smem:$0x3FA6];
	_ =	sdelay $0x3  }
0x37: {  	[smem:$0x3FA6] =	sst s10  }
0x38: {  	s10 =	sld [smem:$0x3FA7]  }
0x39: {  	_ = 	snop;
	(pc) =	sbr.ind lr, $3  }
0x3a: {  	_ = 	snop  }
0x3b: {  	_ = 	snop  }
0x3c: {  	p2 =	seq.s32 s10, $0x1;
	s10 =	sld [smem:$0x3FA6]  }
0x3d: {  	_ =	shalt  }
0x3e: {  	_ =	shalt  }
0x3f: {  	_ =	shalt  }
0x40: {  	_ =	shalt  }
0x41: {  	_ =	shalt  }
0x42: {  	_ =	shalt  }
0x43: {  	_ =	shalt  }
0x44: {  	_ =	shalt  }
0x45: {  	_ =	shalt  }
0x46: {  	_ =	shalt  }
0x47: {  	_ =	shalt  }
0x48: {  	_ =	shalt  }
0x49: {  	_ =	shalt  }
0x4a: {  	_ =	shalt  }
0x4b: {  	_ =	shalt  }
0x4c: {  	_ =	shalt  }
0x4d: {  	_ =	shalt  }
0x4e: {  	_ =	shalt  }
0x4f: {  	_ =	shalt  }
0x50: {  	_ =	shalt  }
0x51: {  	_ =	shalt  }
0x52: {  	_ =	shalt  }
0x53: {  	_ =	shalt  }
0x54: {  	_ =	shalt  }
0x55: {  	_ =	shalt  }
0x56: {  	_ =	shalt  }
0x57: {  	_ =	shalt  }
0x58: {  	_ =	shalt  }
0x59: {  	_ =	shalt  }
0x5a: {  	_ =	shalt  }
0x5b: {  	_ =	shalt  }
0x5c: {  	_ =	shalt  }
0x5d: {  	_ =	shalt  }
0x5e: {  	_ =	shalt  }
0x5f: {  	_ =	shalt  }
0x60: {  	_ =	shalt  }
0x61: {  	_ =	shalt  }
0x62: {  	_ =	shalt  }
0x63: {  	_ =	shalt  }
0x64: {  	_ =	shalt  }
0x65: {  	_ =	shalt  }
0x66: {  	_ =	shalt  }
0x67: {  	_ =	shalt  }
0x68: {  	_ =	shalt  }
0x69: {  	_ =	shalt  }
0x6a: {  	_ =	shalt  }
0x6b: {  	_ =	shalt  }
0x6c: {  	_ =	shalt  }
0x6d: {  	_ =	shalt  }
0x6e: {  	_ =	shalt  }
0x6f: {  	_ =	shalt  }
0x70: {  	_ =	shalt  }
0x71: {  	_ =	shalt  }
0x72: {  	_ =	shalt  }
0x73: {  	_ =	shalt  }
0x74: {  	_ =	shalt  }
0x75: {  	_ =	shalt  }
0x76: {  	_ =	shalt  }
0x77: {  	_ =	shalt  }
0x78: {  	_ =	shalt  }
0x79: {  	_ =	shalt  }
0x7a: {  	_ =	shalt  }
0x7b: {  	_ =	shalt  }
0x7c: {  	_ =	shalt  }
0x7d: {  	_ =	shalt  }
0x7e: {  	_ =	shalt  }
0x7f: {  	_ =	shalt  }
0x80: {  	_ =	shalt  }
0x81: {  	_ =	shalt  }
0x82: {  	_ =	shalt  }
0x83: {  	_ =	shalt  }
0x84: {  	_ =	shalt  }
0x85: {  	_ =	shalt  }
0x86: {  	_ =	shalt  }
0x87: {  	_ =	shalt  }
.Lfunc_end0:
.L_simem_size_0:
called_computation.3_lowered:
.L_overlay_start_0:
0x88: {  	s2 =	sld [smem:$0x3FD9]  }
0x89: {  	s3 =	sld [smem:$0x3FFE];
	_ =	sdelay $0x1  }
0x8a: {  	s1 =	srdreg.scid  }
0x8b: {  	s0 =	sand.u32 $0x1, s1  }
0x8c: {  	s17 =	sshll.u32 s0, $0xA;
	s2 =	sadd.s32 s3, s2  }
0x8d: {  	s2 =	sadd.s32 s2, s17  }
0x8e: {  	[smem:$0x3FB2] =	sst s2  }
0x8f: {  	_ = 	snop  }
0x90: {  	s2 =	sld [smem:$0x3FD0];
	(tm) =	ssettm $0x1  }
0x91: {  	s18 =	sld [smem:$0x3FFB];
	_ =	sdelay $0x3  }
0x92: {  	_ =	strace s18  }
0x93: {  	s3 =	sld [smem:$0x3FFC];
	_ =	sdelay $0x3  }
0x94: {  	_ =	strace s3  }
0x95: {  	s3 =	sld [smem:$0x3FFD];
	_ =	sdelay $0x3  }
0x96: {  	_ =	strace s3  }
0x97: {  	_ =	strace $0x8FFFFFFF  }
0x98: {  	s19 =	sld [smem:$0x3FDB];
	_ =	sdelay $0x1  }
0x99: {  	s4 =	simm.s32 $_scs_section_size  }
0x9a: {  	s5 =	simm.s32 $_size__tile_overlayer_lowered;
	s6 =	simm.s32 $_tile_overlayer_lowered  }
0x9b: {  	s22 =	simm.s32 $0x1BFF;
	s21 =	sshll.u32 s6, $0x1;
	s3 =	sadd.s32 s4, s19  }
0x9c: {  	s7 =	simm.s32 $0x0;
	s20 =	sshll.u32 s5, $0x1;
	s5 =	sadd.s32 s21, s3  }
0x9d: {  	[timem:s7], [sflag:s22] =	dma.local [hbm:s5], s20  }
0x9e: {  	_ =	swait.ge [sflag:s22], s20  }
0x9f: {  	s4 =	ssub.s32 $0x0, s20;
	[sflag:s22] =	ssyncset.done $0x0  }
0xa0: {  	[sflag:s22] =	ssyncadd.s32 s4;
	_ =	sdelay $0x1  }
0xa1: {  	s23 =	simm.s32 $0x1B8B  }
0xa2: {  	_ =	swait.ge [sflag:s23], $0x1  }
0xa3: {  	[sflag:s23] =	ssyncset.done $0x0  }
0xa4: {  	s25 =	simm.s32 $0x1B8E;
	s24 =	sld [smem:$0x3FFE];
	[sflag:s23] =	ssyncadd.s32 $0xFFFFFFFF  }
0xa5: {  	s26 =	simm.s32 $execute0_lowered;
	[smem:$0x3FD2] =	sst s25  }
0xa6: {  	s5 =	sshll.u32 s26, $0x1;
	_ =	strace $0x8000004F;
	[dreg:$0x1] =	wrdreg $0xFFFFFFFF  }
0xa7: {  	s28 =	simm.s32 $_size_execute0_lowered;
	s3 =	sadd.s32 s3, s5;
	[dreg:$0x0] =	wrdreg $0x0  }
0xa8: {  	s5 =	sshll.u32 s28, $0x1;
	[dreg:$0x2] =	wrdreg s3  }
0xa9: {  	[dreg:$0x3] =	wrdreg s5  }
0xaa: {  	[dreg:$0x4] =	wrdreg $0xC0  }
0xab: {  	_ =	task [dreg:s7], $0x5FFFF  }
0xac: {  	[dreg:$0x1] =	wrdreg $0xFFFFFFFF  }
0xad: {  	[dreg:$0x0] =	wrdreg $0x60  }
0xae: {  	[dreg:$0x2] =	wrdreg s24  }
0xaf: {  	[dreg:$0x3] =	wrdreg s2  }
0xb0: {  	[dreg:$0x4] =	wrdreg $0xA3000  }
0xb1: {  	[dreg:$0x5] =	wrdreg $0x9  }
0xb2: {  	_ =	task.clear_ibuf [dreg:s7], $0x6FFFF;
	_ =	strace $0x9000004F  }
0xb3: {  	s29 =	simm.s32 $0x9;
	_ =	strace $0x80000051  }
0xb4: {  	_ =	swait.ge [sflag:s29], $0x1  }
0xb5: {  	[sflag:s29] =	ssyncadd.s32 $0xFFFFFFFF  }
0xb6: {  	_ =	strace $0x90000051  }
0xb7: {  	_ =	sfence  }
0xb8: {  	s30 =	sld [smem:$0x0];
	_ =	sdelay $0x2  }
0xb9: {  	s31 =	sshll.u32 s1, $0xD;
	s1 =	sshrl.u32 s1, $0x2  }
0xba: {  	s3 =	sand.u32 $0x4000, s31;
	s1 =	sadd.s32 s1, s30  }
0xbb: {  	s0 =	sor.u32 s3, s0;
	s1 =	sshll.u32 s1, $0x11  }
0xbc: {  	s0 =	sor.u32 s1, s0  }
0xbd: {  	s0 =	sadd.s32 $0x8F2B, s0  }
0xbe: {  	[sflag:s0] =	ssyncadd.remote.s32 $0x1  }
0xbf: {  	_ =	sfence.sel $0xFFFF  }
0xc0: {  	[dreg:$0x0] =	wrdreg $0xFFFFFFFF;
	(pc) =	sbr.abs _section_cstart, $3  }
0xc1: {  	[dreg:$0x1] =	wrdreg $0xFFFFFFFF  }
0xc2: {  	_ =	task.clear_ibuf [dreg:s7], $0x2FFFF;
	_ =	strace $0x9FFFFFFF  }
0xc3: {  	(tm) =	ssettm $0x7FFFFFFF  }
tec
execute0_lowered:
.L_overlay_start_1:
0x0: {  	(tag) =	ssettag $0x1  }
0x1: {  	s0 =	rddreg [dreg:$0x0]  }
0x2: {  	s1 =	rddreg [dreg:$0x1]  }
0x3: {  	s28 =	rddreg [dreg:$0x2];
	s16 =	stileid.u32  }
0x4: {  	s2 =	srdreg.scid;
	s3 =	simm.s32 $0x0;
	s11 =	smul.u32 $0xA0, s16  }
0x5: {  	s29 =	simm.s32 $0x200;
	s2 =	sand.u32 $0x1, s2;
	s24 =	smul.u32 $0x14000, s16  }
0x6: {  	[smem:$0x7FF] =	sst s3;
	s5 =	sadd.s32 $0x126600, s0;
	s18 =	smul.u32 $0x4E200, s16  }
0x7: {  	s6 =	sadd.s32 $0x24600, s0;
	s4 =	sshll.u32 s2, $0x4;
	s17 =	smul.u32 $0x4E2000, s2  }
0x8: {  	s10 =	ssub.s32 $0x2, s2;
	s2 =	smul.u32 $0xFA0, s2;
	s8 =	sor.u32 s16, s4  }
0x9: {  	s7 =	sadd.s32 $0x10C00, s0;
	_ =	strace $0x80000050;
	s9 =	smul.u32 $0xFA, s8  }
0xa: {  	s4 =	sadd.s32 $0x3C000, s0;
	s0 =	sadd.s32 $0x174800, s0;
	s13 =	smul.u32 $0x9C4, s8  }
0xb: {  	s12 =	sshrl.u32 s10, $0x1;
	s11 =	sshrl.u32 s11, $0x3;
	s21 =	smul.u32 $0x4E20, s8  }
0xc: {  	s12 =	ssub.s32 s10, s12;
	s11 =	sadd.s32 s1, s11;
	s8 =	smul.u32 $0x4E200, s8  }
0xd: {  	[dreg:$0x5] =	wrdreg s11;
	s11 =	sadd.s32 $0xA, s11;
	s14 =	sor.u32 $0x1, s9  }
0xe: {  	[dreg:$0x6] =	wrdreg s11;
	s31 =	sadd.s32 $0xF9, s9;
	s22 =	sadd.s32 s6, s13  }
0xf: {  	s23 =	sadd.s32 s7, s13;
	s9 =	sshrl.u32 s21, $0x3;
	s11 =	sshrl.u32 s24, $0x2  }
0x10: {  	s8 =	sadd.s32 s0, s8;
	s21 =	smul.u32 $0xFA, s16;
	[dreg:$0x7] =	wrdreg s22  }
0x11: {  	s20 =	smul.u32 $0xA, s14;
	[dreg:$0x8] =	wrdreg s23;
	s26 =	sadd.s32 $0x14, s9  }
0x12: {  	s10 =	smul.u32 $0x500, s14;
	s11 =	sadd.s32 s11, s28;
	[dreg:$0xd] =	wrdreg s8  }
0x13: {  	s19 =	sadd.s32 $0x1E, s9;
	s8 =	simm.s32 $0x280;
	s9 =	simm.s32 $0x50  }
0x14: {  	s14 =	simm.s32 $0x4;
	s15 =	sadd.s32 s6, s26;
	s22 =	sadd.s32 s6, s19  }
0x15: {  	s23 =	sadd.s32 s7, s19;
	s24 =	sadd.s32 s21, s2;
	[dreg:$0x14] =	wrdreg s11  }
0x16: {  	s30 =	sadd.s32 $0x2800, s11;
	s2 =	simm.s32 $0x3;
	[dreg:$0xb] =	wrdreg s15  }
0x17: {  	s19 =	simm.s32 $0x6;
	s21 =	simm.s32 $0x9;
	[dreg:$0xf] =	wrdreg s22  }
0x18: {  	s25 =	sadd.s32 s6, s20;
	s1 =	sadd.s32 s7, s20;
	[dreg:$0x10] =	wrdreg s23  }
0x19: {  	s20 =	sadd.s32 s0, s10;
	s0 =	sadd.s32 s17, s0;
	[dreg:$0x9] =	wrdreg s25  }
0x1a: {  	s15 =	simm.s32 $0x80;
	s17 =	simm.s32 $0x300;
	[dreg:$0xa] =	wrdreg s1  }
0x1b: {  	s22 =	simm.s32 $0x5300;
	s1 =	sadd.s32 s7, s26;
	[dreg:$0xe] =	wrdreg s20  }
0x1c: {  	s10 =	simm.s32 $0x2;
	s25 =	smax.u32 s12, $0x1;
	[dreg:$0xc] =	wrdreg s1  }
0x1d: {  	s23 =	simm.s32 $0xA;
	s0 =	sadd.s32 s18, s0;
	[dreg:$0x11] =	wrdreg s25  }
0x1e: {  	s26 =	sadd.s32 $0x5, s24;
	s12 =	simm.s32 $0x100;
	[dreg:$0x4] =	wrdreg s0  }
0x1f: {  	s24 =	simm.s32 $0x2B00;
	s20 =	simm.s32 $0x8;
	[dreg:$0x12] =	wrdreg s26  }
0x20: {  	s26 =	simm.s32 $0xB;
	s0 =	simm.s32 $0x1;
	s25 =	simm.s32 $0x0  }
.LBB2_1:
0x21: {  	[dreg:$0x13] =	wrdreg s25  }
0x22: {  	s1 =	rddreg [dreg:$0x5]  }
0x23: {  	[tilespmem:s29], [sflag:$0xB] =	stream.linear.gather [hbm4b:s1+s3], $0x50, $0x38;
	[tilespmem:$0xF300] =	vst v63  }
0x24: {  	_ =	swait.ge [sflag:s26], $0x50  }
0x25: {  	[sflag:s26] =	ssyncset.done $0x0  }
0x26: {  	s16 =	rddreg [dreg:$0x6];
	[sflag:s26] =	ssyncadd.s32 $0xFFFFFFB0  }
0x27: {  	[tilespmem:s8], [sflag:$0xB] =	stream.linear.gather [hbm4b:s16+s3], $0x50, $0x38;
	[tilespmem:$0xF300] =	vst v63  }
0x28: {  	_ =	swait.ge [sflag:s26], $0x50  }
0x29: {  	[sflag:s26] =	ssyncset.done $0x0  }
0x2a: {  	s18 =	rddreg [dreg:$0x7];
	[sflag:s26] =	ssyncadd.s32 $0xFFFFFFB0  }
0x2b: {  	[tilespmem:s3], [sflag:$0x1] =	stream.linear.gather [hbm4b:s18+s3], $0x50, $0x38;
	[tilespmem:$0xF300] =	vst v63  }
0x2c: {  	s25 =	rddreg [dreg:$0x8]  }
0x2d: {  	[tilespmem:s12], [sflag:$0x3] =	stream.linear.gather [hbm4b:s25+s3], $0x50, $0x38;
	[tilespmem:$0xF300] =	vst v63  }
0x2e: {  	s13 =	rddreg [dreg:$0x9]  }
0x2f: {  	[tilespmem:s15], [sflag:$0x2] =	stream.linear.gather [hbm4b:s13+s3], $0x50, $0x38;
	[tilespmem:$0xF300] =	vst v63  }
0x30: {  	s16 =	rddreg [dreg:$0xa];
	s13 =	simm.s32 $0x180  }
0x31: {  	[tilespmem:s13], [sflag:$0x4] =	stream.linear.gather [hbm4b:s16+s3], $0x50, $0x38;
	[tilespmem:$0xF300] =	vst v63  }
0x32: {  	_ =	swait.ge [sflag:s0], $0x50  }
0x33: {  	[sflag:s0] =	ssyncset.done $0x0  }
0x34: {  	[sflag:s0] =	ssyncadd.s32 $0xFFFFFFB0  }
0x35: {  	_ =	swait.ge [sflag:s2], $0x50  }
0x36: {  	[sflag:s2] =	ssyncset.done $0x0  }
0x37: {  	[sflag:s2] =	ssyncadd.s32 $0xFFFFFFB0  }
0x38: {  	[tilespmem:s17], [sflag:$0x5] =	stream.indirect.gather [hbm4b:s4+s9], $0x80, s3, s9, $0xb8;
	[tilespmem:$0xF300] =	vst v63  }
0x39: {  	_ = 	snop  }
0x3a: {  	[tilespmem:s22], [sflag:$0x7] =	stream.indirect.gather [hbm4b:s5+s9], $0x80, s12, s9, $0xb8;
	[tilespmem:$0xF300] =	vst v63  }
0x3b: {  	_ =	swait.ge [sflag:s10], $0x50  }
0x3c: {  	[sflag:s10] =	ssyncset.done $0x0  }
0x3d: {  	[sflag:s10] =	ssyncadd.s32 $0xFFFFFFB0  }
0x3e: {  	_ =	swait.ge [sflag:s14], $0x50  }
0x3f: {  	[sflag:s14] =	ssyncset.done $0x0  }
0x40: {  	[sflag:s14] =	ssyncadd.s32 $0xFFFFFFB0  }
0x41: {  	[tilespmem:s24], [sflag:$0x6] =	stream.indirect.gather [hbm4b:s4+s9], $0x80, s15, s9, $0xb8;
	[tilespmem:$0xF300] =	vst v63  }
0x42: {  	s18 =	simm.s32 $0x180;
	s25 =	simm.s32 $0x7B00  }
0x43: {  	[tilespmem:s25], [sflag:$0x8] =	stream.indirect.gather [hbm4b:s5+s9], $0x80, s18, s9, $0xb8;
	[tilespmem:$0xF300] =	vst v63  }
0x44: {  	s25 =	simm.s32 $0x5  }
0x45: {  	_ =	swait.ge [sflag:s25], $0x2800  }
0x46: {  	[sflag:s25] =	ssyncset.done $0x0  }
0x47: {  	s18 =	simm.s32 $0x7;
	[sflag:s25] =	ssyncadd.s32 $0xFFFFD800  }
0x48: {  	_ =	swait.ge [sflag:s18], $0x2800  }
0x49: {  	[sflag:s18] =	ssyncset.done $0x0  }
0x4a: {  	s10 =	rddreg [dreg:$0xb];
	[sflag:s18] =	ssyncadd.s32 $0xFFFFD800  }
0x4b: {  	[tilespmem:s3], [sflag:$0x1] =	stream.linear.gather [hbm4b:s10+s3], $0x50, $0x38;
	[tilespmem:$0xF300] =	vst v63  }
0x4c: {  	s13 =	rddreg [dreg:$0xc]  }
0x4d: {  	[tilespmem:s12], [sflag:$0x3] =	stream.linear.gather [hbm4b:s13+s3], $0x50, $0x38;
	[tilespmem:$0xF300] =	vst v63  }
0x4e: {  	_ = 	snop  }
0x4f: {  	[spmem:s11] =	stream.linear.scatter [tilespmem:s17], [sflag:$0xB], $0x2800, $0x38;
	[tilespmem:$0xF300] =	vst v63  }
0x50: {  	_ =	swait.ge [sflag:s26], $0x2800  }
0x51: {  	[sflag:s26] =	ssyncset.done $0x0  }
0x52: {  	[sflag:s26] =	ssyncadd.s32 $0xFFFFD800  }
0x53: {  	[spmem:s28] =	stream.indirect.scatter.add.f32 [tilespmem:s22], [sflag:$0xB], $0x80, s29, s9, $0xb8;
	[tilespmem:$0xF300] =	vst v63  }
0x54: {  	s16 =	smov.u32 s11;
	s15 =	stileid.u32;
	_ =	swait.ge [sflag:s26], $0x2800  }
0x55: {  	s1 =	sshll.u32 s15, $0x6;
	s10 =	sshrl.u32 s16, $0x3;
	[sflag:s26] =	ssyncset.done $0x0  }
0x56: {  	s11 =	sor.u32 $0x1C09, s1;
	s12 =	rddreg [dreg:$0xd];
	[sflag:s26] =	ssyncadd.s32 $0xFFFFD800  }
0x57: {  	[hbm:s12], [sflag:s11] =	dma.local [spmem:s10], $0x500  }
0x58: {  	_ =	swait.ge [sflag:s0], $0x50  }
0x59: {  	[sflag:s0] =	ssyncset.done $0x0  }
0x5a: {  	[sflag:s0] =	ssyncadd.s32 $0xFFFFFFB0  }
0x5b: {  	_ =	swait.ge [sflag:s2], $0x50  }
0x5c: {  	[sflag:s2] =	ssyncset.done $0x0  }
0x5d: {  	[sflag:s2] =	ssyncadd.s32 $0xFFFFFFB0  }
0x5e: {  	[tilespmem:s17], [sflag:$0x5] =	stream.indirect.gather [hbm4b:s4+s9], $0x80, s3, s9, $0xb8;
	[tilespmem:$0xF300] =	vst v63  }
0x5f: {  	s15 =	simm.s32 $0x100  }
0x60: {  	[tilespmem:s22], [sflag:$0x7] =	stream.indirect.gather [hbm4b:s5+s9], $0x80, s15, s9, $0xb8;
	[tilespmem:$0xF300] =	vst v63  }
0x61: {  	_ =	swait.ge [sflag:s19], $0x2800  }
0x62: {  	[sflag:s19] =	ssyncset.done $0x0  }
0x63: {  	[sflag:s19] =	ssyncadd.s32 $0xFFFFD800  }
0x64: {  	_ =	swait.ge [sflag:s20], $0x2800  }
0x65: {  	[sflag:s20] =	ssyncset.done $0x0  }
0x66: {  	s16 =	simm.s32 $0x80;
	s22 =	rddreg [dreg:$0xf];
	[sflag:s20] =	ssyncadd.s32 $0xFFFFD800  }
0x67: {  	[tilespmem:s16], [sflag:$0x2] =	stream.linear.gather [hbm4b:s22+s3], $0x50, $0x38;
	[tilespmem:$0xF300] =	vst v63  }
0x68: {  	s2 =	simm.s32 $0x180;
	s0 =	rddreg [dreg:$0x10]  }
0x69: {  	[tilespmem:s2], [sflag:$0x4] =	stream.linear.gather [hbm4b:s0+s3], $0x50, $0x38;
	[tilespmem:$0xF300] =	vst v63  }
0x6a: {  	_ = 	snop  }
0x6b: {  	[spmem:s30] =	stream.linear.scatter [tilespmem:s24], [sflag:$0xB], $0x2800, $0x38;
	[tilespmem:$0xF300] =	vst v63  }
0x6c: {  	_ =	swait.ge [sflag:s26], $0x2800  }
0x6d: {  	[sflag:s26] =	ssyncset.done $0x0  }
0x6e: {  	s16 =	simm.s32 $0x7B00;
	[sflag:s26] =	ssyncadd.s32 $0xFFFFD800  }
0x6f: {  	[spmem:s28] =	stream.indirect.scatter.add.f32 [tilespmem:s16], [sflag:$0xB], $0x80, s8, s9, $0xb8;
	[tilespmem:$0xF300] =	vst v63  }
0x70: {  	s13 =	simm.s32 $0x2;
	_ =	swait.ge [sflag:s26], $0x2800  }
0x71: {  	s1 =	sor.u32 $0x1C0A, s1;
	s15 =	smov.u32 s28;
	[sflag:s26] =	ssyncset.done $0x0  }
0x72: {  	s28 =	sshrl.u32 s30, $0x3;
	s22 =	rddreg [dreg:$0xe];
	[sflag:s26] =	ssyncadd.s32 $0xFFFFD800  }
0x73: {  	[hbm:s22], [sflag:s1] =	dma.local [spmem:s28], $0x500  }
0x74: {  	_ =	swait.ge [sflag:s13], $0x50  }
0x75: {  	[sflag:s13] =	ssyncset.done $0x0  }
0x76: {  	[sflag:s13] =	ssyncadd.s32 $0xFFFFFFB0  }
0x77: {  	_ =	swait.ge [sflag:s14], $0x50  }
0x78: {  	[sflag:s14] =	ssyncset.done $0x0  }
0x79: {  	s17 =	simm.s32 $0x80;
	[sflag:s14] =	ssyncadd.s32 $0xFFFFFFB0  }
0x7a: {  	[tilespmem:s24], [sflag:$0x6] =	stream.indirect.gather [hbm4b:s4+s9], $0x80, s17, s9, $0xb8;
	[tilespmem:$0xF300] =	vst v63  }
0x7b: {  	_ = 	snop  }
0x7c: {  	[tilespmem:s16], [sflag:$0x8] =	stream.indirect.gather [hbm4b:s5+s9], $0x80, s2, s9, $0xb8;
	[tilespmem:$0xF300] =	vst v63  }
0x7d: {  	_ =	swait.ge [sflag:s25], $0x2800  }
0x7e: {  	s8 =	rddreg [dreg:$0x12]  }
0x7f: {  	s17 =	sadd.s32 $0xFFFFFFFF, s8  }
0x80: {  	s22 =	smov.u32 s31;
	[sflag:s25] =	ssyncset.done $0x0;
	p0 =	slt.s32 s17, s31  }
0x81: {  	[sflag:s25] =	ssyncadd.s32 $0xFFFFD800;
	s22 =	smov.u32 @p0 s17  }
0x82: {  	_ =	swait.ge [sflag:s18], $0x2800;
	s17 =	smul.u32 $0xA, s22  }
0x83: {  	[sflag:s18] =	ssyncset.done $0x0  }
0x84: {  	[sflag:s18] =	ssyncadd.s32 $0xFFFFD800;
	s22 =	sadd.s32 s6, s17  }
0x85: {  	[tilespmem:s3], [sflag:$0x1] =	stream.linear.gather [hbm4b:s22+s3], $0x50, $0x38;
	[tilespmem:$0xF300] =	vst v63  }
0x86: {  	s12 =	simm.s32 $0x100;
	s17 =	sadd.s32 s7, s17  }
0x87: {  	[tilespmem:s12], [sflag:$0x3] =	stream.linear.gather [hbm4b:s17+s3], $0x50, $0x38;
	[tilespmem:$0xF300] =	vst v63  }
0x88: {  	_ =	swait.ge [sflag:s21], $0x500  }
0x89: {  	[sflag:s21] =	ssyncset.done $0x0  }
0x8a: {  	s24 =	simm.s32 $0x300;
	s18 =	rddreg [dreg:$0x14];
	[sflag:s21] =	ssyncadd.s32 $0xFFFFFB00  }
0x8b: {  	[spmem:s18] =	stream.linear.scatter [tilespmem:s24], [sflag:$0xB], $0x2800, $0x38;
	[tilespmem:$0xF300] =	vst v63  }
0x8c: {  	_ =	swait.ge [sflag:s26], $0x2800  }
0x8d: {  	[sflag:s26] =	ssyncset.done $0x0  }
0x8e: {  	s16 =	simm.s32 $0x5300;
	[sflag:s26] =	ssyncadd.s32 $0xFFFFD800  }
0x8f: {  	[spmem:s15] =	stream.indirect.scatter.add.f32 [tilespmem:s16], [sflag:$0xB], $0x80, s29, s9, $0xb8;
	[tilespmem:$0xF300] =	vst v63  }
0x90: {  	_ =	swait.ge [sflag:s26], $0x2800  }
0x91: {  	s25 =	rddreg [dreg:$0x4]  }
0x92: {  	[sflag:s26] =	ssyncset.done $0x0;
	s17 =	sadd.s32 $0x0, s25  }
0x93: {  	s2 =	simm.s32 $0x1;
	[sflag:s26] =	ssyncadd.s32 $0xFFFFD800;
	s29 =	sadd.s32 $0xA00, s17  }
0x94: {  	[hbm:s29], [sflag:s11] =	dma.local [spmem:s10], $0x500  }
0x95: {  	_ =	swait.ge [sflag:s2], $0x50  }
0x96: {  	[sflag:s2] =	ssyncset.done $0x0  }
0x97: {  	s25 =	simm.s32 $0x3;
	[sflag:s2] =	ssyncadd.s32 $0xFFFFFFB0  }
0x98: {  	_ =	swait.ge [sflag:s25], $0x50  }
0x99: {  	[sflag:s25] =	ssyncset.done $0x0  }
0x9a: {  	[sflag:s25] =	ssyncadd.s32 $0xFFFFFFB0  }
0x9b: {  	[tilespmem:s24], [sflag:$0x5] =	stream.indirect.gather [hbm4b:s4+s9], $0x80, s3, s9, $0xb8;
	[tilespmem:$0xF300] =	vst v63  }
0x9c: {  	_ = 	snop  }
0x9d: {  	[tilespmem:s16], [sflag:$0x7] =	stream.indirect.gather [hbm4b:s5+s9], $0x80, s12, s9, $0xb8;
	[tilespmem:$0xF300] =	vst v63  }
0x9e: {  	_ =	swait.ge [sflag:s19], $0x2800  }
0x9f: {  	p0 =	slt.s32 s8, s31;
	s22 =	smov.u32 s31;
	[sflag:s19] =	ssyncset.done $0x0  }
0xa0: {  	s22 =	smov.u32 @p0 s8;
	[sflag:s19] =	ssyncadd.s32 $0xFFFFD800  }
0xa1: {  	s22 =	smul.u32 $0xA, s22;
	_ =	swait.ge [sflag:s20], $0x2800  }
0xa2: {  	s0 =	smov.u32 s11;
	[sflag:s20] =	ssyncset.done $0x0  }
0xa3: {  	s11 =	simm.s32 $0x80;
	s12 =	sadd.s32 s6, s22;
	[sflag:s20] =	ssyncadd.s32 $0xFFFFD800  }
0xa4: {  	[tilespmem:s11], [sflag:$0x2] =	stream.linear.gather [hbm4b:s12+s3], $0x50, $0x38;
	[tilespmem:$0xF300] =	vst v63  }
0xa5: {  	s22 =	sadd.s32 s7, s22;
	s16 =	simm.s32 $0x180  }
0xa6: {  	[tilespmem:s16], [sflag:$0x4] =	stream.linear.gather [hbm4b:s22+s3], $0x50, $0x38;
	[tilespmem:$0xF300] =	vst v63  }
0xa7: {  	_ =	swait.ge [sflag:s23], $0x500  }
0xa8: {  	[sflag:s23] =	ssyncset.done $0x0  }
0xa9: {  	s12 =	simm.s32 $0x2B00;
	[sflag:s23] =	ssyncadd.s32 $0xFFFFFB00  }
0xaa: {  	[spmem:s30] =	stream.linear.scatter [tilespmem:s12], [sflag:$0xB], $0x2800, $0x38;
	[tilespmem:$0xF300] =	vst v63  }
0xab: {  	_ =	swait.ge [sflag:s26], $0x2800  }
0xac: {  	[sflag:s26] =	ssyncset.done $0x0  }
0xad: {  	s29 =	simm.s32 $0x280;
	s24 =	simm.s32 $0x7B00;
	[sflag:s26] =	ssyncadd.s32 $0xFFFFD800  }
0xae: {  	[spmem:s15] =	stream.indirect.scatter.add.f32 [tilespmem:s24], [sflag:$0xB], $0x80, s29, s9, $0xb8;
	[tilespmem:$0xF300] =	vst v63  }
0xaf: {  	_ =	swait.ge [sflag:s26], $0x2800  }
0xb0: {  	s13 =	smov.u32 s10;
	[sflag:s26] =	ssyncset.done $0x0  }
0xb1: {  	s17 =	sadd.s32 $0xF00, s17;
	s10 =	simm.s32 $0x2;
	[sflag:s26] =	ssyncadd.s32 $0xFFFFD800  }
0xb2: {  	[hbm:s17], [sflag:s1] =	dma.local [spmem:s28], $0x500  }
0xb3: {  	_ =	swait.ge [sflag:s10], $0x50  }
0xb4: {  	[sflag:s10] =	ssyncset.done $0x0  }
0xb5: {  	[sflag:s10] =	ssyncadd.s32 $0xFFFFFFB0  }
0xb6: {  	_ =	swait.ge [sflag:s14], $0x50  }
0xb7: {  	s16 =	smov.u32 s28;
	s22 =	sadd.s32 $0x2, s8;
	[sflag:s14] =	ssyncset.done $0x0  }
0xb8: {  	s24 =	smov.u32 s1;
	s17 =	simm.s32 $0xA00;
	[sflag:s14] =	ssyncadd.s32 $0xFFFFFFB0  }
0xb9: {  	[tilespmem:s12], [sflag:$0x6] =	stream.indirect.gather [hbm4b:s4+s9], $0x80, s11, s9, $0xb8;
	[tilespmem:$0xF300] =	vst v63  }
0xba: {  	s28 =	simm.s32 $0x4;
	s12 =	smov.u32 s18;
	s11 =	smov.u32 s15  }
.LBB2_2:
0xbb: {  	s15 =	simm.s32 $0x180;
	s1 =	simm.s32 $0x7B00;
	s10 =	simm.s32 $0x5  }
0xbc: {  	[tilespmem:s1], [sflag:$0x8] =	stream.indirect.gather [hbm4b:s5+s9], $0x80, s15, s9, $0xb8;
	[tilespmem:$0xF300] =	vst v63  }
0xbd: {  	_ =	swait.ge [sflag:s10], $0x2800  }
0xbe: {  	s8 =	smov.u32 s30;
	s30 =	sadd.s32 $0xFFFFFFFF, s22;
	[sflag:s10] =	ssyncset.done $0x0  }
0xbf: {  	p1 =	slt.s32 s30, s31;
	[sflag:s10] =	ssyncadd.s32 $0xFFFFD800;
	s10 =	smov.u32 s31  }
0xc0: {  	s14 =	simm.s32 $0x7;
	s10 =	smov.u32 @p1 s30  }
0xc1: {  	_ =	swait.ge [sflag:s14], $0x2800;
	s10 =	smul.u32 $0xA, s10  }
0xc2: {  	[sflag:s14] =	ssyncset.done $0x0  }
0xc3: {  	[sflag:s14] =	ssyncadd.s32 $0xFFFFD800;
	s30 =	sadd.s32 s6, s10  }
0xc4: {  	[tilespmem:s3], [sflag:$0x1] =	stream.linear.gather [hbm4b:s30+s3], $0x50, $0x38;
	[tilespmem:$0xF300] =	vst v63  }
0xc5: {  	s14 =	simm.s32 $0x100;
	s10 =	sadd.s32 s7, s10  }
0xc6: {  	[tilespmem:s14], [sflag:$0x3] =	stream.linear.gather [hbm4b:s10+s3], $0x50, $0x38;
	[tilespmem:$0xF300] =	vst v63  }
0xc7: {  	_ =	swait.ge [sflag:s21], $0x500  }
0xc8: {  	[sflag:s21] =	ssyncset.done $0x0  }
0xc9: {  	s30 =	simm.s32 $0x300;
	[sflag:s21] =	ssyncadd.s32 $0xFFFFFB00  }
0xca: {  	[spmem:s12] =	stream.linear.scatter [tilespmem:s30], [sflag:$0xB], $0x2800, $0x38;
	[tilespmem:$0xF300] =	vst v63  }
0xcb: {  	_ =	swait.ge [sflag:s26], $0x2800  }
0xcc: {  	[sflag:s26] =	ssyncset.done $0x0  }
0xcd: {  	s18 =	simm.s32 $0x5300;
	s10 =	simm.s32 $0x200;
	[sflag:s26] =	ssyncadd.s32 $0xFFFFD800  }
0xce: {  	[spmem:s11] =	stream.indirect.scatter.add.f32 [tilespmem:s18], [sflag:$0xB], $0x80, s10, s9, $0xb8;
	[tilespmem:$0xF300] =	vst v63  }
0xcf: {  	_ =	swait.ge [sflag:s26], $0x2800  }
0xd0: {  	s29 =	smov.u32 s17;
	s10 =	rddreg [dreg:$0x4]  }
0xd1: {  	[sflag:s26] =	ssyncset.done $0x0;
	s29 =	sadd.s32 s29, s10  }
0xd2: {  	[sflag:s26] =	ssyncadd.s32 $0xFFFFD800;
	s10 =	sadd.s32 $0xA00, s29  }
0xd3: {  	[hbm:s10], [sflag:s0] =	dma.local [spmem:s13], $0x500  }
0xd4: {  	_ =	swait.ge [sflag:s2], $0x50  }
0xd5: {  	[sflag:s2] =	ssyncset.done $0x0  }
0xd6: {  	[sflag:s2] =	ssyncadd.s32 $0xFFFFFFB0  }
0xd7: {  	_ =	swait.ge [sflag:s25], $0x50  }
0xd8: {  	[sflag:s25] =	ssyncset.done $0x0  }
0xd9: {  	[sflag:s25] =	ssyncadd.s32 $0xFFFFFFB0  }
0xda: {  	[tilespmem:s30], [sflag:$0x5] =	stream.indirect.gather [hbm4b:s4+s9], $0x80, s3, s9, $0xb8;
	[tilespmem:$0xF300] =	vst v63  }
0xdb: {  	_ = 	snop  }
0xdc: {  	[tilespmem:s18], [sflag:$0x7] =	stream.indirect.gather [hbm4b:s5+s9], $0x80, s14, s9, $0xb8;
	[tilespmem:$0xF300] =	vst v63  }
0xdd: {  	_ =	swait.ge [sflag:s19], $0x2800  }
0xde: {  	p1 =	slt.s32 s22, s31;
	s10 =	smov.u32 s31;
	[sflag:s19] =	ssyncset.done $0x0  }
0xdf: {  	s10 =	smov.u32 @p1 s22;
	[sflag:s19] =	ssyncadd.s32 $0xFFFFD800  }
0xe0: {  	s10 =	smul.u32 $0xA, s10;
	_ =	swait.ge [sflag:s20], $0x2800  }
0xe1: {  	[sflag:s20] =	ssyncset.done $0x0  }
0xe2: {  	s30 =	sadd.s32 s6, s10;
	s14 =	simm.s32 $0x80;
	[sflag:s20] =	ssyncadd.s32 $0xFFFFD800  }
0xe3: {  	[tilespmem:s14], [sflag:$0x2] =	stream.linear.gather [hbm4b:s30+s3], $0x50, $0x38;
	[tilespmem:$0xF300] =	vst v63  }
0xe4: {  	s10 =	sadd.s32 s7, s10  }
0xe5: {  	[tilespmem:s15], [sflag:$0x4] =	stream.linear.gather [hbm4b:s10+s3], $0x50, $0x38;
	[tilespmem:$0xF300] =	vst v63  }
0xe6: {  	_ =	swait.ge [sflag:s23], $0x500  }
0xe7: {  	[sflag:s23] =	ssyncset.done $0x0  }
0xe8: {  	s18 =	simm.s32 $0x2B00;
	s30 =	smov.u32 s8;
	[sflag:s23] =	ssyncadd.s32 $0xFFFFFB00  }
0xe9: {  	[spmem:s30] =	stream.linear.scatter [tilespmem:s18], [sflag:$0xB], $0x2800, $0x38;
	[tilespmem:$0xF300] =	vst v63  }
0xea: {  	_ =	swait.ge [sflag:s26], $0x2800  }
0xeb: {  	[sflag:s26] =	ssyncset.done $0x0  }
0xec: {  	s10 =	simm.s32 $0x280;
	[sflag:s26] =	ssyncadd.s32 $0xFFFFD800  }
0xed: {  	[spmem:s11] =	stream.indirect.scatter.add.f32 [tilespmem:s1], [sflag:$0xB], $0x80, s10, s9, $0xb8;
	[tilespmem:$0xF300] =	vst v63  }
0xee: {  	_ =	swait.ge [sflag:s26], $0x2800  }
0xef: {  	[sflag:s26] =	ssyncset.done $0x0  }
0xf0: {  	s29 =	sadd.s32 $0xF00, s29;
	s10 =	simm.s32 $0x2;
	[sflag:s26] =	ssyncadd.s32 $0xFFFFD800  }
0xf1: {  	[hbm:s29], [sflag:s24] =	dma.local [spmem:s16], $0x500  }
0xf2: {  	_ =	swait.ge [sflag:s10], $0x50  }
0xf3: {  	p0 =	sne.s32 s17, $0x4CE00;
	[sflag:s10] =	ssyncset.done $0x0  }
.Ltmp0:
0xf4: {  	[sflag:s10] =	ssyncadd.s32 $0xFFFFFFB0;
	(pc) =	sbr.rel @p0 .LBB2_2-.Ltmp0, $4  }
0xf5: {  	_ =	swait.ge [sflag:s28], $0x50  }
0xf6: {  	s17 =	sadd.s32 $0xA00, s17;
	s22 =	sadd.s32 $0x2, s22;
	[sflag:s28] =	ssyncset.done $0x0  }
0xf7: {  	s8 =	simm.s32 $0x180;
	s15 =	simm.s32 $0x7B00;
	[sflag:s28] =	ssyncadd.s32 $0xFFFFFFB0  }
0xf8: {  	[tilespmem:s18], [sflag:$0x6] =	stream.indirect.gather [hbm4b:s4+s9], $0x80, s14, s9, $0xb8;
	[tilespmem:$0xF300] =	vst v63  }
0xf9: {  	[tilespmem:s15], [sflag:$0x8] =	stream.indirect.gather [hbm4b:s5+s9], $0x80, s8, s9, $0xb8;
	[tilespmem:$0xF300] =	vst v63  }
0xfa: {  	s0 =	simm.s32 $0x5  }
0xfb: {  	_ =	swait.ge [sflag:s0], $0x2800  }
0xfc: {  	[sflag:s0] =	ssyncset.done $0x0  }
0xfd: {  	s25 =	simm.s32 $0x7;
	[sflag:s0] =	ssyncadd.s32 $0xFFFFD800  }
0xfe: {  	_ =	swait.ge [sflag:s25], $0x2800  }
0xff: {  	[sflag:s25] =	ssyncset.done $0x0  }
0x100: {  	[sflag:s25] =	ssyncadd.s32 $0xFFFFD800  }
0x101: {  	_ =	swait.ge [sflag:s19], $0x2800  }
0x102: {  	[sflag:s19] =	ssyncset.done $0x0  }
0x103: {  	[sflag:s19] =	ssyncadd.s32 $0xFFFFD800  }
0x104: {  	_ =	swait.ge [sflag:s20], $0x2800  }
0x105: {  	[sflag:s20] =	ssyncset.done $0x0  }
0x106: {  	[sflag:s20] =	ssyncadd.s32 $0xFFFFD800  }
0x107: {  	_ =	swait.ge [sflag:s21], $0x500  }
0x108: {  	[sflag:s21] =	ssyncset.done $0x0  }
0x109: {  	[sflag:s21] =	ssyncadd.s32 $0xFFFFFB00  }
0x10a: {  	_ =	swait.ge [sflag:s23], $0x500  }
0x10b: {  	s25 =	rddreg [dreg:$0x13]  }
0x10c: {  	s1 =	rddreg [dreg:$0x11];
	s25 =	sadd.s32 $0x1, s25  }
0x10d: {  	p0 =	sne.s32 s25, s1  }
.Ltmp1:
0x10e: {  	s28 =	smov.u32 s11;
	s11 =	smov.u32 s12;
	(pc) =	sbr.rel @p0 .LBB2_1-.Ltmp1, $4  }
0x10f: {  	s29 =	simm.s32 $0x200;
	s8 =	simm.s32 $0x280;
	s12 =	simm.s32 $0x100  }
0x110: {  	s15 =	simm.s32 $0x80;
	s17 =	simm.s32 $0x300;
	s22 =	simm.s32 $0x5300  }
0x111: {  	s24 =	simm.s32 $0x2B00;
	s2 =	simm.s32 $0x3;
	[sflag:s23] =	ssyncset.done $0x0  }
0x112: {  	s14 =	simm.s32 $0x4;
	s0 =	simm.s32 $0x1;
	[sflag:s23] =	ssyncadd.s32 $0xFFFFFB00  }
0x113: {  	_ =	sfence.sel $0x180000  }
0x114: {  	[bflag:$0x0] =	sbarrier.arrive $0xFFFF  }
0x115: {  	_ =	strace $0x90000050  }
0x116: {  	s0 =	stileid.u32;
	[bflag:$0x2] =	sbarrier.arrive $0xFFFF  }
0x117: {  	p0 =	sne.s32 s0, $0x0;
	s0 =	rddreg [dreg:$0x3]  }
0x118: {  	s0 =	sadd.s32 @!p0 $0x100000, s0  }
0x119: {  	[sflag:s0] =	ssyncadd.tile.s32 @!p0 $0x1;
	_ =	shalt  }
.Lfunc_end2:
_tile_overlayer_lowered:
.L_overlay_start_2:
0x11a: {  	(tag) =	ssettag $0x2  }
0x11b: {  	s0 =	rddreg [dreg:$0x0];
	s2 =	stileid.u32  }
0x11c: {  	s1 =	rddreg [dreg:$0x1];
	p0 =	sne.s32 s2, $0x0  }
0x11d: {  	s3 =	rddreg [dreg:$0x2];
	[bflag:$0x3] =	sbarrier.arrive $0xFFFF;
	s2 =	simm.s32 @!p0 $0x1C0B  }
0x11e: {  	[timem:s3], [sflag:s2] =	dma.local @!p0 [hbm:s0], s1  }
0x11f: {  	s0 =	simm.s32 @!p0 $0xB  }
0x120: {  	_ =	swait.ge @!p0 [sflag:s0], s1  }
0x121: {  	s1 =	ssub.s32 @!p0 $0x0, s1;
	[sflag:s0] =	ssyncset.done @!p0 $0x0  }
0x122: {  	[sflag:s0] =	ssyncadd.s32 @!p0 s1  }
0x123: {  	[bflag:$0x3] =	sbarrier.arrive $0xFFFF  }
0x124: {  	_ =	shalt  }

// kernel: kernel.26.cloned.1.call-start
scs
__scs_entry_jumppad:
0x0: {  	(pc) =	sbr.rel $0x88, $3  }
0x1: {  	(tag) =	ssettag $0x0;
	lr =	simm.s32 $0x1  }
0x2: {  	[smem:$0x3F8B] =	sst lr;
	_ =	strace $0xD0000000  }
0x3: {  	_ = 	snop  }
0x4: {  	_ = 	snop  }
0x5: {  	_ = 	snop  }
0x6: {  	_ = 	snop  }
0x7: {  	_ = 	snop  }
__scs_overlays_trampoline_lowered:
0x8: {  	[smem:$0x3F9A] =	sst s0  }
0x9: {  	[smem:$0x3F9B] =	sst s1  }
0xa: {  	[smem:$0x3F9C] =	sst s2  }
0xb: {  	[smem:$0x3F9D] =	sst s3  }
0xc: {  	[smem:$0x3F9E] =	sst s4  }
0xd: {  	[smem:$0x3F9F] =	sst s5  }
0xe: {  	[smem:$0x3FA0] =	sst s6  }
0xf: {  	[smem:$0x3FA1] =	sst s7  }
0x10: {  	[smem:$0x3FA2] =	sst s8  }
0x11: {  	[smem:$0x3FA3] =	sst s9;
	s0 =	simm.s32 @!p0 $0x0  }
0x12: {  	s1 =	sld [smem:$0x3F89];
	s0 =	simm.s32 @p0 $0x1  }
0x13: {  	[smem:$0x3FA4] =	sst s0;
	s0 =	simm.s32 @!p1 $0x0  }
0x14: {  	s2 =	sld [smem:$0x3F88];
	s0 =	simm.s32 @p1 $0x1  }
0x15: {  	[smem:$0x3FA5] =	sst s0;
	s0 =	simm.s32 @!p2 $0x0  }
0x16: {  	s3 =	sld [smem:$0x3FDB];
	s0 =	simm.s32 @p2 $0x1  }
0x17: {  	s4 =	simm.s32 $0x1BF5;
	[smem:$0x3FA7] =	sst s0  }
0x18: {  	s0 =	sld [smem:$0x3F8A];
	_ =	swait.ge [sflag:s4], $0x0  }
0x19: {  	s7 =	sld [smem:$0x3F8B]  }
0x1a: {  	s8 =	sadd.s32 $0xFFFFE003, lr  }
0x1b: {  	s9 =	sadd.s32 $0xFFFFFEF7, lr;
	s5 =	simm.s32 $0xFFFFFFFF;
	p2 =	slt.u32 s8, $0xFFFFF086  }
0x1c: {  	p1 =	slt.u32 s9, $0xF7A;
	s5 =	simm.s32 @!p2 $0x0  }
0x1d: {  	s5 =	simm.s32 @p1 $0x1;
	p0 =	seq.s32 s7, s2  }
0x1e: {  	s7 =	smul.u32 @!p0 $0xF7A, s2;
	p2 =	seq.s32 @!p0 s5, $0x0  }
0x1f: {  	s9 =	smul.u32 $0xF7A, s1;
	s8 =	simm.s32 @!p0 $0x1BF5;
	p2 =	por !p2, p0  }
0x20: {  	[sflag:s8] =	ssyncset.s32 @!p0 $0xFFFFF086;
	s6 =	sadd.s32 @!p0 s3, s7;
	s7 =	simm.s32 @!p0 $0x108  }
0x21: {  	s3 =	sadd.s32 s3, s9;
	s6 =	sadd.s32 @!p0 $0x88, s6;
	s7 =	simm.s32 @p2 $0x1082  }
0x22: {  	[simem:s7], [sflag:s8] =	dma.local @!p0 [hbm:s6], $0xF7A  }
0x23: {  	s9 =	sor.u32 $0xD0000000, s2;
	s6 =	simm.s32 $0x108;
	_ =	swait.ge @!p0 [sflag:s8], $0x0  }
0x24: {  	s3 =	sadd.s32 $0x88, s3;
	s6 =	simm.s32 @!p1 $0x1082;
	[sflag:s4] =	ssyncset.s32 $0xFFFFF086  }
0x25: {  	[simem:s6], [sflag:s4] =	dma.local [hbm:s3], $0xF7A  }
0x26: {  	[smem:$0x3F8B] =	sst s1;
	(tag) =	ssettag s2;
	_ =	strace s9  }
0x27: {  	s1 =	sld [smem:$0x3F9B]  }
0x28: {  	s2 =	sld [smem:$0x3F9C]  }
0x29: {  	s4 =	sld [smem:$0x3F9E]  }
0x2a: {  	p0 =	seq.s32 s5, $0x0;
	s5 =	sld [smem:$0x3F9F]  }
0x2b: {  	s6 =	sld [smem:$0x3FA0]  }
0x2c: {  	s7 =	sld [smem:$0x3FA1]  }
0x2d: {  	s3 =	simm.s32 $0x108;
	s8 =	sld [smem:$0x3FA2]  }
0x2e: {  	s3 =	simm.s32 @!p0 $0x1082;
	s9 =	sld [smem:$0x3FA3]  }
0x2f: {  	lr =	sadd.s32 s0, s3;
	s0 =	sld [smem:$0x3F9A]  }
0x30: {  	s3 =	sld [smem:$0x3F9D]  }
0x31: {  	[smem:$0x3FA6] =	sst s10  }
0x32: {  	s10 =	sld [smem:$0x3FA4];
	_ =	sdelay $0x3  }
0x33: {  	p0 =	seq.s32 s10, $0x1;
	s10 =	sld [smem:$0x3FA6];
	_ =	sdelay $0x3  }
0x34: {  	[smem:$0x3FA6] =	sst s10  }
0x35: {  	s10 =	sld [smem:$0x3FA5];
	_ =	sdelay $0x3  }
0x36: {  	p1 =	seq.s32 s10, $0x1;
	s10 =	sld [smem:$0x3FA6];
	_ =	sdelay $0x3  }
0x37: {  	[smem:$0x3FA6] =	sst s10  }
0x38: {  	s10 =	sld [smem:$0x3FA7]  }
0x39: {  	_ = 	snop;
	(pc) =	sbr.ind lr, $3  }
0x3a: {  	_ = 	snop  }
0x3b: {  	_ = 	snop  }
0x3c: {  	p2 =	seq.s32 s10, $0x1;
	s10 =	sld [smem:$0x3FA6]  }
0x3d: {  	_ =	shalt  }
0x3e: {  	_ =	shalt  }
0x3f: {  	_ =	shalt  }
0x40: {  	_ =	shalt  }
0x41: {  	_ =	shalt  }
0x42: {  	_ =	shalt  }
0x43: {  	_ =	shalt  }
0x44: {  	_ =	shalt  }
0x45: {  	_ =	shalt  }
0x46: {  	_ =	shalt  }
0x47: {  	_ =	shalt  }
0x48: {  	_ =	shalt  }
0x49: {  	_ =	shalt  }
0x4a: {  	_ =	shalt  }
0x4b: {  	_ =	shalt  }
0x4c: {  	_ =	shalt  }
0x4d: {  	_ =	shalt  }
0x4e: {  	_ =	shalt  }
0x4f: {  	_ =	shalt  }
0x50: {  	_ =	shalt  }
0x51: {  	_ =	shalt  }
0x52: {  	_ =	shalt  }
0x53: {  	_ =	shalt  }
0x54: {  	_ =	shalt  }
0x55: {  	_ =	shalt  }
0x56: {  	_ =	shalt  }
0x57: {  	_ =	shalt  }
0x58: {  	_ =	shalt  }
0x59: {  	_ =	shalt  }
0x5a: {  	_ =	shalt  }
0x5b: {  	_ =	shalt  }
0x5c: {  	_ =	shalt  }
0x5d: {  	_ =	shalt  }
0x5e: {  	_ =	shalt  }
0x5f: {  	_ =	shalt  }
0x60: {  	_ =	shalt  }
0x61: {  	_ =	shalt  }
0x62: {  	_ =	shalt  }
0x63: {  	_ =	shalt  }
0x64: {  	_ =	shalt  }
0x65: {  	_ =	shalt  }
0x66: {  	_ =	shalt  }
0x67: {  	_ =	shalt  }
0x68: {  	_ =	shalt  }
0x69: {  	_ =	shalt  }
0x6a: {  	_ =	shalt  }
0x6b: {  	_ =	shalt  }
0x6c: {  	_ =	shalt  }
0x6d: {  	_ =	shalt  }
0x6e: {  	_ =	shalt  }
0x6f: {  	_ =	shalt  }
0x70: {  	_ =	shalt  }
0x71: {  	_ =	shalt  }
0x72: {  	_ =	shalt  }
0x73: {  	_ =	shalt  }
0x74: {  	_ =	shalt  }
0x75: {  	_ =	shalt  }
0x76: {  	_ =	shalt  }
0x77: {  	_ =	shalt  }
0x78: {  	_ =	shalt  }
0x79: {  	_ =	shalt  }
0x7a: {  	_ =	shalt  }
0x7b: {  	_ =	shalt  }
0x7c: {  	_ =	shalt  }
0x7d: {  	_ =	shalt  }
0x7e: {  	_ =	shalt  }
0x7f: {  	_ =	shalt  }
0x80: {  	_ =	shalt  }
0x81: {  	_ =	shalt  }
0x82: {  	_ =	shalt  }
0x83: {  	_ =	shalt  }
0x84: {  	_ =	shalt  }
0x85: {  	_ =	shalt  }
0x86: {  	_ =	shalt  }
0x87: {  	_ =	shalt  }
.Lfunc_end0:
.L_simem_size_0:
called_computation.4_lowered:
.L_overlay_start_0:
0x88: {  	s2 =	sld [smem:$0x3FD9]  }
0x89: {  	s3 =	sld [smem:$0x3FFE];
	_ =	sdelay $0x1  }
0x8a: {  	s1 =	srdreg.scid  }
0x8b: {  	s0 =	sand.u32 $0x1, s1  }
0x8c: {  	s16 =	sshll.u32 s0, $0xA;
	s2 =	sadd.s32 s3, s2  }
0x8d: {  	s2 =	sadd.s32 s2, s16  }
0x8e: {  	[smem:$0x3FB2] =	sst s2  }
0x8f: {  	_ = 	snop  }
0x90: {  	(tm) =	ssettm $0x1  }
0x91: {  	s17 =	sld [smem:$0x3FFB];
	_ =	sdelay $0x3  }
0x92: {  	_ =	strace s17  }
0x93: {  	s2 =	sld [smem:$0x3FFC];
	_ =	sdelay $0x3  }
0x94: {  	_ =	strace s2  }
0x95: {  	s2 =	sld [smem:$0x3FFD];
	_ =	sdelay $0x3  }
0x96: {  	_ =	strace s2  }
0x97: {  	_ =	strace $0x8FFFFFFF  }
0x98: {  	s18 =	sld [smem:$0x3FDB];
	_ =	sdelay $0x1  }
0x99: {  	s19 =	simm.s32 $_scs_section_size  }
0x9a: {  	s4 =	simm.s32 $_size__tile_overlayer_lowered;
	s5 =	simm.s32 $_tile_overlayer_lowered  }
0x9b: {  	s22 =	simm.s32 $0x1BFF;
	s21 =	sshll.u32 s5, $0x1;
	s2 =	sadd.s32 s19, s18  }
0x9c: {  	s6 =	simm.s32 $0x0;
	s20 =	sshll.u32 s4, $0x1;
	s4 =	sadd.s32 s21, s2  }
0x9d: {  	[timem:s6], [sflag:s22] =	dma.local [hbm:s4], s20  }
0x9e: {  	_ =	swait.ge [sflag:s22], s20  }
0x9f: {  	s3 =	ssub.s32 $0x0, s20;
	[sflag:s22] =	ssyncset.done $0x0  }
0xa0: {  	[sflag:s22] =	ssyncadd.s32 s3;
	_ =	sdelay $0x1  }
0xa1: {  	s23 =	simm.s32 $0x1B8B  }
0xa2: {  	_ =	swait.ge [sflag:s23], $0x1  }
0xa3: {  	[sflag:s23] =	ssyncset.done $0x0  }
0xa4: {  	s25 =	simm.s32 $0x1B8E;
	s24 =	sld [smem:$0x3FFE];
	[sflag:s23] =	ssyncadd.s32 $0xFFFFFFFF  }
0xa5: {  	s26 =	simm.s32 $execute0_lowered;
	[smem:$0x3FD2] =	sst s25  }
0xa6: {  	s4 =	sshll.u32 s26, $0x1;
	_ =	strace $0x80000052;
	[dreg:$0x1] =	wrdreg $0xFFFFFFFF  }
0xa7: {  	s28 =	simm.s32 $_size_execute0_lowered;
	s2 =	sadd.s32 s2, s4;
	[dreg:$0x0] =	wrdreg $0x0  }
0xa8: {  	s4 =	sshll.u32 s28, $0x1;
	[dreg:$0x2] =	wrdreg s2  }
0xa9: {  	[dreg:$0x3] =	wrdreg s4  }
0xaa: {  	[dreg:$0x4] =	wrdreg $0xC0  }
0xab: {  	_ =	task [dreg:s6], $0x5FFFF  }
0xac: {  	[dreg:$0x1] =	wrdreg $0xFFFFFFFF  }
0xad: {  	[dreg:$0x0] =	wrdreg $0x60  }
0xae: {  	[dreg:$0x2] =	wrdreg s24  }
0xaf: {  	[dreg:$0x3] =	wrdreg $0xA2000  }
0xb0: {  	[dreg:$0x4] =	wrdreg $0x9  }
0xb1: {  	_ =	task.clear_ibuf [dreg:s6], $0x5FFFF;
	_ =	strace $0x90000052  }
0xb2: {  	s29 =	simm.s32 $0x9;
	_ =	strace $0x80000054  }
0xb3: {  	_ =	swait.ge [sflag:s29], $0x1  }
0xb4: {  	[sflag:s29] =	ssyncadd.s32 $0xFFFFFFFF  }
0xb5: {  	_ =	strace $0x90000054  }
0xb6: {  	_ =	sfence  }
0xb7: {  	s30 =	sld [smem:$0x0];
	_ =	sdelay $0x2  }
0xb8: {  	s31 =	sshll.u32 s1, $0xD;
	s1 =	sshrl.u32 s1, $0x2  }
0xb9: {  	s3 =	sand.u32 $0x4000, s31;
	s1 =	sadd.s32 s1, s30  }
0xba: {  	s0 =	sor.u32 s3, s0;
	s1 =	sshll.u32 s1, $0x11  }
0xbb: {  	s0 =	sor.u32 s1, s0  }
0xbc: {  	s0 =	sadd.s32 $0x8F2B, s0  }
0xbd: {  	[sflag:s0] =	ssyncadd.remote.s32 $0x1  }
0xbe: {  	_ =	sfence.sel $0xFFFF  }
0xbf: {  	[dreg:$0x0] =	wrdreg $0xFFFFFFFF;
	(pc) =	sbr.abs _section_cstart, $3  }
0xc0: {  	[dreg:$0x1] =	wrdreg $0xFFFFFFFF  }
0xc1: {  	_ =	task.clear_ibuf [dreg:s6], $0x2FFFF;
	_ =	strace $0x9FFFFFFF  }
0xc2: {  	(tm) =	ssettm $0x7FFFFFFF  }
0xc3: {  	_ =	shalt  }
tec
execute0_lowered:
.L_overlay_start_1:
0x0: {  	(tag) =	ssettag $0x1  }
0x1: {  	s0 =	rddreg [dreg:$0x0]  }
0x2: {  	s1 =	rddreg [dreg:$0x1];
	s2 =	simm.s32 $0x0;
	s3 =	srdreg.scid  }
0x3: {  	s18 =	stileid.u32;
	s28 =	simm.s32 $0x50;
	s31 =	simm.s32 $0x5200  }
0x4: {  	s30 =	simm.s32 $0x2A00;
	[smem:$0x7FF] =	sst s2;
	s9 =	smul.u32 $0x3E80, s18  }
0x5: {  	s4 =	sadd.s32 $0xD8400, s0;
	s5 =	sadd.s32 $0xB38800, s0;
	s21 =	smul.u32 $0x7D000, s18  }
0x6: {  	s3 =	sand.u32 $0x1, s3;
	s6 =	sadd.s32 $0x24600, s0;
	s14 =	smul.u32 $0xFA, s18  }
0x7: {  	s7 =	sadd.s32 $0x6E00, s0;
	s11 =	sadd.s32 $0x38000, s0;
	s15 =	smul.u32 $0x9C4, s18  }
0x8: {  	s16 =	smul.u32 $0x4E2000, s18;
	p0 =	sgt.u32 s18, $0x9;
	_ =	strace $0x80000053  }
0x9: {  	s8 =	smul.u32 $0x27100, s3;
	s10 =	sshll.u32 s3, $0x4;
	s22 =	ssub.s32 $0x2, s3  }
0xa: {  	[dreg:$0x4] =	wrdreg s11;
	s10 =	sor.u32 s18, s10;
	s23 =	sshrl.u32 s22, $0x1  }
0xb: {  	s24 =	sshrl.u32 s21, $0x2;
	s26 =	sor.u32 $0x1, s14;
	s12 =	smul.u32 $0xFA, s10  }
0xc: {  	s13 =	sadd.s32 $0xF9, s14;
	s15 =	sadd.s32 s7, s15;
	s10 =	smul.u32 $0x9C4, s10  }
0xd: {  	s8 =	sadd.s32 s9, s8;
	s11 =	sadd.s32 s24, s1;
	s17 =	smul.u32 $0x5000, s26  }
0xe: {  	[dreg:$0x7] =	wrdreg s15;
	s15 =	simm.s32 $0x3;
	s0 =	sadd.s32 s8, s0  }
0xf: {  	s8 =	ssub.s32 s22, s23;
	s25 =	sadd.s32 s6, s10;
	s10 =	smul.u32 $0xA, s26  }
0x10: {  	s29 =	sadd.s32 $0xF9, s12;
	s12 =	sshll.u32 s3, $0xA;
	s3 =	smul.u32 $0xFA0, s3  }
0x11: {  	s0 =	sadd.s32 $0x3C000, s0;
	s26 =	sadd.s32 $0x2, s14;
	s14 =	simm.s32 $0x2  }
0x12: {  	[dreg:$0x5] =	wrdreg s25;
	s9 =	sadd.s32 $0xA, s25;
	s16 =	sor.u32 s12, s16  }
0x13: {  	s20 =	sor.u32 s12, s17;
	[dreg:$0xb] =	wrdreg s0;
	s25 =	smax.u32 s8, $0x1  }
0x14: {  	s0 =	sshll.u32 @!p0 s18, $0x6;
	[dreg:$0xd] =	wrdreg s26;
	s17 =	simm.s32 $0x6  }
0x15: {  	s18 =	simm.s32 $0x8;
	[dreg:$0x6] =	wrdreg s9;
	s19 =	sshrl.u32 s16, $0x3  }
0x16: {  	s21 =	sadd.s32 s7, s10;
	s23 =	sshrl.u32 s20, $0x3;
	[dreg:$0xc] =	wrdreg s25  }
0x17: {  	[dreg:$0x3] =	wrdreg s3;
	s25 =	simm.s32 $0x180;
	s3 =	simm.s32 $0x1  }
0x18: {  	s10 =	simm.s32 $0x7;
	[dreg:$0x8] =	wrdreg s21;
	s22 =	sadd.s32 s5, s19  }
0x19: {  	s16 =	simm.s32 $0x9;
	s24 =	sadd.s32 s5, s23;
	[dreg:$0x9] =	wrdreg s22  }
0x1a: {  	s21 =	sor.u32 @!p0 $0x1C09, s0;
	s23 =	simm.s32 $0x80;
	[dreg:$0xa] =	wrdreg s24  }
0x1b: {  	s19 =	simm.s32 $0x4;
	s22 =	sshrl.u32 @!p0 s11, $0x3;
	[dreg:$0xe] =	wrdreg s21  }
0x1c: {  	s0 =	simm.s32 $0x0;
	s24 =	simm.s32 $0x100;
	[dreg:$0xf] =	wrdreg s22  }
.LBB2_1:
0x1d: {  	[dreg:$0x10] =	wrdreg s0  }
0x1e: {  	s9 =	rddreg [dreg:$0x4];
	s20 =	simm.s32 @!p0 $0x9  }
0x1f: {  	[spmem:s22], [sflag:s21] =	dma.local @!p0 [hbm:s9], $0x3E80  }
0x20: {  	_ =	swait.ge @!p0 [sflag:s20], $0x3E80  }
0x21: {  	[sflag:s20] =	ssyncset.done @!p0 $0x0  }
0x22: {  	s22 =	rddreg [dreg:$0x5];
	[sflag:s20] =	ssyncadd.s32 @!p0 $0xFFFFC180  }
0x23: {  	[tilespmem:s2], [sflag:$0x1] =	stream.linear.gather [hbm4b:s22+s2], $0x50, $0x38;
	[tilespmem:$0x1DA80] =	vst v63  }
0x24: {  	s26 =	rddreg [dreg:$0x6]  }
0x25: {  	[tilespmem:s23], [sflag:$0x2] =	stream.linear.gather [hbm4b:s26+s2], $0x50, $0x38;
	[tilespmem:$0x1DA80] =	vst v63  }
0x26: {  	s0 =	rddreg [dreg:$0x7]  }
0x27: {  	[tilespmem:s24], [sflag:$0x3] =	stream.linear.gather [hbm4b:s0+s2], $0x50, $0x38;
	[tilespmem:$0x1DA80] =	vst v63  }
0x28: {  	s8 =	rddreg [dreg:$0x8]  }
0x29: {  	[tilespmem:s25], [sflag:$0x4] =	stream.linear.gather [hbm4b:s8+s2], $0x50, $0x38;
	[tilespmem:$0x1DA80] =	vst v63  }
0x2a: {  	_ =	swait.ge [sflag:s3], $0x50  }
0x2b: {  	[sflag:s3] =	ssyncset.done $0x0  }
0x2c: {  	s26 =	simm.s32 $0x200;
	[sflag:s3] =	ssyncadd.s32 $0xFFFFFFB0  }
0x2d: {  	[tilespmem:s26], [sflag:$0x5] =	stream.indirect.gather [hbm4b:s4+s28], $0x80, s2, s28, $0xb8;
	[tilespmem:$0x1DA80] =	vst v63  }
0x2e: {  	s0 =	simm.s32 $0x400;
	s8 =	simm.s32 $0x800;
	s11 =	rddreg [dreg:$0x9]  }
0x2f: {  	[tilespmem:s31], [sflag:$0x7] =	stream.strided.gather [hbm4b:s11+s0], $0x2800, s8, s0, $0x38;
	[tilespmem:$0x1DA80] =	vst v63  }
0x30: {  	_ =	swait.ge [sflag:s14], $0x50  }
0x31: {  	[sflag:s14] =	ssyncset.done $0x0  }
0x32: {  	[sflag:s14] =	ssyncadd.s32 $0xFFFFFFB0  }
0x33: {  	[tilespmem:s30], [sflag:$0x6] =	stream.indirect.gather [hbm4b:s4+s28], $0x80, s23, s28, $0xb8;
	[tilespmem:$0x1DA80] =	vst v63  }
0x34: {  	s11 =	simm.s32 $0x7A00;
	s20 =	rddreg [dreg:$0xa]  }
0x35: {  	[tilespmem:s11], [sflag:$0x8] =	stream.strided.gather [hbm4b:s20+s0], $0x2800, s8, s0, $0x38;
	[tilespmem:$0x1DA80] =	vst v63  }
0x36: {  	s21 =	simm.s32 $0x5;
	[bflag:$0x0] =	sbarrier.arrive $0xFFFF  }
0x37: {  	_ =	swait.ge [sflag:s21], $0x2800  }
0x38: {  	[sflag:s21] =	ssyncset.done $0x0  }
0x39: {  	[sflag:s21] =	ssyncadd.s32 $0xFFFFD800  }
0x3a: {  	_ =	swait.ge [sflag:s10], $0x2800  }
0x3b: {  	s22 =	rddreg [dreg:$0x3]  }
0x3c: {  	s9 =	rddreg [dreg:$0xd]  }
0x3d: {  	s20 =	sadd.s32 s9, s22  }
0x3e: {  	s21 =	smov.u32 s29;
	p1 =	slt.s32 s20, s29  }
0x3f: {  	s21 =	smov.u32 @p1 s20  }
0x40: {  	s21 =	smul.u32 $0xA, s21  }
0x41: {  	[sflag:s10] =	ssyncset.done $0x0  }
0x42: {  	[sflag:s10] =	ssyncadd.s32 $0xFFFFD800;
	s21 =	sadd.s32 s6, s21  }
0x43: {  	[tilespmem:s2], [sflag:$0x1] =	stream.linear.gather [hbm4b:s21+s2], $0x50, $0x38;
	[tilespmem:$0x1DA80] =	vst v63  }
0x44: {  	_ =	swait.ge [sflag:s15], $0x50  }
0x45: {  	[sflag:s15] =	ssyncset.done $0x0  }
0x46: {  	[sflag:s15] =	ssyncadd.s32 $0xFFFFFFB0  }
0x47: {  	[spmem:s1] =	stream.indirect.scatter.add.f32 [tilespmem:s26], [sflag:$0x9], $0x80, s24, s28, $0xb8;
	[tilespmem:$0x1DA80] =	vst v63  }
0x48: {  	_ =	swait.ge [sflag:s16], $0x2800  }
0x49: {  	p1 =	slt.s32 s9, s13;
	s21 =	smov.u32 s13;
	[sflag:s16] =	ssyncset.done $0x0  }
0x4a: {  	s21 =	smov.u32 @p1 s9;
	[sflag:s16] =	ssyncadd.s32 $0xFFFFD800  }
0x4b: {  	[spmem:s1] =	stream.indirect.scatter.add.f32 [tilespmem:s31], [sflag:$0x9], $0x80, s24, s28, $0xb8;
	[tilespmem:$0x1DA80] =	vst v63  }
0x4c: {  	s22 =	smul.u32 $0xA, s21;
	_ =	swait.ge [sflag:s16], $0x2800  }
0x4d: {  	[sflag:s16] =	ssyncset.done $0x0  }
0x4e: {  	s21 =	smul.u32 $0x5000, s21;
	s22 =	sadd.s32 s7, s22;
	[sflag:s16] =	ssyncadd.s32 $0xFFFFD800  }
0x4f: {  	[tilespmem:s24], [sflag:$0x3] =	stream.linear.gather [hbm4b:s22+s2], $0x50, $0x38;
	[tilespmem:$0x1DA80] =	vst v63  }
0x50: {  	_ =	swait.ge [sflag:s3], $0x50  }
0x51: {  	s21 =	sor.u32 s12, s21;
	[sflag:s3] =	ssyncset.done $0x0  }
0x52: {  	s21 =	sshrl.u32 s21, $0x3;
	[sflag:s3] =	ssyncadd.s32 $0xFFFFFFB0  }
0x53: {  	[tilespmem:s26], [sflag:$0x5] =	stream.indirect.gather [hbm4b:s4+s28], $0x80, s2, s28, $0xb8;
	[tilespmem:$0x1DA80] =	vst v63  }
0x54: {  	s21 =	sadd.s32 s5, s21  }
0x55: {  	[tilespmem:s31], [sflag:$0x7] =	stream.strided.gather [hbm4b:s21+s0], $0x2800, s8, s0, $0x38;
	[tilespmem:$0x1DA80] =	vst v63  }
0x56: {  	s20 =	sadd.s32 $0x1, s20;
	_ =	swait.ge [sflag:s17], $0x2800  }
0x57: {  	p1 =	slt.s32 s20, s29;
	s21 =	smov.u32 s29;
	[sflag:s17] =	ssyncset.done $0x0  }
0x58: {  	s21 =	smov.u32 @p1 s20;
	[sflag:s17] =	ssyncadd.s32 $0xFFFFD800  }
0x59: {  	s20 =	smul.u32 $0xA, s21;
	_ =	swait.ge [sflag:s18], $0x2800  }
0x5a: {  	[sflag:s18] =	ssyncset.done $0x0  }
0x5b: {  	s20 =	sadd.s32 s6, s20;
	[sflag:s18] =	ssyncadd.s32 $0xFFFFD800  }
0x5c: {  	[tilespmem:s23], [sflag:$0x2] =	stream.linear.gather [hbm4b:s20+s2], $0x50, $0x38;
	[tilespmem:$0x1DA80] =	vst v63  }
0x5d: {  	_ =	swait.ge [sflag:s19], $0x50  }
0x5e: {  	[sflag:s19] =	ssyncset.done $0x0  }
0x5f: {  	[sflag:s19] =	ssyncadd.s32 $0xFFFFFFB0  }
0x60: {  	[spmem:s1] =	stream.indirect.scatter.add.f32 [tilespmem:s30], [sflag:$0x9], $0x80, s25, s28, $0xb8;
	[tilespmem:$0x1DA80] =	vst v63  }
0x61: {  	s20 =	sadd.s32 $0x1, s9;
	_ =	swait.ge [sflag:s16], $0x2800  }
0x62: {  	s21 =	smov.u32 s13;
	p1 =	slt.s32 s20, s13;
	[sflag:s16] =	ssyncset.done $0x0  }
0x63: {  	s21 =	smov.u32 @p1 s20;
	[sflag:s16] =	ssyncadd.s32 $0xFFFFD800  }
0x64: {  	[spmem:s1] =	stream.indirect.scatter.add.f32 [tilespmem:s11], [sflag:$0x9], $0x80, s25, s28, $0xb8;
	[tilespmem:$0x1DA80] =	vst v63  }
0x65: {  	s20 =	smul.u32 $0xA, s21;
	_ =	swait.ge [sflag:s16], $0x2800  }
0x66: {  	[sflag:s16] =	ssyncset.done $0x0  }
0x67: {  	s31 =	smul.u32 $0x5000, s21;
	s20 =	sadd.s32 s7, s20;
	[sflag:s16] =	ssyncadd.s32 $0xFFFFD800  }
0x68: {  	[tilespmem:s25], [sflag:$0x4] =	stream.linear.gather [hbm4b:s20+s2], $0x50, $0x38;
	[tilespmem:$0x1DA80] =	vst v63  }
0x69: {  	s22 =	simm.s32 $0x7C;
	s3 =	simm.s32 $0x1;
	s20 =	sor.u32 s12, s31  }
0x6a: {  	s26 =	simm.s32 $0x180;
	_ =	swait.ge [sflag:s14], $0x50;
	s20 =	sshrl.u32 s20, $0x3  }
0x6b: {  	s25 =	simm.s32 $0x100;
	[sflag:s14] =	ssyncset.done $0x0;
	s21 =	sadd.s32 s5, s20  }
0x6c: {  	s20 =	smov.u32 s9;
	[sflag:s14] =	ssyncadd.s32 $0xFFFFFFB0;
	s14 =	simm.s32 $0x2  }
0x6d: {  	[tilespmem:s30], [sflag:$0x6] =	stream.indirect.gather [hbm4b:s4+s28], $0x80, s23, s28, $0xb8;
	[tilespmem:$0x1DA80] =	vst v63  }
.LBB2_2:
0x6e: {  	s31 =	simm.s32 $0x400  }
0x6f: {  	s8 =	simm.s32 $0x800;
	s24 =	simm.s32 $0x7A00;
	s0 =	simm.s32 $0x5  }
0x70: {  	[tilespmem:s24], [sflag:$0x8] =	stream.strided.gather [hbm4b:s21+s31], $0x2800, s8, s31, $0x38;
	[tilespmem:$0x1DA80] =	vst v63  }
0x71: {  	_ =	swait.ge [sflag:s0], $0x2800  }
0x72: {  	[sflag:s0] =	ssyncset.done $0x0  }
0x73: {  	[sflag:s0] =	ssyncadd.s32 $0xFFFFD800  }
0x74: {  	_ =	swait.ge [sflag:s10], $0x2800  }
0x75: {  	s20 =	sadd.s32 $0x2, s20;
	s9 =	rddreg [dreg:$0x3]  }
0x76: {  	s21 =	sadd.s32 s20, s9  }
0x77: {  	s9 =	smov.u32 s29;
	p2 =	slt.s32 s21, s29  }
0x78: {  	s9 =	smov.u32 @p2 s21  }
0x79: {  	s9 =	smul.u32 $0xA, s9  }
0x7a: {  	[sflag:s10] =	ssyncset.done $0x0  }
0x7b: {  	[sflag:s10] =	ssyncadd.s32 $0xFFFFD800;
	s9 =	sadd.s32 s6, s9  }
0x7c: {  	[tilespmem:s2], [sflag:$0x1] =	stream.linear.gather [hbm4b:s9+s2], $0x50, $0x38;
	[tilespmem:$0x1DA80] =	vst v63  }
0x7d: {  	_ =	swait.ge [sflag:s15], $0x50  }
0x7e: {  	s0 =	simm.s32 $0x200;
	s23 =	sadd.s32 $0x1, s21;
	[sflag:s15] =	ssyncset.done $0x0  }
0x7f: {  	p2 =	slt.s32 s23, s29;
	s21 =	smov.u32 s29;
	[sflag:s15] =	ssyncadd.s32 $0xFFFFFFB0  }
0x80: {  	[spmem:s1] =	stream.indirect.scatter.add.f32 [tilespmem:s0], [sflag:$0x9], $0x80, s25, s28, $0xb8;
	[tilespmem:$0x1DA80] =	vst v63  }
0x81: {  	s21 =	smov.u32 @p2 s23;
	_ =	swait.ge [sflag:s16], $0x2800  }
0x82: {  	p2 =	slt.s32 s20, s13;
	s9 =	smov.u32 s13;
	[sflag:s16] =	ssyncset.done $0x0  }
0x83: {  	s30 =	simm.s32 $0x5200;
	s9 =	smov.u32 @p2 s20;
	[sflag:s16] =	ssyncadd.s32 $0xFFFFD800  }
0x84: {  	[spmem:s1] =	stream.indirect.scatter.add.f32 [tilespmem:s30], [sflag:$0x9], $0x80, s25, s28, $0xb8;
	[tilespmem:$0x1DA80] =	vst v63  }
0x85: {  	s11 =	smul.u32 $0xA, s9;
	_ =	swait.ge [sflag:s16], $0x2800  }
0x86: {  	[sflag:s16] =	ssyncset.done $0x0  }
0x87: {  	s9 =	smul.u32 $0x5000, s9;
	s23 =	sadd.s32 s7, s11;
	[sflag:s16] =	ssyncadd.s32 $0xFFFFD800  }
0x88: {  	[tilespmem:s25], [sflag:$0x3] =	stream.linear.gather [hbm4b:s23+s2], $0x50, $0x38;
	[tilespmem:$0x1DA80] =	vst v63  }
0x89: {  	_ =	swait.ge [sflag:s3], $0x50  }
0x8a: {  	s9 =	sor.u32 s12, s9;
	[sflag:s3] =	ssyncset.done $0x0  }
0x8b: {  	s9 =	sshrl.u32 s9, $0x3;
	[sflag:s3] =	ssyncadd.s32 $0xFFFFFFB0  }
0x8c: {  	[tilespmem:s0], [sflag:$0x5] =	stream.indirect.gather [hbm4b:s4+s28], $0x80, s2, s28, $0xb8;
	[tilespmem:$0x1DA80] =	vst v63  }
0x8d: {  	s9 =	sadd.s32 s5, s9  }
0x8e: {  	[tilespmem:s30], [sflag:$0x7] =	stream.strided.gather [hbm4b:s9+s31], $0x2800, s8, s31, $0x38;
	[tilespmem:$0x1DA80] =	vst v63  }
0x8f: {  	_ =	swait.ge [sflag:s17], $0x2800  }
0x90: {  	[sflag:s17] =	ssyncset.done $0x0  }
0x91: {  	[sflag:s17] =	ssyncadd.s32 $0xFFFFD800  }
0x92: {  	s21 =	smul.u32 $0xA, s21;
	_ =	swait.ge [sflag:s18], $0x2800  }
0x93: {  	[sflag:s18] =	ssyncset.done $0x0  }
0x94: {  	s21 =	sadd.s32 s6, s21;
	s23 =	simm.s32 $0x80;
	[sflag:s18] =	ssyncadd.s32 $0xFFFFD800  }
0x95: {  	[tilespmem:s23], [sflag:$0x2] =	stream.linear.gather [hbm4b:s21+s2], $0x50, $0x38;
	[tilespmem:$0x1DA80] =	vst v63  }
0x96: {  	_ =	swait.ge [sflag:s19], $0x50  }
0x97: {  	[sflag:s19] =	ssyncset.done $0x0  }
0x98: {  	s30 =	simm.s32 $0x2A00;
	[sflag:s19] =	ssyncadd.s32 $0xFFFFFFB0  }
0x99: {  	[spmem:s1] =	stream.indirect.scatter.add.f32 [tilespmem:s30], [sflag:$0x9], $0x80, s26, s28, $0xb8;
	[tilespmem:$0x1DA80] =	vst v63  }
0x9a: {  	s9 =	sadd.s32 $0x1, s20;
	_ =	swait.ge [sflag:s16], $0x2800  }
0x9b: {  	p2 =	slt.s32 s9, s13;
	s21 =	smov.u32 s13;
	[sflag:s16] =	ssyncset.done $0x0  }
0x9c: {  	s21 =	smov.u32 @p2 s9;
	[sflag:s16] =	ssyncadd.s32 $0xFFFFD800  }
0x9d: {  	[spmem:s1] =	stream.indirect.scatter.add.f32 [tilespmem:s24], [sflag:$0x9], $0x80, s26, s28, $0xb8;
	[tilespmem:$0x1DA80] =	vst v63  }
0x9e: {  	s9 =	smul.u32 $0xA, s21;
	_ =	swait.ge [sflag:s16], $0x2800  }
0x9f: {  	p1 =	sne.s32 s22, $0x1;
	[sflag:s16] =	ssyncset.done $0x0  }
0xa0: {  	s21 =	smul.u32 $0x5000, s21;
	s9 =	sadd.s32 s7, s9;
	[sflag:s16] =	ssyncadd.s32 $0xFFFFD800  }
0xa1: {  	[tilespmem:s26], [sflag:$0x4] =	stream.linear.gather [hbm4b:s9+s2], $0x50, $0x38;
	[tilespmem:$0x1DA80] =	vst v63  }
.Ltmp0:
0xa2: {  	s22 =	sadd.s32 $0xFFFFFFFF, s22;
	s11 =	simm.s32 $0x800;
	(pc) =	sbr.rel @p1 .LBB2_2-.Ltmp0, $4  }
0xa3: {  	s0 =	simm.s32 $0x400;
	s24 =	sor.u32 s12, s21;
	_ =	swait.ge [sflag:s14], $0x50  }
0xa4: {  	s31 =	simm.s32 $0x5200;
	s9 =	sshrl.u32 s24, $0x3;
	[sflag:s14] =	ssyncset.done $0x0  }
0xa5: {  	s8 =	simm.s32 $0x7A00;
	s21 =	sadd.s32 s5, s9;
	[sflag:s14] =	ssyncadd.s32 $0xFFFFFFB0  }
0xa6: {  	[tilespmem:s30], [sflag:$0x6] =	stream.indirect.gather [hbm4b:s4+s28], $0x80, s23, s28, $0xb8;
	[tilespmem:$0x1DA80] =	vst v63  }
0xa7: {  	[tilespmem:s8], [sflag:$0x8] =	stream.strided.gather [hbm4b:s21+s0], $0x2800, s11, s0, $0x38;
	[tilespmem:$0x1DA80] =	vst v63  }
0xa8: {  	s25 =	simm.s32 $0x5  }
0xa9: {  	_ =	swait.ge [sflag:s25], $0x2800  }
0xaa: {  	[sflag:s25] =	ssyncset.done $0x0  }
0xab: {  	[sflag:s25] =	ssyncadd.s32 $0xFFFFD800  }
0xac: {  	_ =	swait.ge [sflag:s10], $0x2800  }
0xad: {  	[sflag:s10] =	ssyncset.done $0x0  }
0xae: {  	[sflag:s10] =	ssyncadd.s32 $0xFFFFD800  }
0xaf: {  	_ =	swait.ge [sflag:s17], $0x2800  }
0xb0: {  	[sflag:s17] =	ssyncset.done $0x0  }
0xb1: {  	[sflag:s17] =	ssyncadd.s32 $0xFFFFD800  }
0xb2: {  	_ =	swait.ge [sflag:s18], $0x2800  }
0xb3: {  	[sflag:s18] =	ssyncset.done $0x0  }
0xb4: {  	[sflag:s18] =	ssyncadd.s32 $0xFFFFD800  }
0xb5: {  	_ =	swait.ge [sflag:s15], $0x50  }
0xb6: {  	[sflag:s15] =	ssyncset.done $0x0  }
0xb7: {  	[sflag:s15] =	ssyncadd.s32 $0xFFFFFFB0  }
0xb8: {  	_ =	swait.ge [sflag:s19], $0x50  }
0xb9: {  	[sflag:s19] =	ssyncset.done $0x0  }
0xba: {  	[sflag:s19] =	ssyncadd.s32 $0xFFFFFFB0  }
0xbb: {  	[bflag:$0x0] =	sbarrier.arrive $0xFFFF  }
0xbc: {  	s9 =	rddreg [dreg:$0xb]  }
0xbd: {  	s21 =	rddreg [dreg:$0xe]  }
0xbe: {  	s22 =	rddreg [dreg:$0xf]  }
0xbf: {  	[hbm:s9], [sflag:s21] =	dma.local @!p0 [spmem:s22], $0x3E80  }
0xc0: {  	s9 =	simm.s32 @!p0 $0x9  }
0xc1: {  	_ =	swait.ge @!p0 [sflag:s9], $0x3E80  }
0xc2: {  	s26 =	rddreg [dreg:$0x10]  }
0xc3: {  	s20 =	rddreg [dreg:$0xc];
	s0 =	sadd.s32 $0x1, s26  }
0xc4: {  	p1 =	sne.s32 s0, s20  }
.Ltmp1:
0xc5: {  	_ = 	snop;
	(pc) =	sbr.rel @p1 .LBB2_1-.Ltmp1, $3  }
0xc6: {  	_ =	sdelay $0x1  }
0xc7: {  	s24 =	simm.s32 $0x100;
	s3 =	simm.s32 $0x1;
	[sflag:s9] =	ssyncset.done @!p0 $0x0  }
0xc8: {  	s14 =	simm.s32 $0x2;
	s25 =	simm.s32 $0x180;
	[sflag:s9] =	ssyncadd.s32 @!p0 $0xFFFFC180  }
0xc9: {  	_ =	sfence.sel $0x180000  }
0xca: {  	[bflag:$0x0] =	sbarrier.arrive $0xFFFF  }
0xcb: {  	_ =	strace $0x90000053  }
0xcc: {  	s0 =	stileid.u32;
	[bflag:$0x2] =	sbarrier.arrive $0xFFFF  }
0xcd: {  	p0 =	sne.s32 s0, $0x0;
	s0 =	rddreg [dreg:$0x2]  }
0xce: {  	s0 =	sadd.s32 @!p0 $0x100000, s0  }
0xcf: {  	[sflag:s0] =	ssyncadd.tile.s32 @!p0 $0x1;
	_ =	shalt  }
.Lfunc_end2:
_tile_overlayer_lowered:
.L_overlay_start_2:
0xd0: {  	(tag) =	ssettag $0x2  }
0xd1: {  	s0 =	rddreg [dreg:$0x0];
	s2 =	stileid.u32  }
0xd2: {  	s1 =	rddreg [dreg:$0x1];
	p0 =	sne.s32 s2, $0x0  }
0xd3: {  	s3 =	rddreg [dreg:$0x2];
	[bflag:$0x3] =	sbarrier.arrive $0xFFFF;
	s2 =	simm.s32 @!p0 $0x1C09  }
0xd4: {  	[timem:s3], [sflag:s2] =	dma.local @!p0 [hbm:s0], s1  }
0xd5: {  	s0 =	simm.s32 @!p0 $0x9  }
0xd6: {  	_ =	swait.ge @!p0 [sflag:s0], s1  }
0xd7: {  	s1 =	ssub.s32 @!p0 $0x0, s1;
	[sflag:s0] =	ssyncset.done @!p0 $0x0  }
0xd8: {  	[sflag:s0] =	ssyncadd.s32 @!p0 s1  }
0xd9: {  	[bflag:$0x3] =	sbarrier.arrive $0xFFFF  }
0xda: {  	_ =	shalt  }

</sc_bundles>
